<compile_context>
chip_gen: v7x
topology: tpu7x:2x2x1
jax: 0.10.2.dev20260603
libtpu: 0.0.44.dev20260713+nightly
codegen_flags: <defaults>
</compile_context>

<pallas_src>
import math
import functools

import jax
import jax.numpy as jnp
from jax import lax
from jax.experimental import pallas as pl
from jax.experimental.pallas import tpu as pltpu
from jax.experimental.pallas import tpu_sc as plsc

Q = 8192
B = 2
H = 512
W = 512
C = 96
QD = 64
HD = 64
WIN = 7
KK = WIN * WIN
CH = 16
NCH = Q // CH
NW = 32
CPW = NCH // NW
HALVES = 2
HC = NCH // HALVES
HPW = HC // NW
NEG = -1000000.0
LOGCAP = math.log(100000.0)
CP = 128
NB = 4
QB = NB * CH



def _sc_gather_body(feat_hbm, b_hbm, y_hbm, x_hbm, out_hbm,
                    b16, y16, x16, idx_v, rows_v, zpad_v, sem):
    cid = lax.axis_index("c")
    sid = lax.axis_index("s")
    wid = sid * 2 + cid
    lane = lax.broadcasted_iota(jnp.int32, (CH,), 0)
    zero16 = jnp.zeros((CH,), jnp.float32)

    def zrow(r, carry):
        zpad_v[r, pl.ds(0, CH)] = zero16
        zpad_v[r, pl.ds(CH, CH)] = zero16
        return carry

    lax.fori_loop(0, WIN * CH, zrow, 0)

    def chunk(ci, carry):
        gchunk = wid * HPW + ci
        qstart = gchunk * CH
        pltpu.sync_copy(b_hbm.at[pl.ds(qstart, CH)], b16)
        pltpu.sync_copy(y_hbm.at[pl.ds(qstart, CH)], y16)
        pltpu.sync_copy(x_hbm.at[pl.ds(qstart, CH)], x16)
        bv = b16[...]
        yv = y16[...]
        xv = x16[...]
        base = bv * (H * W)
        pos0 = lane * KK
        for k in range(KK):
            dy = k // WIN - WIN // 2
            dx = k % WIN - WIN // 2
            yk = jnp.minimum(jnp.maximum(yv + dy, 0), H - 1)
            xk = jnp.minimum(jnp.maximum(xv + dx, 0), W - 1)
            plsc.store_scatter(idx_v, [pos0 + k], base + yk * W + xk)
        cps = [pltpu.async_copy(
                   feat_hbm.at[idx_v.at[pl.ds(j * WIN * CH, WIN * CH)]],
                   rows_v.at[j], sem)
               for j in range(WIN)]
        for cp in cps:
            cp.wait()
        ocs = [pltpu.async_copy(
                   rows_v.at[j],
                   out_hbm.at[gchunk, pl.ds(j * WIN * CH, WIN * CH),
                              pl.ds(0, C)], sem)
               for j in range(WIN)]
        ocs += [pltpu.async_copy(
                   zpad_v,
                   out_hbm.at[gchunk, pl.ds(j * WIN * CH, WIN * CH),
                              pl.ds(C, CP - C)], sem)
               for j in range(WIN)]
        for oc in ocs:
            oc.wait()
        return carry

    lax.fori_loop(0, HPW, chunk, 0)


def _sc_gather(feats_flat, bvec, yvec, xvec):
    mesh = plsc.VectorSubcoreMesh(core_axis_name="c", subcore_axis_name="s",
                                  num_cores=2, num_subcores=16)
    f = pl.kernel(
        _sc_gather_body,
        out_type=jax.ShapeDtypeStruct((HC, KK * CH, CP), jnp.float32),
        mesh=mesh,
        scratch_types=[
            pltpu.VMEM((CH,), jnp.int32),
            pltpu.VMEM((CH,), jnp.int32),
            pltpu.VMEM((CH,), jnp.int32),
            pltpu.VMEM((KK * CH,), jnp.int32),
            pltpu.VMEM((WIN, WIN * CH, C), jnp.float32),
            pltpu.VMEM((WIN * CH, CP - C), jnp.float32),
            pltpu.SemaphoreType.DMA,
        ],
        compiler_params=pltpu.CompilerParams(use_tc_tiling_on_sc=False,
                                             needs_layout_passes=False),
    )
    return f(feats_flat, bvec, yvec, xvec)



def _tc_body(base, g, q3, ys, xs, bs, ball,
             mW1, mb1, mW2, mb2, pW1, pb1, pW2, pb2,
             oW1, ob1, oW2t, ob2r,
             bin_o, por_o, yc_o, xc_o, d0_o, d1_o, p2_o, pbi_o):
    i = pl.program_id(0)
    f32 = jnp.float32
    bf16 = jnp.bfloat16
    K2b = g[...].reshape(NB * KK * CH, CP)
    Qb = q3[...].reshape(QB, QD)

    H1 = jnp.maximum(
        jnp.dot(K2b, mW1[...], preferred_element_type=f32) + mb1[0][None, :],
        0.0)
    U = lax.dot_general(Qb, mW2[...], (((1,), (1,)), ((), ())),
                        preferred_element_type=f32)
    H3 = H1.reshape(QB, KK, HD)
    Dbin = jnp.sum(H3 * U[:, None, :], axis=-1)

    Pq = jnp.dot(jnp.maximum(jnp.dot(Qb, pW1[...], preferred_element_type=f32)
                             + pb1[0][None, :], 0.0),
                 pW2[...], preferred_element_type=f32) + pb2[0][None, :]
    K3 = K2b.reshape(QB, KK, CP)
    Dpor = jnp.sum(K3 * Pq[:, None, :], axis=-1)

    notspec = jnp.max(jnp.abs(K3), axis=-1) == 0.0

    kk = lax.broadcasted_iota(jnp.int32, (QB, KK), 1)
    dyk = kk // WIN - WIN // 2
    dxk = kk % WIN - WIN // 2
    yy = ys[...].reshape(QB, 1) + dyk
    xx = xs[...].reshape(QB, 1) + dxk
    pad = (yy < 0) | (yy >= H) | (xx < 0) | (xx >= W)
    biasv = jnp.where(pad | notspec, NEG, 0.0).astype(f32)

    cbin = jnp.sum(Qb * mb2[0][None, :], axis=1, keepdims=True)
    bin_o[...] = (Dbin + cbin + biasv).reshape(NB, CH, KK)
    por_o[...] = (Dpor + biasv).reshape(NB, CH, KK)
    yc_o[...] = jnp.clip(yy, 0, H - 1).reshape(NB, CH, KK)
    xc_o[...] = jnp.clip(xx, 0, W - 1).reshape(NB, CH, KK)

    Lp = jnp.maximum(jnp.dot(Qb, oW1[...], preferred_element_type=f32,
                             precision=lax.Precision.HIGHEST)
                     + ob1[0][None, :], 0.0)
    p0 = jnp.sum(Lp * oW2t[0][None, :], axis=1, keepdims=True) + ob2r[0, 0]
    p1 = jnp.sum(Lp * oW2t[1][None, :], axis=1, keepdims=True) + ob2r[0, 1]
    p2v = jnp.sum(Lp * oW2t[2][None, :], axis=1, keepdims=True) + ob2r[0, 2]
    d0_o[...] = (jnp.exp(jnp.minimum(p0, LOGCAP)) + 1e-6).reshape(NB, CH, 1)
    d1_o[...] = (jnp.exp(jnp.minimum(p1, LOGCAP)) + 1e-6).reshape(NB, CH, 1)
    p2_o[...] = p2v.reshape(NB, CH, 1)

    count0 = jnp.sum(jnp.where(ball[...] == 0, 1, 0))
    qg = (base + i) * QB + lax.broadcasted_iota(jnp.int32, (QB, 1), 0)
    pbi = qg - jnp.where(bs[...].reshape(QB, 1) == 0, 0, count0)
    pbi_o[...] = pbi.reshape(NB, CH, 1)


def _build_tc(base, interpret=False):
    full = lambda shape: pl.BlockSpec(shape, lambda i: (0,) * len(shape))
    blk = lambda shape: pl.BlockSpec((NB,) + shape,
                                     lambda i: (i,) + (0,) * len(shape))
    in_specs = [
        blk((KK * CH, CP)),
        blk((CH, QD)),
        blk((CH, 1)),
        blk((CH, 1)),
        blk((CH, 1)),
        full((Q // 128, 128)),
        full((CP, HD)), full((1, HD)), full((HD, QD)), full((1, QD)),
        full((QD, HD)), full((1, HD)), full((HD, CP)), full((1, CP)),
        full((QD, HD)), full((1, HD)), full((3, HD)), full((1, 3)),
    ]
    out_shape = [
        jax.ShapeDtypeStruct((HC, CH, KK), jnp.float32),
        jax.ShapeDtypeStruct((HC, CH, KK), jnp.float32),
        jax.ShapeDtypeStruct((HC, CH, KK), jnp.int32),
        jax.ShapeDtypeStruct((HC, CH, KK), jnp.int32),
        jax.ShapeDtypeStruct((HC, CH, 1), jnp.float32),
        jax.ShapeDtypeStruct((HC, CH, 1), jnp.float32),
        jax.ShapeDtypeStruct((HC, CH, 1), jnp.float32),
        jax.ShapeDtypeStruct((HC, CH, 1), jnp.int32),
    ]
    out_specs = [
        blk((CH, KK)), blk((CH, KK)), blk((CH, KK)), blk((CH, KK)),
        blk((CH, 1)), blk((CH, 1)), blk((CH, 1)), blk((CH, 1)),
    ]
    import functools as _ft
    return pl.pallas_call(
        _ft.partial(_tc_body, base),
        grid=(HC // NB,),
        in_specs=in_specs,
        out_specs=out_specs,
        out_shape=out_shape,
        interpret=interpret,
    )


def kernel(queries, image_feature_tensor, input_frame, indices,
           cls_W1, cls_b1, cls_W2, cls_b2,
           mask_W1, mask_b1, mask_W2, mask_b2,
           port_W1, port_b1, port_W2, port_b2,
           pos_W1, pos_b1, pos_W2, pos_b2):
    feats_flat = image_feature_tensor.reshape(B * H * W, C)
    bvec = indices[:, 0]
    yvec = indices[:, 1]
    xvec = indices[:, 2]

    q3 = queries.reshape(NCH, CH, QD)
    ys3 = yvec.reshape(NCH, CH, 1)
    xs3 = xvec.reshape(NCH, CH, 1)
    bs3 = bvec.reshape(NCH, CH, 1)
    ball = bvec.reshape(Q // 128, 128)
    r1 = lambda a: a.reshape(1, -1)
    wargs = (
        jnp.pad(mask_W1, ((0, CP - C), (0, 0))),
        r1(mask_b1), mask_W2, r1(mask_b2),
        port_W1, r1(port_b1),
        jnp.pad(port_W2, ((0, 0), (0, CP - C))), r1(jnp.pad(port_b2, (0, CP - C))),
        pos_W1, r1(pos_b1), pos_W2.T, r1(pos_b2),
    )
    QH = Q // HALVES
    halves = []
    gs = [_sc_gather(feats_flat, bvec[h * QH:(h + 1) * QH],
                     yvec[h * QH:(h + 1) * QH], xvec[h * QH:(h + 1) * QH])
          for h in range(HALVES)]
    for h in range(HALVES):
        s = slice(h * HC, (h + 1) * HC)
        halves.append(_build_tc(h * (HC // NB))(
            gs[h], q3[s], ys3[s], xs3[s], bs3[s], ball, *wargs))
    (bin_p, por_p, yc_p, xc_p, d0_p, d1_p, p2_p, pbi_p) = (
        jnp.concatenate(parts, axis=0) for parts in zip(*halves))

    binary = bin_p.reshape(Q, WIN, WIN)
    portion = por_p.reshape(Q, WIN, WIN)
    logit = (jax.nn.relu(queries @ cls_W1 + cls_b1) @ cls_W2 + cls_b2)[:, 0]
    is_electron = logit > 0.0
    d0 = d0_p.reshape(Q)
    d1 = d1_p.reshape(Q)
    p2 = p2_p.reshape(Q)
    z = jnp.zeros_like(d0)
    chol = jnp.stack([d0, z, p2, d1], axis=-1).reshape(Q, 2, 2)
    bb4 = jnp.broadcast_to(bvec[:, None, None, None], (Q, WIN, WIN, 1))
    yc4 = yc_p.reshape(Q, WIN, WIN, 1)
    xc4 = xc_p.reshape(Q, WIN, WIN, 1)
    pbi4 = jnp.broadcast_to(pbi_p.reshape(Q)[:, None, None, None],
                            (Q, WIN, WIN, 1))
    sparse_mask_indices = jnp.concatenate([bb4, yc4, xc4, pbi4], axis=-1)
    binary_mask_values = binary.reshape(-1)
    portion_values = portion.reshape(-1)
    return (logit, is_electron, binary, portion, chol,
            sparse_mask_indices, binary_mask_values, portion_values)

# --- scband reference (transcript-rebuilt; emitter-appended) ---
"""Pipeline reference for scband-prediction-head-70282844832281 (READ-ONLY COPY).

The authoritative reference and input builder live on the scoring server;
editing this copy changes nothing except your own understanding.
"""

import jax, jax.numpy as jnp
import numpy as np
from math import log

Q = 8192
B = 2
H = 512
W = 512
C = 96
QD = 64
HD = 64
WIN = 7


def _lin_init(key, fan_in, fan_out):
    return jax.random.normal(key, (fan_in, fan_out), jnp.float32) / np.sqrt(fan_in)


def setup_inputs(seed: int = 0):
    key = jax.random.key(seed)
    ks = jax.random.split(key, 16)
    queries = jax.random.normal(ks[0], (Q, QD), jnp.float32)
    bids = jnp.sort(jax.random.randint(ks[1], (Q,), 0, B))
    ys = jax.random.randint(ks[2], (Q,), 0, H)
    xs = jax.random.randint(ks[3], (Q,), 0, W)
    indices = jnp.stack([bids, ys, xs], axis=-1)
    image_feature_tensor = jax.random.normal(ks[4], (B, H, W, C), jnp.float32)
    input_frame = jax.random.uniform(ks[5], (B, H, W), jnp.float32)
    return {
        'queries': queries,
        'image_feature_tensor': image_feature_tensor,
        'input_frame': input_frame,
        'indices': indices,
        'cls_W1': _lin_init(ks[6], QD, HD), 'cls_b1': jnp.zeros((HD,), jnp.float32),
        'cls_W2': _lin_init(ks[7], HD, 1), 'cls_b2': jnp.zeros((1,), jnp.float32),
        'mask_W1': _lin_init(ks[8], C, HD), 'mask_b1': jnp.zeros((HD,), jnp.float32),
        'mask_W2': _lin_init(ks[9], HD, QD), 'mask_b2': jnp.zeros((QD,), jnp.float32),
        'port_W1': _lin_init(ks[10], QD, HD), 'port_b1': jnp.zeros((HD,), jnp.float32),
        'port_W2': _lin_init(ks[11], HD, C), 'port_b2': jnp.zeros((C,), jnp.float32),
        'pos_W1': _lin_init(ks[12], QD, HD), 'pos_b1': jnp.zeros((HD,), jnp.float32),
        'pos_W2': _lin_init(ks[13], HD, 3), 'pos_b2': jnp.zeros((3,), jnp.float32),
    }


def _mlp(x, W1, b1, W2, b2):
    return jax.nn.relu(x @ W1 + b1) @ W2 + b2


def _windowed_keys_for_queries(indices, feats, win):
    Bn, Hn, Wn, Cn = feats.shape
    nq = indices.shape[0]
    b = indices[:, 0]
    y = indices[:, 1]
    x = indices[:, 2]
    off = jnp.arange(win) - win // 2
    yy = jnp.broadcast_to(y[:, None, None] + off[None, :, None], (nq, win, win))
    xx = jnp.broadcast_to(x[:, None, None] + off[None, None, :], (nq, win, win))
    pad_mask = (yy < 0) | (yy >= Hn) | (xx < 0) | (xx >= Wn)
    yc = jnp.clip(yy, 0, Hn - 1)
    xc = jnp.clip(xx, 0, Wn - 1)
    bb = jnp.broadcast_to(b[:, None, None], (nq, win, win))
    keys = feats[bb, yc, xc]
    key_indices = jnp.stack([bb, yc, xc], axis=-1)
    is_specified = jnp.any(keys != 0, axis=-1)
    return keys, key_indices, pad_mask, is_specified


def reference(queries, image_feature_tensor, input_frame, indices,
              cls_W1, cls_b1, cls_W2, cls_b2,
              mask_W1, mask_b1, mask_W2, mask_b2,
              port_W1, port_b1, port_W2, port_b2,
              pos_W1, pos_b1, pos_W2, pos_b2):
    # predict_masks: windowed key gather + two mask heads
    keys, key_indices, pad_mask, is_specified = _windowed_keys_for_queries(indices, image_feature_tensor, WIN)
    mlped_keys = _mlp(keys, mask_W1, mask_b1, mask_W2, mask_b2)
    binary_mask_logits = jnp.einsum('qf,qhwf->qhw', queries, mlped_keys)
    mlped_queries = _mlp(queries, port_W1, port_b1, port_W2, port_b2)
    portion_logits = jnp.einsum('qf,qhwf->qhw', mlped_queries, keys)
    bias = jnp.where(pad_mask | jnp.logical_not(is_specified), -1000000.0, 0.0).astype(binary_mask_logits.dtype)
    binary_mask_logits = binary_mask_logits + bias
    portion_logits = portion_logits + bias
    # predict_class
    logit = _mlp(queries, cls_W1, cls_b1, cls_W2, cls_b2)[:, 0]
    is_electron = logit > 0.0
    # predict_position_std_dev_cholesky
    pos = _mlp(queries, pos_W1, pos_b1, pos_W2, pos_b2)
    logdiag = jnp.minimum(pos[:, :2], log(100000.0))
    diag = jnp.exp(logdiag) + 1e-06
    nq = queries.shape[0]
    chol = jnp.zeros((nq, 2, 2), queries.dtype)
    chol = chol.at[:, 0, 0].set(diag[:, 0]).at[:, 1, 1].set(diag[:, 1]).at[:, 1, 0].set(pos[:, 2])
    # _batched_query_key_map_to_sparse_tensors: build COO indices/values
    bq = key_indices[:, 0, 0, 0]
    counts = jnp.bincount(bq, length=B)
    offsets = jnp.concatenate([jnp.zeros((1,), counts.dtype), jnp.cumsum(counts)])[:-1]
    per_batch_idx = jnp.arange(nq) - offsets[bq]
    sparse_mask_indices = jnp.concatenate(
        [key_indices, jnp.broadcast_to(per_batch_idx[:, None, None, None], (nq, WIN, WIN, 1))], axis=-1)
    binary_mask_values = binary_mask_logits.reshape(-1)
    portion_values = portion_logits.reshape(-1)
    return (logit, is_electron, binary_mask_logits, portion_logits, chol,
            sparse_mask_indices, binary_mask_values, portion_values)

if __name__ == "__main__":
    import jax
    _d = setup_inputs()
    print(jax.jit(kernel)(*tuple(_d.values())))

</pallas_src>

<mosaic_0001>
#map = affine_map<(d0, d1) -> (0, 0)>
#map1 = affine_map<(d0, d1) -> (0)>
#map2 = affine_map<(d0, d1) -> (0, 0, 0)>
module attributes {stable_mosaic.version = 14 : i64} {
  func.func @_sc_gather_body(%arg0: i32, %arg1: i32, %arg2: memref<524288x96xf32, #tpu.memory_space<hbm>>, %arg3: memref<4096xi32, #tpu.memory_space<hbm>>, %arg4: memref<4096xi32, #tpu.memory_space<hbm>>, %arg5: memref<4096xi32, #tpu.memory_space<hbm>>, %arg6: memref<256x784x128xf32, #tpu.memory_space<hbm>>, %arg7: memref<16xi32, #tpu.memory_space<vmem>>, %arg8: memref<16xi32, #tpu.memory_space<vmem>>, %arg9: memref<16xi32, #tpu.memory_space<vmem>>, %arg10: memref<784xi32, #tpu.memory_space<vmem>>, %arg11: memref<7x112x96xf32, #tpu.memory_space<vmem>>, %arg12: memref<112x32xf32, #tpu.memory_space<vmem>>, %arg13: memref<!tpu.dma_semaphore, #tpu.memory_space<semaphore_mem>>) attributes {dimension_semantics = [#tpu.dimension_semantics<core_parallel>, #tpu.dimension_semantics<subcore_parallel>], iteration_bounds = array<i64: 2, 16>, scalar_prefetch = 0 : i64, scratch_operands = 7 : i64, tpu.core_type = #tpu.core_type<sc_vector_subcore>, window_params = [{transform_indices = #map}, {transform_indices = #map1}, {transform_indices = #map1}, {transform_indices = #map1}, {transform_indices = #map2}]} {
    %mul3A = arith.constant 2 : i32
    %mul3A_0 = arith.muli %arg1, %mul3A : i32
    %add3A = arith.addi %mul3A_0, %arg0 : i32
    %iota3A = tpu.iota {dimensions = array<i32: 0>} : vector<16xi32>
    %broadcast_in_dim3A = arith.constant 0.000000e+00 : f32
    %broadcast_in_dim3A_1 = vector.broadcast %broadcast_in_dim3A : f32 to vector<16xf32>
    %scan3A = arith.constant 0 : i32
    %scan3A_2 = arith.constant 0 : i32
    %scan3A_3 = arith.constant 112 : i32
    %scan3A_4 = arith.addi %scan3A_2, %scan3A_3 : i32
    %scan3A_5 = arith.constant 1 : i32
    scf.for %scan3A_13 = %scan3A_2 to %scan3A_4 step %scan3A_5  : i32 {
      %swap3A = arith.index_cast %scan3A_13 : i32 to index
      %swap3A_14 = arith.constant 0 : index
      %swap3A_15 = tpu.vector_load %arg12[%swap3A, %swap3A_14] {strides = array<i32>} : memref<112x32xf32, #tpu.memory_space<vmem>>, vector<16xf32>,
      tpu.vector_store %arg12[%swap3A, %swap3A_14], %broadcast_in_dim3A_1 {strides = array<i32>} : memref<112x32xf32, #tpu.memory_space<vmem>>, vector<16xf32>,
      %swap3A_16 = arith.index_cast %scan3A_13 : i32 to index
      %swap3A_17 = arith.constant 16 : index
      %swap3A_18 = tpu.vector_load %arg12[%swap3A_16, %swap3A_17] {strides = array<i32>} : memref<112x32xf32, #tpu.memory_space<vmem>>, vector<16xf32>,
      tpu.vector_store %arg12[%swap3A_16, %swap3A_17], %broadcast_in_dim3A_1 {strides = array<i32>} : memref<112x32xf32, #tpu.memory_space<vmem>>, vector<16xf32>,
    }
    %scan3A_6 = arith.constant 112 : i32
    %scan3A_7 = arith.constant 0 : i32
    %scan3A_8 = arith.constant 0 : i32
    %scan3A_9 = arith.constant 8 : i32
    %scan3A_10 = arith.addi %scan3A_8, %scan3A_9 : i32
    %scan3A_11 = arith.constant 1 : i32
    scf.for %scan3A_13 = %scan3A_8 to %scan3A_10 step %scan3A_11  : i32 {
      %mul3A_14 = arith.constant 8 : i32
      %mul3A_15 = arith.muli %add3A, %mul3A_14 : i32
      %add3A_16 = arith.addi %mul3A_15, %scan3A_13 : i32
      %mul3A_17 = arith.constant 16 : i32
      %mul3A_18 = arith.muli %add3A_16, %mul3A_17 : i32
      "tpu.region"() ({
        %run_scoped3A = tpu.sem_alloc : memref<!tpu.dma_semaphore, #tpu.memory_space<semaphore_mem>>
        %dma_start3A_1790 = tpu.memref_slice %arg3[%mul3A_18] : memref<4096xi32, #tpu.memory_space<hbm>> -> memref<16xi32, #tpu.memory_space<hbm>>
        %dma_start3A_1791 = tpu.memref_slice %arg3[%mul3A_18] : memref<4096xi32, #tpu.memory_space<hbm>> -> memref<16xi32, #tpu.memory_space<hbm>>
        tpu.enqueue_dma source(%dma_start3A_1791 : memref<16xi32, #tpu.memory_space<hbm>>) target(%arg7 : memref<16xi32, #tpu.memory_space<vmem>>) target_semaphore(%run_scoped3A : memref<!tpu.dma_semaphore, #tpu.memory_space<semaphore_mem>>)
        %dma_wait3A_1792 = tpu.memref_slice %arg3[%mul3A_18] : memref<4096xi32, #tpu.memory_space<hbm>> -> memref<16xi32, #tpu.memory_space<hbm>>
        %dma_wait3A_1793 = tpu.memref_slice %arg3[%mul3A_18] : memref<4096xi32, #tpu.memory_space<hbm>> -> memref<16xi32, #tpu.memory_space<hbm>>
        tpu.wait_dma2 semaphore(%run_scoped3A : memref<!tpu.dma_semaphore, #tpu.memory_space<semaphore_mem>>) src(%dma_wait3A_1793 : memref<16xi32, #tpu.memory_space<hbm>>) dst(%arg7 : memref<16xi32, #tpu.memory_space<vmem>>)
        tpu.yield
      }) : () -> ()
      "tpu.region"() ({
        %run_scoped3A = tpu.sem_alloc : memref<!tpu.dma_semaphore, #tpu.memory_space<semaphore_mem>>
        %dma_start3A_1790 = tpu.memref_slice %arg4[%mul3A_18] : memref<4096xi32, #tpu.memory_space<hbm>> -> memref<16xi32, #tpu.memory_space<hbm>>
        %dma_start3A_1791 = tpu.memref_slice %arg4[%mul3A_18] : memref<4096xi32, #tpu.memory_space<hbm>> -> memref<16xi32, #tpu.memory_space<hbm>>
        tpu.enqueue_dma source(%dma_start3A_1791 : memref<16xi32, #tpu.memory_space<hbm>>) target(%arg8 : memref<16xi32, #tpu.memory_space<vmem>>) target_semaphore(%run_scoped3A : memref<!tpu.dma_semaphore, #tpu.memory_space<semaphore_mem>>)
        %dma_wait3A_1792 = tpu.memref_slice %arg4[%mul3A_18] : memref<4096xi32, #tpu.memory_space<hbm>> -> memref<16xi32, #tpu.memory_space<hbm>>
        %dma_wait3A_1793 = tpu.memref_slice %arg4[%mul3A_18] : memref<4096xi32, #tpu.memory_space<hbm>> -> memref<16xi32, #tpu.memory_space<hbm>>
        tpu.wait_dma2 semaphore(%run_scoped3A : memref<!tpu.dma_semaphore, #tpu.memory_space<semaphore_mem>>) src(%dma_wait3A_1793 : memref<16xi32, #tpu.memory_space<hbm>>) dst(%arg8 : memref<16xi32, #tpu.memory_space<vmem>>)
        tpu.yield
      }) : () -> ()
      "tpu.region"() ({
        %run_scoped3A = tpu.sem_alloc : memref<!tpu.dma_semaphore, #tpu.memory_space<semaphore_mem>>
        %dma_start3A_1790 = tpu.memref_slice %arg5[%mul3A_18] : memref<4096xi32, #tpu.memory_space<hbm>> -> memref<16xi32, #tpu.memory_space<hbm>>
        %dma_start3A_1791 = tpu.memref_slice %arg5[%mul3A_18] : memref<4096xi32, #tpu.memory_space<hbm>> -> memref<16xi32, #tpu.memory_space<hbm>>
        tpu.enqueue_dma source(%dma_start3A_1791 : memref<16xi32, #tpu.memory_space<hbm>>) target(%arg9 : memref<16xi32, #tpu.memory_space<vmem>>) target_semaphore(%run_scoped3A : memref<!tpu.dma_semaphore, #tpu.memory_space<semaphore_mem>>)
        %dma_wait3A_1792 = tpu.memref_slice %arg5[%mul3A_18] : memref<4096xi32, #tpu.memory_space<hbm>> -> memref<16xi32, #tpu.memory_space<hbm>>
        %dma_wait3A_1793 = tpu.memref_slice %arg5[%mul3A_18] : memref<4096xi32, #tpu.memory_space<hbm>> -> memref<16xi32, #tpu.memory_space<hbm>>
        tpu.wait_dma2 semaphore(%run_scoped3A : memref<!tpu.dma_semaphore, #tpu.memory_space<semaphore_mem>>) src(%dma_wait3A_1793 : memref<16xi32, #tpu.memory_space<hbm>>) dst(%arg9 : memref<16xi32, #tpu.memory_space<vmem>>)
        tpu.yield
      }) : () -> ()
      %get3A = arith.constant 0 : index
      %get3A_19 = tpu.vector_load %arg7[%get3A] {strides = array<i32>} : memref<16xi32, #tpu.memory_space<vmem>>, vector<16xi32>,
      %get3A_20 = arith.constant 0 : index
      %get3A_21 = tpu.vector_load %arg8[%get3A_20] {strides = array<i32>} : memref<16xi32, #tpu.memory_space<vmem>>, vector<16xi32>,
      %get3A_22 = arith.constant 0 : index
      %get3A_23 = tpu.vector_load %arg9[%get3A_22] {strides = array<i32>} : memref<16xi32, #tpu.memory_space<vmem>>, vector<16xi32>,
      %mul3A_24 = arith.constant 262144 : i32
      %mul3A_25 = vector.broadcast %mul3A_24 : i32 to vector<16xi32>
      %mul3A_26 = arith.muli %get3A_19, %mul3A_25 : vector<16xi32>
      %mul3A_27 = arith.constant 49 : i32
      %mul3A_28 = vector.broadcast %mul3A_27 : i32 to vector<16xi32>
      %mul3A_29 = arith.muli %iota3A, %mul3A_28 : vector<16xi32>
      %add3A_30 = arith.constant -3 : i32
      %add3A_31 = vector.broadcast %add3A_30 : i32 to vector<16xi32>
      %add3A_32 = arith.addi %get3A_21, %add3A_31 : vector<16xi32>
      %max3A = arith.constant 0 : i32
      %max3A_33 = vector.broadcast %max3A : i32 to vector<16xi32>
      %max3A_34 = arith.maxsi %add3A_32, %max3A_33 : vector<16xi32>
      %min3A = arith.constant 511 : i32
      %min3A_35 = vector.broadcast %min3A : i32 to vector<16xi32>
      %min3A_36 = arith.minsi %max3A_34, %min3A_35 : vector<16xi32>
      %add3A_37 = arith.constant -3 : i32
      %add3A_38 = vector.broadcast %add3A_37 : i32 to vector<16xi32>
      %add3A_39 = arith.addi %get3A_23, %add3A_38 : vector<16xi32>
      %max3A_40 = arith.constant 0 : i32
      %max3A_41 = vector.broadcast %max3A_40 : i32 to vector<16xi32>
      %max3A_42 = arith.maxsi %add3A_39, %max3A_41 : vector<16xi32>
      %min3A_43 = arith.constant 511 : i32
      %min3A_44 = vector.broadcast %min3A_43 : i32 to vector<16xi32>
      %min3A_45 = arith.minsi %max3A_42, %min3A_44 : vector<16xi32>
      %add3A_46 = arith.constant 0 : i32
      %add3A_47 = vector.broadcast %add3A_46 : i32 to vector<16xi32>
      %add3A_48 = arith.addi %mul3A_29, %add3A_47 : vector<16xi32>
      %mul3A_49 = arith.constant 512 : i32
      %mul3A_50 = vector.broadcast %mul3A_49 : i32 to vector<16xi32>
      %mul3A_51 = arith.muli %min3A_36, %mul3A_50 : vector<16xi32>
      %add3A_52 = arith.addi %mul3A_26, %mul3A_51 : vector<16xi32>
      %add3A_53 = arith.addi %add3A_52, %min3A_45 : vector<16xi32>
      tpu.vector_store_idx %arg10[%add3A_48], %add3A_53 : memref<784xi32, #tpu.memory_space<vmem>>[vector<16xi32>], vector<16xi32>,
      %add3A_54 = arith.constant -3 : i32
      %add3A_55 = vector.broadcast %add3A_54 : i32 to vector<16xi32>
      %add3A_56 = arith.addi %get3A_21, %add3A_55 : vector<16xi32>
      %max3A_57 = arith.constant 0 : i32
      %max3A_58 = vector.broadcast %max3A_57 : i32 to vector<16xi32>
      %max3A_59 = arith.maxsi %add3A_56, %max3A_58 : vector<16xi32>
      %min3A_60 = arith.constant 511 : i32
      %min3A_61 = vector.broadcast %min3A_60 : i32 to vector<16xi32>
      %min3A_62 = arith.minsi %max3A_59, %min3A_61 : vector<16xi32>
      %add3A_63 = arith.constant -2 : i32
      %add3A_64 = vector.broadcast %add3A_63 : i32 to vector<16xi32>
      %add3A_65 = arith.addi %get3A_23, %add3A_64 : vector<16xi32>
      %max3A_66 = arith.constant 0 : i32
      %max3A_67 = vector.broadcast %max3A_66 : i32 to vector<16xi32>
      %max3A_68 = arith.maxsi %add3A_65, %max3A_67 : vector<16xi32>
      %min3A_69 = arith.constant 511 : i32
      %min3A_70 = vector.broadcast %min3A_69 : i32 to vector<16xi32>
      %min3A_71 = arith.minsi %max3A_68, %min3A_70 : vector<16xi32>
      %add3A_72 = arith.constant 1 : i32
      %add3A_73 = vector.broadcast %add3A_72 : i32 to vector<16xi32>
      %add3A_74 = arith.addi %mul3A_29, %add3A_73 : vector<16xi32>
      %mul3A_75 = arith.constant 512 : i32
      %mul3A_76 = vector.broadcast %mul3A_75 : i32 to vector<16xi32>
      %mul3A_77 = arith.muli %min3A_62, %mul3A_76 : vector<16xi32>
      %add3A_78 = arith.addi %mul3A_26, %mul3A_77 : vector<16xi32>
      %add3A_79 = arith.addi %add3A_78, %min3A_71 : vector<16xi32>
      tpu.vector_store_idx %arg10[%add3A_74], %add3A_79 : memref<784xi32, #tpu.memory_space<vmem>>[vector<16xi32>], vector<16xi32>,
      %add3A_80 = arith.constant -3 : i32
      %add3A_81 = vector.broadcast %add3A_80 : i32 to vector<16xi32>
      %add3A_82 = arith.addi %get3A_21, %add3A_81 : vector<16xi32>
      %max3A_83 = arith.constant 0 : i32
      %max3A_84 = vector.broadcast %max3A_83 : i32 to vector<16xi32>
      %max3A_85 = arith.maxsi %add3A_82, %max3A_84 : vector<16xi32>
      %min3A_86 = arith.constant 511 : i32
      %min3A_87 = vector.broadcast %min3A_86 : i32 to vector<16xi32>
      %min3A_88 = arith.minsi %max3A_85, %min3A_87 : vector<16xi32>
      %add3A_89 = arith.constant -1 : i32
      %add3A_90 = vector.broadcast %add3A_89 : i32 to vector<16xi32>
      %add3A_91 = arith.addi %get3A_23, %add3A_90 : vector<16xi32>
      %max3A_92 = arith.constant 0 : i32
      %max3A_93 = vector.broadcast %max3A_92 : i32 to vector<16xi32>
      %max3A_94 = arith.maxsi %add3A_91, %max3A_93 : vector<16xi32>
      %min3A_95 = arith.constant 511 : i32
      %min3A_96 = vector.broadcast %min3A_95 : i32 to vector<16xi32>
      %min3A_97 = arith.minsi %max3A_94, %min3A_96 : vector<16xi32>
      %add3A_98 = arith.constant 2 : i32
      %add3A_99 = vector.broadcast %add3A_98 : i32 to vector<16xi32>
      %add3A_100 = arith.addi %mul3A_29, %add3A_99 : vector<16xi32>
      %mul3A_101 = arith.constant 512 : i32
      %mul3A_102 = vector.broadcast %mul3A_101 : i32 to vector<16xi32>
      %mul3A_103 = arith.muli %min3A_88, %mul3A_102 : vector<16xi32>
      %add3A_104 = arith.addi %mul3A_26, %mul3A_103 : vector<16xi32>
      %add3A_105 = arith.addi %add3A_104, %min3A_97 : vector<16xi32>
      tpu.vector_store_idx %arg10[%add3A_100], %add3A_105 : memref<784xi32, #tpu.memory_space<vmem>>[vector<16xi32>], vector<16xi32>,
      %add3A_106 = arith.constant -3 : i32
      %add3A_107 = vector.broadcast %add3A_106 : i32 to vector<16xi32>
      %add3A_108 = arith.addi %get3A_21, %add3A_107 : vector<16xi32>
      %max3A_109 = arith.constant 0 : i32
      %max3A_110 = vector.broadcast %max3A_109 : i32 to vector<16xi32>
      %max3A_111 = arith.maxsi %add3A_108, %max3A_110 : vector<16xi32>
      %min3A_112 = arith.constant 511 : i32
      %min3A_113 = vector.broadcast %min3A_112 : i32 to vector<16xi32>
      %min3A_114 = arith.minsi %max3A_111, %min3A_113 : vector<16xi32>
      %add3A_115 = arith.constant 0 : i32
      %add3A_116 = vector.broadcast %add3A_115 : i32 to vector<16xi32>
      %add3A_117 = arith.addi %get3A_23, %add3A_116 : vector<16xi32>
      %max3A_118 = arith.constant 0 : i32
      %max3A_119 = vector.broadcast %max3A_118 : i32 to vector<16xi32>
      %max3A_120 = arith.maxsi %add3A_117, %max3A_119 : vector<16xi32>
      %min3A_121 = arith.constant 511 : i32
      %min3A_122 = vector.broadcast %min3A_121 : i32 to vector<16xi32>
      %min3A_123 = arith.minsi %max3A_120, %min3A_122 : vector<16xi32>
      %add3A_124 = arith.constant 3 : i32
      %add3A_125 = vector.broadcast %add3A_124 : i32 to vector<16xi32>
      %add3A_126 = arith.addi %mul3A_29, %add3A_125 : vector<16xi32>
      %mul3A_127 = arith.constant 512 : i32
      %mul3A_128 = vector.broadcast %mul3A_127 : i32 to vector<16xi32>
      %mul3A_129 = arith.muli %min3A_114, %mul3A_128 : vector<16xi32>
      %add3A_130 = arith.addi %mul3A_26, %mul3A_129 : vector<16xi32>
      %add3A_131 = arith.addi %add3A_130, %min3A_123 : vector<16xi32>
      tpu.vector_store_idx %arg10[%add3A_126], %add3A_131 : memref<784xi32, #tpu.memory_space<vmem>>[vector<16xi32>], vector<16xi32>,
      %add3A_132 = arith.constant -3 : i32
      %add3A_133 = vector.broadcast %add3A_132 : i32 to vector<16xi32>
      %add3A_134 = arith.addi %get3A_21, %add3A_133 : vector<16xi32>
      %max3A_135 = arith.constant 0 : i32
      %max3A_136 = vector.broadcast %max3A_135 : i32 to vector<16xi32>
      %max3A_137 = arith.maxsi %add3A_134, %max3A_136 : vector<16xi32>
      %min3A_138 = arith.constant 511 : i32
      %min3A_139 = vector.broadcast %min3A_138 : i32 to vector<16xi32>
      %min3A_140 = arith.minsi %max3A_137, %min3A_139 : vector<16xi32>
      %add3A_141 = arith.constant 1 : i32
      %add3A_142 = vector.broadcast %add3A_141 : i32 to vector<16xi32>
      %add3A_143 = arith.addi %get3A_23, %add3A_142 : vector<16xi32>
      %max3A_144 = arith.constant 0 : i32
      %max3A_145 = vector.broadcast %max3A_144 : i32 to vector<16xi32>
      %max3A_146 = arith.maxsi %add3A_143, %max3A_145 : vector<16xi32>
      %min3A_147 = arith.constant 511 : i32
      %min3A_148 = vector.broadcast %min3A_147 : i32 to vector<16xi32>
      %min3A_149 = arith.minsi %max3A_146, %min3A_148 : vector<16xi32>
      %add3A_150 = arith.constant 4 : i32
      %add3A_151 = vector.broadcast %add3A_150 : i32 to vector<16xi32>
      %add3A_152 = arith.addi %mul3A_29, %add3A_151 : vector<16xi32>
      %mul3A_153 = arith.constant 512 : i32
      %mul3A_154 = vector.broadcast %mul3A_153 : i32 to vector<16xi32>
      %mul3A_155 = arith.muli %min3A_140, %mul3A_154 : vector<16xi32>
      %add3A_156 = arith.addi %mul3A_26, %mul3A_155 : vector<16xi32>
      %add3A_157 = arith.addi %add3A_156, %min3A_149 : vector<16xi32>
      tpu.vector_store_idx %arg10[%add3A_152], %add3A_157 : memref<784xi32, #tpu.memory_space<vmem>>[vector<16xi32>], vector<16xi32>,
      %add3A_158 = arith.constant -3 : i32
      %add3A_159 = vector.broadcast %add3A_158 : i32 to vector<16xi32>
      %add3A_160 = arith.addi %get3A_21, %add3A_159 : vector<16xi32>
      %max3A_161 = arith.constant 0 : i32
      %max3A_162 = vector.broadcast %max3A_161 : i32 to vector<16xi32>
      %max3A_163 = arith.maxsi %add3A_160, %max3A_162 : vector<16xi32>
      %min3A_164 = arith.constant 511 : i32
      %min3A_165 = vector.broadcast %min3A_164 : i32 to vector<16xi32>
      %min3A_166 = arith.minsi %max3A_163, %min3A_165 : vector<16xi32>
      %add3A_167 = arith.constant 2 : i32
      %add3A_168 = vector.broadcast %add3A_167 : i32 to vector<16xi32>
      %add3A_169 = arith.addi %get3A_23, %add3A_168 : vector<16xi32>
      %max3A_170 = arith.constant 0 : i32
      %max3A_171 = vector.broadcast %max3A_170 : i32 to vector<16xi32>
      %max3A_172 = arith.maxsi %add3A_169, %max3A_171 : vector<16xi32>
      %min3A_173 = arith.constant 511 : i32
      %min3A_174 = vector.broadcast %min3A_173 : i32 to vector<16xi32>
      %min3A_175 = arith.minsi %max3A_172, %min3A_174 : vector<16xi32>
      %add3A_176 = arith.constant 5 : i32
      %add3A_177 = vector.broadcast %add3A_176 : i32 to vector<16xi32>
      %add3A_178 = arith.addi %mul3A_29, %add3A_177 : vector<16xi32>
      %mul3A_179 = arith.constant 512 : i32
      %mul3A_180 = vector.broadcast %mul3A_179 : i32 to vector<16xi32>
      %mul3A_181 = arith.muli %min3A_166, %mul3A_180 : vector<16xi32>
      %add3A_182 = arith.addi %mul3A_26, %mul3A_181 : vector<16xi32>
      %add3A_183 = arith.addi %add3A_182, %min3A_175 : vector<16xi32>
      tpu.vector_store_idx %arg10[%add3A_178], %add3A_183 : memref<784xi32, #tpu.memory_space<vmem>>[vector<16xi32>], vector<16xi32>,
      %add3A_184 = arith.constant -3 : i32
      %add3A_185 = vector.broadcast %add3A_184 : i32 to vector<16xi32>
      %add3A_186 = arith.addi %get3A_21, %add3A_185 : vector<16xi32>
      %max3A_187 = arith.constant 0 : i32
      %max3A_188 = vector.broadcast %max3A_187 : i32 to vector<16xi32>
      %max3A_189 = arith.maxsi %add3A_186, %max3A_188 : vector<16xi32>
      %min3A_190 = arith.constant 511 : i32
      %min3A_191 = vector.broadcast %min3A_190 : i32 to vector<16xi32>
      %min3A_192 = arith.minsi %max3A_189, %min3A_191 : vector<16xi32>
      %add3A_193 = arith.constant 3 : i32
      %add3A_194 = vector.broadcast %add3A_193 : i32 to vector<16xi32>
      %add3A_195 = arith.addi %get3A_23, %add3A_194 : vector<16xi32>
      %max3A_196 = arith.constant 0 : i32
      %max3A_197 = vector.broadcast %max3A_196 : i32 to vector<16xi32>
      %max3A_198 = arith.maxsi %add3A_195, %max3A_197 : vector<16xi32>
      %min3A_199 = arith.constant 511 : i32
      %min3A_200 = vector.broadcast %min3A_199 : i32 to vector<16xi32>
      %min3A_201 = arith.minsi %max3A_198, %min3A_200 : vector<16xi32>
      %add3A_202 = arith.constant 6 : i32
      %add3A_203 = vector.broadcast %add3A_202 : i32 to vector<16xi32>
      %add3A_204 = arith.addi %mul3A_29, %add3A_203 : vector<16xi32>
      %mul3A_205 = arith.constant 512 : i32
      %mul3A_206 = vector.broadcast %mul3A_205 : i32 to vector<16xi32>
      %mul3A_207 = arith.muli %min3A_192, %mul3A_206 : vector<16xi32>
      %add3A_208 = arith.addi %mul3A_26, %mul3A_207 : vector<16xi32>
      %add3A_209 = arith.addi %add3A_208, %min3A_201 : vector<16xi32>
      tpu.vector_store_idx %arg10[%add3A_204], %add3A_209 : memref<784xi32, #tpu.memory_space<vmem>>[vector<16xi32>], vector<16xi32>,
      %add3A_210 = arith.constant -2 : i32
      %add3A_211 = vector.broadcast %add3A_210 : i32 to vector<16xi32>
      %add3A_212 = arith.addi %get3A_21, %add3A_211 : vector<16xi32>
      %max3A_213 = arith.constant 0 : i32
      %max3A_214 = vector.broadcast %max3A_213 : i32 to vector<16xi32>
      %max3A_215 = arith.maxsi %add3A_212, %max3A_214 : vector<16xi32>
      %min3A_216 = arith.constant 511 : i32
      %min3A_217 = vector.broadcast %min3A_216 : i32 to vector<16xi32>
      %min3A_218 = arith.minsi %max3A_215, %min3A_217 : vector<16xi32>
      %add3A_219 = arith.constant -3 : i32
      %add3A_220 = vector.broadcast %add3A_219 : i32 to vector<16xi32>
      %add3A_221 = arith.addi %get3A_23, %add3A_220 : vector<16xi32>
      %max3A_222 = arith.constant 0 : i32
      %max3A_223 = vector.broadcast %max3A_222 : i32 to vector<16xi32>
      %max3A_224 = arith.maxsi %add3A_221, %max3A_223 : vector<16xi32>
      %min3A_225 = arith.constant 511 : i32
      %min3A_226 = vector.broadcast %min3A_225 : i32 to vector<16xi32>
      %min3A_227 = arith.minsi %max3A_224, %min3A_226 : vector<16xi32>
      %add3A_228 = arith.constant 7 : i32
      %add3A_229 = vector.broadcast %add3A_228 : i32 to vector<16xi32>
      %add3A_230 = arith.addi %mul3A_29, %add3A_229 : vector<16xi32>
      %mul3A_231 = arith.constant 512 : i32
      %mul3A_232 = vector.broadcast %mul3A_231 : i32 to vector<16xi32>
      %mul3A_233 = arith.muli %min3A_218, %mul3A_232 : vector<16xi32>
      %add3A_234 = arith.addi %mul3A_26, %mul3A_233 : vector<16xi32>
      %add3A_235 = arith.addi %add3A_234, %min3A_227 : vector<16xi32>
      tpu.vector_store_idx %arg10[%add3A_230], %add3A_235 : memref<784xi32, #tpu.memory_space<vmem>>[vector<16xi32>], vector<16xi32>,
      %add3A_236 = arith.constant -2 : i32
      %add3A_237 = vector.broadcast %add3A_236 : i32 to vector<16xi32>
      %add3A_238 = arith.addi %get3A_21, %add3A_237 : vector<16xi32>
      %max3A_239 = arith.constant 0 : i32
      %max3A_240 = vector.broadcast %max3A_239 : i32 to vector<16xi32>
      %max3A_241 = arith.maxsi %add3A_238, %max3A_240 : vector<16xi32>
      %min3A_242 = arith.constant 511 : i32
      %min3A_243 = vector.broadcast %min3A_242 : i32 to vector<16xi32>
      %min3A_244 = arith.minsi %max3A_241, %min3A_243 : vector<16xi32>
      %add3A_245 = arith.constant -2 : i32
      %add3A_246 = vector.broadcast %add3A_245 : i32 to vector<16xi32>
      %add3A_247 = arith.addi %get3A_23, %add3A_246 : vector<16xi32>
      %max3A_248 = arith.constant 0 : i32
      %max3A_249 = vector.broadcast %max3A_248 : i32 to vector<16xi32>
      %max3A_250 = arith.maxsi %add3A_247, %max3A_249 : vector<16xi32>
      %min3A_251 = arith.constant 511 : i32
      %min3A_252 = vector.broadcast %min3A_251 : i32 to vector<16xi32>
      %min3A_253 = arith.minsi %max3A_250, %min3A_252 : vector<16xi32>
      %add3A_254 = arith.constant 8 : i32
      %add3A_255 = vector.broadcast %add3A_254 : i32 to vector<16xi32>
      %add3A_256 = arith.addi %mul3A_29, %add3A_255 : vector<16xi32>
      %mul3A_257 = arith.constant 512 : i32
      %mul3A_258 = vector.broadcast %mul3A_257 : i32 to vector<16xi32>
      %mul3A_259 = arith.muli %min3A_244, %mul3A_258 : vector<16xi32>
      %add3A_260 = arith.addi %mul3A_26, %mul3A_259 : vector<16xi32>
      %add3A_261 = arith.addi %add3A_260, %min3A_253 : vector<16xi32>
      tpu.vector_store_idx %arg10[%add3A_256], %add3A_261 : memref<784xi32, #tpu.memory_space<vmem>>[vector<16xi32>], vector<16xi32>,
      %add3A_262 = arith.constant -2 : i32
      %add3A_263 = vector.broadcast %add3A_262 : i32 to vector<16xi32>
      %add3A_264 = arith.addi %get3A_21, %add3A_263 : vector<16xi32>
      %max3A_265 = arith.constant 0 : i32
      %max3A_266 = vector.broadcast %max3A_265 : i32 to vector<16xi32>
      %max3A_267 = arith.maxsi %add3A_264, %max3A_266 : vector<16xi32>
      %min3A_268 = arith.constant 511 : i32
      %min3A_269 = vector.broadcast %min3A_268 : i32 to vector<16xi32>
      %min3A_270 = arith.minsi %max3A_267, %min3A_269 : vector<16xi32>
      %add3A_271 = arith.constant -1 : i32
      %add3A_272 = vector.broadcast %add3A_271 : i32 to vector<16xi32>
      %add3A_273 = arith.addi %get3A_23, %add3A_272 : vector<16xi32>
      %max3A_274 = arith.constant 0 : i32
      %max3A_275 = vector.broadcast %max3A_274 : i32 to vector<16xi32>
      %max3A_276 = arith.maxsi %add3A_273, %max3A_275 : vector<16xi32>
      %min3A_277 = arith.constant 511 : i32
      %min3A_278 = vector.broadcast %min3A_277 : i32 to vector<16xi32>
      %min3A_279 = arith.minsi %max3A_276, %min3A_278 : vector<16xi32>
      %add3A_280 = arith.constant 9 : i32
      %add3A_281 = vector.broadcast %add3A_280 : i32 to vector<16xi32>
      %add3A_282 = arith.addi %mul3A_29, %add3A_281 : vector<16xi32>
      %mul3A_283 = arith.constant 512 : i32
      %mul3A_284 = vector.broadcast %mul3A_283 : i32 to vector<16xi32>
      %mul3A_285 = arith.muli %min3A_270, %mul3A_284 : vector<16xi32>
      %add3A_286 = arith.addi %mul3A_26, %mul3A_285 : vector<16xi32>
      %add3A_287 = arith.addi %add3A_286, %min3A_279 : vector<16xi32>
      tpu.vector_store_idx %arg10[%add3A_282], %add3A_287 : memref<784xi32, #tpu.memory_space<vmem>>[vector<16xi32>], vector<16xi32>,
      %add3A_288 = arith.constant -2 : i32
      %add3A_289 = vector.broadcast %add3A_288 : i32 to vector<16xi32>
      %add3A_290 = arith.addi %get3A_21, %add3A_289 : vector<16xi32>
      %max3A_291 = arith.constant 0 : i32
      %max3A_292 = vector.broadcast %max3A_291 : i32 to vector<16xi32>
      %max3A_293 = arith.maxsi %add3A_290, %max3A_292 : vector<16xi32>
      %min3A_294 = arith.constant 511 : i32
      %min3A_295 = vector.broadcast %min3A_294 : i32 to vector<16xi32>
      %min3A_296 = arith.minsi %max3A_293, %min3A_295 : vector<16xi32>
      %add3A_297 = arith.constant 0 : i32
      %add3A_298 = vector.broadcast %add3A_297 : i32 to vector<16xi32>
      %add3A_299 = arith.addi %get3A_23, %add3A_298 : vector<16xi32>
      %max3A_300 = arith.constant 0 : i32
      %max3A_301 = vector.broadcast %max3A_300 : i32 to vector<16xi32>
      %max3A_302 = arith.maxsi %add3A_299, %max3A_301 : vector<16xi32>
      %min3A_303 = arith.constant 511 : i32
      %min3A_304 = vector.broadcast %min3A_303 : i32 to vector<16xi32>
      %min3A_305 = arith.minsi %max3A_302, %min3A_304 : vector<16xi32>
      %add3A_306 = arith.constant 10 : i32
      %add3A_307 = vector.broadcast %add3A_306 : i32 to vector<16xi32>
      %add3A_308 = arith.addi %mul3A_29, %add3A_307 : vector<16xi32>
      %mul3A_309 = arith.constant 512 : i32
      %mul3A_310 = vector.broadcast %mul3A_309 : i32 to vector<16xi32>
      %mul3A_311 = arith.muli %min3A_296, %mul3A_310 : vector<16xi32>
      %add3A_312 = arith.addi %mul3A_26, %mul3A_311 : vector<16xi32>
      %add3A_313 = arith.addi %add3A_312, %min3A_305 : vector<16xi32>
      tpu.vector_store_idx %arg10[%add3A_308], %add3A_313 : memref<784xi32, #tpu.memory_space<vmem>>[vector<16xi32>], vector<16xi32>,
      %add3A_314 = arith.constant -2 : i32
      %add3A_315 = vector.broadcast %add3A_314 : i32 to vector<16xi32>
      %add3A_316 = arith.addi %get3A_21, %add3A_315 : vector<16xi32>
      %max3A_317 = arith.constant 0 : i32
      %max3A_318 = vector.broadcast %max3A_317 : i32 to vector<16xi32>
      %max3A_319 = arith.maxsi %add3A_316, %max3A_318 : vector<16xi32>
      %min3A_320 = arith.constant 511 : i32
      %min3A_321 = vector.broadcast %min3A_320 : i32 to vector<16xi32>
      %min3A_322 = arith.minsi %max3A_319, %min3A_321 : vector<16xi32>
      %add3A_323 = arith.constant 1 : i32
      %add3A_324 = vector.broadcast %add3A_323 : i32 to vector<16xi32>
      %add3A_325 = arith.addi %get3A_23, %add3A_324 : vector<16xi32>
      %max3A_326 = arith.constant 0 : i32
      %max3A_327 = vector.broadcast %max3A_326 : i32 to vector<16xi32>
      %max3A_328 = arith.maxsi %add3A_325, %max3A_327 : vector<16xi32>
      %min3A_329 = arith.constant 511 : i32
      %min3A_330 = vector.broadcast %min3A_329 : i32 to vector<16xi32>
      %min3A_331 = arith.minsi %max3A_328, %min3A_330 : vector<16xi32>
      %add3A_332 = arith.constant 11 : i32
      %add3A_333 = vector.broadcast %add3A_332 : i32 to vector<16xi32>
      %add3A_334 = arith.addi %mul3A_29, %add3A_333 : vector<16xi32>
      %mul3A_335 = arith.constant 512 : i32
      %mul3A_336 = vector.broadcast %mul3A_335 : i32 to vector<16xi32>
      %mul3A_337 = arith.muli %min3A_322, %mul3A_336 : vector<16xi32>
      %add3A_338 = arith.addi %mul3A_26, %mul3A_337 : vector<16xi32>
      %add3A_339 = arith.addi %add3A_338, %min3A_331 : vector<16xi32>
      tpu.vector_store_idx %arg10[%add3A_334], %add3A_339 : memref<784xi32, #tpu.memory_space<vmem>>[vector<16xi32>], vector<16xi32>,
      %add3A_340 = arith.constant -2 : i32
      %add3A_341 = vector.broadcast %add3A_340 : i32 to vector<16xi32>
      %add3A_342 = arith.addi %get3A_21, %add3A_341 : vector<16xi32>
      %max3A_343 = arith.constant 0 : i32
      %max3A_344 = vector.broadcast %max3A_343 : i32 to vector<16xi32>
      %max3A_345 = arith.maxsi %add3A_342, %max3A_344 : vector<16xi32>
      %min3A_346 = arith.constant 511 : i32
      %min3A_347 = vector.broadcast %min3A_346 : i32 to vector<16xi32>
      %min3A_348 = arith.minsi %max3A_345, %min3A_347 : vector<16xi32>
      %add3A_349 = arith.constant 2 : i32
      %add3A_350 = vector.broadcast %add3A_349 : i32 to vector<16xi32>
      %add3A_351 = arith.addi %get3A_23, %add3A_350 : vector<16xi32>
      %max3A_352 = arith.constant 0 : i32
      %max3A_353 = vector.broadcast %max3A_352 : i32 to vector<16xi32>
      %max3A_354 = arith.maxsi %add3A_351, %max3A_353 : vector<16xi32>
      %min3A_355 = arith.constant 511 : i32
      %min3A_356 = vector.broadcast %min3A_355 : i32 to vector<16xi32>
      %min3A_357 = arith.minsi %max3A_354, %min3A_356 : vector<16xi32>
      %add3A_358 = arith.constant 12 : i32
      %add3A_359 = vector.broadcast %add3A_358 : i32 to vector<16xi32>
      %add3A_360 = arith.addi %mul3A_29, %add3A_359 : vector<16xi32>
      %mul3A_361 = arith.constant 512 : i32
      %mul3A_362 = vector.broadcast %mul3A_361 : i32 to vector<16xi32>
      %mul3A_363 = arith.muli %min3A_348, %mul3A_362 : vector<16xi32>
      %add3A_364 = arith.addi %mul3A_26, %mul3A_363 : vector<16xi32>
      %add3A_365 = arith.addi %add3A_364, %min3A_357 : vector<16xi32>
      tpu.vector_store_idx %arg10[%add3A_360], %add3A_365 : memref<784xi32, #tpu.memory_space<vmem>>[vector<16xi32>], vector<16xi32>,
      %add3A_366 = arith.constant -2 : i32
      %add3A_367 = vector.broadcast %add3A_366 : i32 to vector<16xi32>
      %add3A_368 = arith.addi %get3A_21, %add3A_367 : vector<16xi32>
      %max3A_369 = arith.constant 0 : i32
      %max3A_370 = vector.broadcast %max3A_369 : i32 to vector<16xi32>
      %max3A_371 = arith.maxsi %add3A_368, %max3A_370 : vector<16xi32>
      %min3A_372 = arith.constant 511 : i32
      %min3A_373 = vector.broadcast %min3A_372 : i32 to vector<16xi32>
      %min3A_374 = arith.minsi %max3A_371, %min3A_373 : vector<16xi32>
      %add3A_375 = arith.constant 3 : i32
      %add3A_376 = vector.broadcast %add3A_375 : i32 to vector<16xi32>
      %add3A_377 = arith.addi %get3A_23, %add3A_376 : vector<16xi32>
      %max3A_378 = arith.constant 0 : i32
      %max3A_379 = vector.broadcast %max3A_378 : i32 to vector<16xi32>
      %max3A_380 = arith.maxsi %add3A_377, %max3A_379 : vector<16xi32>
      %min3A_381 = arith.constant 511 : i32
      %min3A_382 = vector.broadcast %min3A_381 : i32 to vector<16xi32>
      %min3A_383 = arith.minsi %max3A_380, %min3A_382 : vector<16xi32>
      %add3A_384 = arith.constant 13 : i32
      %add3A_385 = vector.broadcast %add3A_384 : i32 to vector<16xi32>
      %add3A_386 = arith.addi %mul3A_29, %add3A_385 : vector<16xi32>
      %mul3A_387 = arith.constant 512 : i32
      %mul3A_388 = vector.broadcast %mul3A_387 : i32 to vector<16xi32>
      %mul3A_389 = arith.muli %min3A_374, %mul3A_388 : vector<16xi32>
      %add3A_390 = arith.addi %mul3A_26, %mul3A_389 : vector<16xi32>
      %add3A_391 = arith.addi %add3A_390, %min3A_383 : vector<16xi32>
      tpu.vector_store_idx %arg10[%add3A_386], %add3A_391 : memref<784xi32, #tpu.memory_space<vmem>>[vector<16xi32>], vector<16xi32>,
      %add3A_392 = arith.constant -1 : i32
      %add3A_393 = vector.broadcast %add3A_392 : i32 to vector<16xi32>
      %add3A_394 = arith.addi %get3A_21, %add3A_393 : vector<16xi32>
      %max3A_395 = arith.constant 0 : i32
      %max3A_396 = vector.broadcast %max3A_395 : i32 to vector<16xi32>
      %max3A_397 = arith.maxsi %add3A_394, %max3A_396 : vector<16xi32>
      %min3A_398 = arith.constant 511 : i32
      %min3A_399 = vector.broadcast %min3A_398 : i32 to vector<16xi32>
      %min3A_400 = arith.minsi %max3A_397, %min3A_399 : vector<16xi32>
      %add3A_401 = arith.constant -3 : i32
      %add3A_402 = vector.broadcast %add3A_401 : i32 to vector<16xi32>
      %add3A_403 = arith.addi %get3A_23, %add3A_402 : vector<16xi32>
      %max3A_404 = arith.constant 0 : i32
      %max3A_405 = vector.broadcast %max3A_404 : i32 to vector<16xi32>
      %max3A_406 = arith.maxsi %add3A_403, %max3A_405 : vector<16xi32>
      %min3A_407 = arith.constant 511 : i32
      %min3A_408 = vector.broadcast %min3A_407 : i32 to vector<16xi32>
      %min3A_409 = arith.minsi %max3A_406, %min3A_408 : vector<16xi32>
      %add3A_410 = arith.constant 14 : i32
      %add3A_411 = vector.broadcast %add3A_410 : i32 to vector<16xi32>
      %add3A_412 = arith.addi %mul3A_29, %add3A_411 : vector<16xi32>
      %mul3A_413 = arith.constant 512 : i32
      %mul3A_414 = vector.broadcast %mul3A_413 : i32 to vector<16xi32>
      %mul3A_415 = arith.muli %min3A_400, %mul3A_414 : vector<16xi32>
      %add3A_416 = arith.addi %mul3A_26, %mul3A_415 : vector<16xi32>
      %add3A_417 = arith.addi %add3A_416, %min3A_409 : vector<16xi32>
      tpu.vector_store_idx %arg10[%add3A_412], %add3A_417 : memref<784xi32, #tpu.memory_space<vmem>>[vector<16xi32>], vector<16xi32>,
      %add3A_418 = arith.constant -1 : i32
      %add3A_419 = vector.broadcast %add3A_418 : i32 to vector<16xi32>
      %add3A_420 = arith.addi %get3A_21, %add3A_419 : vector<16xi32>
      %max3A_421 = arith.constant 0 : i32
      %max3A_422 = vector.broadcast %max3A_421 : i32 to vector<16xi32>
      %max3A_423 = arith.maxsi %add3A_420, %max3A_422 : vector<16xi32>
      %min3A_424 = arith.constant 511 : i32
      %min3A_425 = vector.broadcast %min3A_424 : i32 to vector<16xi32>
      %min3A_426 = arith.minsi %max3A_423, %min3A_425 : vector<16xi32>
      %add3A_427 = arith.constant -2 : i32
      %add3A_428 = vector.broadcast %add3A_427 : i32 to vector<16xi32>
      %add3A_429 = arith.addi %get3A_23, %add3A_428 : vector<16xi32>
      %max3A_430 = arith.constant 0 : i32
      %max3A_431 = vector.broadcast %max3A_430 : i32 to vector<16xi32>
      %max3A_432 = arith.maxsi %add3A_429, %max3A_431 : vector<16xi32>
      %min3A_433 = arith.constant 511 : i32
      %min3A_434 = vector.broadcast %min3A_433 : i32 to vector<16xi32>
      %min3A_435 = arith.minsi %max3A_432, %min3A_434 : vector<16xi32>
      %add3A_436 = arith.constant 15 : i32
      %add3A_437 = vector.broadcast %add3A_436 : i32 to vector<16xi32>
      %add3A_438 = arith.addi %mul3A_29, %add3A_437 : vector<16xi32>
      %mul3A_439 = arith.constant 512 : i32
      %mul3A_440 = vector.broadcast %mul3A_439 : i32 to vector<16xi32>
      %mul3A_441 = arith.muli %min3A_426, %mul3A_440 : vector<16xi32>
      %add3A_442 = arith.addi %mul3A_26, %mul3A_441 : vector<16xi32>
      %add3A_443 = arith.addi %add3A_442, %min3A_435 : vector<16xi32>
      tpu.vector_store_idx %arg10[%add3A_438], %add3A_443 : memref<784xi32, #tpu.memory_space<vmem>>[vector<16xi32>], vector<16xi32>,
      %add3A_444 = arith.constant -1 : i32
      %add3A_445 = vector.broadcast %add3A_444 : i32 to vector<16xi32>
      %add3A_446 = arith.addi %get3A_21, %add3A_445 : vector<16xi32>
      %max3A_447 = arith.constant 0 : i32
      %max3A_448 = vector.broadcast %max3A_447 : i32 to vector<16xi32>
      %max3A_449 = arith.maxsi %add3A_446, %max3A_448 : vector<16xi32>
      %min3A_450 = arith.constant 511 : i32
      %min3A_451 = vector.broadcast %min3A_450 : i32 to vector<16xi32>
      %min3A_452 = arith.minsi %max3A_449, %min3A_451 : vector<16xi32>
      %add3A_453 = arith.constant -1 : i32
      %add3A_454 = vector.broadcast %add3A_453 : i32 to vector<16xi32>
      %add3A_455 = arith.addi %get3A_23, %add3A_454 : vector<16xi32>
      %max3A_456 = arith.constant 0 : i32
      %max3A_457 = vector.broadcast %max3A_456 : i32 to vector<16xi32>
      %max3A_458 = arith.maxsi %add3A_455, %max3A_457 : vector<16xi32>
      %min3A_459 = arith.constant 511 : i32
      %min3A_460 = vector.broadcast %min3A_459 : i32 to vector<16xi32>
      %min3A_461 = arith.minsi %max3A_458, %min3A_460 : vector<16xi32>
      %add3A_462 = arith.constant 16 : i32
      %add3A_463 = vector.broadcast %add3A_462 : i32 to vector<16xi32>
      %add3A_464 = arith.addi %mul3A_29, %add3A_463 : vector<16xi32>
      %mul3A_465 = arith.constant 512 : i32
      %mul3A_466 = vector.broadcast %mul3A_465 : i32 to vector<16xi32>
      %mul3A_467 = arith.muli %min3A_452, %mul3A_466 : vector<16xi32>
      %add3A_468 = arith.addi %mul3A_26, %mul3A_467 : vector<16xi32>
      %add3A_469 = arith.addi %add3A_468, %min3A_461 : vector<16xi32>
      tpu.vector_store_idx %arg10[%add3A_464], %add3A_469 : memref<784xi32, #tpu.memory_space<vmem>>[vector<16xi32>], vector<16xi32>,
      %add3A_470 = arith.constant -1 : i32
      %add3A_471 = vector.broadcast %add3A_470 : i32 to vector<16xi32>
      %add3A_472 = arith.addi %get3A_21, %add3A_471 : vector<16xi32>
      %max3A_473 = arith.constant 0 : i32
      %max3A_474 = vector.broadcast %max3A_473 : i32 to vector<16xi32>
      %max3A_475 = arith.maxsi %add3A_472, %max3A_474 : vector<16xi32>
      %min3A_476 = arith.constant 511 : i32
      %min3A_477 = vector.broadcast %min3A_476 : i32 to vector<16xi32>
      %min3A_478 = arith.minsi %max3A_475, %min3A_477 : vector<16xi32>
      %add3A_479 = arith.constant 0 : i32
      %add3A_480 = vector.broadcast %add3A_479 : i32 to vector<16xi32>
      %add3A_481 = arith.addi %get3A_23, %add3A_480 : vector<16xi32>
      %max3A_482 = arith.constant 0 : i32
      %max3A_483 = vector.broadcast %max3A_482 : i32 to vector<16xi32>
      %max3A_484 = arith.maxsi %add3A_481, %max3A_483 : vector<16xi32>
      %min3A_485 = arith.constant 511 : i32
      %min3A_486 = vector.broadcast %min3A_485 : i32 to vector<16xi32>
      %min3A_487 = arith.minsi %max3A_484, %min3A_486 : vector<16xi32>
      %add3A_488 = arith.constant 17 : i32
      %add3A_489 = vector.broadcast %add3A_488 : i32 to vector<16xi32>
      %add3A_490 = arith.addi %mul3A_29, %add3A_489 : vector<16xi32>
      %mul3A_491 = arith.constant 512 : i32
      %mul3A_492 = vector.broadcast %mul3A_491 : i32 to vector<16xi32>
      %mul3A_493 = arith.muli %min3A_478, %mul3A_492 : vector<16xi32>
      %add3A_494 = arith.addi %mul3A_26, %mul3A_493 : vector<16xi32>
      %add3A_495 = arith.addi %add3A_494, %min3A_487 : vector<16xi32>
      tpu.vector_store_idx %arg10[%add3A_490], %add3A_495 : memref<784xi32, #tpu.memory_space<vmem>>[vector<16xi32>], vector<16xi32>,
      %add3A_496 = arith.constant -1 : i32
      %add3A_497 = vector.broadcast %add3A_496 : i32 to vector<16xi32>
      %add3A_498 = arith.addi %get3A_21, %add3A_497 : vector<16xi32>
      %max3A_499 = arith.constant 0 : i32
      %max3A_500 = vector.broadcast %max3A_499 : i32 to vector<16xi32>
      %max3A_501 = arith.maxsi %add3A_498, %max3A_500 : vector<16xi32>
      %min3A_502 = arith.constant 511 : i32
      %min3A_503 = vector.broadcast %min3A_502 : i32 to vector<16xi32>
      %min3A_504 = arith.minsi %max3A_501, %min3A_503 : vector<16xi32>
      %add3A_505 = arith.constant 1 : i32
      %add3A_506 = vector.broadcast %add3A_505 : i32 to vector<16xi32>
      %add3A_507 = arith.addi %get3A_23, %add3A_506 : vector<16xi32>
      %max3A_508 = arith.constant 0 : i32
      %max3A_509 = vector.broadcast %max3A_508 : i32 to vector<16xi32>
      %max3A_510 = arith.maxsi %add3A_507, %max3A_509 : vector<16xi32>
      %min3A_511 = arith.constant 511 : i32
      %min3A_512 = vector.broadcast %min3A_511 : i32 to vector<16xi32>
      %min3A_513 = arith.minsi %max3A_510, %min3A_512 : vector<16xi32>
      %add3A_514 = arith.constant 18 : i32
      %add3A_515 = vector.broadcast %add3A_514 : i32 to vector<16xi32>
      %add3A_516 = arith.addi %mul3A_29, %add3A_515 : vector<16xi32>
      %mul3A_517 = arith.constant 512 : i32
      %mul3A_518 = vector.broadcast %mul3A_517 : i32 to vector<16xi32>
      %mul3A_519 = arith.muli %min3A_504, %mul3A_518 : vector<16xi32>
      %add3A_520 = arith.addi %mul3A_26, %mul3A_519 : vector<16xi32>
      %add3A_521 = arith.addi %add3A_520, %min3A_513 : vector<16xi32>
      tpu.vector_store_idx %arg10[%add3A_516], %add3A_521 : memref<784xi32, #tpu.memory_space<vmem>>[vector<16xi32>], vector<16xi32>,
      %add3A_522 = arith.constant -1 : i32
      %add3A_523 = vector.broadcast %add3A_522 : i32 to vector<16xi32>
      %add3A_524 = arith.addi %get3A_21, %add3A_523 : vector<16xi32>
      %max3A_525 = arith.constant 0 : i32
      %max3A_526 = vector.broadcast %max3A_525 : i32 to vector<16xi32>
      %max3A_527 = arith.maxsi %add3A_524, %max3A_526 : vector<16xi32>
      %min3A_528 = arith.constant 511 : i32
      %min3A_529 = vector.broadcast %min3A_528 : i32 to vector<16xi32>
      %min3A_530 = arith.minsi %max3A_527, %min3A_529 : vector<16xi32>
      %add3A_531 = arith.constant 2 : i32
      %add3A_532 = vector.broadcast %add3A_531 : i32 to vector<16xi32>
      %add3A_533 = arith.addi %get3A_23, %add3A_532 : vector<16xi32>
      %max3A_534 = arith.constant 0 : i32
      %max3A_535 = vector.broadcast %max3A_534 : i32 to vector<16xi32>
      %max3A_536 = arith.maxsi %add3A_533, %max3A_535 : vector<16xi32>
      %min3A_537 = arith.constant 511 : i32
      %min3A_538 = vector.broadcast %min3A_537 : i32 to vector<16xi32>
      %min3A_539 = arith.minsi %max3A_536, %min3A_538 : vector<16xi32>
      %add3A_540 = arith.constant 19 : i32
      %add3A_541 = vector.broadcast %add3A_540 : i32 to vector<16xi32>
      %add3A_542 = arith.addi %mul3A_29, %add3A_541 : vector<16xi32>
      %mul3A_543 = arith.constant 512 : i32
      %mul3A_544 = vector.broadcast %mul3A_543 : i32 to vector<16xi32>
      %mul3A_545 = arith.muli %min3A_530, %mul3A_544 : vector<16xi32>
      %add3A_546 = arith.addi %mul3A_26, %mul3A_545 : vector<16xi32>
      %add3A_547 = arith.addi %add3A_546, %min3A_539 : vector<16xi32>
      tpu.vector_store_idx %arg10[%add3A_542], %add3A_547 : memref<784xi32, #tpu.memory_space<vmem>>[vector<16xi32>], vector<16xi32>,
      %add3A_548 = arith.constant -1 : i32
      %add3A_549 = vector.broadcast %add3A_548 : i32 to vector<16xi32>
      %add3A_550 = arith.addi %get3A_21, %add3A_549 : vector<16xi32>
      %max3A_551 = arith.constant 0 : i32
      %max3A_552 = vector.broadcast %max3A_551 : i32 to vector<16xi32>
      %max3A_553 = arith.maxsi %add3A_550, %max3A_552 : vector<16xi32>
      %min3A_554 = arith.constant 511 : i32
      %min3A_555 = vector.broadcast %min3A_554 : i32 to vector<16xi32>
      %min3A_556 = arith.minsi %max3A_553, %min3A_555 : vector<16xi32>
      %add3A_557 = arith.constant 3 : i32
      %add3A_558 = vector.broadcast %add3A_557 : i32 to vector<16xi32>
      %add3A_559 = arith.addi %get3A_23, %add3A_558 : vector<16xi32>
      %max3A_560 = arith.constant 0 : i32
      %max3A_561 = vector.broadcast %max3A_560 : i32 to vector<16xi32>
      %max3A_562 = arith.maxsi %add3A_559, %max3A_561 : vector<16xi32>
      %min3A_563 = arith.constant 511 : i32
      %min3A_564 = vector.broadcast %min3A_563 : i32 to vector<16xi32>
      %min3A_565 = arith.minsi %max3A_562, %min3A_564 : vector<16xi32>
      %add3A_566 = arith.constant 20 : i32
      %add3A_567 = vector.broadcast %add3A_566 : i32 to vector<16xi32>
      %add3A_568 = arith.addi %mul3A_29, %add3A_567 : vector<16xi32>
      %mul3A_569 = arith.constant 512 : i32
      %mul3A_570 = vector.broadcast %mul3A_569 : i32 to vector<16xi32>
      %mul3A_571 = arith.muli %min3A_556, %mul3A_570 : vector<16xi32>
      %add3A_572 = arith.addi %mul3A_26, %mul3A_571 : vector<16xi32>
      %add3A_573 = arith.addi %add3A_572, %min3A_565 : vector<16xi32>
      tpu.vector_store_idx %arg10[%add3A_568], %add3A_573 : memref<784xi32, #tpu.memory_space<vmem>>[vector<16xi32>], vector<16xi32>,
      %add3A_574 = arith.constant 0 : i32
      %add3A_575 = vector.broadcast %add3A_574 : i32 to vector<16xi32>
      %add3A_576 = arith.addi %get3A_21, %add3A_575 : vector<16xi32>
      %max3A_577 = arith.constant 0 : i32
      %max3A_578 = vector.broadcast %max3A_577 : i32 to vector<16xi32>
      %max3A_579 = arith.maxsi %add3A_576, %max3A_578 : vector<16xi32>
      %min3A_580 = arith.constant 511 : i32
      %min3A_581 = vector.broadcast %min3A_580 : i32 to vector<16xi32>
      %min3A_582 = arith.minsi %max3A_579, %min3A_581 : vector<16xi32>
      %add3A_583 = arith.constant -3 : i32
      %add3A_584 = vector.broadcast %add3A_583 : i32 to vector<16xi32>
      %add3A_585 = arith.addi %get3A_23, %add3A_584 : vector<16xi32>
      %max3A_586 = arith.constant 0 : i32
      %max3A_587 = vector.broadcast %max3A_586 : i32 to vector<16xi32>
      %max3A_588 = arith.maxsi %add3A_585, %max3A_587 : vector<16xi32>
      %min3A_589 = arith.constant 511 : i32
      %min3A_590 = vector.broadcast %min3A_589 : i32 to vector<16xi32>
      %min3A_591 = arith.minsi %max3A_588, %min3A_590 : vector<16xi32>
      %add3A_592 = arith.constant 21 : i32
      %add3A_593 = vector.broadcast %add3A_592 : i32 to vector<16xi32>
      %add3A_594 = arith.addi %mul3A_29, %add3A_593 : vector<16xi32>
      %mul3A_595 = arith.constant 512 : i32
      %mul3A_596 = vector.broadcast %mul3A_595 : i32 to vector<16xi32>
      %mul3A_597 = arith.muli %min3A_582, %mul3A_596 : vector<16xi32>
      %add3A_598 = arith.addi %mul3A_26, %mul3A_597 : vector<16xi32>
      %add3A_599 = arith.addi %add3A_598, %min3A_591 : vector<16xi32>
      tpu.vector_store_idx %arg10[%add3A_594], %add3A_599 : memref<784xi32, #tpu.memory_space<vmem>>[vector<16xi32>], vector<16xi32>,
      %add3A_600 = arith.constant 0 : i32
      %add3A_601 = vector.broadcast %add3A_600 : i32 to vector<16xi32>
      %add3A_602 = arith.addi %get3A_21, %add3A_601 : vector<16xi32>
      %max3A_603 = arith.constant 0 : i32
      %max3A_604 = vector.broadcast %max3A_603 : i32 to vector<16xi32>
      %max3A_605 = arith.maxsi %add3A_602, %max3A_604 : vector<16xi32>
      %min3A_606 = arith.constant 511 : i32
      %min3A_607 = vector.broadcast %min3A_606 : i32 to vector<16xi32>
      %min3A_608 = arith.minsi %max3A_605, %min3A_607 : vector<16xi32>
      %add3A_609 = arith.constant -2 : i32
      %add3A_610 = vector.broadcast %add3A_609 : i32 to vector<16xi32>
      %add3A_611 = arith.addi %get3A_23, %add3A_610 : vector<16xi32>
      %max3A_612 = arith.constant 0 : i32
      %max3A_613 = vector.broadcast %max3A_612 : i32 to vector<16xi32>
      %max3A_614 = arith.maxsi %add3A_611, %max3A_613 : vector<16xi32>
      %min3A_615 = arith.constant 511 : i32
      %min3A_616 = vector.broadcast %min3A_615 : i32 to vector<16xi32>
      %min3A_617 = arith.minsi %max3A_614, %min3A_616 : vector<16xi32>
      %add3A_618 = arith.constant 22 : i32
      %add3A_619 = vector.broadcast %add3A_618 : i32 to vector<16xi32>
      %add3A_620 = arith.addi %mul3A_29, %add3A_619 : vector<16xi32>
      %mul3A_621 = arith.constant 512 : i32
      %mul3A_622 = vector.broadcast %mul3A_621 : i32 to vector<16xi32>
      %mul3A_623 = arith.muli %min3A_608, %mul3A_622 : vector<16xi32>
      %add3A_624 = arith.addi %mul3A_26, %mul3A_623 : vector<16xi32>
      %add3A_625 = arith.addi %add3A_624, %min3A_617 : vector<16xi32>
      tpu.vector_store_idx %arg10[%add3A_620], %add3A_625 : memref<784xi32, #tpu.memory_space<vmem>>[vector<16xi32>], vector<16xi32>,
      %add3A_626 = arith.constant 0 : i32
      %add3A_627 = vector.broadcast %add3A_626 : i32 to vector<16xi32>
      %add3A_628 = arith.addi %get3A_21, %add3A_627 : vector<16xi32>
      %max3A_629 = arith.constant 0 : i32
      %max3A_630 = vector.broadcast %max3A_629 : i32 to vector<16xi32>
      %max3A_631 = arith.maxsi %add3A_628, %max3A_630 : vector<16xi32>
      %min3A_632 = arith.constant 511 : i32
      %min3A_633 = vector.broadcast %min3A_632 : i32 to vector<16xi32>
      %min3A_634 = arith.minsi %max3A_631, %min3A_633 : vector<16xi32>
      %add3A_635 = arith.constant -1 : i32
      %add3A_636 = vector.broadcast %add3A_635 : i32 to vector<16xi32>
      %add3A_637 = arith.addi %get3A_23, %add3A_636 : vector<16xi32>
      %max3A_638 = arith.constant 0 : i32
      %max3A_639 = vector.broadcast %max3A_638 : i32 to vector<16xi32>
      %max3A_640 = arith.maxsi %add3A_637, %max3A_639 : vector<16xi32>
      %min3A_641 = arith.constant 511 : i32
      %min3A_642 = vector.broadcast %min3A_641 : i32 to vector<16xi32>
      %min3A_643 = arith.minsi %max3A_640, %min3A_642 : vector<16xi32>
      %add3A_644 = arith.constant 23 : i32
      %add3A_645 = vector.broadcast %add3A_644 : i32 to vector<16xi32>
      %add3A_646 = arith.addi %mul3A_29, %add3A_645 : vector<16xi32>
      %mul3A_647 = arith.constant 512 : i32
      %mul3A_648 = vector.broadcast %mul3A_647 : i32 to vector<16xi32>
      %mul3A_649 = arith.muli %min3A_634, %mul3A_648 : vector<16xi32>
      %add3A_650 = arith.addi %mul3A_26, %mul3A_649 : vector<16xi32>
      %add3A_651 = arith.addi %add3A_650, %min3A_643 : vector<16xi32>
      tpu.vector_store_idx %arg10[%add3A_646], %add3A_651 : memref<784xi32, #tpu.memory_space<vmem>>[vector<16xi32>], vector<16xi32>,
      %add3A_652 = arith.constant 0 : i32
      %add3A_653 = vector.broadcast %add3A_652 : i32 to vector<16xi32>
      %add3A_654 = arith.addi %get3A_21, %add3A_653 : vector<16xi32>
      %max3A_655 = arith.constant 0 : i32
      %max3A_656 = vector.broadcast %max3A_655 : i32 to vector<16xi32>
      %max3A_657 = arith.maxsi %add3A_654, %max3A_656 : vector<16xi32>
      %min3A_658 = arith.constant 511 : i32
      %min3A_659 = vector.broadcast %min3A_658 : i32 to vector<16xi32>
      %min3A_660 = arith.minsi %max3A_657, %min3A_659 : vector<16xi32>
      %add3A_661 = arith.constant 0 : i32
      %add3A_662 = vector.broadcast %add3A_661 : i32 to vector<16xi32>
      %add3A_663 = arith.addi %get3A_23, %add3A_662 : vector<16xi32>
      %max3A_664 = arith.constant 0 : i32
      %max3A_665 = vector.broadcast %max3A_664 : i32 to vector<16xi32>
      %max3A_666 = arith.maxsi %add3A_663, %max3A_665 : vector<16xi32>
      %min3A_667 = arith.constant 511 : i32
      %min3A_668 = vector.broadcast %min3A_667 : i32 to vector<16xi32>
      %min3A_669 = arith.minsi %max3A_666, %min3A_668 : vector<16xi32>
      %add3A_670 = arith.constant 24 : i32
      %add3A_671 = vector.broadcast %add3A_670 : i32 to vector<16xi32>
      %add3A_672 = arith.addi %mul3A_29, %add3A_671 : vector<16xi32>
      %mul3A_673 = arith.constant 512 : i32
      %mul3A_674 = vector.broadcast %mul3A_673 : i32 to vector<16xi32>
      %mul3A_675 = arith.muli %min3A_660, %mul3A_674 : vector<16xi32>
      %add3A_676 = arith.addi %mul3A_26, %mul3A_675 : vector<16xi32>
      %add3A_677 = arith.addi %add3A_676, %min3A_669 : vector<16xi32>
      tpu.vector_store_idx %arg10[%add3A_672], %add3A_677 : memref<784xi32, #tpu.memory_space<vmem>>[vector<16xi32>], vector<16xi32>,
      %add3A_678 = arith.constant 0 : i32
      %add3A_679 = vector.broadcast %add3A_678 : i32 to vector<16xi32>
      %add3A_680 = arith.addi %get3A_21, %add3A_679 : vector<16xi32>
      %max3A_681 = arith.constant 0 : i32
      %max3A_682 = vector.broadcast %max3A_681 : i32 to vector<16xi32>
      %max3A_683 = arith.maxsi %add3A_680, %max3A_682 : vector<16xi32>
      %min3A_684 = arith.constant 511 : i32
      %min3A_685 = vector.broadcast %min3A_684 : i32 to vector<16xi32>
      %min3A_686 = arith.minsi %max3A_683, %min3A_685 : vector<16xi32>
      %add3A_687 = arith.constant 1 : i32
      %add3A_688 = vector.broadcast %add3A_687 : i32 to vector<16xi32>
      %add3A_689 = arith.addi %get3A_23, %add3A_688 : vector<16xi32>
      %max3A_690 = arith.constant 0 : i32
      %max3A_691 = vector.broadcast %max3A_690 : i32 to vector<16xi32>
      %max3A_692 = arith.maxsi %add3A_689, %max3A_691 : vector<16xi32>
      %min3A_693 = arith.constant 511 : i32
      %min3A_694 = vector.broadcast %min3A_693 : i32 to vector<16xi32>
      %min3A_695 = arith.minsi %max3A_692, %min3A_694 : vector<16xi32>
      %add3A_696 = arith.constant 25 : i32
      %add3A_697 = vector.broadcast %add3A_696 : i32 to vector<16xi32>
      %add3A_698 = arith.addi %mul3A_29, %add3A_697 : vector<16xi32>
      %mul3A_699 = arith.constant 512 : i32
      %mul3A_700 = vector.broadcast %mul3A_699 : i32 to vector<16xi32>
      %mul3A_701 = arith.muli %min3A_686, %mul3A_700 : vector<16xi32>
      %add3A_702 = arith.addi %mul3A_26, %mul3A_701 : vector<16xi32>
      %add3A_703 = arith.addi %add3A_702, %min3A_695 : vector<16xi32>
      tpu.vector_store_idx %arg10[%add3A_698], %add3A_703 : memref<784xi32, #tpu.memory_space<vmem>>[vector<16xi32>], vector<16xi32>,
      %add3A_704 = arith.constant 0 : i32
      %add3A_705 = vector.broadcast %add3A_704 : i32 to vector<16xi32>
      %add3A_706 = arith.addi %get3A_21, %add3A_705 : vector<16xi32>
      %max3A_707 = arith.constant 0 : i32
      %max3A_708 = vector.broadcast %max3A_707 : i32 to vector<16xi32>
      %max3A_709 = arith.maxsi %add3A_706, %max3A_708 : vector<16xi32>
      %min3A_710 = arith.constant 511 : i32
      %min3A_711 = vector.broadcast %min3A_710 : i32 to vector<16xi32>
      %min3A_712 = arith.minsi %max3A_709, %min3A_711 : vector<16xi32>
      %add3A_713 = arith.constant 2 : i32
      %add3A_714 = vector.broadcast %add3A_713 : i32 to vector<16xi32>
      %add3A_715 = arith.addi %get3A_23, %add3A_714 : vector<16xi32>
      %max3A_716 = arith.constant 0 : i32
      %max3A_717 = vector.broadcast %max3A_716 : i32 to vector<16xi32>
      %max3A_718 = arith.maxsi %add3A_715, %max3A_717 : vector<16xi32>
      %min3A_719 = arith.constant 511 : i32
      %min3A_720 = vector.broadcast %min3A_719 : i32 to vector<16xi32>
      %min3A_721 = arith.minsi %max3A_718, %min3A_720 : vector<16xi32>
      %add3A_722 = arith.constant 26 : i32
      %add3A_723 = vector.broadcast %add3A_722 : i32 to vector<16xi32>
      %add3A_724 = arith.addi %mul3A_29, %add3A_723 : vector<16xi32>
      %mul3A_725 = arith.constant 512 : i32
      %mul3A_726 = vector.broadcast %mul3A_725 : i32 to vector<16xi32>
      %mul3A_727 = arith.muli %min3A_712, %mul3A_726 : vector<16xi32>
      %add3A_728 = arith.addi %mul3A_26, %mul3A_727 : vector<16xi32>
      %add3A_729 = arith.addi %add3A_728, %min3A_721 : vector<16xi32>
      tpu.vector_store_idx %arg10[%add3A_724], %add3A_729 : memref<784xi32, #tpu.memory_space<vmem>>[vector<16xi32>], vector<16xi32>,
      %add3A_730 = arith.constant 0 : i32
      %add3A_731 = vector.broadcast %add3A_730 : i32 to vector<16xi32>
      %add3A_732 = arith.addi %get3A_21, %add3A_731 : vector<16xi32>
      %max3A_733 = arith.constant 0 : i32
      %max3A_734 = vector.broadcast %max3A_733 : i32 to vector<16xi32>
      %max3A_735 = arith.maxsi %add3A_732, %max3A_734 : vector<16xi32>
      %min3A_736 = arith.constant 511 : i32
      %min3A_737 = vector.broadcast %min3A_736 : i32 to vector<16xi32>
      %min3A_738 = arith.minsi %max3A_735, %min3A_737 : vector<16xi32>
      %add3A_739 = arith.constant 3 : i32
      %add3A_740 = vector.broadcast %add3A_739 : i32 to vector<16xi32>
      %add3A_741 = arith.addi %get3A_23, %add3A_740 : vector<16xi32>
      %max3A_742 = arith.constant 0 : i32
      %max3A_743 = vector.broadcast %max3A_742 : i32 to vector<16xi32>
      %max3A_744 = arith.maxsi %add3A_741, %max3A_743 : vector<16xi32>
      %min3A_745 = arith.constant 511 : i32
      %min3A_746 = vector.broadcast %min3A_745 : i32 to vector<16xi32>
      %min3A_747 = arith.minsi %max3A_744, %min3A_746 : vector<16xi32>
      %add3A_748 = arith.constant 27 : i32
      %add3A_749 = vector.broadcast %add3A_748 : i32 to vector<16xi32>
      %add3A_750 = arith.addi %mul3A_29, %add3A_749 : vector<16xi32>
      %mul3A_751 = arith.constant 512 : i32
      %mul3A_752 = vector.broadcast %mul3A_751 : i32 to vector<16xi32>
      %mul3A_753 = arith.muli %min3A_738, %mul3A_752 : vector<16xi32>
      %add3A_754 = arith.addi %mul3A_26, %mul3A_753 : vector<16xi32>
      %add3A_755 = arith.addi %add3A_754, %min3A_747 : vector<16xi32>
      tpu.vector_store_idx %arg10[%add3A_750], %add3A_755 : memref<784xi32, #tpu.memory_space<vmem>>[vector<16xi32>], vector<16xi32>,
      %add3A_756 = arith.constant 1 : i32
      %add3A_757 = vector.broadcast %add3A_756 : i32 to vector<16xi32>
      %add3A_758 = arith.addi %get3A_21, %add3A_757 : vector<16xi32>
      %max3A_759 = arith.constant 0 : i32
      %max3A_760 = vector.broadcast %max3A_759 : i32 to vector<16xi32>
      %max3A_761 = arith.maxsi %add3A_758, %max3A_760 : vector<16xi32>
      %min3A_762 = arith.constant 511 : i32
      %min3A_763 = vector.broadcast %min3A_762 : i32 to vector<16xi32>
      %min3A_764 = arith.minsi %max3A_761, %min3A_763 : vector<16xi32>
      %add3A_765 = arith.constant -3 : i32
      %add3A_766 = vector.broadcast %add3A_765 : i32 to vector<16xi32>
      %add3A_767 = arith.addi %get3A_23, %add3A_766 : vector<16xi32>
      %max3A_768 = arith.constant 0 : i32
      %max3A_769 = vector.broadcast %max3A_768 : i32 to vector<16xi32>
      %max3A_770 = arith.maxsi %add3A_767, %max3A_769 : vector<16xi32>
      %min3A_771 = arith.constant 511 : i32
      %min3A_772 = vector.broadcast %min3A_771 : i32 to vector<16xi32>
      %min3A_773 = arith.minsi %max3A_770, %min3A_772 : vector<16xi32>
      %add3A_774 = arith.constant 28 : i32
      %add3A_775 = vector.broadcast %add3A_774 : i32 to vector<16xi32>
      %add3A_776 = arith.addi %mul3A_29, %add3A_775 : vector<16xi32>
      %mul3A_777 = arith.constant 512 : i32
      %mul3A_778 = vector.broadcast %mul3A_777 : i32 to vector<16xi32>
      %mul3A_779 = arith.muli %min3A_764, %mul3A_778 : vector<16xi32>
      %add3A_780 = arith.addi %mul3A_26, %mul3A_779 : vector<16xi32>
      %add3A_781 = arith.addi %add3A_780, %min3A_773 : vector<16xi32>
      tpu.vector_store_idx %arg10[%add3A_776], %add3A_781 : memref<784xi32, #tpu.memory_space<vmem>>[vector<16xi32>], vector<16xi32>,
      %add3A_782 = arith.constant 1 : i32
      %add3A_783 = vector.broadcast %add3A_782 : i32 to vector<16xi32>
      %add3A_784 = arith.addi %get3A_21, %add3A_783 : vector<16xi32>
      %max3A_785 = arith.constant 0 : i32
      %max3A_786 = vector.broadcast %max3A_785 : i32 to vector<16xi32>
      %max3A_787 = arith.maxsi %add3A_784, %max3A_786 : vector<16xi32>
      %min3A_788 = arith.constant 511 : i32
      %min3A_789 = vector.broadcast %min3A_788 : i32 to vector<16xi32>
      %min3A_790 = arith.minsi %max3A_787, %min3A_789 : vector<16xi32>
      %add3A_791 = arith.constant -2 : i32
      %add3A_792 = vector.broadcast %add3A_791 : i32 to vector<16xi32>
      %add3A_793 = arith.addi %get3A_23, %add3A_792 : vector<16xi32>
      %max3A_794 = arith.constant 0 : i32
      %max3A_795 = vector.broadcast %max3A_794 : i32 to vector<16xi32>
      %max3A_796 = arith.maxsi %add3A_793, %max3A_795 : vector<16xi32>
      %min3A_797 = arith.constant 511 : i32
      %min3A_798 = vector.broadcast %min3A_797 : i32 to vector<16xi32>
      %min3A_799 = arith.minsi %max3A_796, %min3A_798 : vector<16xi32>
      %add3A_800 = arith.constant 29 : i32
      %add3A_801 = vector.broadcast %add3A_800 : i32 to vector<16xi32>
      %add3A_802 = arith.addi %mul3A_29, %add3A_801 : vector<16xi32>
      %mul3A_803 = arith.constant 512 : i32
      %mul3A_804 = vector.broadcast %mul3A_803 : i32 to vector<16xi32>
      %mul3A_805 = arith.muli %min3A_790, %mul3A_804 : vector<16xi32>
      %add3A_806 = arith.addi %mul3A_26, %mul3A_805 : vector<16xi32>
      %add3A_807 = arith.addi %add3A_806, %min3A_799 : vector<16xi32>
      tpu.vector_store_idx %arg10[%add3A_802], %add3A_807 : memref<784xi32, #tpu.memory_space<vmem>>[vector<16xi32>], vector<16xi32>,
      %add3A_808 = arith.constant 1 : i32
      %add3A_809 = vector.broadcast %add3A_808 : i32 to vector<16xi32>
      %add3A_810 = arith.addi %get3A_21, %add3A_809 : vector<16xi32>
      %max3A_811 = arith.constant 0 : i32
      %max3A_812 = vector.broadcast %max3A_811 : i32 to vector<16xi32>
      %max3A_813 = arith.maxsi %add3A_810, %max3A_812 : vector<16xi32>
      %min3A_814 = arith.constant 511 : i32
      %min3A_815 = vector.broadcast %min3A_814 : i32 to vector<16xi32>
      %min3A_816 = arith.minsi %max3A_813, %min3A_815 : vector<16xi32>
      %add3A_817 = arith.constant -1 : i32
      %add3A_818 = vector.broadcast %add3A_817 : i32 to vector<16xi32>
      %add3A_819 = arith.addi %get3A_23, %add3A_818 : vector<16xi32>
      %max3A_820 = arith.constant 0 : i32
      %max3A_821 = vector.broadcast %max3A_820 : i32 to vector<16xi32>
      %max3A_822 = arith.maxsi %add3A_819, %max3A_821 : vector<16xi32>
      %min3A_823 = arith.constant 511 : i32
      %min3A_824 = vector.broadcast %min3A_823 : i32 to vector<16xi32>
      %min3A_825 = arith.minsi %max3A_822, %min3A_824 : vector<16xi32>
      %add3A_826 = arith.constant 30 : i32
      %add3A_827 = vector.broadcast %add3A_826 : i32 to vector<16xi32>
      %add3A_828 = arith.addi %mul3A_29, %add3A_827 : vector<16xi32>
      %mul3A_829 = arith.constant 512 : i32
      %mul3A_830 = vector.broadcast %mul3A_829 : i32 to vector<16xi32>
      %mul3A_831 = arith.muli %min3A_816, %mul3A_830 : vector<16xi32>
      %add3A_832 = arith.addi %mul3A_26, %mul3A_831 : vector<16xi32>
      %add3A_833 = arith.addi %add3A_832, %min3A_825 : vector<16xi32>
      tpu.vector_store_idx %arg10[%add3A_828], %add3A_833 : memref<784xi32, #tpu.memory_space<vmem>>[vector<16xi32>], vector<16xi32>,
      %add3A_834 = arith.constant 1 : i32
      %add3A_835 = vector.broadcast %add3A_834 : i32 to vector<16xi32>
      %add3A_836 = arith.addi %get3A_21, %add3A_835 : vector<16xi32>
      %max3A_837 = arith.constant 0 : i32
      %max3A_838 = vector.broadcast %max3A_837 : i32 to vector<16xi32>
      %max3A_839 = arith.maxsi %add3A_836, %max3A_838 : vector<16xi32>
      %min3A_840 = arith.constant 511 : i32
      %min3A_841 = vector.broadcast %min3A_840 : i32 to vector<16xi32>
      %min3A_842 = arith.minsi %max3A_839, %min3A_841 : vector<16xi32>
      %add3A_843 = arith.constant 0 : i32
      %add3A_844 = vector.broadcast %add3A_843 : i32 to vector<16xi32>
      %add3A_845 = arith.addi %get3A_23, %add3A_844 : vector<16xi32>
      %max3A_846 = arith.constant 0 : i32
      %max3A_847 = vector.broadcast %max3A_846 : i32 to vector<16xi32>
      %max3A_848 = arith.maxsi %add3A_845, %max3A_847 : vector<16xi32>
      %min3A_849 = arith.constant 511 : i32
      %min3A_850 = vector.broadcast %min3A_849 : i32 to vector<16xi32>
      %min3A_851 = arith.minsi %max3A_848, %min3A_850 : vector<16xi32>
      %add3A_852 = arith.constant 31 : i32
      %add3A_853 = vector.broadcast %add3A_852 : i32 to vector<16xi32>
      %add3A_854 = arith.addi %mul3A_29, %add3A_853 : vector<16xi32>
      %mul3A_855 = arith.constant 512 : i32
      %mul3A_856 = vector.broadcast %mul3A_855 : i32 to vector<16xi32>
      %mul3A_857 = arith.muli %min3A_842, %mul3A_856 : vector<16xi32>
      %add3A_858 = arith.addi %mul3A_26, %mul3A_857 : vector<16xi32>
      %add3A_859 = arith.addi %add3A_858, %min3A_851 : vector<16xi32>
      tpu.vector_store_idx %arg10[%add3A_854], %add3A_859 : memref<784xi32, #tpu.memory_space<vmem>>[vector<16xi32>], vector<16xi32>,
      %add3A_860 = arith.constant 1 : i32
      %add3A_861 = vector.broadcast %add3A_860 : i32 to vector<16xi32>
      %add3A_862 = arith.addi %get3A_21, %add3A_861 : vector<16xi32>
      %max3A_863 = arith.constant 0 : i32
      %max3A_864 = vector.broadcast %max3A_863 : i32 to vector<16xi32>
      %max3A_865 = arith.maxsi %add3A_862, %max3A_864 : vector<16xi32>
      %min3A_866 = arith.constant 511 : i32
      %min3A_867 = vector.broadcast %min3A_866 : i32 to vector<16xi32>
      %min3A_868 = arith.minsi %max3A_865, %min3A_867 : vector<16xi32>
      %add3A_869 = arith.constant 1 : i32
      %add3A_870 = vector.broadcast %add3A_869 : i32 to vector<16xi32>
      %add3A_871 = arith.addi %get3A_23, %add3A_870 : vector<16xi32>
      %max3A_872 = arith.constant 0 : i32
      %max3A_873 = vector.broadcast %max3A_872 : i32 to vector<16xi32>
      %max3A_874 = arith.maxsi %add3A_871, %max3A_873 : vector<16xi32>
      %min3A_875 = arith.constant 511 : i32
      %min3A_876 = vector.broadcast %min3A_875 : i32 to vector<16xi32>
      %min3A_877 = arith.minsi %max3A_874, %min3A_876 : vector<16xi32>
      %add3A_878 = arith.constant 32 : i32
      %add3A_879 = vector.broadcast %add3A_878 : i32 to vector<16xi32>
      %add3A_880 = arith.addi %mul3A_29, %add3A_879 : vector<16xi32>
      %mul3A_881 = arith.constant 512 : i32
      %mul3A_882 = vector.broadcast %mul3A_881 : i32 to vector<16xi32>
      %mul3A_883 = arith.muli %min3A_868, %mul3A_882 : vector<16xi32>
      %add3A_884 = arith.addi %mul3A_26, %mul3A_883 : vector<16xi32>
      %add3A_885 = arith.addi %add3A_884, %min3A_877 : vector<16xi32>
      tpu.vector_store_idx %arg10[%add3A_880], %add3A_885 : memref<784xi32, #tpu.memory_space<vmem>>[vector<16xi32>], vector<16xi32>,
      %add3A_886 = arith.constant 1 : i32
      %add3A_887 = vector.broadcast %add3A_886 : i32 to vector<16xi32>
      %add3A_888 = arith.addi %get3A_21, %add3A_887 : vector<16xi32>
      %max3A_889 = arith.constant 0 : i32
      %max3A_890 = vector.broadcast %max3A_889 : i32 to vector<16xi32>
      %max3A_891 = arith.maxsi %add3A_888, %max3A_890 : vector<16xi32>
      %min3A_892 = arith.constant 511 : i32
      %min3A_893 = vector.broadcast %min3A_892 : i32 to vector<16xi32>
      %min3A_894 = arith.minsi %max3A_891, %min3A_893 : vector<16xi32>
      %add3A_895 = arith.constant 2 : i32
      %add3A_896 = vector.broadcast %add3A_895 : i32 to vector<16xi32>
      %add3A_897 = arith.addi %get3A_23, %add3A_896 : vector<16xi32>
      %max3A_898 = arith.constant 0 : i32
      %max3A_899 = vector.broadcast %max3A_898 : i32 to vector<16xi32>
      %max3A_900 = arith.maxsi %add3A_897, %max3A_899 : vector<16xi32>
      %min3A_901 = arith.constant 511 : i32
      %min3A_902 = vector.broadcast %min3A_901 : i32 to vector<16xi32>
      %min3A_903 = arith.minsi %max3A_900, %min3A_902 : vector<16xi32>
      %add3A_904 = arith.constant 33 : i32
      %add3A_905 = vector.broadcast %add3A_904 : i32 to vector<16xi32>
      %add3A_906 = arith.addi %mul3A_29, %add3A_905 : vector<16xi32>
      %mul3A_907 = arith.constant 512 : i32
      %mul3A_908 = vector.broadcast %mul3A_907 : i32 to vector<16xi32>
      %mul3A_909 = arith.muli %min3A_894, %mul3A_908 : vector<16xi32>
      %add3A_910 = arith.addi %mul3A_26, %mul3A_909 : vector<16xi32>
      %add3A_911 = arith.addi %add3A_910, %min3A_903 : vector<16xi32>
      tpu.vector_store_idx %arg10[%add3A_906], %add3A_911 : memref<784xi32, #tpu.memory_space<vmem>>[vector<16xi32>], vector<16xi32>,
      %add3A_912 = arith.constant 1 : i32
      %add3A_913 = vector.broadcast %add3A_912 : i32 to vector<16xi32>
      %add3A_914 = arith.addi %get3A_21, %add3A_913 : vector<16xi32>
      %max3A_915 = arith.constant 0 : i32
      %max3A_916 = vector.broadcast %max3A_915 : i32 to vector<16xi32>
      %max3A_917 = arith.maxsi %add3A_914, %max3A_916 : vector<16xi32>
      %min3A_918 = arith.constant 511 : i32
      %min3A_919 = vector.broadcast %min3A_918 : i32 to vector<16xi32>
      %min3A_920 = arith.minsi %max3A_917, %min3A_919 : vector<16xi32>
      %add3A_921 = arith.constant 3 : i32
      %add3A_922 = vector.broadcast %add3A_921 : i32 to vector<16xi32>
      %add3A_923 = arith.addi %get3A_23, %add3A_922 : vector<16xi32>
      %max3A_924 = arith.constant 0 : i32
      %max3A_925 = vector.broadcast %max3A_924 : i32 to vector<16xi32>
      %max3A_926 = arith.maxsi %add3A_923, %max3A_925 : vector<16xi32>
      %min3A_927 = arith.constant 511 : i32
      %min3A_928 = vector.broadcast %min3A_927 : i32 to vector<16xi32>
      %min3A_929 = arith.minsi %max3A_926, %min3A_928 : vector<16xi32>
      %add3A_930 = arith.constant 34 : i32
      %add3A_931 = vector.broadcast %add3A_930 : i32 to vector<16xi32>
      %add3A_932 = arith.addi %mul3A_29, %add3A_931 : vector<16xi32>
      %mul3A_933 = arith.constant 512 : i32
      %mul3A_934 = vector.broadcast %mul3A_933 : i32 to vector<16xi32>
      %mul3A_935 = arith.muli %min3A_920, %mul3A_934 : vector<16xi32>
      %add3A_936 = arith.addi %mul3A_26, %mul3A_935 : vector<16xi32>
      %add3A_937 = arith.addi %add3A_936, %min3A_929 : vector<16xi32>
      tpu.vector_store_idx %arg10[%add3A_932], %add3A_937 : memref<784xi32, #tpu.memory_space<vmem>>[vector<16xi32>], vector<16xi32>,
      %add3A_938 = arith.constant 2 : i32
      %add3A_939 = vector.broadcast %add3A_938 : i32 to vector<16xi32>
      %add3A_940 = arith.addi %get3A_21, %add3A_939 : vector<16xi32>
      %max3A_941 = arith.constant 0 : i32
      %max3A_942 = vector.broadcast %max3A_941 : i32 to vector<16xi32>
      %max3A_943 = arith.maxsi %add3A_940, %max3A_942 : vector<16xi32>
      %min3A_944 = arith.constant 511 : i32
      %min3A_945 = vector.broadcast %min3A_944 : i32 to vector<16xi32>
      %min3A_946 = arith.minsi %max3A_943, %min3A_945 : vector<16xi32>
      %add3A_947 = arith.constant -3 : i32
      %add3A_948 = vector.broadcast %add3A_947 : i32 to vector<16xi32>
      %add3A_949 = arith.addi %get3A_23, %add3A_948 : vector<16xi32>
      %max3A_950 = arith.constant 0 : i32
      %max3A_951 = vector.broadcast %max3A_950 : i32 to vector<16xi32>
      %max3A_952 = arith.maxsi %add3A_949, %max3A_951 : vector<16xi32>
      %min3A_953 = arith.constant 511 : i32
      %min3A_954 = vector.broadcast %min3A_953 : i32 to vector<16xi32>
      %min3A_955 = arith.minsi %max3A_952, %min3A_954 : vector<16xi32>
      %add3A_956 = arith.constant 35 : i32
      %add3A_957 = vector.broadcast %add3A_956 : i32 to vector<16xi32>
      %add3A_958 = arith.addi %mul3A_29, %add3A_957 : vector<16xi32>
      %mul3A_959 = arith.constant 512 : i32
      %mul3A_960 = vector.broadcast %mul3A_959 : i32 to vector<16xi32>
      %mul3A_961 = arith.muli %min3A_946, %mul3A_960 : vector<16xi32>
      %add3A_962 = arith.addi %mul3A_26, %mul3A_961 : vector<16xi32>
      %add3A_963 = arith.addi %add3A_962, %min3A_955 : vector<16xi32>
      tpu.vector_store_idx %arg10[%add3A_958], %add3A_963 : memref<784xi32, #tpu.memory_space<vmem>>[vector<16xi32>], vector<16xi32>,
      %add3A_964 = arith.constant 2 : i32
      %add3A_965 = vector.broadcast %add3A_964 : i32 to vector<16xi32>
      %add3A_966 = arith.addi %get3A_21, %add3A_965 : vector<16xi32>
      %max3A_967 = arith.constant 0 : i32
      %max3A_968 = vector.broadcast %max3A_967 : i32 to vector<16xi32>
      %max3A_969 = arith.maxsi %add3A_966, %max3A_968 : vector<16xi32>
      %min3A_970 = arith.constant 511 : i32
      %min3A_971 = vector.broadcast %min3A_970 : i32 to vector<16xi32>
      %min3A_972 = arith.minsi %max3A_969, %min3A_971 : vector<16xi32>
      %add3A_973 = arith.constant -2 : i32
      %add3A_974 = vector.broadcast %add3A_973 : i32 to vector<16xi32>
      %add3A_975 = arith.addi %get3A_23, %add3A_974 : vector<16xi32>
      %max3A_976 = arith.constant 0 : i32
      %max3A_977 = vector.broadcast %max3A_976 : i32 to vector<16xi32>
      %max3A_978 = arith.maxsi %add3A_975, %max3A_977 : vector<16xi32>
      %min3A_979 = arith.constant 511 : i32
      %min3A_980 = vector.broadcast %min3A_979 : i32 to vector<16xi32>
      %min3A_981 = arith.minsi %max3A_978, %min3A_980 : vector<16xi32>
      %add3A_982 = arith.constant 36 : i32
      %add3A_983 = vector.broadcast %add3A_982 : i32 to vector<16xi32>
      %add3A_984 = arith.addi %mul3A_29, %add3A_983 : vector<16xi32>
      %mul3A_985 = arith.constant 512 : i32
      %mul3A_986 = vector.broadcast %mul3A_985 : i32 to vector<16xi32>
      %mul3A_987 = arith.muli %min3A_972, %mul3A_986 : vector<16xi32>
      %add3A_988 = arith.addi %mul3A_26, %mul3A_987 : vector<16xi32>
      %add3A_989 = arith.addi %add3A_988, %min3A_981 : vector<16xi32>
      tpu.vector_store_idx %arg10[%add3A_984], %add3A_989 : memref<784xi32, #tpu.memory_space<vmem>>[vector<16xi32>], vector<16xi32>,
      %add3A_990 = arith.constant 2 : i32
      %add3A_991 = vector.broadcast %add3A_990 : i32 to vector<16xi32>
      %add3A_992 = arith.addi %get3A_21, %add3A_991 : vector<16xi32>
      %max3A_993 = arith.constant 0 : i32
      %max3A_994 = vector.broadcast %max3A_993 : i32 to vector<16xi32>
      %max3A_995 = arith.maxsi %add3A_992, %max3A_994 : vector<16xi32>
      %min3A_996 = arith.constant 511 : i32
      %min3A_997 = vector.broadcast %min3A_996 : i32 to vector<16xi32>
      %min3A_998 = arith.minsi %max3A_995, %min3A_997 : vector<16xi32>
      %add3A_999 = arith.constant -1 : i32
      %add3A_1000 = vector.broadcast %add3A_999 : i32 to vector<16xi32>
      %add3A_1001 = arith.addi %get3A_23, %add3A_1000 : vector<16xi32>
      %max3A_1002 = arith.constant 0 : i32
      %max3A_1003 = vector.broadcast %max3A_1002 : i32 to vector<16xi32>
      %max3A_1004 = arith.maxsi %add3A_1001, %max3A_1003 : vector<16xi32>
      %min3A_1005 = arith.constant 511 : i32
      %min3A_1006 = vector.broadcast %min3A_1005 : i32 to vector<16xi32>
      %min3A_1007 = arith.minsi %max3A_1004, %min3A_1006 : vector<16xi32>
      %add3A_1008 = arith.constant 37 : i32
      %add3A_1009 = vector.broadcast %add3A_1008 : i32 to vector<16xi32>
      %add3A_1010 = arith.addi %mul3A_29, %add3A_1009 : vector<16xi32>
      %mul3A_1011 = arith.constant 512 : i32
      %mul3A_1012 = vector.broadcast %mul3A_1011 : i32 to vector<16xi32>
      %mul3A_1013 = arith.muli %min3A_998, %mul3A_1012 : vector<16xi32>
      %add3A_1014 = arith.addi %mul3A_26, %mul3A_1013 : vector<16xi32>
      %add3A_1015 = arith.addi %add3A_1014, %min3A_1007 : vector<16xi32>
      tpu.vector_store_idx %arg10[%add3A_1010], %add3A_1015 : memref<784xi32, #tpu.memory_space<vmem>>[vector<16xi32>], vector<16xi32>,
      %add3A_1016 = arith.constant 2 : i32
      %add3A_1017 = vector.broadcast %add3A_1016 : i32 to vector<16xi32>
      %add3A_1018 = arith.addi %get3A_21, %add3A_1017 : vector<16xi32>
      %max3A_1019 = arith.constant 0 : i32
      %max3A_1020 = vector.broadcast %max3A_1019 : i32 to vector<16xi32>
      %max3A_1021 = arith.maxsi %add3A_1018, %max3A_1020 : vector<16xi32>
      %min3A_1022 = arith.constant 511 : i32
      %min3A_1023 = vector.broadcast %min3A_1022 : i32 to vector<16xi32>
      %min3A_1024 = arith.minsi %max3A_1021, %min3A_1023 : vector<16xi32>
      %add3A_1025 = arith.constant 0 : i32
      %add3A_1026 = vector.broadcast %add3A_1025 : i32 to vector<16xi32>
      %add3A_1027 = arith.addi %get3A_23, %add3A_1026 : vector<16xi32>
      %max3A_1028 = arith.constant 0 : i32
      %max3A_1029 = vector.broadcast %max3A_1028 : i32 to vector<16xi32>
      %max3A_1030 = arith.maxsi %add3A_1027, %max3A_1029 : vector<16xi32>
      %min3A_1031 = arith.constant 511 : i32
      %min3A_1032 = vector.broadcast %min3A_1031 : i32 to vector<16xi32>
      %min3A_1033 = arith.minsi %max3A_1030, %min3A_1032 : vector<16xi32>
      %add3A_1034 = arith.constant 38 : i32
      %add3A_1035 = vector.broadcast %add3A_1034 : i32 to vector<16xi32>
      %add3A_1036 = arith.addi %mul3A_29, %add3A_1035 : vector<16xi32>
      %mul3A_1037 = arith.constant 512 : i32
      %mul3A_1038 = vector.broadcast %mul3A_1037 : i32 to vector<16xi32>
      %mul3A_1039 = arith.muli %min3A_1024, %mul3A_1038 : vector<16xi32>
      %add3A_1040 = arith.addi %mul3A_26, %mul3A_1039 : vector<16xi32>
      %add3A_1041 = arith.addi %add3A_1040, %min3A_1033 : vector<16xi32>
      tpu.vector_store_idx %arg10[%add3A_1036], %add3A_1041 : memref<784xi32, #tpu.memory_space<vmem>>[vector<16xi32>], vector<16xi32>,
      %add3A_1042 = arith.constant 2 : i32
      %add3A_1043 = vector.broadcast %add3A_1042 : i32 to vector<16xi32>
      %add3A_1044 = arith.addi %get3A_21, %add3A_1043 : vector<16xi32>
      %max3A_1045 = arith.constant 0 : i32
      %max3A_1046 = vector.broadcast %max3A_1045 : i32 to vector<16xi32>
      %max3A_1047 = arith.maxsi %add3A_1044, %max3A_1046 : vector<16xi32>
      %min3A_1048 = arith.constant 511 : i32
      %min3A_1049 = vector.broadcast %min3A_1048 : i32 to vector<16xi32>
      %min3A_1050 = arith.minsi %max3A_1047, %min3A_1049 : vector<16xi32>
      %add3A_1051 = arith.constant 1 : i32
      %add3A_1052 = vector.broadcast %add3A_1051 : i32 to vector<16xi32>
      %add3A_1053 = arith.addi %get3A_23, %add3A_1052 : vector<16xi32>
      %max3A_1054 = arith.constant 0 : i32
      %max3A_1055 = vector.broadcast %max3A_1054 : i32 to vector<16xi32>
      %max3A_1056 = arith.maxsi %add3A_1053, %max3A_1055 : vector<16xi32>
      %min3A_1057 = arith.constant 511 : i32
      %min3A_1058 = vector.broadcast %min3A_1057 : i32 to vector<16xi32>
      %min3A_1059 = arith.minsi %max3A_1056, %min3A_1058 : vector<16xi32>
      %add3A_1060 = arith.constant 39 : i32
      %add3A_1061 = vector.broadcast %add3A_1060 : i32 to vector<16xi32>
      %add3A_1062 = arith.addi %mul3A_29, %add3A_1061 : vector<16xi32>
      %mul3A_1063 = arith.constant 512 : i32
      %mul3A_1064 = vector.broadcast %mul3A_1063 : i32 to vector<16xi32>
      %mul3A_1065 = arith.muli %min3A_1050, %mul3A_1064 : vector<16xi32>
      %add3A_1066 = arith.addi %mul3A_26, %mul3A_1065 : vector<16xi32>
      %add3A_1067 = arith.addi %add3A_1066, %min3A_1059 : vector<16xi32>
      tpu.vector_store_idx %arg10[%add3A_1062], %add3A_1067 : memref<784xi32, #tpu.memory_space<vmem>>[vector<16xi32>], vector<16xi32>,
      %add3A_1068 = arith.constant 2 : i32
      %add3A_1069 = vector.broadcast %add3A_1068 : i32 to vector<16xi32>
      %add3A_1070 = arith.addi %get3A_21, %add3A_1069 : vector<16xi32>
      %max3A_1071 = arith.constant 0 : i32
      %max3A_1072 = vector.broadcast %max3A_1071 : i32 to vector<16xi32>
      %max3A_1073 = arith.maxsi %add3A_1070, %max3A_1072 : vector<16xi32>
      %min3A_1074 = arith.constant 511 : i32
      %min3A_1075 = vector.broadcast %min3A_1074 : i32 to vector<16xi32>
      %min3A_1076 = arith.minsi %max3A_1073, %min3A_1075 : vector<16xi32>
      %add3A_1077 = arith.constant 2 : i32
      %add3A_1078 = vector.broadcast %add3A_1077 : i32 to vector<16xi32>
      %add3A_1079 = arith.addi %get3A_23, %add3A_1078 : vector<16xi32>
      %max3A_1080 = arith.constant 0 : i32
      %max3A_1081 = vector.broadcast %max3A_1080 : i32 to vector<16xi32>
      %max3A_1082 = arith.maxsi %add3A_1079, %max3A_1081 : vector<16xi32>
      %min3A_1083 = arith.constant 511 : i32
      %min3A_1084 = vector.broadcast %min3A_1083 : i32 to vector<16xi32>
      %min3A_1085 = arith.minsi %max3A_1082, %min3A_1084 : vector<16xi32>
      %add3A_1086 = arith.constant 40 : i32
      %add3A_1087 = vector.broadcast %add3A_1086 : i32 to vector<16xi32>
      %add3A_1088 = arith.addi %mul3A_29, %add3A_1087 : vector<16xi32>
      %mul3A_1089 = arith.constant 512 : i32
      %mul3A_1090 = vector.broadcast %mul3A_1089 : i32 to vector<16xi32>
      %mul3A_1091 = arith.muli %min3A_1076, %mul3A_1090 : vector<16xi32>
      %add3A_1092 = arith.addi %mul3A_26, %mul3A_1091 : vector<16xi32>
      %add3A_1093 = arith.addi %add3A_1092, %min3A_1085 : vector<16xi32>
      tpu.vector_store_idx %arg10[%add3A_1088], %add3A_1093 : memref<784xi32, #tpu.memory_space<vmem>>[vector<16xi32>], vector<16xi32>,
      %add3A_1094 = arith.constant 2 : i32
      %add3A_1095 = vector.broadcast %add3A_1094 : i32 to vector<16xi32>
      %add3A_1096 = arith.addi %get3A_21, %add3A_1095 : vector<16xi32>
      %max3A_1097 = arith.constant 0 : i32
      %max3A_1098 = vector.broadcast %max3A_1097 : i32 to vector<16xi32>
      %max3A_1099 = arith.maxsi %add3A_1096, %max3A_1098 : vector<16xi32>
      %min3A_1100 = arith.constant 511 : i32
      %min3A_1101 = vector.broadcast %min3A_1100 : i32 to vector<16xi32>
      %min3A_1102 = arith.minsi %max3A_1099, %min3A_1101 : vector<16xi32>
      %add3A_1103 = arith.constant 3 : i32
      %add3A_1104 = vector.broadcast %add3A_1103 : i32 to vector<16xi32>
      %add3A_1105 = arith.addi %get3A_23, %add3A_1104 : vector<16xi32>
      %max3A_1106 = arith.constant 0 : i32
      %max3A_1107 = vector.broadcast %max3A_1106 : i32 to vector<16xi32>
      %max3A_1108 = arith.maxsi %add3A_1105, %max3A_1107 : vector<16xi32>
      %min3A_1109 = arith.constant 511 : i32
      %min3A_1110 = vector.broadcast %min3A_1109 : i32 to vector<16xi32>
      %min3A_1111 = arith.minsi %max3A_1108, %min3A_1110 : vector<16xi32>
      %add3A_1112 = arith.constant 41 : i32
      %add3A_1113 = vector.broadcast %add3A_1112 : i32 to vector<16xi32>
      %add3A_1114 = arith.addi %mul3A_29, %add3A_1113 : vector<16xi32>
      %mul3A_1115 = arith.constant 512 : i32
      %mul3A_1116 = vector.broadcast %mul3A_1115 : i32 to vector<16xi32>
      %mul3A_1117 = arith.muli %min3A_1102, %mul3A_1116 : vector<16xi32>
      %add3A_1118 = arith.addi %mul3A_26, %mul3A_1117 : vector<16xi32>
      %add3A_1119 = arith.addi %add3A_1118, %min3A_1111 : vector<16xi32>
      tpu.vector_store_idx %arg10[%add3A_1114], %add3A_1119 : memref<784xi32, #tpu.memory_space<vmem>>[vector<16xi32>], vector<16xi32>,
      %add3A_1120 = arith.constant 3 : i32
      %add3A_1121 = vector.broadcast %add3A_1120 : i32 to vector<16xi32>
      %add3A_1122 = arith.addi %get3A_21, %add3A_1121 : vector<16xi32>
      %max3A_1123 = arith.constant 0 : i32
      %max3A_1124 = vector.broadcast %max3A_1123 : i32 to vector<16xi32>
      %max3A_1125 = arith.maxsi %add3A_1122, %max3A_1124 : vector<16xi32>
      %min3A_1126 = arith.constant 511 : i32
      %min3A_1127 = vector.broadcast %min3A_1126 : i32 to vector<16xi32>
      %min3A_1128 = arith.minsi %max3A_1125, %min3A_1127 : vector<16xi32>
      %add3A_1129 = arith.constant -3 : i32
      %add3A_1130 = vector.broadcast %add3A_1129 : i32 to vector<16xi32>
      %add3A_1131 = arith.addi %get3A_23, %add3A_1130 : vector<16xi32>
      %max3A_1132 = arith.constant 0 : i32
      %max3A_1133 = vector.broadcast %max3A_1132 : i32 to vector<16xi32>
      %max3A_1134 = arith.maxsi %add3A_1131, %max3A_1133 : vector<16xi32>
      %min3A_1135 = arith.constant 511 : i32
      %min3A_1136 = vector.broadcast %min3A_1135 : i32 to vector<16xi32>
      %min3A_1137 = arith.minsi %max3A_1134, %min3A_1136 : vector<16xi32>
      %add3A_1138 = arith.constant 42 : i32
      %add3A_1139 = vector.broadcast %add3A_1138 : i32 to vector<16xi32>
      %add3A_1140 = arith.addi %mul3A_29, %add3A_1139 : vector<16xi32>
      %mul3A_1141 = arith.constant 512 : i32
      %mul3A_1142 = vector.broadcast %mul3A_1141 : i32 to vector<16xi32>
      %mul3A_1143 = arith.muli %min3A_1128, %mul3A_1142 : vector<16xi32>
      %add3A_1144 = arith.addi %mul3A_26, %mul3A_1143 : vector<16xi32>
      %add3A_1145 = arith.addi %add3A_1144, %min3A_1137 : vector<16xi32>
      tpu.vector_store_idx %arg10[%add3A_1140], %add3A_1145 : memref<784xi32, #tpu.memory_space<vmem>>[vector<16xi32>], vector<16xi32>,
      %add3A_1146 = arith.constant 3 : i32
      %add3A_1147 = vector.broadcast %add3A_1146 : i32 to vector<16xi32>
      %add3A_1148 = arith.addi %get3A_21, %add3A_1147 : vector<16xi32>
      %max3A_1149 = arith.constant 0 : i32
      %max3A_1150 = vector.broadcast %max3A_1149 : i32 to vector<16xi32>
      %max3A_1151 = arith.maxsi %add3A_1148, %max3A_1150 : vector<16xi32>
      %min3A_1152 = arith.constant 511 : i32
      %min3A_1153 = vector.broadcast %min3A_1152 : i32 to vector<16xi32>
      %min3A_1154 = arith.minsi %max3A_1151, %min3A_1153 : vector<16xi32>
      %add3A_1155 = arith.constant -2 : i32
      %add3A_1156 = vector.broadcast %add3A_1155 : i32 to vector<16xi32>
      %add3A_1157 = arith.addi %get3A_23, %add3A_1156 : vector<16xi32>
      %max3A_1158 = arith.constant 0 : i32
      %max3A_1159 = vector.broadcast %max3A_1158 : i32 to vector<16xi32>
      %max3A_1160 = arith.maxsi %add3A_1157, %max3A_1159 : vector<16xi32>
      %min3A_1161 = arith.constant 511 : i32
      %min3A_1162 = vector.broadcast %min3A_1161 : i32 to vector<16xi32>
      %min3A_1163 = arith.minsi %max3A_1160, %min3A_1162 : vector<16xi32>
      %add3A_1164 = arith.constant 43 : i32
      %add3A_1165 = vector.broadcast %add3A_1164 : i32 to vector<16xi32>
      %add3A_1166 = arith.addi %mul3A_29, %add3A_1165 : vector<16xi32>
      %mul3A_1167 = arith.constant 512 : i32
      %mul3A_1168 = vector.broadcast %mul3A_1167 : i32 to vector<16xi32>
      %mul3A_1169 = arith.muli %min3A_1154, %mul3A_1168 : vector<16xi32>
      %add3A_1170 = arith.addi %mul3A_26, %mul3A_1169 : vector<16xi32>
      %add3A_1171 = arith.addi %add3A_1170, %min3A_1163 : vector<16xi32>
      tpu.vector_store_idx %arg10[%add3A_1166], %add3A_1171 : memref<784xi32, #tpu.memory_space<vmem>>[vector<16xi32>], vector<16xi32>,
      %add3A_1172 = arith.constant 3 : i32
      %add3A_1173 = vector.broadcast %add3A_1172 : i32 to vector<16xi32>
      %add3A_1174 = arith.addi %get3A_21, %add3A_1173 : vector<16xi32>
      %max3A_1175 = arith.constant 0 : i32
      %max3A_1176 = vector.broadcast %max3A_1175 : i32 to vector<16xi32>
      %max3A_1177 = arith.maxsi %add3A_1174, %max3A_1176 : vector<16xi32>
      %min3A_1178 = arith.constant 511 : i32
      %min3A_1179 = vector.broadcast %min3A_1178 : i32 to vector<16xi32>
      %min3A_1180 = arith.minsi %max3A_1177, %min3A_1179 : vector<16xi32>
      %add3A_1181 = arith.constant -1 : i32
      %add3A_1182 = vector.broadcast %add3A_1181 : i32 to vector<16xi32>
      %add3A_1183 = arith.addi %get3A_23, %add3A_1182 : vector<16xi32>
      %max3A_1184 = arith.constant 0 : i32
      %max3A_1185 = vector.broadcast %max3A_1184 : i32 to vector<16xi32>
      %max3A_1186 = arith.maxsi %add3A_1183, %max3A_1185 : vector<16xi32>
      %min3A_1187 = arith.constant 511 : i32
      %min3A_1188 = vector.broadcast %min3A_1187 : i32 to vector<16xi32>
      %min3A_1189 = arith.minsi %max3A_1186, %min3A_1188 : vector<16xi32>
      %add3A_1190 = arith.constant 44 : i32
      %add3A_1191 = vector.broadcast %add3A_1190 : i32 to vector<16xi32>
      %add3A_1192 = arith.addi %mul3A_29, %add3A_1191 : vector<16xi32>
      %mul3A_1193 = arith.constant 512 : i32
      %mul3A_1194 = vector.broadcast %mul3A_1193 : i32 to vector<16xi32>
      %mul3A_1195 = arith.muli %min3A_1180, %mul3A_1194 : vector<16xi32>
      %add3A_1196 = arith.addi %mul3A_26, %mul3A_1195 : vector<16xi32>
      %add3A_1197 = arith.addi %add3A_1196, %min3A_1189 : vector<16xi32>
      tpu.vector_store_idx %arg10[%add3A_1192], %add3A_1197 : memref<784xi32, #tpu.memory_space<vmem>>[vector<16xi32>], vector<16xi32>,
      %add3A_1198 = arith.constant 3 : i32
      %add3A_1199 = vector.broadcast %add3A_1198 : i32 to vector<16xi32>
      %add3A_1200 = arith.addi %get3A_21, %add3A_1199 : vector<16xi32>
      %max3A_1201 = arith.constant 0 : i32
      %max3A_1202 = vector.broadcast %max3A_1201 : i32 to vector<16xi32>
      %max3A_1203 = arith.maxsi %add3A_1200, %max3A_1202 : vector<16xi32>
      %min3A_1204 = arith.constant 511 : i32
      %min3A_1205 = vector.broadcast %min3A_1204 : i32 to vector<16xi32>
      %min3A_1206 = arith.minsi %max3A_1203, %min3A_1205 : vector<16xi32>
      %add3A_1207 = arith.constant 0 : i32
      %add3A_1208 = vector.broadcast %add3A_1207 : i32 to vector<16xi32>
      %add3A_1209 = arith.addi %get3A_23, %add3A_1208 : vector<16xi32>
      %max3A_1210 = arith.constant 0 : i32
      %max3A_1211 = vector.broadcast %max3A_1210 : i32 to vector<16xi32>
      %max3A_1212 = arith.maxsi %add3A_1209, %max3A_1211 : vector<16xi32>
      %min3A_1213 = arith.constant 511 : i32
      %min3A_1214 = vector.broadcast %min3A_1213 : i32 to vector<16xi32>
      %min3A_1215 = arith.minsi %max3A_1212, %min3A_1214 : vector<16xi32>
      %add3A_1216 = arith.constant 45 : i32
      %add3A_1217 = vector.broadcast %add3A_1216 : i32 to vector<16xi32>
      %add3A_1218 = arith.addi %mul3A_29, %add3A_1217 : vector<16xi32>
      %mul3A_1219 = arith.constant 512 : i32
      %mul3A_1220 = vector.broadcast %mul3A_1219 : i32 to vector<16xi32>
      %mul3A_1221 = arith.muli %min3A_1206, %mul3A_1220 : vector<16xi32>
      %add3A_1222 = arith.addi %mul3A_26, %mul3A_1221 : vector<16xi32>
      %add3A_1223 = arith.addi %add3A_1222, %min3A_1215 : vector<16xi32>
      tpu.vector_store_idx %arg10[%add3A_1218], %add3A_1223 : memref<784xi32, #tpu.memory_space<vmem>>[vector<16xi32>], vector<16xi32>,
      %add3A_1224 = arith.constant 3 : i32
      %add3A_1225 = vector.broadcast %add3A_1224 : i32 to vector<16xi32>
      %add3A_1226 = arith.addi %get3A_21, %add3A_1225 : vector<16xi32>
      %max3A_1227 = arith.constant 0 : i32
      %max3A_1228 = vector.broadcast %max3A_1227 : i32 to vector<16xi32>
      %max3A_1229 = arith.maxsi %add3A_1226, %max3A_1228 : vector<16xi32>
      %min3A_1230 = arith.constant 511 : i32
      %min3A_1231 = vector.broadcast %min3A_1230 : i32 to vector<16xi32>
      %min3A_1232 = arith.minsi %max3A_1229, %min3A_1231 : vector<16xi32>
      %add3A_1233 = arith.constant 1 : i32
      %add3A_1234 = vector.broadcast %add3A_1233 : i32 to vector<16xi32>
      %add3A_1235 = arith.addi %get3A_23, %add3A_1234 : vector<16xi32>
      %max3A_1236 = arith.constant 0 : i32
      %max3A_1237 = vector.broadcast %max3A_1236 : i32 to vector<16xi32>
      %max3A_1238 = arith.maxsi %add3A_1235, %max3A_1237 : vector<16xi32>
      %min3A_1239 = arith.constant 511 : i32
      %min3A_1240 = vector.broadcast %min3A_1239 : i32 to vector<16xi32>
      %min3A_1241 = arith.minsi %max3A_1238, %min3A_1240 : vector<16xi32>
      %add3A_1242 = arith.constant 46 : i32
      %add3A_1243 = vector.broadcast %add3A_1242 : i32 to vector<16xi32>
      %add3A_1244 = arith.addi %mul3A_29, %add3A_1243 : vector<16xi32>
      %mul3A_1245 = arith.constant 512 : i32
      %mul3A_1246 = vector.broadcast %mul3A_1245 : i32 to vector<16xi32>
      %mul3A_1247 = arith.muli %min3A_1232, %mul3A_1246 : vector<16xi32>
      %add3A_1248 = arith.addi %mul3A_26, %mul3A_1247 : vector<16xi32>
      %add3A_1249 = arith.addi %add3A_1248, %min3A_1241 : vector<16xi32>
      tpu.vector_store_idx %arg10[%add3A_1244], %add3A_1249 : memref<784xi32, #tpu.memory_space<vmem>>[vector<16xi32>], vector<16xi32>,
      %add3A_1250 = arith.constant 3 : i32
      %add3A_1251 = vector.broadcast %add3A_1250 : i32 to vector<16xi32>
      %add3A_1252 = arith.addi %get3A_21, %add3A_1251 : vector<16xi32>
      %max3A_1253 = arith.constant 0 : i32
      %max3A_1254 = vector.broadcast %max3A_1253 : i32 to vector<16xi32>
      %max3A_1255 = arith.maxsi %add3A_1252, %max3A_1254 : vector<16xi32>
      %min3A_1256 = arith.constant 511 : i32
      %min3A_1257 = vector.broadcast %min3A_1256 : i32 to vector<16xi32>
      %min3A_1258 = arith.minsi %max3A_1255, %min3A_1257 : vector<16xi32>
      %add3A_1259 = arith.constant 2 : i32
      %add3A_1260 = vector.broadcast %add3A_1259 : i32 to vector<16xi32>
      %add3A_1261 = arith.addi %get3A_23, %add3A_1260 : vector<16xi32>
      %max3A_1262 = arith.constant 0 : i32
      %max3A_1263 = vector.broadcast %max3A_1262 : i32 to vector<16xi32>
      %max3A_1264 = arith.maxsi %add3A_1261, %max3A_1263 : vector<16xi32>
      %min3A_1265 = arith.constant 511 : i32
      %min3A_1266 = vector.broadcast %min3A_1265 : i32 to vector<16xi32>
      %min3A_1267 = arith.minsi %max3A_1264, %min3A_1266 : vector<16xi32>
      %add3A_1268 = arith.constant 47 : i32
      %add3A_1269 = vector.broadcast %add3A_1268 : i32 to vector<16xi32>
      %add3A_1270 = arith.addi %mul3A_29, %add3A_1269 : vector<16xi32>
      %mul3A_1271 = arith.constant 512 : i32
      %mul3A_1272 = vector.broadcast %mul3A_1271 : i32 to vector<16xi32>
      %mul3A_1273 = arith.muli %min3A_1258, %mul3A_1272 : vector<16xi32>
      %add3A_1274 = arith.addi %mul3A_26, %mul3A_1273 : vector<16xi32>
      %add3A_1275 = arith.addi %add3A_1274, %min3A_1267 : vector<16xi32>
      tpu.vector_store_idx %arg10[%add3A_1270], %add3A_1275 : memref<784xi32, #tpu.memory_space<vmem>>[vector<16xi32>], vector<16xi32>,
      %add3A_1276 = arith.constant 3 : i32
      %add3A_1277 = vector.broadcast %add3A_1276 : i32 to vector<16xi32>
      %add3A_1278 = arith.addi %get3A_21, %add3A_1277 : vector<16xi32>
      %max3A_1279 = arith.constant 0 : i32
      %max3A_1280 = vector.broadcast %max3A_1279 : i32 to vector<16xi32>
      %max3A_1281 = arith.maxsi %add3A_1278, %max3A_1280 : vector<16xi32>
      %min3A_1282 = arith.constant 511 : i32
      %min3A_1283 = vector.broadcast %min3A_1282 : i32 to vector<16xi32>
      %min3A_1284 = arith.minsi %max3A_1281, %min3A_1283 : vector<16xi32>
      %add3A_1285 = arith.constant 3 : i32
      %add3A_1286 = vector.broadcast %add3A_1285 : i32 to vector<16xi32>
      %add3A_1287 = arith.addi %get3A_23, %add3A_1286 : vector<16xi32>
      %max3A_1288 = arith.constant 0 : i32
      %max3A_1289 = vector.broadcast %max3A_1288 : i32 to vector<16xi32>
      %max3A_1290 = arith.maxsi %add3A_1287, %max3A_1289 : vector<16xi32>
      %min3A_1291 = arith.constant 511 : i32
      %min3A_1292 = vector.broadcast %min3A_1291 : i32 to vector<16xi32>
      %min3A_1293 = arith.minsi %max3A_1290, %min3A_1292 : vector<16xi32>
      %add3A_1294 = arith.constant 48 : i32
      %add3A_1295 = vector.broadcast %add3A_1294 : i32 to vector<16xi32>
      %add3A_1296 = arith.addi %mul3A_29, %add3A_1295 : vector<16xi32>
      %mul3A_1297 = arith.constant 512 : i32
      %mul3A_1298 = vector.broadcast %mul3A_1297 : i32 to vector<16xi32>
      %mul3A_1299 = arith.muli %min3A_1284, %mul3A_1298 : vector<16xi32>
      %add3A_1300 = arith.addi %mul3A_26, %mul3A_1299 : vector<16xi32>
      %add3A_1301 = arith.addi %add3A_1300, %min3A_1293 : vector<16xi32>
      tpu.vector_store_idx %arg10[%add3A_1296], %add3A_1301 : memref<784xi32, #tpu.memory_space<vmem>>[vector<16xi32>], vector<16xi32>,
      %dma_start3A = arith.constant 0 : i32
      %dma_start3A_1302 = arith.constant 0 : i32
      %dma_start3A_1303 = arith.constant 0 : i32
      %dma_start3A_1304 = tpu.memref_slice %arg11[%dma_start3A, %dma_start3A_1302, %dma_start3A_1303] : memref<7x112x96xf32, #tpu.memory_space<vmem>> -> memref<1x112x96xf32, #tpu.memory_space<vmem>>
      %dma_start3A_1305 = tpu.memref_squeeze %dma_start3A_1304 : memref<1x112x96xf32, #tpu.memory_space<vmem>> -> memref<112x96xf32, #tpu.memory_space<vmem>>
      %dma_start3A_1306 = arith.constant 0 : i32
      %dma_start3A_1307 = tpu.memref_slice %arg10[%dma_start3A_1306] : memref<784xi32, #tpu.memory_space<vmem>> -> memref<112xi32, #tpu.memory_space<vmem>>
      %dma_start3A_1308 = arith.constant 0 : i32
      %dma_start3A_1309 = arith.constant 0 : i32
      %dma_start3A_1310 = tpu.memref_slice %arg2[%dma_start3A_1308, %dma_start3A_1309] : memref<524288x96xf32, #tpu.memory_space<hbm>> -> memref<524288x96xf32, #tpu.memory_space<hbm>>
      tpu.enqueue_indirect_dma source(%dma_start3A_1310 : memref<524288x96xf32, #tpu.memory_space<hbm>>) target(%dma_start3A_1305 : memref<112x96xf32, #tpu.memory_space<vmem>>) offsets(%dma_start3A_1307 : memref<112xi32, #tpu.memory_space<vmem>>) semaphore(%arg13 : memref<!tpu.dma_semaphore, #tpu.memory_space<semaphore_mem>>)
      %dma_start3A_1311 = arith.constant 1 : i32
      %dma_start3A_1312 = arith.constant 0 : i32
      %dma_start3A_1313 = arith.constant 0 : i32
      %dma_start3A_1314 = tpu.memref_slice %arg11[%dma_start3A_1311, %dma_start3A_1312, %dma_start3A_1313] : memref<7x112x96xf32, #tpu.memory_space<vmem>> -> memref<1x112x96xf32, #tpu.memory_space<vmem>>
      %dma_start3A_1315 = tpu.memref_squeeze %dma_start3A_1314 : memref<1x112x96xf32, #tpu.memory_space<vmem>> -> memref<112x96xf32, #tpu.memory_space<vmem>>
      %dma_start3A_1316 = arith.constant 112 : i32
      %dma_start3A_1317 = tpu.memref_slice %arg10[%dma_start3A_1316] : memref<784xi32, #tpu.memory_space<vmem>> -> memref<112xi32, #tpu.memory_space<vmem>>
      %dma_start3A_1318 = arith.constant 0 : i32
      %dma_start3A_1319 = arith.constant 0 : i32
      %dma_start3A_1320 = tpu.memref_slice %arg2[%dma_start3A_1318, %dma_start3A_1319] : memref<524288x96xf32, #tpu.memory_space<hbm>> -> memref<524288x96xf32, #tpu.memory_space<hbm>>
      tpu.enqueue_indirect_dma source(%dma_start3A_1320 : memref<524288x96xf32, #tpu.memory_space<hbm>>) target(%dma_start3A_1315 : memref<112x96xf32, #tpu.memory_space<vmem>>) offsets(%dma_start3A_1317 : memref<112xi32, #tpu.memory_space<vmem>>) semaphore(%arg13 : memref<!tpu.dma_semaphore, #tpu.memory_space<semaphore_mem>>)
      %dma_start3A_1321 = arith.constant 2 : i32
      %dma_start3A_1322 = arith.constant 0 : i32
      %dma_start3A_1323 = arith.constant 0 : i32
      %dma_start3A_1324 = tpu.memref_slice %arg11[%dma_start3A_1321, %dma_start3A_1322, %dma_start3A_1323] : memref<7x112x96xf32, #tpu.memory_space<vmem>> -> memref<1x112x96xf32, #tpu.memory_space<vmem>>
      %dma_start3A_1325 = tpu.memref_squeeze %dma_start3A_1324 : memref<1x112x96xf32, #tpu.memory_space<vmem>> -> memref<112x96xf32, #tpu.memory_space<vmem>>
      %dma_start3A_1326 = arith.constant 224 : i32
      %dma_start3A_1327 = tpu.memref_slice %arg10[%dma_start3A_1326] : memref<784xi32, #tpu.memory_space<vmem>> -> memref<112xi32, #tpu.memory_space<vmem>>
      %dma_start3A_1328 = arith.constant 0 : i32
      %dma_start3A_1329 = arith.constant 0 : i32
      %dma_start3A_1330 = tpu.memref_slice %arg2[%dma_start3A_1328, %dma_start3A_1329] : memref<524288x96xf32, #tpu.memory_space<hbm>> -> memref<524288x96xf32, #tpu.memory_space<hbm>>
      tpu.enqueue_indirect_dma source(%dma_start3A_1330 : memref<524288x96xf32, #tpu.memory_space<hbm>>) target(%dma_start3A_1325 : memref<112x96xf32, #tpu.memory_space<vmem>>) offsets(%dma_start3A_1327 : memref<112xi32, #tpu.memory_space<vmem>>) semaphore(%arg13 : memref<!tpu.dma_semaphore, #tpu.memory_space<semaphore_mem>>)
      %dma_start3A_1331 = arith.constant 3 : i32
      %dma_start3A_1332 = arith.constant 0 : i32
      %dma_start3A_1333 = arith.constant 0 : i32
      %dma_start3A_1334 = tpu.memref_slice %arg11[%dma_start3A_1331, %dma_start3A_1332, %dma_start3A_1333] : memref<7x112x96xf32, #tpu.memory_space<vmem>> -> memref<1x112x96xf32, #tpu.memory_space<vmem>>
      %dma_start3A_1335 = tpu.memref_squeeze %dma_start3A_1334 : memref<1x112x96xf32, #tpu.memory_space<vmem>> -> memref<112x96xf32, #tpu.memory_space<vmem>>
      %dma_start3A_1336 = arith.constant 336 : i32
      %dma_start3A_1337 = tpu.memref_slice %arg10[%dma_start3A_1336] : memref<784xi32, #tpu.memory_space<vmem>> -> memref<112xi32, #tpu.memory_space<vmem>>
      %dma_start3A_1338 = arith.constant 0 : i32
      %dma_start3A_1339 = arith.constant 0 : i32
      %dma_start3A_1340 = tpu.memref_slice %arg2[%dma_start3A_1338, %dma_start3A_1339] : memref<524288x96xf32, #tpu.memory_space<hbm>> -> memref<524288x96xf32, #tpu.memory_space<hbm>>
      tpu.enqueue_indirect_dma source(%dma_start3A_1340 : memref<524288x96xf32, #tpu.memory_space<hbm>>) target(%dma_start3A_1335 : memref<112x96xf32, #tpu.memory_space<vmem>>) offsets(%dma_start3A_1337 : memref<112xi32, #tpu.memory_space<vmem>>) semaphore(%arg13 : memref<!tpu.dma_semaphore, #tpu.memory_space<semaphore_mem>>)
      %dma_start3A_1341 = arith.constant 4 : i32
      %dma_start3A_1342 = arith.constant 0 : i32
      %dma_start3A_1343 = arith.constant 0 : i32
      %dma_start3A_1344 = tpu.memref_slice %arg11[%dma_start3A_1341, %dma_start3A_1342, %dma_start3A_1343] : memref<7x112x96xf32, #tpu.memory_space<vmem>> -> memref<1x112x96xf32, #tpu.memory_space<vmem>>
      %dma_start3A_1345 = tpu.memref_squeeze %dma_start3A_1344 : memref<1x112x96xf32, #tpu.memory_space<vmem>> -> memref<112x96xf32, #tpu.memory_space<vmem>>
      %dma_start3A_1346 = arith.constant 448 : i32
      %dma_start3A_1347 = tpu.memref_slice %arg10[%dma_start3A_1346] : memref<784xi32, #tpu.memory_space<vmem>> -> memref<112xi32, #tpu.memory_space<vmem>>
      %dma_start3A_1348 = arith.constant 0 : i32
      %dma_start3A_1349 = arith.constant 0 : i32
      %dma_start3A_1350 = tpu.memref_slice %arg2[%dma_start3A_1348, %dma_start3A_1349] : memref<524288x96xf32, #tpu.memory_space<hbm>> -> memref<524288x96xf32, #tpu.memory_space<hbm>>
      tpu.enqueue_indirect_dma source(%dma_start3A_1350 : memref<524288x96xf32, #tpu.memory_space<hbm>>) target(%dma_start3A_1345 : memref<112x96xf32, #tpu.memory_space<vmem>>) offsets(%dma_start3A_1347 : memref<112xi32, #tpu.memory_space<vmem>>) semaphore(%arg13 : memref<!tpu.dma_semaphore, #tpu.memory_space<semaphore_mem>>)
      %dma_start3A_1351 = arith.constant 5 : i32
      %dma_start3A_1352 = arith.constant 0 : i32
      %dma_start3A_1353 = arith.constant 0 : i32
      %dma_start3A_1354 = tpu.memref_slice %arg11[%dma_start3A_1351, %dma_start3A_1352, %dma_start3A_1353] : memref<7x112x96xf32, #tpu.memory_space<vmem>> -> memref<1x112x96xf32, #tpu.memory_space<vmem>>
      %dma_start3A_1355 = tpu.memref_squeeze %dma_start3A_1354 : memref<1x112x96xf32, #tpu.memory_space<vmem>> -> memref<112x96xf32, #tpu.memory_space<vmem>>
      %dma_start3A_1356 = arith.constant 560 : i32
      %dma_start3A_1357 = tpu.memref_slice %arg10[%dma_start3A_1356] : memref<784xi32, #tpu.memory_space<vmem>> -> memref<112xi32, #tpu.memory_space<vmem>>
      %dma_start3A_1358 = arith.constant 0 : i32
      %dma_start3A_1359 = arith.constant 0 : i32
      %dma_start3A_1360 = tpu.memref_slice %arg2[%dma_start3A_1358, %dma_start3A_1359] : memref<524288x96xf32, #tpu.memory_space<hbm>> -> memref<524288x96xf32, #tpu.memory_space<hbm>>
      tpu.enqueue_indirect_dma source(%dma_start3A_1360 : memref<524288x96xf32, #tpu.memory_space<hbm>>) target(%dma_start3A_1355 : memref<112x96xf32, #tpu.memory_space<vmem>>) offsets(%dma_start3A_1357 : memref<112xi32, #tpu.memory_space<vmem>>) semaphore(%arg13 : memref<!tpu.dma_semaphore, #tpu.memory_space<semaphore_mem>>)
      %dma_start3A_1361 = arith.constant 6 : i32
      %dma_start3A_1362 = arith.constant 0 : i32
      %dma_start3A_1363 = arith.constant 0 : i32
      %dma_start3A_1364 = tpu.memref_slice %arg11[%dma_start3A_1361, %dma_start3A_1362, %dma_start3A_1363] : memref<7x112x96xf32, #tpu.memory_space<vmem>> -> memref<1x112x96xf32, #tpu.memory_space<vmem>>
      %dma_start3A_1365 = tpu.memref_squeeze %dma_start3A_1364 : memref<1x112x96xf32, #tpu.memory_space<vmem>> -> memref<112x96xf32, #tpu.memory_space<vmem>>
      %dma_start3A_1366 = arith.constant 672 : i32
      %dma_start3A_1367 = tpu.memref_slice %arg10[%dma_start3A_1366] : memref<784xi32, #tpu.memory_space<vmem>> -> memref<112xi32, #tpu.memory_space<vmem>>
      %dma_start3A_1368 = arith.constant 0 : i32
      %dma_start3A_1369 = arith.constant 0 : i32
      %dma_start3A_1370 = tpu.memref_slice %arg2[%dma_start3A_1368, %dma_start3A_1369] : memref<524288x96xf32, #tpu.memory_space<hbm>> -> memref<524288x96xf32, #tpu.memory_space<hbm>>
      tpu.enqueue_indirect_dma source(%dma_start3A_1370 : memref<524288x96xf32, #tpu.memory_space<hbm>>) target(%dma_start3A_1365 : memref<112x96xf32, #tpu.memory_space<vmem>>) offsets(%dma_start3A_1367 : memref<112xi32, #tpu.memory_space<vmem>>) semaphore(%arg13 : memref<!tpu.dma_semaphore, #tpu.memory_space<semaphore_mem>>)
      %dma_wait3A = arith.constant 0 : i32
      %dma_wait3A_1371 = arith.constant 0 : i32
      %dma_wait3A_1372 = arith.constant 0 : i32
      %dma_wait3A_1373 = tpu.memref_slice %arg11[%dma_wait3A, %dma_wait3A_1371, %dma_wait3A_1372] : memref<7x112x96xf32, #tpu.memory_space<vmem>> -> memref<1x112x96xf32, #tpu.memory_space<vmem>>
      %dma_wait3A_1374 = tpu.memref_squeeze %dma_wait3A_1373 : memref<1x112x96xf32, #tpu.memory_space<vmem>> -> memref<112x96xf32, #tpu.memory_space<vmem>>
      %dma_wait3A_1375 = arith.constant 0 : i32
      %dma_wait3A_1376 = tpu.memref_slice %arg10[%dma_wait3A_1375] : memref<784xi32, #tpu.memory_space<vmem>> -> memref<112xi32, #tpu.memory_space<vmem>>
      %dma_wait3A_1377 = arith.constant 0 : i32
      %dma_wait3A_1378 = arith.constant 0 : i32
      %dma_wait3A_1379 = tpu.memref_slice %arg2[%dma_wait3A_1377, %dma_wait3A_1378] : memref<524288x96xf32, #tpu.memory_space<hbm>> -> memref<524288x96xf32, #tpu.memory_space<hbm>>
      tpu.wait_indirect_dma semaphore(%arg13 : memref<!tpu.dma_semaphore, #tpu.memory_space<semaphore_mem>>) src(%dma_wait3A_1379 : memref<524288x96xf32, #tpu.memory_space<hbm>>) dst(%dma_wait3A_1374 : memref<112x96xf32, #tpu.memory_space<vmem>>)
      %dma_wait3A_1380 = arith.constant 1 : i32
      %dma_wait3A_1381 = arith.constant 0 : i32
      %dma_wait3A_1382 = arith.constant 0 : i32
      %dma_wait3A_1383 = tpu.memref_slice %arg11[%dma_wait3A_1380, %dma_wait3A_1381, %dma_wait3A_1382] : memref<7x112x96xf32, #tpu.memory_space<vmem>> -> memref<1x112x96xf32, #tpu.memory_space<vmem>>
      %dma_wait3A_1384 = tpu.memref_squeeze %dma_wait3A_1383 : memref<1x112x96xf32, #tpu.memory_space<vmem>> -> memref<112x96xf32, #tpu.memory_space<vmem>>
      %dma_wait3A_1385 = arith.constant 112 : i32
      %dma_wait3A_1386 = tpu.memref_slice %arg10[%dma_wait3A_1385] : memref<784xi32, #tpu.memory_space<vmem>> -> memref<112xi32, #tpu.memory_space<vmem>>
      %dma_wait3A_1387 = arith.constant 0 : i32
      %dma_wait3A_1388 = arith.constant 0 : i32
      %dma_wait3A_1389 = tpu.memref_slice %arg2[%dma_wait3A_1387, %dma_wait3A_1388] : memref<524288x96xf32, #tpu.memory_space<hbm>> -> memref<524288x96xf32, #tpu.memory_space<hbm>>
      tpu.wait_indirect_dma semaphore(%arg13 : memref<!tpu.dma_semaphore, #tpu.memory_space<semaphore_mem>>) src(%dma_wait3A_1389 : memref<524288x96xf32, #tpu.memory_space<hbm>>) dst(%dma_wait3A_1384 : memref<112x96xf32, #tpu.memory_space<vmem>>)
      %dma_wait3A_1390 = arith.constant 2 : i32
      %dma_wait3A_1391 = arith.constant 0 : i32
      %dma_wait3A_1392 = arith.constant 0 : i32
      %dma_wait3A_1393 = tpu.memref_slice %arg11[%dma_wait3A_1390, %dma_wait3A_1391, %dma_wait3A_1392] : memref<7x112x96xf32, #tpu.memory_space<vmem>> -> memref<1x112x96xf32, #tpu.memory_space<vmem>>
      %dma_wait3A_1394 = tpu.memref_squeeze %dma_wait3A_1393 : memref<1x112x96xf32, #tpu.memory_space<vmem>> -> memref<112x96xf32, #tpu.memory_space<vmem>>
      %dma_wait3A_1395 = arith.constant 224 : i32
      %dma_wait3A_1396 = tpu.memref_slice %arg10[%dma_wait3A_1395] : memref<784xi32, #tpu.memory_space<vmem>> -> memref<112xi32, #tpu.memory_space<vmem>>
      %dma_wait3A_1397 = arith.constant 0 : i32
      %dma_wait3A_1398 = arith.constant 0 : i32
      %dma_wait3A_1399 = tpu.memref_slice %arg2[%dma_wait3A_1397, %dma_wait3A_1398] : memref<524288x96xf32, #tpu.memory_space<hbm>> -> memref<524288x96xf32, #tpu.memory_space<hbm>>
      tpu.wait_indirect_dma semaphore(%arg13 : memref<!tpu.dma_semaphore, #tpu.memory_space<semaphore_mem>>) src(%dma_wait3A_1399 : memref<524288x96xf32, #tpu.memory_space<hbm>>) dst(%dma_wait3A_1394 : memref<112x96xf32, #tpu.memory_space<vmem>>)
      %dma_wait3A_1400 = arith.constant 3 : i32
      %dma_wait3A_1401 = arith.constant 0 : i32
      %dma_wait3A_1402 = arith.constant 0 : i32
      %dma_wait3A_1403 = tpu.memref_slice %arg11[%dma_wait3A_1400, %dma_wait3A_1401, %dma_wait3A_1402] : memref<7x112x96xf32, #tpu.memory_space<vmem>> -> memref<1x112x96xf32, #tpu.memory_space<vmem>>
      %dma_wait3A_1404 = tpu.memref_squeeze %dma_wait3A_1403 : memref<1x112x96xf32, #tpu.memory_space<vmem>> -> memref<112x96xf32, #tpu.memory_space<vmem>>
      %dma_wait3A_1405 = arith.constant 336 : i32
      %dma_wait3A_1406 = tpu.memref_slice %arg10[%dma_wait3A_1405] : memref<784xi32, #tpu.memory_space<vmem>> -> memref<112xi32, #tpu.memory_space<vmem>>
      %dma_wait3A_1407 = arith.constant 0 : i32
      %dma_wait3A_1408 = arith.constant 0 : i32
      %dma_wait3A_1409 = tpu.memref_slice %arg2[%dma_wait3A_1407, %dma_wait3A_1408] : memref<524288x96xf32, #tpu.memory_space<hbm>> -> memref<524288x96xf32, #tpu.memory_space<hbm>>
      tpu.wait_indirect_dma semaphore(%arg13 : memref<!tpu.dma_semaphore, #tpu.memory_space<semaphore_mem>>) src(%dma_wait3A_1409 : memref<524288x96xf32, #tpu.memory_space<hbm>>) dst(%dma_wait3A_1404 : memref<112x96xf32, #tpu.memory_space<vmem>>)
      %dma_wait3A_1410 = arith.constant 4 : i32
      %dma_wait3A_1411 = arith.constant 0 : i32
      %dma_wait3A_1412 = arith.constant 0 : i32
      %dma_wait3A_1413 = tpu.memref_slice %arg11[%dma_wait3A_1410, %dma_wait3A_1411, %dma_wait3A_1412] : memref<7x112x96xf32, #tpu.memory_space<vmem>> -> memref<1x112x96xf32, #tpu.memory_space<vmem>>
      %dma_wait3A_1414 = tpu.memref_squeeze %dma_wait3A_1413 : memref<1x112x96xf32, #tpu.memory_space<vmem>> -> memref<112x96xf32, #tpu.memory_space<vmem>>
      %dma_wait3A_1415 = arith.constant 448 : i32
      %dma_wait3A_1416 = tpu.memref_slice %arg10[%dma_wait3A_1415] : memref<784xi32, #tpu.memory_space<vmem>> -> memref<112xi32, #tpu.memory_space<vmem>>
      %dma_wait3A_1417 = arith.constant 0 : i32
      %dma_wait3A_1418 = arith.constant 0 : i32
      %dma_wait3A_1419 = tpu.memref_slice %arg2[%dma_wait3A_1417, %dma_wait3A_1418] : memref<524288x96xf32, #tpu.memory_space<hbm>> -> memref<524288x96xf32, #tpu.memory_space<hbm>>
      tpu.wait_indirect_dma semaphore(%arg13 : memref<!tpu.dma_semaphore, #tpu.memory_space<semaphore_mem>>) src(%dma_wait3A_1419 : memref<524288x96xf32, #tpu.memory_space<hbm>>) dst(%dma_wait3A_1414 : memref<112x96xf32, #tpu.memory_space<vmem>>)
      %dma_wait3A_1420 = arith.constant 5 : i32
      %dma_wait3A_1421 = arith.constant 0 : i32
      %dma_wait3A_1422 = arith.constant 0 : i32
      %dma_wait3A_1423 = tpu.memref_slice %arg11[%dma_wait3A_1420, %dma_wait3A_1421, %dma_wait3A_1422] : memref<7x112x96xf32, #tpu.memory_space<vmem>> -> memref<1x112x96xf32, #tpu.memory_space<vmem>>
      %dma_wait3A_1424 = tpu.memref_squeeze %dma_wait3A_1423 : memref<1x112x96xf32, #tpu.memory_space<vmem>> -> memref<112x96xf32, #tpu.memory_space<vmem>>
      %dma_wait3A_1425 = arith.constant 560 : i32
      %dma_wait3A_1426 = tpu.memref_slice %arg10[%dma_wait3A_1425] : memref<784xi32, #tpu.memory_space<vmem>> -> memref<112xi32, #tpu.memory_space<vmem>>
      %dma_wait3A_1427 = arith.constant 0 : i32
      %dma_wait3A_1428 = arith.constant 0 : i32
      %dma_wait3A_1429 = tpu.memref_slice %arg2[%dma_wait3A_1427, %dma_wait3A_1428] : memref<524288x96xf32, #tpu.memory_space<hbm>> -> memref<524288x96xf32, #tpu.memory_space<hbm>>
      tpu.wait_indirect_dma semaphore(%arg13 : memref<!tpu.dma_semaphore, #tpu.memory_space<semaphore_mem>>) src(%dma_wait3A_1429 : memref<524288x96xf32, #tpu.memory_space<hbm>>) dst(%dma_wait3A_1424 : memref<112x96xf32, #tpu.memory_space<vmem>>)
      %dma_wait3A_1430 = arith.constant 6 : i32
      %dma_wait3A_1431 = arith.constant 0 : i32
      %dma_wait3A_1432 = arith.constant 0 : i32
      %dma_wait3A_1433 = tpu.memref_slice %arg11[%dma_wait3A_1430, %dma_wait3A_1431, %dma_wait3A_1432] : memref<7x112x96xf32, #tpu.memory_space<vmem>> -> memref<1x112x96xf32, #tpu.memory_space<vmem>>
      %dma_wait3A_1434 = tpu.memref_squeeze %dma_wait3A_1433 : memref<1x112x96xf32, #tpu.memory_space<vmem>> -> memref<112x96xf32, #tpu.memory_space<vmem>>
      %dma_wait3A_1435 = arith.constant 672 : i32
      %dma_wait3A_1436 = tpu.memref_slice %arg10[%dma_wait3A_1435] : memref<784xi32, #tpu.memory_space<vmem>> -> memref<112xi32, #tpu.memory_space<vmem>>
      %dma_wait3A_1437 = arith.constant 0 : i32
      %dma_wait3A_1438 = arith.constant 0 : i32
      %dma_wait3A_1439 = tpu.memref_slice %arg2[%dma_wait3A_1437, %dma_wait3A_1438] : memref<524288x96xf32, #tpu.memory_space<hbm>> -> memref<524288x96xf32, #tpu.memory_space<hbm>>
      tpu.wait_indirect_dma semaphore(%arg13 : memref<!tpu.dma_semaphore, #tpu.memory_space<semaphore_mem>>) src(%dma_wait3A_1439 : memref<524288x96xf32, #tpu.memory_space<hbm>>) dst(%dma_wait3A_1434 : memref<112x96xf32, #tpu.memory_space<vmem>>)
      %dma_start3A_1440 = arith.constant 0 : i32
      %dma_start3A_1441 = arith.constant 0 : i32
      %dma_start3A_1442 = arith.constant 0 : i32
      %dma_start3A_1443 = tpu.memref_slice %arg11[%dma_start3A_1440, %dma_start3A_1441, %dma_start3A_1442] : memref<7x112x96xf32, #tpu.memory_space<vmem>> -> memref<1x112x96xf32, #tpu.memory_space<vmem>>
      %dma_start3A_1444 = tpu.memref_squeeze %dma_start3A_1443 : memref<1x112x96xf32, #tpu.memory_space<vmem>> -> memref<112x96xf32, #tpu.memory_space<vmem>>
      %dma_start3A_1445 = arith.constant 0 : i32
      %dma_start3A_1446 = arith.constant 0 : i32
      %dma_start3A_1447 = tpu.memref_slice %arg6[%add3A_16, %dma_start3A_1445, %dma_start3A_1446] : memref<256x784x128xf32, #tpu.memory_space<hbm>> -> memref<1x112x96xf32, #tpu.memory_space<hbm>>
      %dma_start3A_1448 = tpu.memref_squeeze %dma_start3A_1447 : memref<1x112x96xf32, #tpu.memory_space<hbm>> -> memref<112x96xf32, #tpu.memory_space<hbm>>
      %dma_start3A_1449 = arith.constant 0 : i32
      %dma_start3A_1450 = arith.constant 0 : i32
      %dma_start3A_1451 = tpu.memref_slice %arg6[%add3A_16, %dma_start3A_1449, %dma_start3A_1450] : memref<256x784x128xf32, #tpu.memory_space<hbm>> -> memref<1x112x96xf32, #tpu.memory_space<hbm>>
      %dma_start3A_1452 = tpu.memref_squeeze %dma_start3A_1451 : memref<1x112x96xf32, #tpu.memory_space<hbm>> -> memref<112x96xf32, #tpu.memory_space<hbm>>
      %dma_start3A_1453 = arith.constant 0 : i32
      %dma_start3A_1454 = arith.constant 0 : i32
      %dma_start3A_1455 = tpu.memref_slice %arg11[%dma_start3A_1440, %dma_start3A_1453, %dma_start3A_1454] : memref<7x112x96xf32, #tpu.memory_space<vmem>> -> memref<1x112x96xf32, #tpu.memory_space<vmem>>
      %dma_start3A_1456 = tpu.memref_squeeze %dma_start3A_1455 : memref<1x112x96xf32, #tpu.memory_space<vmem>> -> memref<112x96xf32, #tpu.memory_space<vmem>>
      tpu.enqueue_dma source(%dma_start3A_1456 : memref<112x96xf32, #tpu.memory_space<vmem>>) target(%dma_start3A_1452 : memref<112x96xf32, #tpu.memory_space<hbm>>) target_semaphore(%arg13 : memref<!tpu.dma_semaphore, #tpu.memory_space<semaphore_mem>>)
      %dma_start3A_1457 = arith.constant 1 : i32
      %dma_start3A_1458 = arith.constant 0 : i32
      %dma_start3A_1459 = arith.constant 0 : i32
      %dma_start3A_1460 = tpu.memref_slice %arg11[%dma_start3A_1457, %dma_start3A_1458, %dma_start3A_1459] : memref<7x112x96xf32, #tpu.memory_space<vmem>> -> memref<1x112x96xf32, #tpu.memory_space<vmem>>
      %dma_start3A_1461 = tpu.memref_squeeze %dma_start3A_1460 : memref<1x112x96xf32, #tpu.memory_space<vmem>> -> memref<112x96xf32, #tpu.memory_space<vmem>>
      %dma_start3A_1462 = arith.constant 112 : i32
      %dma_start3A_1463 = arith.constant 0 : i32
      %dma_start3A_1464 = tpu.memref_slice %arg6[%add3A_16, %dma_start3A_1462, %dma_start3A_1463] : memref<256x784x128xf32, #tpu.memory_space<hbm>> -> memref<1x112x96xf32, #tpu.memory_space<hbm>>
      %dma_start3A_1465 = tpu.memref_squeeze %dma_start3A_1464 : memref<1x112x96xf32, #tpu.memory_space<hbm>> -> memref<112x96xf32, #tpu.memory_space<hbm>>
      %dma_start3A_1466 = arith.constant 112 : i32
      %dma_start3A_1467 = arith.constant 0 : i32
      %dma_start3A_1468 = tpu.memref_slice %arg6[%add3A_16, %dma_start3A_1466, %dma_start3A_1467] : memref<256x784x128xf32, #tpu.memory_space<hbm>> -> memref<1x112x96xf32, #tpu.memory_space<hbm>>
      %dma_start3A_1469 = tpu.memref_squeeze %dma_start3A_1468 : memref<1x112x96xf32, #tpu.memory_space<hbm>> -> memref<112x96xf32, #tpu.memory_space<hbm>>
      %dma_start3A_1470 = arith.constant 0 : i32
      %dma_start3A_1471 = arith.constant 0 : i32
      %dma_start3A_1472 = tpu.memref_slice %arg11[%dma_start3A_1457, %dma_start3A_1470, %dma_start3A_1471] : memref<7x112x96xf32, #tpu.memory_space<vmem>> -> memref<1x112x96xf32, #tpu.memory_space<vmem>>
      %dma_start3A_1473 = tpu.memref_squeeze %dma_start3A_1472 : memref<1x112x96xf32, #tpu.memory_space<vmem>> -> memref<112x96xf32, #tpu.memory_space<vmem>>
      tpu.enqueue_dma source(%dma_start3A_1473 : memref<112x96xf32, #tpu.memory_space<vmem>>) target(%dma_start3A_1469 : memref<112x96xf32, #tpu.memory_space<hbm>>) target_semaphore(%arg13 : memref<!tpu.dma_semaphore, #tpu.memory_space<semaphore_mem>>)
      %dma_start3A_1474 = arith.constant 2 : i32
      %dma_start3A_1475 = arith.constant 0 : i32
      %dma_start3A_1476 = arith.constant 0 : i32
      %dma_start3A_1477 = tpu.memref_slice %arg11[%dma_start3A_1474, %dma_start3A_1475, %dma_start3A_1476] : memref<7x112x96xf32, #tpu.memory_space<vmem>> -> memref<1x112x96xf32, #tpu.memory_space<vmem>>
      %dma_start3A_1478 = tpu.memref_squeeze %dma_start3A_1477 : memref<1x112x96xf32, #tpu.memory_space<vmem>> -> memref<112x96xf32, #tpu.memory_space<vmem>>
      %dma_start3A_1479 = arith.constant 224 : i32
      %dma_start3A_1480 = arith.constant 0 : i32
      %dma_start3A_1481 = tpu.memref_slice %arg6[%add3A_16, %dma_start3A_1479, %dma_start3A_1480] : memref<256x784x128xf32, #tpu.memory_space<hbm>> -> memref<1x112x96xf32, #tpu.memory_space<hbm>>
      %dma_start3A_1482 = tpu.memref_squeeze %dma_start3A_1481 : memref<1x112x96xf32, #tpu.memory_space<hbm>> -> memref<112x96xf32, #tpu.memory_space<hbm>>
      %dma_start3A_1483 = arith.constant 224 : i32
      %dma_start3A_1484 = arith.constant 0 : i32
      %dma_start3A_1485 = tpu.memref_slice %arg6[%add3A_16, %dma_start3A_1483, %dma_start3A_1484] : memref<256x784x128xf32, #tpu.memory_space<hbm>> -> memref<1x112x96xf32, #tpu.memory_space<hbm>>
      %dma_start3A_1486 = tpu.memref_squeeze %dma_start3A_1485 : memref<1x112x96xf32, #tpu.memory_space<hbm>> -> memref<112x96xf32, #tpu.memory_space<hbm>>
      %dma_start3A_1487 = arith.constant 0 : i32
      %dma_start3A_1488 = arith.constant 0 : i32
      %dma_start3A_1489 = tpu.memref_slice %arg11[%dma_start3A_1474, %dma_start3A_1487, %dma_start3A_1488] : memref<7x112x96xf32, #tpu.memory_space<vmem>> -> memref<1x112x96xf32, #tpu.memory_space<vmem>>
      %dma_start3A_1490 = tpu.memref_squeeze %dma_start3A_1489 : memref<1x112x96xf32, #tpu.memory_space<vmem>> -> memref<112x96xf32, #tpu.memory_space<vmem>>
      tpu.enqueue_dma source(%dma_start3A_1490 : memref<112x96xf32, #tpu.memory_space<vmem>>) target(%dma_start3A_1486 : memref<112x96xf32, #tpu.memory_space<hbm>>) target_semaphore(%arg13 : memref<!tpu.dma_semaphore, #tpu.memory_space<semaphore_mem>>)
      %dma_start3A_1491 = arith.constant 3 : i32
      %dma_start3A_1492 = arith.constant 0 : i32
      %dma_start3A_1493 = arith.constant 0 : i32
      %dma_start3A_1494 = tpu.memref_slice %arg11[%dma_start3A_1491, %dma_start3A_1492, %dma_start3A_1493] : memref<7x112x96xf32, #tpu.memory_space<vmem>> -> memref<1x112x96xf32, #tpu.memory_space<vmem>>
      %dma_start3A_1495 = tpu.memref_squeeze %dma_start3A_1494 : memref<1x112x96xf32, #tpu.memory_space<vmem>> -> memref<112x96xf32, #tpu.memory_space<vmem>>
      %dma_start3A_1496 = arith.constant 336 : i32
      %dma_start3A_1497 = arith.constant 0 : i32
      %dma_start3A_1498 = tpu.memref_slice %arg6[%add3A_16, %dma_start3A_1496, %dma_start3A_1497] : memref<256x784x128xf32, #tpu.memory_space<hbm>> -> memref<1x112x96xf32, #tpu.memory_space<hbm>>
      %dma_start3A_1499 = tpu.memref_squeeze %dma_start3A_1498 : memref<1x112x96xf32, #tpu.memory_space<hbm>> -> memref<112x96xf32, #tpu.memory_space<hbm>>
      %dma_start3A_1500 = arith.constant 336 : i32
      %dma_start3A_1501 = arith.constant 0 : i32
      %dma_start3A_1502 = tpu.memref_slice %arg6[%add3A_16, %dma_start3A_1500, %dma_start3A_1501] : memref<256x784x128xf32, #tpu.memory_space<hbm>> -> memref<1x112x96xf32, #tpu.memory_space<hbm>>
      %dma_start3A_1503 = tpu.memref_squeeze %dma_start3A_1502 : memref<1x112x96xf32, #tpu.memory_space<hbm>> -> memref<112x96xf32, #tpu.memory_space<hbm>>
      %dma_start3A_1504 = arith.constant 0 : i32
      %dma_start3A_1505 = arith.constant 0 : i32
      %dma_start3A_1506 = tpu.memref_slice %arg11[%dma_start3A_1491, %dma_start3A_1504, %dma_start3A_1505] : memref<7x112x96xf32, #tpu.memory_space<vmem>> -> memref<1x112x96xf32, #tpu.memory_space<vmem>>
      %dma_start3A_1507 = tpu.memref_squeeze %dma_start3A_1506 : memref<1x112x96xf32, #tpu.memory_space<vmem>> -> memref<112x96xf32, #tpu.memory_space<vmem>>
      tpu.enqueue_dma source(%dma_start3A_1507 : memref<112x96xf32, #tpu.memory_space<vmem>>) target(%dma_start3A_1503 : memref<112x96xf32, #tpu.memory_space<hbm>>) target_semaphore(%arg13 : memref<!tpu.dma_semaphore, #tpu.memory_space<semaphore_mem>>)
      %dma_start3A_1508 = arith.constant 4 : i32
      %dma_start3A_1509 = arith.constant 0 : i32
      %dma_start3A_1510 = arith.constant 0 : i32
      %dma_start3A_1511 = tpu.memref_slice %arg11[%dma_start3A_1508, %dma_start3A_1509, %dma_start3A_1510] : memref<7x112x96xf32, #tpu.memory_space<vmem>> -> memref<1x112x96xf32, #tpu.memory_space<vmem>>
      %dma_start3A_1512 = tpu.memref_squeeze %dma_start3A_1511 : memref<1x112x96xf32, #tpu.memory_space<vmem>> -> memref<112x96xf32, #tpu.memory_space<vmem>>
      %dma_start3A_1513 = arith.constant 448 : i32
      %dma_start3A_1514 = arith.constant 0 : i32
      %dma_start3A_1515 = tpu.memref_slice %arg6[%add3A_16, %dma_start3A_1513, %dma_start3A_1514] : memref<256x784x128xf32, #tpu.memory_space<hbm>> -> memref<1x112x96xf32, #tpu.memory_space<hbm>>
      %dma_start3A_1516 = tpu.memref_squeeze %dma_start3A_1515 : memref<1x112x96xf32, #tpu.memory_space<hbm>> -> memref<112x96xf32, #tpu.memory_space<hbm>>
      %dma_start3A_1517 = arith.constant 448 : i32
      %dma_start3A_1518 = arith.constant 0 : i32
      %dma_start3A_1519 = tpu.memref_slice %arg6[%add3A_16, %dma_start3A_1517, %dma_start3A_1518] : memref<256x784x128xf32, #tpu.memory_space<hbm>> -> memref<1x112x96xf32, #tpu.memory_space<hbm>>
      %dma_start3A_1520 = tpu.memref_squeeze %dma_start3A_1519 : memref<1x112x96xf32, #tpu.memory_space<hbm>> -> memref<112x96xf32, #tpu.memory_space<hbm>>
      %dma_start3A_1521 = arith.constant 0 : i32
      %dma_start3A_1522 = arith.constant 0 : i32
      %dma_start3A_1523 = tpu.memref_slice %arg11[%dma_start3A_1508, %dma_start3A_1521, %dma_start3A_1522] : memref<7x112x96xf32, #tpu.memory_space<vmem>> -> memref<1x112x96xf32, #tpu.memory_space<vmem>>
      %dma_start3A_1524 = tpu.memref_squeeze %dma_start3A_1523 : memref<1x112x96xf32, #tpu.memory_space<vmem>> -> memref<112x96xf32, #tpu.memory_space<vmem>>
      tpu.enqueue_dma source(%dma_start3A_1524 : memref<112x96xf32, #tpu.memory_space<vmem>>) target(%dma_start3A_1520 : memref<112x96xf32, #tpu.memory_space<hbm>>) target_semaphore(%arg13 : memref<!tpu.dma_semaphore, #tpu.memory_space<semaphore_mem>>)
      %dma_start3A_1525 = arith.constant 5 : i32
      %dma_start3A_1526 = arith.constant 0 : i32
      %dma_start3A_1527 = arith.constant 0 : i32
      %dma_start3A_1528 = tpu.memref_slice %arg11[%dma_start3A_1525, %dma_start3A_1526, %dma_start3A_1527] : memref<7x112x96xf32, #tpu.memory_space<vmem>> -> memref<1x112x96xf32, #tpu.memory_space<vmem>>
      %dma_start3A_1529 = tpu.memref_squeeze %dma_start3A_1528 : memref<1x112x96xf32, #tpu.memory_space<vmem>> -> memref<112x96xf32, #tpu.memory_space<vmem>>
      %dma_start3A_1530 = arith.constant 560 : i32
      %dma_start3A_1531 = arith.constant 0 : i32
      %dma_start3A_1532 = tpu.memref_slice %arg6[%add3A_16, %dma_start3A_1530, %dma_start3A_1531] : memref<256x784x128xf32, #tpu.memory_space<hbm>> -> memref<1x112x96xf32, #tpu.memory_space<hbm>>
      %dma_start3A_1533 = tpu.memref_squeeze %dma_start3A_1532 : memref<1x112x96xf32, #tpu.memory_space<hbm>> -> memref<112x96xf32, #tpu.memory_space<hbm>>
      %dma_start3A_1534 = arith.constant 560 : i32
      %dma_start3A_1535 = arith.constant 0 : i32
      %dma_start3A_1536 = tpu.memref_slice %arg6[%add3A_16, %dma_start3A_1534, %dma_start3A_1535] : memref<256x784x128xf32, #tpu.memory_space<hbm>> -> memref<1x112x96xf32, #tpu.memory_space<hbm>>
      %dma_start3A_1537 = tpu.memref_squeeze %dma_start3A_1536 : memref<1x112x96xf32, #tpu.memory_space<hbm>> -> memref<112x96xf32, #tpu.memory_space<hbm>>
      %dma_start3A_1538 = arith.constant 0 : i32
      %dma_start3A_1539 = arith.constant 0 : i32
      %dma_start3A_1540 = tpu.memref_slice %arg11[%dma_start3A_1525, %dma_start3A_1538, %dma_start3A_1539] : memref<7x112x96xf32, #tpu.memory_space<vmem>> -> memref<1x112x96xf32, #tpu.memory_space<vmem>>
      %dma_start3A_1541 = tpu.memref_squeeze %dma_start3A_1540 : memref<1x112x96xf32, #tpu.memory_space<vmem>> -> memref<112x96xf32, #tpu.memory_space<vmem>>
      tpu.enqueue_dma source(%dma_start3A_1541 : memref<112x96xf32, #tpu.memory_space<vmem>>) target(%dma_start3A_1537 : memref<112x96xf32, #tpu.memory_space<hbm>>) target_semaphore(%arg13 : memref<!tpu.dma_semaphore, #tpu.memory_space<semaphore_mem>>)
      %dma_start3A_1542 = arith.constant 6 : i32
      %dma_start3A_1543 = arith.constant 0 : i32
      %dma_start3A_1544 = arith.constant 0 : i32
      %dma_start3A_1545 = tpu.memref_slice %arg11[%dma_start3A_1542, %dma_start3A_1543, %dma_start3A_1544] : memref<7x112x96xf32, #tpu.memory_space<vmem>> -> memref<1x112x96xf32, #tpu.memory_space<vmem>>
      %dma_start3A_1546 = tpu.memref_squeeze %dma_start3A_1545 : memref<1x112x96xf32, #tpu.memory_space<vmem>> -> memref<112x96xf32, #tpu.memory_space<vmem>>
      %dma_start3A_1547 = arith.constant 672 : i32
      %dma_start3A_1548 = arith.constant 0 : i32
      %dma_start3A_1549 = tpu.memref_slice %arg6[%add3A_16, %dma_start3A_1547, %dma_start3A_1548] : memref<256x784x128xf32, #tpu.memory_space<hbm>> -> memref<1x112x96xf32, #tpu.memory_space<hbm>>
      %dma_start3A_1550 = tpu.memref_squeeze %dma_start3A_1549 : memref<1x112x96xf32, #tpu.memory_space<hbm>> -> memref<112x96xf32, #tpu.memory_space<hbm>>
      %dma_start3A_1551 = arith.constant 672 : i32
      %dma_start3A_1552 = arith.constant 0 : i32
      %dma_start3A_1553 = tpu.memref_slice %arg6[%add3A_16, %dma_start3A_1551, %dma_start3A_1552] : memref<256x784x128xf32, #tpu.memory_space<hbm>> -> memref<1x112x96xf32, #tpu.memory_space<hbm>>
      %dma_start3A_1554 = tpu.memref_squeeze %dma_start3A_1553 : memref<1x112x96xf32, #tpu.memory_space<hbm>> -> memref<112x96xf32, #tpu.memory_space<hbm>>
      %dma_start3A_1555 = arith.constant 0 : i32
      %dma_start3A_1556 = arith.constant 0 : i32
      %dma_start3A_1557 = tpu.memref_slice %arg11[%dma_start3A_1542, %dma_start3A_1555, %dma_start3A_1556] : memref<7x112x96xf32, #tpu.memory_space<vmem>> -> memref<1x112x96xf32, #tpu.memory_space<vmem>>
      %dma_start3A_1558 = tpu.memref_squeeze %dma_start3A_1557 : memref<1x112x96xf32, #tpu.memory_space<vmem>> -> memref<112x96xf32, #tpu.memory_space<vmem>>
      tpu.enqueue_dma source(%dma_start3A_1558 : memref<112x96xf32, #tpu.memory_space<vmem>>) target(%dma_start3A_1554 : memref<112x96xf32, #tpu.memory_space<hbm>>) target_semaphore(%arg13 : memref<!tpu.dma_semaphore, #tpu.memory_space<semaphore_mem>>)
      %dma_start3A_1559 = arith.constant 0 : i32
      %dma_start3A_1560 = arith.constant 96 : i32
      %dma_start3A_1561 = tpu.memref_slice %arg6[%add3A_16, %dma_start3A_1559, %dma_start3A_1560] : memref<256x784x128xf32, #tpu.memory_space<hbm>> -> memref<1x112x32xf32, #tpu.memory_space<hbm>>
      %dma_start3A_1562 = tpu.memref_squeeze %dma_start3A_1561 : memref<1x112x32xf32, #tpu.memory_space<hbm>> -> memref<112x32xf32, #tpu.memory_space<hbm>>
      %dma_start3A_1563 = arith.constant 0 : i32
      %dma_start3A_1564 = arith.constant 96 : i32
      %dma_start3A_1565 = tpu.memref_slice %arg6[%add3A_16, %dma_start3A_1563, %dma_start3A_1564] : memref<256x784x128xf32, #tpu.memory_space<hbm>> -> memref<1x112x32xf32, #tpu.memory_space<hbm>>
      %dma_start3A_1566 = tpu.memref_squeeze %dma_start3A_1565 : memref<1x112x32xf32, #tpu.memory_space<hbm>> -> memref<112x32xf32, #tpu.memory_space<hbm>>
      tpu.enqueue_dma source(%arg12 : memref<112x32xf32, #tpu.memory_space<vmem>>) target(%dma_start3A_1566 : memref<112x32xf32, #tpu.memory_space<hbm>>) target_semaphore(%arg13 : memref<!tpu.dma_semaphore, #tpu.memory_space<semaphore_mem>>)
      %dma_start3A_1567 = arith.constant 112 : i32
      %dma_start3A_1568 = arith.constant 96 : i32
      %dma_start3A_1569 = tpu.memref_slice %arg6[%add3A_16, %dma_start3A_1567, %dma_start3A_1568] : memref<256x784x128xf32, #tpu.memory_space<hbm>> -> memref<1x112x32xf32, #tpu.memory_space<hbm>>
      %dma_start3A_1570 = tpu.memref_squeeze %dma_start3A_1569 : memref<1x112x32xf32, #tpu.memory_space<hbm>> -> memref<112x32xf32, #tpu.memory_space<hbm>>
      %dma_start3A_1571 = arith.constant 112 : i32
      %dma_start3A_1572 = arith.constant 96 : i32
      %dma_start3A_1573 = tpu.memref_slice %arg6[%add3A_16, %dma_start3A_1571, %dma_start3A_1572] : memref<256x784x128xf32, #tpu.memory_space<hbm>> -> memref<1x112x32xf32, #tpu.memory_space<hbm>>
      %dma_start3A_1574 = tpu.memref_squeeze %dma_start3A_1573 : memref<1x112x32xf32, #tpu.memory_space<hbm>> -> memref<112x32xf32, #tpu.memory_space<hbm>>
      tpu.enqueue_dma source(%arg12 : memref<112x32xf32, #tpu.memory_space<vmem>>) target(%dma_start3A_1574 : memref<112x32xf32, #tpu.memory_space<hbm>>) target_semaphore(%arg13 : memref<!tpu.dma_semaphore, #tpu.memory_space<semaphore_mem>>)
      %dma_start3A_1575 = arith.constant 224 : i32
      %dma_start3A_1576 = arith.constant 96 : i32
      %dma_start3A_1577 = tpu.memref_slice %arg6[%add3A_16, %dma_start3A_1575, %dma_start3A_1576] : memref<256x784x128xf32, #tpu.memory_space<hbm>> -> memref<1x112x32xf32, #tpu.memory_space<hbm>>
      %dma_start3A_1578 = tpu.memref_squeeze %dma_start3A_1577 : memref<1x112x32xf32, #tpu.memory_space<hbm>> -> memref<112x32xf32, #tpu.memory_space<hbm>>
      %dma_start3A_1579 = arith.constant 224 : i32
      %dma_start3A_1580 = arith.constant 96 : i32
      %dma_start3A_1581 = tpu.memref_slice %arg6[%add3A_16, %dma_start3A_1579, %dma_start3A_1580] : memref<256x784x128xf32, #tpu.memory_space<hbm>> -> memref<1x112x32xf32, #tpu.memory_space<hbm>>
      %dma_start3A_1582 = tpu.memref_squeeze %dma_start3A_1581 : memref<1x112x32xf32, #tpu.memory_space<hbm>> -> memref<112x32xf32, #tpu.memory_space<hbm>>
      tpu.enqueue_dma source(%arg12 : memref<112x32xf32, #tpu.memory_space<vmem>>) target(%dma_start3A_1582 : memref<112x32xf32, #tpu.memory_space<hbm>>) target_semaphore(%arg13 : memref<!tpu.dma_semaphore, #tpu.memory_space<semaphore_mem>>)
      %dma_start3A_1583 = arith.constant 336 : i32
      %dma_start3A_1584 = arith.constant 96 : i32
      %dma_start3A_1585 = tpu.memref_slice %arg6[%add3A_16, %dma_start3A_1583, %dma_start3A_1584] : memref<256x784x128xf32, #tpu.memory_space<hbm>> -> memref<1x112x32xf32, #tpu.memory_space<hbm>>
      %dma_start3A_1586 = tpu.memref_squeeze %dma_start3A_1585 : memref<1x112x32xf32, #tpu.memory_space<hbm>> -> memref<112x32xf32, #tpu.memory_space<hbm>>
      %dma_start3A_1587 = arith.constant 336 : i32
      %dma_start3A_1588 = arith.constant 96 : i32
      %dma_start3A_1589 = tpu.memref_slice %arg6[%add3A_16, %dma_start3A_1587, %dma_start3A_1588] : memref<256x784x128xf32, #tpu.memory_space<hbm>> -> memref<1x112x32xf32, #tpu.memory_space<hbm>>
      %dma_start3A_1590 = tpu.memref_squeeze %dma_start3A_1589 : memref<1x112x32xf32, #tpu.memory_space<hbm>> -> memref<112x32xf32, #tpu.memory_space<hbm>>
      tpu.enqueue_dma source(%arg12 : memref<112x32xf32, #tpu.memory_space<vmem>>) target(%dma_start3A_1590 : memref<112x32xf32, #tpu.memory_space<hbm>>) target_semaphore(%arg13 : memref<!tpu.dma_semaphore, #tpu.memory_space<semaphore_mem>>)
      %dma_start3A_1591 = arith.constant 448 : i32
      %dma_start3A_1592 = arith.constant 96 : i32
      %dma_start3A_1593 = tpu.memref_slice %arg6[%add3A_16, %dma_start3A_1591, %dma_start3A_1592] : memref<256x784x128xf32, #tpu.memory_space<hbm>> -> memref<1x112x32xf32, #tpu.memory_space<hbm>>
      %dma_start3A_1594 = tpu.memref_squeeze %dma_start3A_1593 : memref<1x112x32xf32, #tpu.memory_space<hbm>> -> memref<112x32xf32, #tpu.memory_space<hbm>>
      %dma_start3A_1595 = arith.constant 448 : i32
      %dma_start3A_1596 = arith.constant 96 : i32
      %dma_start3A_1597 = tpu.memref_slice %arg6[%add3A_16, %dma_start3A_1595, %dma_start3A_1596] : memref<256x784x128xf32, #tpu.memory_space<hbm>> -> memref<1x112x32xf32, #tpu.memory_space<hbm>>
      %dma_start3A_1598 = tpu.memref_squeeze %dma_start3A_1597 : memref<1x112x32xf32, #tpu.memory_space<hbm>> -> memref<112x32xf32, #tpu.memory_space<hbm>>
      tpu.enqueue_dma source(%arg12 : memref<112x32xf32, #tpu.memory_space<vmem>>) target(%dma_start3A_1598 : memref<112x32xf32, #tpu.memory_space<hbm>>) target_semaphore(%arg13 : memref<!tpu.dma_semaphore, #tpu.memory_space<semaphore_mem>>)
      %dma_start3A_1599 = arith.constant 560 : i32
      %dma_start3A_1600 = arith.constant 96 : i32
      %dma_start3A_1601 = tpu.memref_slice %arg6[%add3A_16, %dma_start3A_1599, %dma_start3A_1600] : memref<256x784x128xf32, #tpu.memory_space<hbm>> -> memref<1x112x32xf32, #tpu.memory_space<hbm>>
      %dma_start3A_1602 = tpu.memref_squeeze %dma_start3A_1601 : memref<1x112x32xf32, #tpu.memory_space<hbm>> -> memref<112x32xf32, #tpu.memory_space<hbm>>
      %dma_start3A_1603 = arith.constant 560 : i32
      %dma_start3A_1604 = arith.constant 96 : i32
      %dma_start3A_1605 = tpu.memref_slice %arg6[%add3A_16, %dma_start3A_1603, %dma_start3A_1604] : memref<256x784x128xf32, #tpu.memory_space<hbm>> -> memref<1x112x32xf32, #tpu.memory_space<hbm>>
      %dma_start3A_1606 = tpu.memref_squeeze %dma_start3A_1605 : memref<1x112x32xf32, #tpu.memory_space<hbm>> -> memref<112x32xf32, #tpu.memory_space<hbm>>
      tpu.enqueue_dma source(%arg12 : memref<112x32xf32, #tpu.memory_space<vmem>>) target(%dma_start3A_1606 : memref<112x32xf32, #tpu.memory_space<hbm>>) target_semaphore(%arg13 : memref<!tpu.dma_semaphore, #tpu.memory_space<semaphore_mem>>)
      %dma_start3A_1607 = arith.constant 672 : i32
      %dma_start3A_1608 = arith.constant 96 : i32
      %dma_start3A_1609 = tpu.memref_slice %arg6[%add3A_16, %dma_start3A_1607, %dma_start3A_1608] : memref<256x784x128xf32, #tpu.memory_space<hbm>> -> memref<1x112x32xf32, #tpu.memory_space<hbm>>
      %dma_start3A_1610 = tpu.memref_squeeze %dma_start3A_1609 : memref<1x112x32xf32, #tpu.memory_space<hbm>> -> memref<112x32xf32, #tpu.memory_space<hbm>>
      %dma_start3A_1611 = arith.constant 672 : i32
      %dma_start3A_1612 = arith.constant 96 : i32
      %dma_start3A_1613 = tpu.memref_slice %arg6[%add3A_16, %dma_start3A_1611, %dma_start3A_1612] : memref<256x784x128xf32, #tpu.memory_space<hbm>> -> memref<1x112x32xf32, #tpu.memory_space<hbm>>
      %dma_start3A_1614 = tpu.memref_squeeze %dma_start3A_1613 : memref<1x112x32xf32, #tpu.memory_space<hbm>> -> memref<112x32xf32, #tpu.memory_space<hbm>>
      tpu.enqueue_dma source(%arg12 : memref<112x32xf32, #tpu.memory_space<vmem>>) target(%dma_start3A_1614 : memref<112x32xf32, #tpu.memory_space<hbm>>) target_semaphore(%arg13 : memref<!tpu.dma_semaphore, #tpu.memory_space<semaphore_mem>>)
      %dma_wait3A_1615 = arith.constant 0 : i32
      %dma_wait3A_1616 = arith.constant 0 : i32
      %dma_wait3A_1617 = arith.constant 0 : i32
      %dma_wait3A_1618 = tpu.memref_slice %arg11[%dma_wait3A_1615, %dma_wait3A_1616, %dma_wait3A_1617] : memref<7x112x96xf32, #tpu.memory_space<vmem>> -> memref<1x112x96xf32, #tpu.memory_space<vmem>>
      %dma_wait3A_1619 = tpu.memref_squeeze %dma_wait3A_1618 : memref<1x112x96xf32, #tpu.memory_space<vmem>> -> memref<112x96xf32, #tpu.memory_space<vmem>>
      %dma_wait3A_1620 = arith.constant 0 : i32
      %dma_wait3A_1621 = arith.constant 0 : i32
      %dma_wait3A_1622 = tpu.memref_slice %arg6[%add3A_16, %dma_wait3A_1620, %dma_wait3A_1621] : memref<256x784x128xf32, #tpu.memory_space<hbm>> -> memref<1x112x96xf32, #tpu.memory_space<hbm>>
      %dma_wait3A_1623 = tpu.memref_squeeze %dma_wait3A_1622 : memref<1x112x96xf32, #tpu.memory_space<hbm>> -> memref<112x96xf32, #tpu.memory_space<hbm>>
      %dma_wait3A_1624 = arith.constant 0 : i32
      %dma_wait3A_1625 = arith.constant 0 : i32
      %dma_wait3A_1626 = tpu.memref_slice %arg6[%add3A_16, %dma_wait3A_1624, %dma_wait3A_1625] : memref<256x784x128xf32, #tpu.memory_space<hbm>> -> memref<1x112x96xf32, #tpu.memory_space<hbm>>
      %dma_wait3A_1627 = tpu.memref_squeeze %dma_wait3A_1626 : memref<1x112x96xf32, #tpu.memory_space<hbm>> -> memref<112x96xf32, #tpu.memory_space<hbm>>
      %dma_wait3A_1628 = arith.constant 0 : i32
      %dma_wait3A_1629 = arith.constant 0 : i32
      %dma_wait3A_1630 = tpu.memref_slice %arg11[%dma_wait3A_1615, %dma_wait3A_1628, %dma_wait3A_1629] : memref<7x112x96xf32, #tpu.memory_space<vmem>> -> memref<1x112x96xf32, #tpu.memory_space<vmem>>
      %dma_wait3A_1631 = tpu.memref_squeeze %dma_wait3A_1630 : memref<1x112x96xf32, #tpu.memory_space<vmem>> -> memref<112x96xf32, #tpu.memory_space<vmem>>
      tpu.wait_dma2 semaphore(%arg13 : memref<!tpu.dma_semaphore, #tpu.memory_space<semaphore_mem>>) src(%dma_wait3A_1631 : memref<112x96xf32, #tpu.memory_space<vmem>>) dst(%dma_wait3A_1627 : memref<112x96xf32, #tpu.memory_space<hbm>>)
      %dma_wait3A_1632 = arith.constant 1 : i32
      %dma_wait3A_1633 = arith.constant 0 : i32
      %dma_wait3A_1634 = arith.constant 0 : i32
      %dma_wait3A_1635 = tpu.memref_slice %arg11[%dma_wait3A_1632, %dma_wait3A_1633, %dma_wait3A_1634] : memref<7x112x96xf32, #tpu.memory_space<vmem>> -> memref<1x112x96xf32, #tpu.memory_space<vmem>>
      %dma_wait3A_1636 = tpu.memref_squeeze %dma_wait3A_1635 : memref<1x112x96xf32, #tpu.memory_space<vmem>> -> memref<112x96xf32, #tpu.memory_space<vmem>>
      %dma_wait3A_1637 = arith.constant 112 : i32
      %dma_wait3A_1638 = arith.constant 0 : i32
      %dma_wait3A_1639 = tpu.memref_slice %arg6[%add3A_16, %dma_wait3A_1637, %dma_wait3A_1638] : memref<256x784x128xf32, #tpu.memory_space<hbm>> -> memref<1x112x96xf32, #tpu.memory_space<hbm>>
      %dma_wait3A_1640 = tpu.memref_squeeze %dma_wait3A_1639 : memref<1x112x96xf32, #tpu.memory_space<hbm>> -> memref<112x96xf32, #tpu.memory_space<hbm>>
      %dma_wait3A_1641 = arith.constant 112 : i32
      %dma_wait3A_1642 = arith.constant 0 : i32
      %dma_wait3A_1643 = tpu.memref_slice %arg6[%add3A_16, %dma_wait3A_1641, %dma_wait3A_1642] : memref<256x784x128xf32, #tpu.memory_space<hbm>> -> memref<1x112x96xf32, #tpu.memory_space<hbm>>
      %dma_wait3A_1644 = tpu.memref_squeeze %dma_wait3A_1643 : memref<1x112x96xf32, #tpu.memory_space<hbm>> -> memref<112x96xf32, #tpu.memory_space<hbm>>
      %dma_wait3A_1645 = arith.constant 0 : i32
      %dma_wait3A_1646 = arith.constant 0 : i32
      %dma_wait3A_1647 = tpu.memref_slice %arg11[%dma_wait3A_1632, %dma_wait3A_1645, %dma_wait3A_1646] : memref<7x112x96xf32, #tpu.memory_space<vmem>> -> memref<1x112x96xf32, #tpu.memory_space<vmem>>
      %dma_wait3A_1648 = tpu.memref_squeeze %dma_wait3A_1647 : memref<1x112x96xf32, #tpu.memory_space<vmem>> -> memref<112x96xf32, #tpu.memory_space<vmem>>
      tpu.wait_dma2 semaphore(%arg13 : memref<!tpu.dma_semaphore, #tpu.memory_space<semaphore_mem>>) src(%dma_wait3A_1648 : memref<112x96xf32, #tpu.memory_space<vmem>>) dst(%dma_wait3A_1644 : memref<112x96xf32, #tpu.memory_space<hbm>>)
      %dma_wait3A_1649 = arith.constant 2 : i32
      %dma_wait3A_1650 = arith.constant 0 : i32
      %dma_wait3A_1651 = arith.constant 0 : i32
      %dma_wait3A_1652 = tpu.memref_slice %arg11[%dma_wait3A_1649, %dma_wait3A_1650, %dma_wait3A_1651] : memref<7x112x96xf32, #tpu.memory_space<vmem>> -> memref<1x112x96xf32, #tpu.memory_space<vmem>>
      %dma_wait3A_1653 = tpu.memref_squeeze %dma_wait3A_1652 : memref<1x112x96xf32, #tpu.memory_space<vmem>> -> memref<112x96xf32, #tpu.memory_space<vmem>>
      %dma_wait3A_1654 = arith.constant 224 : i32
      %dma_wait3A_1655 = arith.constant 0 : i32
      %dma_wait3A_1656 = tpu.memref_slice %arg6[%add3A_16, %dma_wait3A_1654, %dma_wait3A_1655] : memref<256x784x128xf32, #tpu.memory_space<hbm>> -> memref<1x112x96xf32, #tpu.memory_space<hbm>>
      %dma_wait3A_1657 = tpu.memref_squeeze %dma_wait3A_1656 : memref<1x112x96xf32, #tpu.memory_space<hbm>> -> memref<112x96xf32, #tpu.memory_space<hbm>>
      %dma_wait3A_1658 = arith.constant 224 : i32
      %dma_wait3A_1659 = arith.constant 0 : i32
      %dma_wait3A_1660 = tpu.memref_slice %arg6[%add3A_16, %dma_wait3A_1658, %dma_wait3A_1659] : memref<256x784x128xf32, #tpu.memory_space<hbm>> -> memref<1x112x96xf32, #tpu.memory_space<hbm>>
      %dma_wait3A_1661 = tpu.memref_squeeze %dma_wait3A_1660 : memref<1x112x96xf32, #tpu.memory_space<hbm>> -> memref<112x96xf32, #tpu.memory_space<hbm>>
      %dma_wait3A_1662 = arith.constant 0 : i32
      %dma_wait3A_1663 = arith.constant 0 : i32
      %dma_wait3A_1664 = tpu.memref_slice %arg11[%dma_wait3A_1649, %dma_wait3A_1662, %dma_wait3A_1663] : memref<7x112x96xf32, #tpu.memory_space<vmem>> -> memref<1x112x96xf32, #tpu.memory_space<vmem>>
      %dma_wait3A_1665 = tpu.memref_squeeze %dma_wait3A_1664 : memref<1x112x96xf32, #tpu.memory_space<vmem>> -> memref<112x96xf32, #tpu.memory_space<vmem>>
      tpu.wait_dma2 semaphore(%arg13 : memref<!tpu.dma_semaphore, #tpu.memory_space<semaphore_mem>>) src(%dma_wait3A_1665 : memref<112x96xf32, #tpu.memory_space<vmem>>) dst(%dma_wait3A_1661 : memref<112x96xf32, #tpu.memory_space<hbm>>)
      %dma_wait3A_1666 = arith.constant 3 : i32
      %dma_wait3A_1667 = arith.constant 0 : i32
      %dma_wait3A_1668 = arith.constant 0 : i32
      %dma_wait3A_1669 = tpu.memref_slice %arg11[%dma_wait3A_1666, %dma_wait3A_1667, %dma_wait3A_1668] : memref<7x112x96xf32, #tpu.memory_space<vmem>> -> memref<1x112x96xf32, #tpu.memory_space<vmem>>
      %dma_wait3A_1670 = tpu.memref_squeeze %dma_wait3A_1669 : memref<1x112x96xf32, #tpu.memory_space<vmem>> -> memref<112x96xf32, #tpu.memory_space<vmem>>
      %dma_wait3A_1671 = arith.constant 336 : i32
      %dma_wait3A_1672 = arith.constant 0 : i32
      %dma_wait3A_1673 = tpu.memref_slice %arg6[%add3A_16, %dma_wait3A_1671, %dma_wait3A_1672] : memref<256x784x128xf32, #tpu.memory_space<hbm>> -> memref<1x112x96xf32, #tpu.memory_space<hbm>>
      %dma_wait3A_1674 = tpu.memref_squeeze %dma_wait3A_1673 : memref<1x112x96xf32, #tpu.memory_space<hbm>> -> memref<112x96xf32, #tpu.memory_space<hbm>>
      %dma_wait3A_1675 = arith.constant 336 : i32
      %dma_wait3A_1676 = arith.constant 0 : i32
      %dma_wait3A_1677 = tpu.memref_slice %arg6[%add3A_16, %dma_wait3A_1675, %dma_wait3A_1676] : memref<256x784x128xf32, #tpu.memory_space<hbm>> -> memref<1x112x96xf32, #tpu.memory_space<hbm>>
      %dma_wait3A_1678 = tpu.memref_squeeze %dma_wait3A_1677 : memref<1x112x96xf32, #tpu.memory_space<hbm>> -> memref<112x96xf32, #tpu.memory_space<hbm>>
      %dma_wait3A_1679 = arith.constant 0 : i32
      %dma_wait3A_1680 = arith.constant 0 : i32
      %dma_wait3A_1681 = tpu.memref_slice %arg11[%dma_wait3A_1666, %dma_wait3A_1679, %dma_wait3A_1680] : memref<7x112x96xf32, #tpu.memory_space<vmem>> -> memref<1x112x96xf32, #tpu.memory_space<vmem>>
      %dma_wait3A_1682 = tpu.memref_squeeze %dma_wait3A_1681 : memref<1x112x96xf32, #tpu.memory_space<vmem>> -> memref<112x96xf32, #tpu.memory_space<vmem>>
      tpu.wait_dma2 semaphore(%arg13 : memref<!tpu.dma_semaphore, #tpu.memory_space<semaphore_mem>>) src(%dma_wait3A_1682 : memref<112x96xf32, #tpu.memory_space<vmem>>) dst(%dma_wait3A_1678 : memref<112x96xf32, #tpu.memory_space<hbm>>)
      %dma_wait3A_1683 = arith.constant 4 : i32
      %dma_wait3A_1684 = arith.constant 0 : i32
      %dma_wait3A_1685 = arith.constant 0 : i32
      %dma_wait3A_1686 = tpu.memref_slice %arg11[%dma_wait3A_1683, %dma_wait3A_1684, %dma_wait3A_1685] : memref<7x112x96xf32, #tpu.memory_space<vmem>> -> memref<1x112x96xf32, #tpu.memory_space<vmem>>
      %dma_wait3A_1687 = tpu.memref_squeeze %dma_wait3A_1686 : memref<1x112x96xf32, #tpu.memory_space<vmem>> -> memref<112x96xf32, #tpu.memory_space<vmem>>
      %dma_wait3A_1688 = arith.constant 448 : i32
      %dma_wait3A_1689 = arith.constant 0 : i32
      %dma_wait3A_1690 = tpu.memref_slice %arg6[%add3A_16, %dma_wait3A_1688, %dma_wait3A_1689] : memref<256x784x128xf32, #tpu.memory_space<hbm>> -> memref<1x112x96xf32, #tpu.memory_space<hbm>>
      %dma_wait3A_1691 = tpu.memref_squeeze %dma_wait3A_1690 : memref<1x112x96xf32, #tpu.memory_space<hbm>> -> memref<112x96xf32, #tpu.memory_space<hbm>>
      %dma_wait3A_1692 = arith.constant 448 : i32
      %dma_wait3A_1693 = arith.constant 0 : i32
      %dma_wait3A_1694 = tpu.memref_slice %arg6[%add3A_16, %dma_wait3A_1692, %dma_wait3A_1693] : memref<256x784x128xf32, #tpu.memory_space<hbm>> -> memref<1x112x96xf32, #tpu.memory_space<hbm>>
      %dma_wait3A_1695 = tpu.memref_squeeze %dma_wait3A_1694 : memref<1x112x96xf32, #tpu.memory_space<hbm>> -> memref<112x96xf32, #tpu.memory_space<hbm>>
      %dma_wait3A_1696 = arith.constant 0 : i32
      %dma_wait3A_1697 = arith.constant 0 : i32
      %dma_wait3A_1698 = tpu.memref_slice %arg11[%dma_wait3A_1683, %dma_wait3A_1696, %dma_wait3A_1697] : memref<7x112x96xf32, #tpu.memory_space<vmem>> -> memref<1x112x96xf32, #tpu.memory_space<vmem>>
      %dma_wait3A_1699 = tpu.memref_squeeze %dma_wait3A_1698 : memref<1x112x96xf32, #tpu.memory_space<vmem>> -> memref<112x96xf32, #tpu.memory_space<vmem>>
      tpu.wait_dma2 semaphore(%arg13 : memref<!tpu.dma_semaphore, #tpu.memory_space<semaphore_mem>>) src(%dma_wait3A_1699 : memref<112x96xf32, #tpu.memory_space<vmem>>) dst(%dma_wait3A_1695 : memref<112x96xf32, #tpu.memory_space<hbm>>)
      %dma_wait3A_1700 = arith.constant 5 : i32
      %dma_wait3A_1701 = arith.constant 0 : i32
      %dma_wait3A_1702 = arith.constant 0 : i32
      %dma_wait3A_1703 = tpu.memref_slice %arg11[%dma_wait3A_1700, %dma_wait3A_1701, %dma_wait3A_1702] : memref<7x112x96xf32, #tpu.memory_space<vmem>> -> memref<1x112x96xf32, #tpu.memory_space<vmem>>
      %dma_wait3A_1704 = tpu.memref_squeeze %dma_wait3A_1703 : memref<1x112x96xf32, #tpu.memory_space<vmem>> -> memref<112x96xf32, #tpu.memory_space<vmem>>
      %dma_wait3A_1705 = arith.constant 560 : i32
      %dma_wait3A_1706 = arith.constant 0 : i32
      %dma_wait3A_1707 = tpu.memref_slice %arg6[%add3A_16, %dma_wait3A_1705, %dma_wait3A_1706] : memref<256x784x128xf32, #tpu.memory_space<hbm>> -> memref<1x112x96xf32, #tpu.memory_space<hbm>>
      %dma_wait3A_1708 = tpu.memref_squeeze %dma_wait3A_1707 : memref<1x112x96xf32, #tpu.memory_space<hbm>> -> memref<112x96xf32, #tpu.memory_space<hbm>>
      %dma_wait3A_1709 = arith.constant 560 : i32
      %dma_wait3A_1710 = arith.constant 0 : i32
      %dma_wait3A_1711 = tpu.memref_slice %arg6[%add3A_16, %dma_wait3A_1709, %dma_wait3A_1710] : memref<256x784x128xf32, #tpu.memory_space<hbm>> -> memref<1x112x96xf32, #tpu.memory_space<hbm>>
      %dma_wait3A_1712 = tpu.memref_squeeze %dma_wait3A_1711 : memref<1x112x96xf32, #tpu.memory_space<hbm>> -> memref<112x96xf32, #tpu.memory_space<hbm>>
      %dma_wait3A_1713 = arith.constant 0 : i32
      %dma_wait3A_1714 = arith.constant 0 : i32
      %dma_wait3A_1715 = tpu.memref_slice %arg11[%dma_wait3A_1700, %dma_wait3A_1713, %dma_wait3A_1714] : memref<7x112x96xf32, #tpu.memory_space<vmem>> -> memref<1x112x96xf32, #tpu.memory_space<vmem>>
      %dma_wait3A_1716 = tpu.memref_squeeze %dma_wait3A_1715 : memref<1x112x96xf32, #tpu.memory_space<vmem>> -> memref<112x96xf32, #tpu.memory_space<vmem>>
      tpu.wait_dma2 semaphore(%arg13 : memref<!tpu.dma_semaphore, #tpu.memory_space<semaphore_mem>>) src(%dma_wait3A_1716 : memref<112x96xf32, #tpu.memory_space<vmem>>) dst(%dma_wait3A_1712 : memref<112x96xf32, #tpu.memory_space<hbm>>)
      %dma_wait3A_1717 = arith.constant 6 : i32
      %dma_wait3A_1718 = arith.constant 0 : i32
      %dma_wait3A_1719 = arith.constant 0 : i32
      %dma_wait3A_1720 = tpu.memref_slice %arg11[%dma_wait3A_1717, %dma_wait3A_1718, %dma_wait3A_1719] : memref<7x112x96xf32, #tpu.memory_space<vmem>> -> memref<1x112x96xf32, #tpu.memory_space<vmem>>
      %dma_wait3A_1721 = tpu.memref_squeeze %dma_wait3A_1720 : memref<1x112x96xf32, #tpu.memory_space<vmem>> -> memref<112x96xf32, #tpu.memory_space<vmem>>
      %dma_wait3A_1722 = arith.constant 672 : i32
      %dma_wait3A_1723 = arith.constant 0 : i32
      %dma_wait3A_1724 = tpu.memref_slice %arg6[%add3A_16, %dma_wait3A_1722, %dma_wait3A_1723] : memref<256x784x128xf32, #tpu.memory_space<hbm>> -> memref<1x112x96xf32, #tpu.memory_space<hbm>>
      %dma_wait3A_1725 = tpu.memref_squeeze %dma_wait3A_1724 : memref<1x112x96xf32, #tpu.memory_space<hbm>> -> memref<112x96xf32, #tpu.memory_space<hbm>>
      %dma_wait3A_1726 = arith.constant 672 : i32
      %dma_wait3A_1727 = arith.constant 0 : i32
      %dma_wait3A_1728 = tpu.memref_slice %arg6[%add3A_16, %dma_wait3A_1726, %dma_wait3A_1727] : memref<256x784x128xf32, #tpu.memory_space<hbm>> -> memref<1x112x96xf32, #tpu.memory_space<hbm>>
      %dma_wait3A_1729 = tpu.memref_squeeze %dma_wait3A_1728 : memref<1x112x96xf32, #tpu.memory_space<hbm>> -> memref<112x96xf32, #tpu.memory_space<hbm>>
      %dma_wait3A_1730 = arith.constant 0 : i32
      %dma_wait3A_1731 = arith.constant 0 : i32
      %dma_wait3A_1732 = tpu.memref_slice %arg11[%dma_wait3A_1717, %dma_wait3A_1730, %dma_wait3A_1731] : memref<7x112x96xf32, #tpu.memory_space<vmem>> -> memref<1x112x96xf32, #tpu.memory_space<vmem>>
      %dma_wait3A_1733 = tpu.memref_squeeze %dma_wait3A_1732 : memref<1x112x96xf32, #tpu.memory_space<vmem>> -> memref<112x96xf32, #tpu.memory_space<vmem>>
      tpu.wait_dma2 semaphore(%arg13 : memref<!tpu.dma_semaphore, #tpu.memory_space<semaphore_mem>>) src(%dma_wait3A_1733 : memref<112x96xf32, #tpu.memory_space<vmem>>) dst(%dma_wait3A_1729 : memref<112x96xf32, #tpu.memory_space<hbm>>)
      %dma_wait3A_1734 = arith.constant 0 : i32
      %dma_wait3A_1735 = arith.constant 96 : i32
      %dma_wait3A_1736 = tpu.memref_slice %arg6[%add3A_16, %dma_wait3A_1734, %dma_wait3A_1735] : memref<256x784x128xf32, #tpu.memory_space<hbm>> -> memref<1x112x32xf32, #tpu.memory_space<hbm>>
      %dma_wait3A_1737 = tpu.memref_squeeze %dma_wait3A_1736 : memref<1x112x32xf32, #tpu.memory_space<hbm>> -> memref<112x32xf32, #tpu.memory_space<hbm>>
      %dma_wait3A_1738 = arith.constant 0 : i32
      %dma_wait3A_1739 = arith.constant 96 : i32
      %dma_wait3A_1740 = tpu.memref_slice %arg6[%add3A_16, %dma_wait3A_1738, %dma_wait3A_1739] : memref<256x784x128xf32, #tpu.memory_space<hbm>> -> memref<1x112x32xf32, #tpu.memory_space<hbm>>
      %dma_wait3A_1741 = tpu.memref_squeeze %dma_wait3A_1740 : memref<1x112x32xf32, #tpu.memory_space<hbm>> -> memref<112x32xf32, #tpu.memory_space<hbm>>
      tpu.wait_dma2 semaphore(%arg13 : memref<!tpu.dma_semaphore, #tpu.memory_space<semaphore_mem>>) src(%arg12 : memref<112x32xf32, #tpu.memory_space<vmem>>) dst(%dma_wait3A_1741 : memref<112x32xf32, #tpu.memory_space<hbm>>)
      %dma_wait3A_1742 = arith.constant 112 : i32
      %dma_wait3A_1743 = arith.constant 96 : i32
      %dma_wait3A_1744 = tpu.memref_slice %arg6[%add3A_16, %dma_wait3A_1742, %dma_wait3A_1743] : memref<256x784x128xf32, #tpu.memory_space<hbm>> -> memref<1x112x32xf32, #tpu.memory_space<hbm>>
      %dma_wait3A_1745 = tpu.memref_squeeze %dma_wait3A_1744 : memref<1x112x32xf32, #tpu.memory_space<hbm>> -> memref<112x32xf32, #tpu.memory_space<hbm>>
      %dma_wait3A_1746 = arith.constant 112 : i32
      %dma_wait3A_1747 = arith.constant 96 : i32
      %dma_wait3A_1748 = tpu.memref_slice %arg6[%add3A_16, %dma_wait3A_1746, %dma_wait3A_1747] : memref<256x784x128xf32, #tpu.memory_space<hbm>> -> memref<1x112x32xf32, #tpu.memory_space<hbm>>
      %dma_wait3A_1749 = tpu.memref_squeeze %dma_wait3A_1748 : memref<1x112x32xf32, #tpu.memory_space<hbm>> -> memref<112x32xf32, #tpu.memory_space<hbm>>
      tpu.wait_dma2 semaphore(%arg13 : memref<!tpu.dma_semaphore, #tpu.memory_space<semaphore_mem>>) src(%arg12 : memref<112x32xf32, #tpu.memory_space<vmem>>) dst(%dma_wait3A_1749 : memref<112x32xf32, #tpu.memory_space<hbm>>)
      %dma_wait3A_1750 = arith.constant 224 : i32
      %dma_wait3A_1751 = arith.constant 96 : i32
      %dma_wait3A_1752 = tpu.memref_slice %arg6[%add3A_16, %dma_wait3A_1750, %dma_wait3A_1751] : memref<256x784x128xf32, #tpu.memory_space<hbm>> -> memref<1x112x32xf32, #tpu.memory_space<hbm>>
      %dma_wait3A_1753 = tpu.memref_squeeze %dma_wait3A_1752 : memref<1x112x32xf32, #tpu.memory_space<hbm>> -> memref<112x32xf32, #tpu.memory_space<hbm>>
      %dma_wait3A_1754 = arith.constant 224 : i32
      %dma_wait3A_1755 = arith.constant 96 : i32
      %dma_wait3A_1756 = tpu.memref_slice %arg6[%add3A_16, %dma_wait3A_1754, %dma_wait3A_1755] : memref<256x784x128xf32, #tpu.memory_space<hbm>> -> memref<1x112x32xf32, #tpu.memory_space<hbm>>
      %dma_wait3A_1757 = tpu.memref_squeeze %dma_wait3A_1756 : memref<1x112x32xf32, #tpu.memory_space<hbm>> -> memref<112x32xf32, #tpu.memory_space<hbm>>
      tpu.wait_dma2 semaphore(%arg13 : memref<!tpu.dma_semaphore, #tpu.memory_space<semaphore_mem>>) src(%arg12 : memref<112x32xf32, #tpu.memory_space<vmem>>) dst(%dma_wait3A_1757 : memref<112x32xf32, #tpu.memory_space<hbm>>)
      %dma_wait3A_1758 = arith.constant 336 : i32
      %dma_wait3A_1759 = arith.constant 96 : i32
      %dma_wait3A_1760 = tpu.memref_slice %arg6[%add3A_16, %dma_wait3A_1758, %dma_wait3A_1759] : memref<256x784x128xf32, #tpu.memory_space<hbm>> -> memref<1x112x32xf32, #tpu.memory_space<hbm>>
      %dma_wait3A_1761 = tpu.memref_squeeze %dma_wait3A_1760 : memref<1x112x32xf32, #tpu.memory_space<hbm>> -> memref<112x32xf32, #tpu.memory_space<hbm>>
      %dma_wait3A_1762 = arith.constant 336 : i32
      %dma_wait3A_1763 = arith.constant 96 : i32
      %dma_wait3A_1764 = tpu.memref_slice %arg6[%add3A_16, %dma_wait3A_1762, %dma_wait3A_1763] : memref<256x784x128xf32, #tpu.memory_space<hbm>> -> memref<1x112x32xf32, #tpu.memory_space<hbm>>
      %dma_wait3A_1765 = tpu.memref_squeeze %dma_wait3A_1764 : memref<1x112x32xf32, #tpu.memory_space<hbm>> -> memref<112x32xf32, #tpu.memory_space<hbm>>
      tpu.wait_dma2 semaphore(%arg13 : memref<!tpu.dma_semaphore, #tpu.memory_space<semaphore_mem>>) src(%arg12 : memref<112x32xf32, #tpu.memory_space<vmem>>) dst(%dma_wait3A_1765 : memref<112x32xf32, #tpu.memory_space<hbm>>)
      %dma_wait3A_1766 = arith.constant 448 : i32
      %dma_wait3A_1767 = arith.constant 96 : i32
      %dma_wait3A_1768 = tpu.memref_slice %arg6[%add3A_16, %dma_wait3A_1766, %dma_wait3A_1767] : memref<256x784x128xf32, #tpu.memory_space<hbm>> -> memref<1x112x32xf32, #tpu.memory_space<hbm>>
      %dma_wait3A_1769 = tpu.memref_squeeze %dma_wait3A_1768 : memref<1x112x32xf32, #tpu.memory_space<hbm>> -> memref<112x32xf32, #tpu.memory_space<hbm>>
      %dma_wait3A_1770 = arith.constant 448 : i32
      %dma_wait3A_1771 = arith.constant 96 : i32
      %dma_wait3A_1772 = tpu.memref_slice %arg6[%add3A_16, %dma_wait3A_1770, %dma_wait3A_1771] : memref<256x784x128xf32, #tpu.memory_space<hbm>> -> memref<1x112x32xf32, #tpu.memory_space<hbm>>
      %dma_wait3A_1773 = tpu.memref_squeeze %dma_wait3A_1772 : memref<1x112x32xf32, #tpu.memory_space<hbm>> -> memref<112x32xf32, #tpu.memory_space<hbm>>
      tpu.wait_dma2 semaphore(%arg13 : memref<!tpu.dma_semaphore, #tpu.memory_space<semaphore_mem>>) src(%arg12 : memref<112x32xf32, #tpu.memory_space<vmem>>) dst(%dma_wait3A_1773 : memref<112x32xf32, #tpu.memory_space<hbm>>)
      %dma_wait3A_1774 = arith.constant 560 : i32
      %dma_wait3A_1775 = arith.constant 96 : i32
      %dma_wait3A_1776 = tpu.memref_slice %arg6[%add3A_16, %dma_wait3A_1774, %dma_wait3A_1775] : memref<256x784x128xf32, #tpu.memory_space<hbm>> -> memref<1x112x32xf32, #tpu.memory_space<hbm>>
      %dma_wait3A_1777 = tpu.memref_squeeze %dma_wait3A_1776 : memref<1x112x32xf32, #tpu.memory_space<hbm>> -> memref<112x32xf32, #tpu.memory_space<hbm>>
      %dma_wait3A_1778 = arith.constant 560 : i32
      %dma_wait3A_1779 = arith.constant 96 : i32
      %dma_wait3A_1780 = tpu.memref_slice %arg6[%add3A_16, %dma_wait3A_1778, %dma_wait3A_1779] : memref<256x784x128xf32, #tpu.memory_space<hbm>> -> memref<1x112x32xf32, #tpu.memory_space<hbm>>
      %dma_wait3A_1781 = tpu.memref_squeeze %dma_wait3A_1780 : memref<1x112x32xf32, #tpu.memory_space<hbm>> -> memref<112x32xf32, #tpu.memory_space<hbm>>
      tpu.wait_dma2 semaphore(%arg13 : memref<!tpu.dma_semaphore, #tpu.memory_space<semaphore_mem>>) src(%arg12 : memref<112x32xf32, #tpu.memory_space<vmem>>) dst(%dma_wait3A_1781 : memref<112x32xf32, #tpu.memory_space<hbm>>)
      %dma_wait3A_1782 = arith.constant 672 : i32
      %dma_wait3A_1783 = arith.constant 96 : i32
      %dma_wait3A_1784 = tpu.memref_slice %arg6[%add3A_16, %dma_wait3A_1782, %dma_wait3A_1783] : memref<256x784x128xf32, #tpu.memory_space<hbm>> -> memref<1x112x32xf32, #tpu.memory_space<hbm>>
      %dma_wait3A_1785 = tpu.memref_squeeze %dma_wait3A_1784 : memref<1x112x32xf32, #tpu.memory_space<hbm>> -> memref<112x32xf32, #tpu.memory_space<hbm>>
      %dma_wait3A_1786 = arith.constant 672 : i32
      %dma_wait3A_1787 = arith.constant 96 : i32
      %dma_wait3A_1788 = tpu.memref_slice %arg6[%add3A_16, %dma_wait3A_1786, %dma_wait3A_1787] : memref<256x784x128xf32, #tpu.memory_space<hbm>> -> memref<1x112x32xf32, #tpu.memory_space<hbm>>
      %dma_wait3A_1789 = tpu.memref_squeeze %dma_wait3A_1788 : memref<1x112x32xf32, #tpu.memory_space<hbm>> -> memref<112x32xf32, #tpu.memory_space<hbm>>
      tpu.wait_dma2 semaphore(%arg13 : memref<!tpu.dma_semaphore, #tpu.memory_space<semaphore_mem>>) src(%arg12 : memref<112x32xf32, #tpu.memory_space<vmem>>) dst(%dma_wait3A_1789 : memref<112x32xf32, #tpu.memory_space<hbm>>)
    }
    %scan3A_12 = arith.constant 8 : i32
    return
  }
}

#map = affine_map<(d0, d1) -> (0, 0)>
#map1 = affine_map<(d0, d1) -> (0)>
#map2 = affine_map<(d0, d1) -> (0, 0, 0)>
module attributes {stable_mosaic.version = 14 : i64} {
  func.func @_sc_gather_body(%arg0: i32, %arg1: i32, %arg2: memref<524288x96xf32, #tpu.memory_space<hbm>>, %arg3: memref<4096xi32, #tpu.memory_space<hbm>>, %arg4: memref<4096xi32, #tpu.memory_space<hbm>>, %arg5: memref<4096xi32, #tpu.memory_space<hbm>>, %arg6: memref<256x784x128xf32, #tpu.memory_space<hbm>>, %arg7: memref<16xi32, #tpu.memory_space<vmem>>, %arg8: memref<16xi32, #tpu.memory_space<vmem>>, %arg9: memref<16xi32, #tpu.memory_space<vmem>>, %arg10: memref<784xi32, #tpu.memory_space<vmem>>, %arg11: memref<7x112x96xf32, #tpu.memory_space<vmem>>, %arg12: memref<112x32xf32, #tpu.memory_space<vmem>>, %arg13: memref<!tpu.dma_semaphore, #tpu.memory_space<semaphore_mem>>) attributes {dimension_semantics = [#tpu.dimension_semantics<core_parallel>, #tpu.dimension_semantics<subcore_parallel>], iteration_bounds = array<i64: 2, 16>, scalar_prefetch = 0 : i64, scratch_operands = 7 : i64, tpu.core_type = #tpu.core_type<sc_vector_subcore>, window_params = [{transform_indices = #map}, {transform_indices = #map1}, {transform_indices = #map1}, {transform_indices = #map1}, {transform_indices = #map2}]} {
    %mul3A = arith.constant 2 : i32
    %mul3A_0 = arith.muli %arg1, %mul3A : i32
    %add3A = arith.addi %mul3A_0, %arg0 : i32
    %iota3A = tpu.iota {dimensions = array<i32: 0>} : vector<16xi32>
    %broadcast_in_dim3A = arith.constant 0.000000e+00 : f32
    %broadcast_in_dim3A_1 = vector.broadcast %broadcast_in_dim3A : f32 to vector<16xf32>
    %scan3A = arith.constant 0 : i32
    %scan3A_2 = arith.constant 0 : i32
    %scan3A_3 = arith.constant 112 : i32
    %scan3A_4 = arith.addi %scan3A_2, %scan3A_3 : i32
    %scan3A_5 = arith.constant 1 : i32
    scf.for %scan3A_13 = %scan3A_2 to %scan3A_4 step %scan3A_5  : i32 {
      %swap3A = arith.index_cast %scan3A_13 : i32 to index
      %swap3A_14 = arith.constant 0 : index
      %swap3A_15 = tpu.vector_load %arg12[%swap3A, %swap3A_14] {strides = array<i32>} : memref<112x32xf32, #tpu.memory_space<vmem>>, vector<16xf32>,
      tpu.vector_store %arg12[%swap3A, %swap3A_14], %broadcast_in_dim3A_1 {strides = array<i32>} : memref<112x32xf32, #tpu.memory_space<vmem>>, vector<16xf32>,
      %swap3A_16 = arith.index_cast %scan3A_13 : i32 to index
      %swap3A_17 = arith.constant 16 : index
      %swap3A_18 = tpu.vector_load %arg12[%swap3A_16, %swap3A_17] {strides = array<i32>} : memref<112x32xf32, #tpu.memory_space<vmem>>, vector<16xf32>,
      tpu.vector_store %arg12[%swap3A_16, %swap3A_17], %broadcast_in_dim3A_1 {strides = array<i32>} : memref<112x32xf32, #tpu.memory_space<vmem>>, vector<16xf32>,
    }
    %scan3A_6 = arith.constant 112 : i32
    %scan3A_7 = arith.constant 0 : i32
    %scan3A_8 = arith.constant 0 : i32
    %scan3A_9 = arith.constant 8 : i32
    %scan3A_10 = arith.addi %scan3A_8, %scan3A_9 : i32
    %scan3A_11 = arith.constant 1 : i32
    scf.for %scan3A_13 = %scan3A_8 to %scan3A_10 step %scan3A_11  : i32 {
      %mul3A_14 = arith.constant 8 : i32
      %mul3A_15 = arith.muli %add3A, %mul3A_14 : i32
      %add3A_16 = arith.addi %mul3A_15, %scan3A_13 : i32
      %mul3A_17 = arith.constant 16 : i32
      %mul3A_18 = arith.muli %add3A_16, %mul3A_17 : i32
      "tpu.region"() ({
        %run_scoped3A = tpu.sem_alloc : memref<!tpu.dma_semaphore, #tpu.memory_space<semaphore_mem>>
        %dma_start3A_1790 = tpu.memref_slice %arg3[%mul3A_18] : memref<4096xi32, #tpu.memory_space<hbm>> -> memref<16xi32, #tpu.memory_space<hbm>>
        %dma_start3A_1791 = tpu.memref_slice %arg3[%mul3A_18] : memref<4096xi32, #tpu.memory_space<hbm>> -> memref<16xi32, #tpu.memory_space<hbm>>
        tpu.enqueue_dma source(%dma_start3A_1791 : memref<16xi32, #tpu.memory_space<hbm>>) target(%arg7 : memref<16xi32, #tpu.memory_space<vmem>>) target_semaphore(%run_scoped3A : memref<!tpu.dma_semaphore, #tpu.memory_space<semaphore_mem>>)
        %dma_wait3A_1792 = tpu.memref_slice %arg3[%mul3A_18] : memref<4096xi32, #tpu.memory_space<hbm>> -> memref<16xi32, #tpu.memory_space<hbm>>
        %dma_wait3A_1793 = tpu.memref_slice %arg3[%mul3A_18] : memref<4096xi32, #tpu.memory_space<hbm>> -> memref<16xi32, #tpu.memory_space<hbm>>
        tpu.wait_dma2 semaphore(%run_scoped3A : memref<!tpu.dma_semaphore, #tpu.memory_space<semaphore_mem>>) src(%dma_wait3A_1793 : memref<16xi32, #tpu.memory_space<hbm>>) dst(%arg7 : memref<16xi32, #tpu.memory_space<vmem>>)
        tpu.yield
      }) : () -> ()
      "tpu.region"() ({
        %run_scoped3A = tpu.sem_alloc : memref<!tpu.dma_semaphore, #tpu.memory_space<semaphore_mem>>
        %dma_start3A_1790 = tpu.memref_slice %arg4[%mul3A_18] : memref<4096xi32, #tpu.memory_space<hbm>> -> memref<16xi32, #tpu.memory_space<hbm>>
        %dma_start3A_1791 = tpu.memref_slice %arg4[%mul3A_18] : memref<4096xi32, #tpu.memory_space<hbm>> -> memref<16xi32, #tpu.memory_space<hbm>>
        tpu.enqueue_dma source(%dma_start3A_1791 : memref<16xi32, #tpu.memory_space<hbm>>) target(%arg8 : memref<16xi32, #tpu.memory_space<vmem>>) target_semaphore(%run_scoped3A : memref<!tpu.dma_semaphore, #tpu.memory_space<semaphore_mem>>)
        %dma_wait3A_1792 = tpu.memref_slice %arg4[%mul3A_18] : memref<4096xi32, #tpu.memory_space<hbm>> -> memref<16xi32, #tpu.memory_space<hbm>>
        %dma_wait3A_1793 = tpu.memref_slice %arg4[%mul3A_18] : memref<4096xi32, #tpu.memory_space<hbm>> -> memref<16xi32, #tpu.memory_space<hbm>>
        tpu.wait_dma2 semaphore(%run_scoped3A : memref<!tpu.dma_semaphore, #tpu.memory_space<semaphore_mem>>) src(%dma_wait3A_1793 : memref<16xi32, #tpu.memory_space<hbm>>) dst(%arg8 : memref<16xi32, #tpu.memory_space<vmem>>)
        tpu.yield
      }) : () -> ()
      "tpu.region"() ({
        %run_scoped3A = tpu.sem_alloc : memref<!tpu.dma_semaphore, #tpu.memory_space<semaphore_mem>>
        %dma_start3A_1790 = tpu.memref_slice %arg5[%mul3A_18] : memref<4096xi32, #tpu.memory_space<hbm>> -> memref<16xi32, #tpu.memory_space<hbm>>
        %dma_start3A_1791 = tpu.memref_slice %arg5[%mul3A_18] : memref<4096xi32, #tpu.memory_space<hbm>> -> memref<16xi32, #tpu.memory_space<hbm>>
        tpu.enqueue_dma source(%dma_start3A_1791 : memref<16xi32, #tpu.memory_space<hbm>>) target(%arg9 : memref<16xi32, #tpu.memory_space<vmem>>) target_semaphore(%run_scoped3A : memref<!tpu.dma_semaphore, #tpu.memory_space<semaphore_mem>>)
        %dma_wait3A_1792 = tpu.memref_slice %arg5[%mul3A_18] : memref<4096xi32, #tpu.memory_space<hbm>> -> memref<16xi32, #tpu.memory_space<hbm>>
        %dma_wait3A_1793 = tpu.memref_slice %arg5[%mul3A_18] : memref<4096xi32, #tpu.memory_space<hbm>> -> memref<16xi32, #tpu.memory_space<hbm>>
        tpu.wait_dma2 semaphore(%run_scoped3A : memref<!tpu.dma_semaphore, #tpu.memory_space<semaphore_mem>>) src(%dma_wait3A_1793 : memref<16xi32, #tpu.memory_space<hbm>>) dst(%arg9 : memref<16xi32, #tpu.memory_space<vmem>>)
        tpu.yield
      }) : () -> ()
      %get3A = arith.constant 0 : index
      %get3A_19 = tpu.vector_load %arg7[%get3A] {strides = array<i32>} : memref<16xi32, #tpu.memory_space<vmem>>, vector<16xi32>,
      %get3A_20 = arith.constant 0 : index
      %get3A_21 = tpu.vector_load %arg8[%get3A_20] {strides = array<i32>} : memref<16xi32, #tpu.memory_space<vmem>>, vector<16xi32>,
      %get3A_22 = arith.constant 0 : index
      %get3A_23 = tpu.vector_load %arg9[%get3A_22] {strides = array<i32>} : memref<16xi32, #tpu.memory_space<vmem>>, vector<16xi32>,
      %mul3A_24 = arith.constant 262144 : i32
      %mul3A_25 = vector.broadcast %mul3A_24 : i32 to vector<16xi32>
      %mul3A_26 = arith.muli %get3A_19, %mul3A_25 : vector<16xi32>
      %mul3A_27 = arith.constant 49 : i32
      %mul3A_28 = vector.broadcast %mul3A_27 : i32 to vector<16xi32>
      %mul3A_29 = arith.muli %iota3A, %mul3A_28 : vector<16xi32>
      %add3A_30 = arith.constant -3 : i32
      %add3A_31 = vector.broadcast %add3A_30 : i32 to vector<16xi32>
      %add3A_32 = arith.addi %get3A_21, %add3A_31 : vector<16xi32>
      %max3A = arith.constant 0 : i32
      %max3A_33 = vector.broadcast %max3A : i32 to vector<16xi32>
      %max3A_34 = arith.maxsi %add3A_32, %max3A_33 : vector<16xi32>
      %min3A = arith.constant 511 : i32
      %min3A_35 = vector.broadcast %min3A : i32 to vector<16xi32>
      %min3A_36 = arith.minsi %max3A_34, %min3A_35 : vector<16xi32>
      %add3A_37 = arith.constant -3 : i32
      %add3A_38 = vector.broadcast %add3A_37 : i32 to vector<16xi32>
      %add3A_39 = arith.addi %get3A_23, %add3A_38 : vector<16xi32>
      %max3A_40 = arith.constant 0 : i32
      %max3A_41 = vector.broadcast %max3A_40 : i32 to vector<16xi32>
      %max3A_42 = arith.maxsi %add3A_39, %max3A_41 : vector<16xi32>
      %min3A_43 = arith.constant 511 : i32
      %min3A_44 = vector.broadcast %min3A_43 : i32 to vector<16xi32>
      %min3A_45 = arith.minsi %max3A_42, %min3A_44 : vector<16xi32>
      %add3A_46 = arith.constant 0 : i32
      %add3A_47 = vector.broadcast %add3A_46 : i32 to vector<16xi32>
      %add3A_48 = arith.addi %mul3A_29, %add3A_47 : vector<16xi32>
      %mul3A_49 = arith.constant 512 : i32
      %mul3A_50 = vector.broadcast %mul3A_49 : i32 to vector<16xi32>
      %mul3A_51 = arith.muli %min3A_36, %mul3A_50 : vector<16xi32>
      %add3A_52 = arith.addi %mul3A_26, %mul3A_51 : vector<16xi32>
      %add3A_53 = arith.addi %add3A_52, %min3A_45 : vector<16xi32>
      tpu.vector_store_idx %arg10[%add3A_48], %add3A_53 : memref<784xi32, #tpu.memory_space<vmem>>[vector<16xi32>], vector<16xi32>,
      %add3A_54 = arith.constant -3 : i32
      %add3A_55 = vector.broadcast %add3A_54 : i32 to vector<16xi32>
      %add3A_56 = arith.addi %get3A_21, %add3A_55 : vector<16xi32>
      %max3A_57 = arith.constant 0 : i32
      %max3A_58 = vector.broadcast %max3A_57 : i32 to vector<16xi32>
      %max3A_59 = arith.maxsi %add3A_56, %max3A_58 : vector<16xi32>
      %min3A_60 = arith.constant 511 : i32
      %min3A_61 = vector.broadcast %min3A_60 : i32 to vector<16xi32>
      %min3A_62 = arith.minsi %max3A_59, %min3A_61 : vector<16xi32>
      %add3A_63 = arith.constant -2 : i32
      %add3A_64 = vector.broadcast %add3A_63 : i32 to vector<16xi32>
      %add3A_65 = arith.addi %get3A_23, %add3A_64 : vector<16xi32>
      %max3A_66 = arith.constant 0 : i32
      %max3A_67 = vector.broadcast %max3A_66 : i32 to vector<16xi32>
      %max3A_68 = arith.maxsi %add3A_65, %max3A_67 : vector<16xi32>
      %min3A_69 = arith.constant 511 : i32
      %min3A_70 = vector.broadcast %min3A_69 : i32 to vector<16xi32>
      %min3A_71 = arith.minsi %max3A_68, %min3A_70 : vector<16xi32>
      %add3A_72 = arith.constant 1 : i32
      %add3A_73 = vector.broadcast %add3A_72 : i32 to vector<16xi32>
      %add3A_74 = arith.addi %mul3A_29, %add3A_73 : vector<16xi32>
      %mul3A_75 = arith.constant 512 : i32
      %mul3A_76 = vector.broadcast %mul3A_75 : i32 to vector<16xi32>
      %mul3A_77 = arith.muli %min3A_62, %mul3A_76 : vector<16xi32>
      %add3A_78 = arith.addi %mul3A_26, %mul3A_77 : vector<16xi32>
      %add3A_79 = arith.addi %add3A_78, %min3A_71 : vector<16xi32>
      tpu.vector_store_idx %arg10[%add3A_74], %add3A_79 : memref<784xi32, #tpu.memory_space<vmem>>[vector<16xi32>], vector<16xi32>,
      %add3A_80 = arith.constant -3 : i32
      %add3A_81 = vector.broadcast %add3A_80 : i32 to vector<16xi32>
      %add3A_82 = arith.addi %get3A_21, %add3A_81 : vector<16xi32>
      %max3A_83 = arith.constant 0 : i32
      %max3A_84 = vector.broadcast %max3A_83 : i32 to vector<16xi32>
      %max3A_85 = arith.maxsi %add3A_82, %max3A_84 : vector<16xi32>
      %min3A_86 = arith.constant 511 : i32
      %min3A_87 = vector.broadcast %min3A_86 : i32 to vector<16xi32>
      %min3A_88 = arith.minsi %max3A_85, %min3A_87 : vector<16xi32>
      %add3A_89 = arith.constant -1 : i32
      %add3A_90 = vector.broadcast %add3A_89 : i32 to vector<16xi32>
      %add3A_91 = arith.addi %get3A_23, %add3A_90 : vector<16xi32>
      %max3A_92 = arith.constant 0 : i32
      %max3A_93 = vector.broadcast %max3A_92 : i32 to vector<16xi32>
      %max3A_94 = arith.maxsi %add3A_91, %max3A_93 : vector<16xi32>
      %min3A_95 = arith.constant 511 : i32
      %min3A_96 = vector.broadcast %min3A_95 : i32 to vector<16xi32>
      %min3A_97 = arith.minsi %max3A_94, %min3A_96 : vector<16xi32>
      %add3A_98 = arith.constant 2 : i32
      %add3A_99 = vector.broadcast %add3A_98 : i32 to vector<16xi32>
      %add3A_100 = arith.addi %mul3A_29, %add3A_99 : vector<16xi32>
      %mul3A_101 = arith.constant 512 : i32
      %mul3A_102 = vector.broadcast %mul3A_101 : i32 to vector<16xi32>
      %mul3A_103 = arith.muli %min3A_88, %mul3A_102 : vector<16xi32>
      %add3A_104 = arith.addi %mul3A_26, %mul3A_103 : vector<16xi32>
      %add3A_105 = arith.addi %add3A_104, %min3A_97 : vector<16xi32>
      tpu.vector_store_idx %arg10[%add3A_100], %add3A_105 : memref<784xi32, #tpu.memory_space<vmem>>[vector<16xi32>], vector<16xi32>,
      %add3A_106 = arith.constant -3 : i32
      %add3A_107 = vector.broadcast %add3A_106 : i32 to vector<16xi32>
      %add3A_108 = arith.addi %get3A_21, %add3A_107 : vector<16xi32>
      %max3A_109 = arith.constant 0 : i32
      %max3A_110 = vector.broadcast %max3A_109 : i32 to vector<16xi32>
      %max3A_111 = arith.maxsi %add3A_108, %max3A_110 : vector<16xi32>
      %min3A_112 = arith.constant 511 : i32
      %min3A_113 = vector.broadcast %min3A_112 : i32 to vector<16xi32>
      %min3A_114 = arith.minsi %max3A_111, %min3A_113 : vector<16xi32>
      %add3A_115 = arith.constant 0 : i32
      %add3A_116 = vector.broadcast %add3A_115 : i32 to vector<16xi32>
      %add3A_117 = arith.addi %get3A_23, %add3A_116 : vector<16xi32>
      %max3A_118 = arith.constant 0 : i32
      %max3A_119 = vector.broadcast %max3A_118 : i32 to vector<16xi32>
      %max3A_120 = arith.maxsi %add3A_117, %max3A_119 : vector<16xi32>
      %min3A_121 = arith.constant 511 : i32
      %min3A_122 = vector.broadcast %min3A_121 : i32 to vector<16xi32>
      %min3A_123 = arith.minsi %max3A_120, %min3A_122 : vector<16xi32>
      %add3A_124 = arith.constant 3 : i32
      %add3A_125 = vector.broadcast %add3A_124 : i32 to vector<16xi32>
      %add3A_126 = arith.addi %mul3A_29, %add3A_125 : vector<16xi32>
      %mul3A_127 = arith.constant 512 : i32
      %mul3A_128 = vector.broadcast %mul3A_127 : i32 to vector<16xi32>
      %mul3A_129 = arith.muli %min3A_114, %mul3A_128 : vector<16xi32>
      %add3A_130 = arith.addi %mul3A_26, %mul3A_129 : vector<16xi32>
      %add3A_131 = arith.addi %add3A_130, %min3A_123 : vector<16xi32>
      tpu.vector_store_idx %arg10[%add3A_126], %add3A_131 : memref<784xi32, #tpu.memory_space<vmem>>[vector<16xi32>], vector<16xi32>,
      %add3A_132 = arith.constant -3 : i32
      %add3A_133 = vector.broadcast %add3A_132 : i32 to vector<16xi32>
      %add3A_134 = arith.addi %get3A_21, %add3A_133 : vector<16xi32>
      %max3A_135 = arith.constant 0 : i32
      %max3A_136 = vector.broadcast %max3A_135 : i32 to vector<16xi32>
      %max3A_137 = arith.maxsi %add3A_134, %max3A_136 : vector<16xi32>
      %min3A_138 = arith.constant 511 : i32
      %min3A_139 = vector.broadcast %min3A_138 : i32 to vector<16xi32>
      %min3A_140 = arith.minsi %max3A_137, %min3A_139 : vector<16xi32>
      %add3A_141 = arith.constant 1 : i32
      %add3A_142 = vector.broadcast %add3A_141 : i32 to vector<16xi32>
      %add3A_143 = arith.addi %get3A_23, %add3A_142 : vector<16xi32>
      %max3A_144 = arith.constant 0 : i32
      %max3A_145 = vector.broadcast %max3A_144 : i32 to vector<16xi32>
      %max3A_146 = arith.maxsi %add3A_143, %max3A_145 : vector<16xi32>
      %min3A_147 = arith.constant 511 : i32
      %min3A_148 = vector.broadcast %min3A_147 : i32 to vector<16xi32>
      %min3A_149 = arith.minsi %max3A_146, %min3A_148 : vector<16xi32>
      %add3A_150 = arith.constant 4 : i32
      %add3A_151 = vector.broadcast %add3A_150 : i32 to vector<16xi32>
      %add3A_152 = arith.addi %mul3A_29, %add3A_151 : vector<16xi32>
      %mul3A_153 = arith.constant 512 : i32
      %mul3A_154 = vector.broadcast %mul3A_153 : i32 to vector<16xi32>
      %mul3A_155 = arith.muli %min3A_140, %mul3A_154 : vector<16xi32>
      %add3A_156 = arith.addi %mul3A_26, %mul3A_155 : vector<16xi32>
      %add3A_157 = arith.addi %add3A_156, %min3A_149 : vector<16xi32>
      tpu.vector_store_idx %arg10[%add3A_152], %add3A_157 : memref<784xi32, #tpu.memory_space<vmem>>[vector<16xi32>], vector<16xi32>,
      %add3A_158 = arith.constant -3 : i32
      %add3A_159 = vector.broadcast %add3A_158 : i32 to vector<16xi32>
      %add3A_160 = arith.addi %get3A_21, %add3A_159 : vector<16xi32>
      %max3A_161 = arith.constant 0 : i32
      %max3A_162 = vector.broadcast %max3A_161 : i32 to vector<16xi32>
      %max3A_163 = arith.maxsi %add3A_160, %max3A_162 : vector<16xi32>
      %min3A_164 = arith.constant 511 : i32
      %min3A_165 = vector.broadcast %min3A_164 : i32 to vector<16xi32>
      %min3A_166 = arith.minsi %max3A_163, %min3A_165 : vector<16xi32>
      %add3A_167 = arith.constant 2 : i32
      %add3A_168 = vector.broadcast %add3A_167 : i32 to vector<16xi32>
      %add3A_169 = arith.addi %get3A_23, %add3A_168 : vector<16xi32>
      %max3A_170 = arith.constant 0 : i32
      %max3A_171 = vector.broadcast %max3A_170 : i32 to vector<16xi32>
      %max3A_172 = arith.maxsi %add3A_169, %max3A_171 : vector<16xi32>
      %min3A_173 = arith.constant 511 : i32
      %min3A_174 = vector.broadcast %min3A_173 : i32 to vector<16xi32>
      %min3A_175 = arith.minsi %max3A_172, %min3A_174 : vector<16xi32>
      %add3A_176 = arith.constant 5 : i32
      %add3A_177 = vector.broadcast %add3A_176 : i32 to vector<16xi32>
      %add3A_178 = arith.addi %mul3A_29, %add3A_177 : vector<16xi32>
      %mul3A_179 = arith.constant 512 : i32
      %mul3A_180 = vector.broadcast %mul3A_179 : i32 to vector<16xi32>
      %mul3A_181 = arith.muli %min3A_166, %mul3A_180 : vector<16xi32>
      %add3A_182 = arith.addi %mul3A_26, %mul3A_181 : vector<16xi32>
      %add3A_183 = arith.addi %add3A_182, %min3A_175 : vector<16xi32>
      tpu.vector_store_idx %arg10[%add3A_178], %add3A_183 : memref<784xi32, #tpu.memory_space<vmem>>[vector<16xi32>], vector<16xi32>,
      %add3A_184 = arith.constant -3 : i32
      %add3A_185 = vector.broadcast %add3A_184 : i32 to vector<16xi32>
      %add3A_186 = arith.addi %get3A_21, %add3A_185 : vector<16xi32>
      %max3A_187 = arith.constant 0 : i32
      %max3A_188 = vector.broadcast %max3A_187 : i32 to vector<16xi32>
      %max3A_189 = arith.maxsi %add3A_186, %max3A_188 : vector<16xi32>
      %min3A_190 = arith.constant 511 : i32
      %min3A_191 = vector.broadcast %min3A_190 : i32 to vector<16xi32>
      %min3A_192 = arith.minsi %max3A_189, %min3A_191 : vector<16xi32>
      %add3A_193 = arith.constant 3 : i32
      %add3A_194 = vector.broadcast %add3A_193 : i32 to vector<16xi32>
      %add3A_195 = arith.addi %get3A_23, %add3A_194 : vector<16xi32>
      %max3A_196 = arith.constant 0 : i32
      %max3A_197 = vector.broadcast %max3A_196 : i32 to vector<16xi32>
      %max3A_198 = arith.maxsi %add3A_195, %max3A_197 : vector<16xi32>
      %min3A_199 = arith.constant 511 : i32
      %min3A_200 = vector.broadcast %min3A_199 : i32 to vector<16xi32>
      %min3A_201 = arith.minsi %max3A_198, %min3A_200 : vector<16xi32>
      %add3A_202 = arith.constant 6 : i32
      %add3A_203 = vector.broadcast %add3A_202 : i32 to vector<16xi32>
      %add3A_204 = arith.addi %mul3A_29, %add3A_203 : vector<16xi32>
      %mul3A_205 = arith.constant 512 : i32
      %mul3A_206 = vector.broadcast %mul3A_205 : i32 to vector<16xi32>
      %mul3A_207 = arith.muli %min3A_192, %mul3A_206 : vector<16xi32>
      %add3A_208 = arith.addi %mul3A_26, %mul3A_207 : vector<16xi32>
      %add3A_209 = arith.addi %add3A_208, %min3A_201 : vector<16xi32>
      tpu.vector_store_idx %arg10[%add3A_204], %add3A_209 : memref<784xi32, #tpu.memory_space<vmem>>[vector<16xi32>], vector<16xi32>,
      %add3A_210 = arith.constant -2 : i32
      %add3A_211 = vector.broadcast %add3A_210 : i32 to vector<16xi32>
      %add3A_212 = arith.addi %get3A_21, %add3A_211 : vector<16xi32>
      %max3A_213 = arith.constant 0 : i32
      %max3A_214 = vector.broadcast %max3A_213 : i32 to vector<16xi32>
      %max3A_215 = arith.maxsi %add3A_212, %max3A_214 : vector<16xi32>
      %min3A_216 = arith.constant 511 : i32
      %min3A_217 = vector.broadcast %min3A_216 : i32 to vector<16xi32>
      %min3A_218 = arith.minsi %max3A_215, %min3A_217 : vector<16xi32>
      %add3A_219 = arith.constant -3 : i32
      %add3A_220 = vector.broadcast %add3A_219 : i32 to vector<16xi32>
      %add3A_221 = arith.addi %get3A_23, %add3A_220 : vector<16xi32>
      %max3A_222 = arith.constant 0 : i32
      %max3A_223 = vector.broadcast %max3A_222 : i32 to vector<16xi32>
      %max3A_224 = arith.maxsi %add3A_221, %max3A_223 : vector<16xi32>
      %min3A_225 = arith.constant 511 : i32
      %min3A_226 = vector.broadcast %min3A_225 : i32 to vector<16xi32>
      %min3A_227 = arith.minsi %max3A_224, %min3A_226 : vector<16xi32>
      %add3A_228 = arith.constant 7 : i32
      %add3A_229 = vector.broadcast %add3A_228 : i32 to vector<16xi32>
      %add3A_230 = arith.addi %mul3A_29, %add3A_229 : vector<16xi32>
      %mul3A_231 = arith.constant 512 : i32
      %mul3A_232 = vector.broadcast %mul3A_231 : i32 to vector<16xi32>
      %mul3A_233 = arith.muli %min3A_218, %mul3A_232 : vector<16xi32>
      %add3A_234 = arith.addi %mul3A_26, %mul3A_233 : vector<16xi32>
      %add3A_235 = arith.addi %add3A_234, %min3A_227 : vector<16xi32>
      tpu.vector_store_idx %arg10[%add3A_230], %add3A_235 : memref<784xi32, #tpu.memory_space<vmem>>[vector<16xi32>], vector<16xi32>,
      %add3A_236 = arith.constant -2 : i32
      %add3A_237 = vector.broadcast %add3A_236 : i32 to vector<16xi32>
      %add3A_238 = arith.addi %get3A_21, %add3A_237 : vector<16xi32>
      %max3A_239 = arith.constant 0 : i32
      %max3A_240 = vector.broadcast %max3A_239 : i32 to vector<16xi32>
      %max3A_241 = arith.maxsi %add3A_238, %max3A_240 : vector<16xi32>
      %min3A_242 = arith.constant 511 : i32
      %min3A_243 = vector.broadcast %min3A_242 : i32 to vector<16xi32>
      %min3A_244 = arith.minsi %max3A_241, %min3A_243 : vector<16xi32>
      %add3A_245 = arith.constant -2 : i32
      %add3A_246 = vector.broadcast %add3A_245 : i32 to vector<16xi32>
      %add3A_247 = arith.addi %get3A_23, %add3A_246 : vector<16xi32>
      %max3A_248 = arith.constant 0 : i32
      %max3A_249 = vector.broadcast %max3A_248 : i32 to vector<16xi32>
      %max3A_250 = arith.maxsi %add3A_247, %max3A_249 : vector<16xi32>
      %min3A_251 = arith.constant 511 : i32
      %min3A_252 = vector.broadcast %min3A_251 : i32 to vector<16xi32>
      %min3A_253 = arith.minsi %max3A_250, %min3A_252 : vector<16xi32>
      %add3A_254 = arith.constant 8 : i32
      %add3A_255 = vector.broadcast %add3A_254 : i32 to vector<16xi32>
      %add3A_256 = arith.addi %mul3A_29, %add3A_255 : vector<16xi32>
      %mul3A_257 = arith.constant 512 : i32
      %mul3A_258 = vector.broadcast %mul3A_257 : i32 to vector<16xi32>
      %mul3A_259 = arith.muli %min3A_244, %mul3A_258 : vector<16xi32>
      %add3A_260 = arith.addi %mul3A_26, %mul3A_259 : vector<16xi32>
      %add3A_261 = arith.addi %add3A_260, %min3A_253 : vector<16xi32>
      tpu.vector_store_idx %arg10[%add3A_256], %add3A_261 : memref<784xi32, #tpu.memory_space<vmem>>[vector<16xi32>], vector<16xi32>,
      %add3A_262 = arith.constant -2 : i32
      %add3A_263 = vector.broadcast %add3A_262 : i32 to vector<16xi32>
      %add3A_264 = arith.addi %get3A_21, %add3A_263 : vector<16xi32>
      %max3A_265 = arith.constant 0 : i32
      %max3A_266 = vector.broadcast %max3A_265 : i32 to vector<16xi32>
      %max3A_267 = arith.maxsi %add3A_264, %max3A_266 : vector<16xi32>
      %min3A_268 = arith.constant 511 : i32
      %min3A_269 = vector.broadcast %min3A_268 : i32 to vector<16xi32>
      %min3A_270 = arith.minsi %max3A_267, %min3A_269 : vector<16xi32>
      %add3A_271 = arith.constant -1 : i32
      %add3A_272 = vector.broadcast %add3A_271 : i32 to vector<16xi32>
      %add3A_273 = arith.addi %get3A_23, %add3A_272 : vector<16xi32>
      %max3A_274 = arith.constant 0 : i32
      %max3A_275 = vector.broadcast %max3A_274 : i32 to vector<16xi32>
      %max3A_276 = arith.maxsi %add3A_273, %max3A_275 : vector<16xi32>
      %min3A_277 = arith.constant 511 : i32
      %min3A_278 = vector.broadcast %min3A_277 : i32 to vector<16xi32>
      %min3A_279 = arith.minsi %max3A_276, %min3A_278 : vector<16xi32>
      %add3A_280 = arith.constant 9 : i32
      %add3A_281 = vector.broadcast %add3A_280 : i32 to vector<16xi32>
      %add3A_282 = arith.addi %mul3A_29, %add3A_281 : vector<16xi32>
      %mul3A_283 = arith.constant 512 : i32
      %mul3A_284 = vector.broadcast %mul3A_283 : i32 to vector<16xi32>
      %mul3A_285 = arith.muli %min3A_270, %mul3A_284 : vector<16xi32>
      %add3A_286 = arith.addi %mul3A_26, %mul3A_285 : vector<16xi32>
      %add3A_287 = arith.addi %add3A_286, %min3A_279 : vector<16xi32>
      tpu.vector_store_idx %arg10[%add3A_282], %add3A_287 : memref<784xi32, #tpu.memory_space<vmem>>[vector<16xi32>], vector<16xi32>,
      %add3A_288 = arith.constant -2 : i32
      %add3A_289 = vector.broadcast %add3A_288 : i32 to vector<16xi32>
      %add3A_290 = arith.addi %get3A_21, %add3A_289 : vector<16xi32>
      %max3A_291 = arith.constant 0 : i32
      %max3A_292 = vector.broadcast %max3A_291 : i32 to vector<16xi32>
      %max3A_293 = arith.maxsi %add3A_290, %max3A_292 : vector<16xi32>
      %min3A_294 = arith.constant 511 : i32
      %min3A_295 = vector.broadcast %min3A_294 : i32 to vector<16xi32>
      %min3A_296 = arith.minsi %max3A_293, %min3A_295 : vector<16xi32>
      %add3A_297 = arith.constant 0 : i32
      %add3A_298 = vector.broadcast %add3A_297 : i32 to vector<16xi32>
      %add3A_299 = arith.addi %get3A_23, %add3A_298 : vector<16xi32>
      %max3A_300 = arith.constant 0 : i32
      %max3A_301 = vector.broadcast %max3A_300 : i32 to vector<16xi32>
      %max3A_302 = arith.maxsi %add3A_299, %max3A_301 : vector<16xi32>
      %min3A_303 = arith.constant 511 : i32
      %min3A_304 = vector.broadcast %min3A_303 : i32 to vector<16xi32>
      %min3A_305 = arith.minsi %max3A_302, %min3A_304 : vector<16xi32>
      %add3A_306 = arith.constant 10 : i32
      %add3A_307 = vector.broadcast %add3A_306 : i32 to vector<16xi32>
      %add3A_308 = arith.addi %mul3A_29, %add3A_307 : vector<16xi32>
      %mul3A_309 = arith.constant 512 : i32
      %mul3A_310 = vector.broadcast %mul3A_309 : i32 to vector<16xi32>
      %mul3A_311 = arith.muli %min3A_296, %mul3A_310 : vector<16xi32>
      %add3A_312 = arith.addi %mul3A_26, %mul3A_311 : vector<16xi32>
      %add3A_313 = arith.addi %add3A_312, %min3A_305 : vector<16xi32>
      tpu.vector_store_idx %arg10[%add3A_308], %add3A_313 : memref<784xi32, #tpu.memory_space<vmem>>[vector<16xi32>], vector<16xi32>,
      %add3A_314 = arith.constant -2 : i32
      %add3A_315 = vector.broadcast %add3A_314 : i32 to vector<16xi32>
      %add3A_316 = arith.addi %get3A_21, %add3A_315 : vector<16xi32>
      %max3A_317 = arith.constant 0 : i32
      %max3A_318 = vector.broadcast %max3A_317 : i32 to vector<16xi32>
      %max3A_319 = arith.maxsi %add3A_316, %max3A_318 : vector<16xi32>
      %min3A_320 = arith.constant 511 : i32
      %min3A_321 = vector.broadcast %min3A_320 : i32 to vector<16xi32>
      %min3A_322 = arith.minsi %max3A_319, %min3A_321 : vector<16xi32>
      %add3A_323 = arith.constant 1 : i32
      %add3A_324 = vector.broadcast %add3A_323 : i32 to vector<16xi32>
      %add3A_325 = arith.addi %get3A_23, %add3A_324 : vector<16xi32>
      %max3A_326 = arith.constant 0 : i32
      %max3A_327 = vector.broadcast %max3A_326 : i32 to vector<16xi32>
      %max3A_328 = arith.maxsi %add3A_325, %max3A_327 : vector<16xi32>
      %min3A_329 = arith.constant 511 : i32
      %min3A_330 = vector.broadcast %min3A_329 : i32 to vector<16xi32>
      %min3A_331 = arith.minsi %max3A_328, %min3A_330 : vector<16xi32>
      %add3A_332 = arith.constant 11 : i32
      %add3A_333 = vector.broadcast %add3A_332 : i32 to vector<16xi32>
      %add3A_334 = arith.addi %mul3A_29, %add3A_333 : vector<16xi32>
      %mul3A_335 = arith.constant 512 : i32
      %mul3A_336 = vector.broadcast %mul3A_335 : i32 to vector<16xi32>
      %mul3A_337 = arith.muli %min3A_322, %mul3A_336 : vector<16xi32>
      %add3A_338 = arith.addi %mul3A_26, %mul3A_337 : vector<16xi32>
      %add3A_339 = arith.addi %add3A_338, %min3A_331 : vector<16xi32>
      tpu.vector_store_idx %arg10[%add3A_334], %add3A_339 : memref<784xi32, #tpu.memory_space<vmem>>[vector<16xi32>], vector<16xi32>,
      %add3A_340 = arith.constant -2 : i32
      %add3A_341 = vector.broadcast %add3A_340 : i32 to vector<16xi32>
      %add3A_342 = arith.addi %get3A_21, %add3A_341 : vector<16xi32>
      %max3A_343 = arith.constant 0 : i32
      %max3A_344 = vector.broadcast %max3A_343 : i32 to vector<16xi32>
      %max3A_345 = arith.maxsi %add3A_342, %max3A_344 : vector<16xi32>
      %min3A_346 = arith.constant 511 : i32
      %min3A_347 = vector.broadcast %min3A_346 : i32 to vector<16xi32>
      %min3A_348 = arith.minsi %max3A_345, %min3A_347 : vector<16xi32>
      %add3A_349 = arith.constant 2 : i32
      %add3A_350 = vector.broadcast %add3A_349 : i32 to vector<16xi32>
      %add3A_351 = arith.addi %get3A_23, %add3A_350 : vector<16xi32>
      %max3A_352 = arith.constant 0 : i32
      %max3A_353 = vector.broadcast %max3A_352 : i32 to vector<16xi32>
      %max3A_354 = arith.maxsi %add3A_351, %max3A_353 : vector<16xi32>
      %min3A_355 = arith.constant 511 : i32
      %min3A_356 = vector.broadcast %min3A_355 : i32 to vector<16xi32>
      %min3A_357 = arith.minsi %max3A_354, %min3A_356 : vector<16xi32>
      %add3A_358 = arith.constant 12 : i32
      %add3A_359 = vector.broadcast %add3A_358 : i32 to vector<16xi32>
      %add3A_360 = arith.addi %mul3A_29, %add3A_359 : vector<16xi32>
      %mul3A_361 = arith.constant 512 : i32
      %mul3A_362 = vector.broadcast %mul3A_361 : i32 to vector<16xi32>
      %mul3A_363 = arith.muli %min3A_348, %mul3A_362 : vector<16xi32>
      %add3A_364 = arith.addi %mul3A_26, %mul3A_363 : vector<16xi32>
      %add3A_365 = arith.addi %add3A_364, %min3A_357 : vector<16xi32>
      tpu.vector_store_idx %arg10[%add3A_360], %add3A_365 : memref<784xi32, #tpu.memory_space<vmem>>[vector<16xi32>], vector<16xi32>,
      %add3A_366 = arith.constant -2 : i32
      %add3A_367 = vector.broadcast %add3A_366 : i32 to vector<16xi32>
      %add3A_368 = arith.addi %get3A_21, %add3A_367 : vector<16xi32>
      %max3A_369 = arith.constant 0 : i32
      %max3A_370 = vector.broadcast %max3A_369 : i32 to vector<16xi32>
      %max3A_371 = arith.maxsi %add3A_368, %max3A_370 : vector<16xi32>
      %min3A_372 = arith.constant 511 : i32
      %min3A_373 = vector.broadcast %min3A_372 : i32 to vector<16xi32>
      %min3A_374 = arith.minsi %max3A_371, %min3A_373 : vector<16xi32>
      %add3A_375 = arith.constant 3 : i32
      %add3A_376 = vector.broadcast %add3A_375 : i32 to vector<16xi32>
      %add3A_377 = arith.addi %get3A_23, %add3A_376 : vector<16xi32>
      %max3A_378 = arith.constant 0 : i32
      %max3A_379 = vector.broadcast %max3A_378 : i32 to vector<16xi32>
      %max3A_380 = arith.maxsi %add3A_377, %max3A_379 : vector<16xi32>
      %min3A_381 = arith.constant 511 : i32
      %min3A_382 = vector.broadcast %min3A_381 : i32 to vector<16xi32>
      %min3A_383 = arith.minsi %max3A_380, %min3A_382 : vector<16xi32>
      %add3A_384 = arith.constant 13 : i32
      %add3A_385 = vector.broadcast %add3A_384 : i32 to vector<16xi32>
      %add3A_386 = arith.addi %mul3A_29, %add3A_385 : vector<16xi32>
      %mul3A_387 = arith.constant 512 : i32
      %mul3A_388 = vector.broadcast %mul3A_387 : i32 to vector<16xi32>
      %mul3A_389 = arith.muli %min3A_374, %mul3A_388 : vector<16xi32>
      %add3A_390 = arith.addi %mul3A_26, %mul3A_389 : vector<16xi32>
      %add3A_391 = arith.addi %add3A_390, %min3A_383 : vector<16xi32>
      tpu.vector_store_idx %arg10[%add3A_386], %add3A_391 : memref<784xi32, #tpu.memory_space<vmem>>[vector<16xi32>], vector<16xi32>,
      %add3A_392 = arith.constant -1 : i32
      %add3A_393 = vector.broadcast %add3A_392 : i32 to vector<16xi32>
      %add3A_394 = arith.addi %get3A_21, %add3A_393 : vector<16xi32>
      %max3A_395 = arith.constant 0 : i32
      %max3A_396 = vector.broadcast %max3A_395 : i32 to vector<16xi32>
      %max3A_397 = arith.maxsi %add3A_394, %max3A_396 : vector<16xi32>
      %min3A_398 = arith.constant 511 : i32
      %min3A_399 = vector.broadcast %min3A_398 : i32 to vector<16xi32>
      %min3A_400 = arith.minsi %max3A_397, %min3A_399 : vector<16xi32>
      %add3A_401 = arith.constant -3 : i32
      %add3A_402 = vector.broadcast %add3A_401 : i32 to vector<16xi32>
      %add3A_403 = arith.addi %get3A_23, %add3A_402 : vector<16xi32>
      %max3A_404 = arith.constant 0 : i32
      %max3A_405 = vector.broadcast %max3A_404 : i32 to vector<16xi32>
      %max3A_406 = arith.maxsi %add3A_403, %max3A_405 : vector<16xi32>
      %min3A_407 = arith.constant 511 : i32
      %min3A_408 = vector.broadcast %min3A_407 : i32 to vector<16xi32>
      %min3A_409 = arith.minsi %max3A_406, %min3A_408 : vector<16xi32>
      %add3A_410 = arith.constant 14 : i32
      %add3A_411 = vector.broadcast %add3A_410 : i32 to vector<16xi32>
      %add3A_412 = arith.addi %mul3A_29, %add3A_411 : vector<16xi32>
      %mul3A_413 = arith.constant 512 : i32
      %mul3A_414 = vector.broadcast %mul3A_413 : i32 to vector<16xi32>
      %mul3A_415 = arith.muli %min3A_400, %mul3A_414 : vector<16xi32>
      %add3A_416 = arith.addi %mul3A_26, %mul3A_415 : vector<16xi32>
      %add3A_417 = arith.addi %add3A_416, %min3A_409 : vector<16xi32>
      tpu.vector_store_idx %arg10[%add3A_412], %add3A_417 : memref<784xi32, #tpu.memory_space<vmem>>[vector<16xi32>], vector<16xi32>,
      %add3A_418 = arith.constant -1 : i32
      %add3A_419 = vector.broadcast %add3A_418 : i32 to vector<16xi32>
      %add3A_420 = arith.addi %get3A_21, %add3A_419 : vector<16xi32>
      %max3A_421 = arith.constant 0 : i32
      %max3A_422 = vector.broadcast %max3A_421 : i32 to vector<16xi32>
      %max3A_423 = arith.maxsi %add3A_420, %max3A_422 : vector<16xi32>
      %min3A_424 = arith.constant 511 : i32
      %min3A_425 = vector.broadcast %min3A_424 : i32 to vector<16xi32>
      %min3A_426 = arith.minsi %max3A_423, %min3A_425 : vector<16xi32>
      %add3A_427 = arith.constant -2 : i32
      %add3A_428 = vector.broadcast %add3A_427 : i32 to vector<16xi32>
      %add3A_429 = arith.addi %get3A_23, %add3A_428 : vector<16xi32>
      %max3A_430 = arith.constant 0 : i32
      %max3A_431 = vector.broadcast %max3A_430 : i32 to vector<16xi32>
      %max3A_432 = arith.maxsi %add3A_429, %max3A_431 : vector<16xi32>
      %min3A_433 = arith.constant 511 : i32
      %min3A_434 = vector.broadcast %min3A_433 : i32 to vector<16xi32>
      %min3A_435 = arith.minsi %max3A_432, %min3A_434 : vector<16xi32>
      %add3A_436 = arith.constant 15 : i32
      %add3A_437 = vector.broadcast %add3A_436 : i32 to vector<16xi32>
      %add3A_438 = arith.addi %mul3A_29, %add3A_437 : vector<16xi32>
      %mul3A_439 = arith.constant 512 : i32
      %mul3A_440 = vector.broadcast %mul3A_439 : i32 to vector<16xi32>
      %mul3A_441 = arith.muli %min3A_426, %mul3A_440 : vector<16xi32>
      %add3A_442 = arith.addi %mul3A_26, %mul3A_441 : vector<16xi32>
      %add3A_443 = arith.addi %add3A_442, %min3A_435 : vector<16xi32>
      tpu.vector_store_idx %arg10[%add3A_438], %add3A_443 : memref<784xi32, #tpu.memory_space<vmem>>[vector<16xi32>], vector<16xi32>,
      %add3A_444 = arith.constant -1 : i32
      %add3A_445 = vector.broadcast %add3A_444 : i32 to vector<16xi32>
      %add3A_446 = arith.addi %get3A_21, %add3A_445 : vector<16xi32>
      %max3A_447 = arith.constant 0 : i32
      %max3A_448 = vector.broadcast %max3A_447 : i32 to vector<16xi32>
      %max3A_449 = arith.maxsi %add3A_446, %max3A_448 : vector<16xi32>
      %min3A_450 = arith.constant 511 : i32
      %min3A_451 = vector.broadcast %min3A_450 : i32 to vector<16xi32>
      %min3A_452 = arith.minsi %max3A_449, %min3A_451 : vector<16xi32>
      %add3A_453 = arith.constant -1 : i32
      %add3A_454 = vector.broadcast %add3A_453 : i32 to vector<16xi32>
      %add3A_455 = arith.addi %get3A_23, %add3A_454 : vector<16xi32>
      %max3A_456 = arith.constant 0 : i32
      %max3A_457 = vector.broadcast %max3A_456 : i32 to vector<16xi32>
      %max3A_458 = arith.maxsi %add3A_455, %max3A_457 : vector<16xi32>
      %min3A_459 = arith.constant 511 : i32
      %min3A_460 = vector.broadcast %min3A_459 : i32 to vector<16xi32>
      %min3A_461 = arith.minsi %max3A_458, %min3A_460 : vector<16xi32>
      %add3A_462 = arith.constant 16 : i32
      %add3A_463 = vector.broadcast %add3A_462 : i32 to vector<16xi32>
      %add3A_464 = arith.addi %mul3A_29, %add3A_463 : vector<16xi32>
      %mul3A_465 = arith.constant 512 : i32
      %mul3A_466 = vector.broadcast %mul3A_465 : i32 to vector<16xi32>
      %mul3A_467 = arith.muli %min3A_452, %mul3A_466 : vector<16xi32>
      %add3A_468 = arith.addi %mul3A_26, %mul3A_467 : vector<16xi32>
      %add3A_469 = arith.addi %add3A_468, %min3A_461 : vector<16xi32>
      tpu.vector_store_idx %arg10[%add3A_464], %add3A_469 : memref<784xi32, #tpu.memory_space<vmem>>[vector<16xi32>], vector<16xi32>,
      %add3A_470 = arith.constant -1 : i32
      %add3A_471 = vector.broadcast %add3A_470 : i32 to vector<16xi32>
      %add3A_472 = arith.addi %get3A_21, %add3A_471 : vector<16xi32>
      %max3A_473 = arith.constant 0 : i32
      %max3A_474 = vector.broadcast %max3A_473 : i32 to vector<16xi32>
      %max3A_475 = arith.maxsi %add3A_472, %max3A_474 : vector<16xi32>
      %min3A_476 = arith.constant 511 : i32
      %min3A_477 = vector.broadcast %min3A_476 : i32 to vector<16xi32>
      %min3A_478 = arith.minsi %max3A_475, %min3A_477 : vector<16xi32>
      %add3A_479 = arith.constant 0 : i32
      %add3A_480 = vector.broadcast %add3A_479 : i32 to vector<16xi32>
      %add3A_481 = arith.addi %get3A_23, %add3A_480 : vector<16xi32>
      %max3A_482 = arith.constant 0 : i32
      %max3A_483 = vector.broadcast %max3A_482 : i32 to vector<16xi32>
      %max3A_484 = arith.maxsi %add3A_481, %max3A_483 : vector<16xi32>
      %min3A_485 = arith.constant 511 : i32
      %min3A_486 = vector.broadcast %min3A_485 : i32 to vector<16xi32>
      %min3A_487 = arith.minsi %max3A_484, %min3A_486 : vector<16xi32>
      %add3A_488 = arith.constant 17 : i32
      %add3A_489 = vector.broadcast %add3A_488 : i32 to vector<16xi32>
      %add3A_490 = arith.addi %mul3A_29, %add3A_489 : vector<16xi32>
      %mul3A_491 = arith.constant 512 : i32
      %mul3A_492 = vector.broadcast %mul3A_491 : i32 to vector<16xi32>
      %mul3A_493 = arith.muli %min3A_478, %mul3A_492 : vector<16xi32>
      %add3A_494 = arith.addi %mul3A_26, %mul3A_493 : vector<16xi32>
      %add3A_495 = arith.addi %add3A_494, %min3A_487 : vector<16xi32>
      tpu.vector_store_idx %arg10[%add3A_490], %add3A_495 : memref<784xi32, #tpu.memory_space<vmem>>[vector<16xi32>], vector<16xi32>,
      %add3A_496 = arith.constant -1 : i32
      %add3A_497 = vector.broadcast %add3A_496 : i32 to vector<16xi32>
      %add3A_498 = arith.addi %get3A_21, %add3A_497 : vector<16xi32>
      %max3A_499 = arith.constant 0 : i32
      %max3A_500 = vector.broadcast %max3A_499 : i32 to vector<16xi32>
      %max3A_501 = arith.maxsi %add3A_498, %max3A_500 : vector<16xi32>
      %min3A_502 = arith.constant 511 : i32
      %min3A_503 = vector.broadcast %min3A_502 : i32 to vector<16xi32>
      %min3A_504 = arith.minsi %max3A_501, %min3A_503 : vector<16xi32>
      %add3A_505 = arith.constant 1 : i32
      %add3A_506 = vector.broadcast %add3A_505 : i32 to vector<16xi32>
      %add3A_507 = arith.addi %get3A_23, %add3A_506 : vector<16xi32>
      %max3A_508 = arith.constant 0 : i32
      %max3A_509 = vector.broadcast %max3A_508 : i32 to vector<16xi32>
      %max3A_510 = arith.maxsi %add3A_507, %max3A_509 : vector<16xi32>
      %min3A_511 = arith.constant 511 : i32
      %min3A_512 = vector.broadcast %min3A_511 : i32 to vector<16xi32>
      %min3A_513 = arith.minsi %max3A_510, %min3A_512 : vector<16xi32>
      %add3A_514 = arith.constant 18 : i32
      %add3A_515 = vector.broadcast %add3A_514 : i32 to vector<16xi32>
      %add3A_516 = arith.addi %mul3A_29, %add3A_515 : vector<16xi32>
      %mul3A_517 = arith.constant 512 : i32
      %mul3A_518 = vector.broadcast %mul3A_517 : i32 to vector<16xi32>
      %mul3A_519 = arith.muli %min3A_504, %mul3A_518 : vector<16xi32>
      %add3A_520 = arith.addi %mul3A_26, %mul3A_519 : vector<16xi32>
      %add3A_521 = arith.addi %add3A_520, %min3A_513 : vector<16xi32>
      tpu.vector_store_idx %arg10[%add3A_516], %add3A_521 : memref<784xi32, #tpu.memory_space<vmem>>[vector<16xi32>], vector<16xi32>,
      %add3A_522 = arith.constant -1 : i32
      %add3A_523 = vector.broadcast %add3A_522 : i32 to vector<16xi32>
      %add3A_524 = arith.addi %get3A_21, %add3A_523 : vector<16xi32>
      %max3A_525 = arith.constant 0 : i32
      %max3A_526 = vector.broadcast %max3A_525 : i32 to vector<16xi32>
      %max3A_527 = arith.maxsi %add3A_524, %max3A_526 : vector<16xi32>
      %min3A_528 = arith.constant 511 : i32
      %min3A_529 = vector.broadcast %min3A_528 : i32 to vector<16xi32>
      %min3A_530 = arith.minsi %max3A_527, %min3A_529 : vector<16xi32>
      %add3A_531 = arith.constant 2 : i32
      %add3A_532 = vector.broadcast %add3A_531 : i32 to vector<16xi32>
      %add3A_533 = arith.addi %get3A_23, %add3A_532 : vector<16xi32>
      %max3A_534 = arith.constant 0 : i32
      %max3A_535 = vector.broadcast %max3A_534 : i32 to vector<16xi32>
      %max3A_536 = arith.maxsi %add3A_533, %max3A_535 : vector<16xi32>
      %min3A_537 = arith.constant 511 : i32
      %min3A_538 = vector.broadcast %min3A_537 : i32 to vector<16xi32>
      %min3A_539 = arith.minsi %max3A_536, %min3A_538 : vector<16xi32>
      %add3A_540 = arith.constant 19 : i32
      %add3A_541 = vector.broadcast %add3A_540 : i32 to vector<16xi32>
      %add3A_542 = arith.addi %mul3A_29, %add3A_541 : vector<16xi32>
      %mul3A_543 = arith.constant 512 : i32
      %mul3A_544 = vector.broadcast %mul3A_543 : i32 to vector<16xi32>
      %mul3A_545 = arith.muli %min3A_530, %mul3A_544 : vector<16xi32>
      %add3A_546 = arith.addi %mul3A_26, %mul3A_545 : vector<16xi32>
      %add3A_547 = arith.addi %add3A_546, %min3A_539 : vector<16xi32>
      tpu.vector_store_idx %arg10[%add3A_542], %add3A_547 : memref<784xi32, #tpu.memory_space<vmem>>[vector<16xi32>], vector<16xi32>,
      %add3A_548 = arith.constant -1 : i32
      %add3A_549 = vector.broadcast %add3A_548 : i32 to vector<16xi32>
      %add3A_550 = arith.addi %get3A_21, %add3A_549 : vector<16xi32>
      %max3A_551 = arith.constant 0 : i32
      %max3A_552 = vector.broadcast %max3A_551 : i32 to vector<16xi32>
      %max3A_553 = arith.maxsi %add3A_550, %max3A_552 : vector<16xi32>
      %min3A_554 = arith.constant 511 : i32
      %min3A_555 = vector.broadcast %min3A_554 : i32 to vector<16xi32>
      %min3A_556 = arith.minsi %max3A_553, %min3A_555 : vector<16xi32>
      %add3A_557 = arith.constant 3 : i32
      %add3A_558 = vector.broadcast %add3A_557 : i32 to vector<16xi32>
      %add3A_559 = arith.addi %get3A_23, %add3A_558 : vector<16xi32>
      %max3A_560 = arith.constant 0 : i32
      %max3A_561 = vector.broadcast %max3A_560 : i32 to vector<16xi32>
      %max3A_562 = arith.maxsi %add3A_559, %max3A_561 : vector<16xi32>
      %min3A_563 = arith.constant 511 : i32
      %min3A_564 = vector.broadcast %min3A_563 : i32 to vector<16xi32>
      %min3A_565 = arith.minsi %max3A_562, %min3A_564 : vector<16xi32>
      %add3A_566 = arith.constant 20 : i32
      %add3A_567 = vector.broadcast %add3A_566 : i32 to vector<16xi32>
      %add3A_568 = arith.addi %mul3A_29, %add3A_567 : vector<16xi32>
      %mul3A_569 = arith.constant 512 : i32
      %mul3A_570 = vector.broadcast %mul3A_569 : i32 to vector<16xi32>
      %mul3A_571 = arith.muli %min3A_556, %mul3A_570 : vector<16xi32>
      %add3A_572 = arith.addi %mul3A_26, %mul3A_571 : vector<16xi32>
      %add3A_573 = arith.addi %add3A_572, %min3A_565 : vector<16xi32>
      tpu.vector_store_idx %arg10[%add3A_568], %add3A_573 : memref<784xi32, #tpu.memory_space<vmem>>[vector<16xi32>], vector<16xi32>,
      %add3A_574 = arith.constant 0 : i32
      %add3A_575 = vector.broadcast %add3A_574 : i32 to vector<16xi32>
      %add3A_576 = arith.addi %get3A_21, %add3A_575 : vector<16xi32>
      %max3A_577 = arith.constant 0 : i32
      %max3A_578 = vector.broadcast %max3A_577 : i32 to vector<16xi32>
      %max3A_579 = arith.maxsi %add3A_576, %max3A_578 : vector<16xi32>
      %min3A_580 = arith.constant 511 : i32
      %min3A_581 = vector.broadcast %min3A_580 : i32 to vector<16xi32>
      %min3A_582 = arith.minsi %max3A_579, %min3A_581 : vector<16xi32>
      %add3A_583 = arith.constant -3 : i32
      %add3A_584 = vector.broadcast %add3A_583 : i32 to vector<16xi32>
      %add3A_585 = arith.addi %get3A_23, %add3A_584 : vector<16xi32>
      %max3A_586 = arith.constant 0 : i32
      %max3A_587 = vector.broadcast %max3A_586 : i32 to vector<16xi32>
      %max3A_588 = arith.maxsi %add3A_585, %max3A_587 : vector<16xi32>
      %min3A_589 = arith.constant 511 : i32
      %min3A_590 = vector.broadcast %min3A_589 : i32 to vector<16xi32>
      %min3A_591 = arith.minsi %max3A_588, %min3A_590 : vector<16xi32>
      %add3A_592 = arith.constant 21 : i32
      %add3A_593 = vector.broadcast %add3A_592 : i32 to vector<16xi32>
      %add3A_594 = arith.addi %mul3A_29, %add3A_593 : vector<16xi32>
      %mul3A_595 = arith.constant 512 : i32
      %mul3A_596 = vector.broadcast %mul3A_595 : i32 to vector<16xi32>
      %mul3A_597 = arith.muli %min3A_582, %mul3A_596 : vector<16xi32>
      %add3A_598 = arith.addi %mul3A_26, %mul3A_597 : vector<16xi32>
      %add3A_599 = arith.addi %add3A_598, %min3A_591 : vector<16xi32>
      tpu.vector_store_idx %arg10[%add3A_594], %add3A_599 : memref<784xi32, #tpu.memory_space<vmem>>[vector<16xi32>], vector<16xi32>,
      %add3A_600 = arith.constant 0 : i32
      %add3A_601 = vector.broadcast %add3A_600 : i32 to vector<16xi32>
      %add3A_602 = arith.addi %get3A_21, %add3A_601 : vector<16xi32>
      %max3A_603 = arith.constant 0 : i32
      %max3A_604 = vector.broadcast %max3A_603 : i32 to vector<16xi32>
      %max3A_605 = arith.maxsi %add3A_602, %max3A_604 : vector<16xi32>
      %min3A_606 = arith.constant 511 : i32
      %min3A_607 = vector.broadcast %min3A_606 : i32 to vector<16xi32>
      %min3A_608 = arith.minsi %max3A_605, %min3A_607 : vector<16xi32>
      %add3A_609 = arith.constant -2 : i32
      %add3A_610 = vector.broadcast %add3A_609 : i32 to vector<16xi32>
      %add3A_611 = arith.addi %get3A_23, %add3A_610 : vector<16xi32>
      %max3A_612 = arith.constant 0 : i32
      %max3A_613 = vector.broadcast %max3A_612 : i32 to vector<16xi32>
      %max3A_614 = arith.maxsi %add3A_611, %max3A_613 : vector<16xi32>
      %min3A_615 = arith.constant 511 : i32
      %min3A_616 = vector.broadcast %min3A_615 : i32 to vector<16xi32>
      %min3A_617 = arith.minsi %max3A_614, %min3A_616 : vector<16xi32>
      %add3A_618 = arith.constant 22 : i32
      %add3A_619 = vector.broadcast %add3A_618 : i32 to vector<16xi32>
      %add3A_620 = arith.addi %mul3A_29, %add3A_619 : vector<16xi32>
      %mul3A_621 = arith.constant 512 : i32
      %mul3A_622 = vector.broadcast %mul3A_621 : i32 to vector<16xi32>
      %mul3A_623 = arith.muli %min3A_608, %mul3A_622 : vector<16xi32>
      %add3A_624 = arith.addi %mul3A_26, %mul3A_623 : vector<16xi32>
      %add3A_625 = arith.addi %add3A_624, %min3A_617 : vector<16xi32>
      tpu.vector_store_idx %arg10[%add3A_620], %add3A_625 : memref<784xi32, #tpu.memory_space<vmem>>[vector<16xi32>], vector<16xi32>,
      %add3A_626 = arith.constant 0 : i32
      %add3A_627 = vector.broadcast %add3A_626 : i32 to vector<16xi32>
      %add3A_628 = arith.addi %get3A_21, %add3A_627 : vector<16xi32>
      %max3A_629 = arith.constant 0 : i32
      %max3A_630 = vector.broadcast %max3A_629 : i32 to vector<16xi32>
      %max3A_631 = arith.maxsi %add3A_628, %max3A_630 : vector<16xi32>
      %min3A_632 = arith.constant 511 : i32
      %min3A_633 = vector.broadcast %min3A_632 : i32 to vector<16xi32>
      %min3A_634 = arith.minsi %max3A_631, %min3A_633 : vector<16xi32>
      %add3A_635 = arith.constant -1 : i32
      %add3A_636 = vector.broadcast %add3A_635 : i32 to vector<16xi32>
      %add3A_637 = arith.addi %get3A_23, %add3A_636 : vector<16xi32>
      %max3A_638 = arith.constant 0 : i32
      %max3A_639 = vector.broadcast %max3A_638 : i32 to vector<16xi32>
      %max3A_640 = arith.maxsi %add3A_637, %max3A_639 : vector<16xi32>
      %min3A_641 = arith.constant 511 : i32
      %min3A_642 = vector.broadcast %min3A_641 : i32 to vector<16xi32>
      %min3A_643 = arith.minsi %max3A_640, %min3A_642 : vector<16xi32>
      %add3A_644 = arith.constant 23 : i32
      %add3A_645 = vector.broadcast %add3A_644 : i32 to vector<16xi32>
      %add3A_646 = arith.addi %mul3A_29, %add3A_645 : vector<16xi32>
      %mul3A_647 = arith.constant 512 : i32
      %mul3A_648 = vector.broadcast %mul3A_647 : i32 to vector<16xi32>
      %mul3A_649 = arith.muli %min3A_634, %mul3A_648 : vector<16xi32>
      %add3A_650 = arith.addi %mul3A_26, %mul3A_649 : vector<16xi32>
      %add3A_651 = arith.addi %add3A_650, %min3A_643 : vector<16xi32>
      tpu.vector_store_idx %arg10[%add3A_646], %add3A_651 : memref<784xi32, #tpu.memory_space<vmem>>[vector<16xi32>], vector<16xi32>,
      %add3A_652 = arith.constant 0 : i32
      %add3A_653 = vector.broadcast %add3A_652 : i32 to vector<16xi32>
      %add3A_654 = arith.addi %get3A_21, %add3A_653 : vector<16xi32>
      %max3A_655 = arith.constant 0 : i32
      %max3A_656 = vector.broadcast %max3A_655 : i32 to vector<16xi32>
      %max3A_657 = arith.maxsi %add3A_654, %max3A_656 : vector<16xi32>
      %min3A_658 = arith.constant 511 : i32
      %min3A_659 = vector.broadcast %min3A_658 : i32 to vector<16xi32>
      %min3A_660 = arith.minsi %max3A_657, %min3A_659 : vector<16xi32>
      %add3A_661 = arith.constant 0 : i32
      %add3A_662 = vector.broadcast %add3A_661 : i32 to vector<16xi32>
      %add3A_663 = arith.addi %get3A_23, %add3A_662 : vector<16xi32>
      %max3A_664 = arith.constant 0 : i32
      %max3A_665 = vector.broadcast %max3A_664 : i32 to vector<16xi32>
      %max3A_666 = arith.maxsi %add3A_663, %max3A_665 : vector<16xi32>
      %min3A_667 = arith.constant 511 : i32
      %min3A_668 = vector.broadcast %min3A_667 : i32 to vector<16xi32>
      %min3A_669 = arith.minsi %max3A_666, %min3A_668 : vector<16xi32>
      %add3A_670 = arith.constant 24 : i32
      %add3A_671 = vector.broadcast %add3A_670 : i32 to vector<16xi32>
      %add3A_672 = arith.addi %mul3A_29, %add3A_671 : vector<16xi32>
      %mul3A_673 = arith.constant 512 : i32
      %mul3A_674 = vector.broadcast %mul3A_673 : i32 to vector<16xi32>
      %mul3A_675 = arith.muli %min3A_660, %mul3A_674 : vector<16xi32>
      %add3A_676 = arith.addi %mul3A_26, %mul3A_675 : vector<16xi32>
      %add3A_677 = arith.addi %add3A_676, %min3A_669 : vector<16xi32>
      tpu.vector_store_idx %arg10[%add3A_672], %add3A_677 : memref<784xi32, #tpu.memory_space<vmem>>[vector<16xi32>], vector<16xi32>,
      %add3A_678 = arith.constant 0 : i32
      %add3A_679 = vector.broadcast %add3A_678 : i32 to vector<16xi32>
      %add3A_680 = arith.addi %get3A_21, %add3A_679 : vector<16xi32>
      %max3A_681 = arith.constant 0 : i32
      %max3A_682 = vector.broadcast %max3A_681 : i32 to vector<16xi32>
      %max3A_683 = arith.maxsi %add3A_680, %max3A_682 : vector<16xi32>
      %min3A_684 = arith.constant 511 : i32
      %min3A_685 = vector.broadcast %min3A_684 : i32 to vector<16xi32>
      %min3A_686 = arith.minsi %max3A_683, %min3A_685 : vector<16xi32>
      %add3A_687 = arith.constant 1 : i32
      %add3A_688 = vector.broadcast %add3A_687 : i32 to vector<16xi32>
      %add3A_689 = arith.addi %get3A_23, %add3A_688 : vector<16xi32>
      %max3A_690 = arith.constant 0 : i32
      %max3A_691 = vector.broadcast %max3A_690 : i32 to vector<16xi32>
      %max3A_692 = arith.maxsi %add3A_689, %max3A_691 : vector<16xi32>
      %min3A_693 = arith.constant 511 : i32
      %min3A_694 = vector.broadcast %min3A_693 : i32 to vector<16xi32>
      %min3A_695 = arith.minsi %max3A_692, %min3A_694 : vector<16xi32>
      %add3A_696 = arith.constant 25 : i32
      %add3A_697 = vector.broadcast %add3A_696 : i32 to vector<16xi32>
      %add3A_698 = arith.addi %mul3A_29, %add3A_697 : vector<16xi32>
      %mul3A_699 = arith.constant 512 : i32
      %mul3A_700 = vector.broadcast %mul3A_699 : i32 to vector<16xi32>
      %mul3A_701 = arith.muli %min3A_686, %mul3A_700 : vector<16xi32>
      %add3A_702 = arith.addi %mul3A_26, %mul3A_701 : vector<16xi32>
      %add3A_703 = arith.addi %add3A_702, %min3A_695 : vector<16xi32>
      tpu.vector_store_idx %arg10[%add3A_698], %add3A_703 : memref<784xi32, #tpu.memory_space<vmem>>[vector<16xi32>], vector<16xi32>,
      %add3A_704 = arith.constant 0 : i32
      %add3A_705 = vector.broadcast %add3A_704 : i32 to vector<16xi32>
      %add3A_706 = arith.addi %get3A_21, %add3A_705 : vector<16xi32>
      %max3A_707 = arith.constant 0 : i32
      %max3A_708 = vector.broadcast %max3A_707 : i32 to vector<16xi32>
      %max3A_709 = arith.maxsi %add3A_706, %max3A_708 : vector<16xi32>
      %min3A_710 = arith.constant 511 : i32
      %min3A_711 = vector.broadcast %min3A_710 : i32 to vector<16xi32>
      %min3A_712 = arith.minsi %max3A_709, %min3A_711 : vector<16xi32>
      %add3A_713 = arith.constant 2 : i32
      %add3A_714 = vector.broadcast %add3A_713 : i32 to vector<16xi32>
      %add3A_715 = arith.addi %get3A_23, %add3A_714 : vector<16xi32>
      %max3A_716 = arith.constant 0 : i32
      %max3A_717 = vector.broadcast %max3A_716 : i32 to vector<16xi32>
      %max3A_718 = arith.maxsi %add3A_715, %max3A_717 : vector<16xi32>
      %min3A_719 = arith.constant 511 : i32
      %min3A_720 = vector.broadcast %min3A_719 : i32 to vector<16xi32>
      %min3A_721 = arith.minsi %max3A_718, %min3A_720 : vector<16xi32>
      %add3A_722 = arith.constant 26 : i32
      %add3A_723 = vector.broadcast %add3A_722 : i32 to vector<16xi32>
      %add3A_724 = arith.addi %mul3A_29, %add3A_723 : vector<16xi32>
      %mul3A_725 = arith.constant 512 : i32
      %mul3A_726 = vector.broadcast %mul3A_725 : i32 to vector<16xi32>
      %mul3A_727 = arith.muli %min3A_712, %mul3A_726 : vector<16xi32>
      %add3A_728 = arith.addi %mul3A_26, %mul3A_727 : vector<16xi32>
      %add3A_729 = arith.addi %add3A_728, %min3A_721 : vector<16xi32>
      tpu.vector_store_idx %arg10[%add3A_724], %add3A_729 : memref<784xi32, #tpu.memory_space<vmem>>[vector<16xi32>], vector<16xi32>,
      %add3A_730 = arith.constant 0 : i32
      %add3A_731 = vector.broadcast %add3A_730 : i32 to vector<16xi32>
      %add3A_732 = arith.addi %get3A_21, %add3A_731 : vector<16xi32>
      %max3A_733 = arith.constant 0 : i32
      %max3A_734 = vector.broadcast %max3A_733 : i32 to vector<16xi32>
      %max3A_735 = arith.maxsi %add3A_732, %max3A_734 : vector<16xi32>
      %min3A_736 = arith.constant 511 : i32
      %min3A_737 = vector.broadcast %min3A_736 : i32 to vector<16xi32>
      %min3A_738 = arith.minsi %max3A_735, %min3A_737 : vector<16xi32>
      %add3A_739 = arith.constant 3 : i32
      %add3A_740 = vector.broadcast %add3A_739 : i32 to vector<16xi32>
      %add3A_741 = arith.addi %get3A_23, %add3A_740 : vector<16xi32>
      %max3A_742 = arith.constant 0 : i32
      %max3A_743 = vector.broadcast %max3A_742 : i32 to vector<16xi32>
      %max3A_744 = arith.maxsi %add3A_741, %max3A_743 : vector<16xi32>
      %min3A_745 = arith.constant 511 : i32
      %min3A_746 = vector.broadcast %min3A_745 : i32 to vector<16xi32>
      %min3A_747 = arith.minsi %max3A_744, %min3A_746 : vector<16xi32>
      %add3A_748 = arith.constant 27 : i32
      %add3A_749 = vector.broadcast %add3A_748 : i32 to vector<16xi32>
      %add3A_750 = arith.addi %mul3A_29, %add3A_749 : vector<16xi32>
      %mul3A_751 = arith.constant 512 : i32
      %mul3A_752 = vector.broadcast %mul3A_751 : i32 to vector<16xi32>
      %mul3A_753 = arith.muli %min3A_738, %mul3A_752 : vector<16xi32>
      %add3A_754 = arith.addi %mul3A_26, %mul3A_753 : vector<16xi32>
      %add3A_755 = arith.addi %add3A_754, %min3A_747 : vector<16xi32>
      tpu.vector_store_idx %arg10[%add3A_750], %add3A_755 : memref<784xi32, #tpu.memory_space<vmem>>[vector<16xi32>], vector<16xi32>,
      %add3A_756 = arith.constant 1 : i32
      %add3A_757 = vector.broadcast %add3A_756 : i32 to vector<16xi32>
      %add3A_758 = arith.addi %get3A_21, %add3A_757 : vector<16xi32>
      %max3A_759 = arith.constant 0 : i32
      %max3A_760 = vector.broadcast %max3A_759 : i32 to vector<16xi32>
      %max3A_761 = arith.maxsi %add3A_758, %max3A_760 : vector<16xi32>
      %min3A_762 = arith.constant 511 : i32
      %min3A_763 = vector.broadcast %min3A_762 : i32 to vector<16xi32>
      %min3A_764 = arith.minsi %max3A_761, %min3A_763 : vector<16xi32>
      %add3A_765 = arith.constant -3 : i32
      %add3A_766 = vector.broadcast %add3A_765 : i32 to vector<16xi32>
      %add3A_767 = arith.addi %get3A_23, %add3A_766 : vector<16xi32>
      %max3A_768 = arith.constant 0 : i32
      %max3A_769 = vector.broadcast %max3A_768 : i32 to vector<16xi32>
      %max3A_770 = arith.maxsi %add3A_767, %max3A_769 : vector<16xi32>
      %min3A_771 = arith.constant 511 : i32
      %min3A_772 = vector.broadcast %min3A_771 : i32 to vector<16xi32>
      %min3A_773 = arith.minsi %max3A_770, %min3A_772 : vector<16xi32>
      %add3A_774 = arith.constant 28 : i32
      %add3A_775 = vector.broadcast %add3A_774 : i32 to vector<16xi32>
      %add3A_776 = arith.addi %mul3A_29, %add3A_775 : vector<16xi32>
      %mul3A_777 = arith.constant 512 : i32
      %mul3A_778 = vector.broadcast %mul3A_777 : i32 to vector<16xi32>
      %mul3A_779 = arith.muli %min3A_764, %mul3A_778 : vector<16xi32>
      %add3A_780 = arith.addi %mul3A_26, %mul3A_779 : vector<16xi32>
      %add3A_781 = arith.addi %add3A_780, %min3A_773 : vector<16xi32>
      tpu.vector_store_idx %arg10[%add3A_776], %add3A_781 : memref<784xi32, #tpu.memory_space<vmem>>[vector<16xi32>], vector<16xi32>,
      %add3A_782 = arith.constant 1 : i32
      %add3A_783 = vector.broadcast %add3A_782 : i32 to vector<16xi32>
      %add3A_784 = arith.addi %get3A_21, %add3A_783 : vector<16xi32>
      %max3A_785 = arith.constant 0 : i32
      %max3A_786 = vector.broadcast %max3A_785 : i32 to vector<16xi32>
      %max3A_787 = arith.maxsi %add3A_784, %max3A_786 : vector<16xi32>
      %min3A_788 = arith.constant 511 : i32
      %min3A_789 = vector.broadcast %min3A_788 : i32 to vector<16xi32>
      %min3A_790 = arith.minsi %max3A_787, %min3A_789 : vector<16xi32>
      %add3A_791 = arith.constant -2 : i32
      %add3A_792 = vector.broadcast %add3A_791 : i32 to vector<16xi32>
      %add3A_793 = arith.addi %get3A_23, %add3A_792 : vector<16xi32>
      %max3A_794 = arith.constant 0 : i32
      %max3A_795 = vector.broadcast %max3A_794 : i32 to vector<16xi32>
      %max3A_796 = arith.maxsi %add3A_793, %max3A_795 : vector<16xi32>
      %min3A_797 = arith.constant 511 : i32
      %min3A_798 = vector.broadcast %min3A_797 : i32 to vector<16xi32>
      %min3A_799 = arith.minsi %max3A_796, %min3A_798 : vector<16xi32>
      %add3A_800 = arith.constant 29 : i32
      %add3A_801 = vector.broadcast %add3A_800 : i32 to vector<16xi32>
      %add3A_802 = arith.addi %mul3A_29, %add3A_801 : vector<16xi32>
      %mul3A_803 = arith.constant 512 : i32
      %mul3A_804 = vector.broadcast %mul3A_803 : i32 to vector<16xi32>
      %mul3A_805 = arith.muli %min3A_790, %mul3A_804 : vector<16xi32>
      %add3A_806 = arith.addi %mul3A_26, %mul3A_805 : vector<16xi32>
      %add3A_807 = arith.addi %add3A_806, %min3A_799 : vector<16xi32>
      tpu.vector_store_idx %arg10[%add3A_802], %add3A_807 : memref<784xi32, #tpu.memory_space<vmem>>[vector<16xi32>], vector<16xi32>,
      %add3A_808 = arith.constant 1 : i32
      %add3A_809 = vector.broadcast %add3A_808 : i32 to vector<16xi32>
      %add3A_810 = arith.addi %get3A_21, %add3A_809 : vector<16xi32>
      %max3A_811 = arith.constant 0 : i32
      %max3A_812 = vector.broadcast %max3A_811 : i32 to vector<16xi32>
      %max3A_813 = arith.maxsi %add3A_810, %max3A_812 : vector<16xi32>
      %min3A_814 = arith.constant 511 : i32
      %min3A_815 = vector.broadcast %min3A_814 : i32 to vector<16xi32>
      %min3A_816 = arith.minsi %max3A_813, %min3A_815 : vector<16xi32>
      %add3A_817 = arith.constant -1 : i32
      %add3A_818 = vector.broadcast %add3A_817 : i32 to vector<16xi32>
      %add3A_819 = arith.addi %get3A_23, %add3A_818 : vector<16xi32>
      %max3A_820 = arith.constant 0 : i32
      %max3A_821 = vector.broadcast %max3A_820 : i32 to vector<16xi32>
      %max3A_822 = arith.maxsi %add3A_819, %max3A_821 : vector<16xi32>
      %min3A_823 = arith.constant 511 : i32
      %min3A_824 = vector.broadcast %min3A_823 : i32 to vector<16xi32>
      %min3A_825 = arith.minsi %max3A_822, %min3A_824 : vector<16xi32>
      %add3A_826 = arith.constant 30 : i32
      %add3A_827 = vector.broadcast %add3A_826 : i32 to vector<16xi32>
      %add3A_828 = arith.addi %mul3A_29, %add3A_827 : vector<16xi32>
      %mul3A_829 = arith.constant 512 : i32
      %mul3A_830 = vector.broadcast %mul3A_829 : i32 to vector<16xi32>
      %mul3A_831 = arith.muli %min3A_816, %mul3A_830 : vector<16xi32>
      %add3A_832 = arith.addi %mul3A_26, %mul3A_831 : vector<16xi32>
      %add3A_833 = arith.addi %add3A_832, %min3A_825 : vector<16xi32>
      tpu.vector_store_idx %arg10[%add3A_828], %add3A_833 : memref<784xi32, #tpu.memory_space<vmem>>[vector<16xi32>], vector<16xi32>,
      %add3A_834 = arith.constant 1 : i32
      %add3A_835 = vector.broadcast %add3A_834 : i32 to vector<16xi32>
      %add3A_836 = arith.addi %get3A_21, %add3A_835 : vector<16xi32>
      %max3A_837 = arith.constant 0 : i32
      %max3A_838 = vector.broadcast %max3A_837 : i32 to vector<16xi32>
      %max3A_839 = arith.maxsi %add3A_836, %max3A_838 : vector<16xi32>
      %min3A_840 = arith.constant 511 : i32
      %min3A_841 = vector.broadcast %min3A_840 : i32 to vector<16xi32>
      %min3A_842 = arith.minsi %max3A_839, %min3A_841 : vector<16xi32>
      %add3A_843 = arith.constant 0 : i32
      %add3A_844 = vector.broadcast %add3A_843 : i32 to vector<16xi32>
      %add3A_845 = arith.addi %get3A_23, %add3A_844 : vector<16xi32>
      %max3A_846 = arith.constant 0 : i32
      %max3A_847 = vector.broadcast %max3A_846 : i32 to vector<16xi32>
      %max3A_848 = arith.maxsi %add3A_845, %max3A_847 : vector<16xi32>
      %min3A_849 = arith.constant 511 : i32
      %min3A_850 = vector.broadcast %min3A_849 : i32 to vector<16xi32>
      %min3A_851 = arith.minsi %max3A_848, %min3A_850 : vector<16xi32>
      %add3A_852 = arith.constant 31 : i32
      %add3A_853 = vector.broadcast %add3A_852 : i32 to vector<16xi32>
      %add3A_854 = arith.addi %mul3A_29, %add3A_853 : vector<16xi32>
      %mul3A_855 = arith.constant 512 : i32
      %mul3A_856 = vector.broadcast %mul3A_855 : i32 to vector<16xi32>
      %mul3A_857 = arith.muli %min3A_842, %mul3A_856 : vector<16xi32>
      %add3A_858 = arith.addi %mul3A_26, %mul3A_857 : vector<16xi32>
      %add3A_859 = arith.addi %add3A_858, %min3A_851 : vector<16xi32>
      tpu.vector_store_idx %arg10[%add3A_854], %add3A_859 : memref<784xi32, #tpu.memory_space<vmem>>[vector<16xi32>], vector<16xi32>,
      %add3A_860 = arith.constant 1 : i32
      %add3A_861 = vector.broadcast %add3A_860 : i32 to vector<16xi32>
      %add3A_862 = arith.addi %get3A_21, %add3A_861 : vector<16xi32>
      %max3A_863 = arith.constant 0 : i32
      %max3A_864 = vector.broadcast %max3A_863 : i32 to vector<16xi32>
      %max3A_865 = arith.maxsi %add3A_862, %max3A_864 : vector<16xi32>
      %min3A_866 = arith.constant 511 : i32
      %min3A_867 = vector.broadcast %min3A_866 : i32 to vector<16xi32>
      %min3A_868 = arith.minsi %max3A_865, %min3A_867 : vector<16xi32>
      %add3A_869 = arith.constant 1 : i32
      %add3A_870 = vector.broadcast %add3A_869 : i32 to vector<16xi32>
      %add3A_871 = arith.addi %get3A_23, %add3A_870 : vector<16xi32>
      %max3A_872 = arith.constant 0 : i32
      %max3A_873 = vector.broadcast %max3A_872 : i32 to vector<16xi32>
      %max3A_874 = arith.maxsi %add3A_871, %max3A_873 : vector<16xi32>
      %min3A_875 = arith.constant 511 : i32
      %min3A_876 = vector.broadcast %min3A_875 : i32 to vector<16xi32>
      %min3A_877 = arith.minsi %max3A_874, %min3A_876 : vector<16xi32>
      %add3A_878 = arith.constant 32 : i32
      %add3A_879 = vector.broadcast %add3A_878 : i32 to vector<16xi32>
      %add3A_880 = arith.addi %mul3A_29, %add3A_879 : vector<16xi32>
      %mul3A_881 = arith.constant 512 : i32
      %mul3A_882 = vector.broadcast %mul3A_881 : i32 to vector<16xi32>
      %mul3A_883 = arith.muli %min3A_868, %mul3A_882 : vector<16xi32>
      %add3A_884 = arith.addi %mul3A_26, %mul3A_883 : vector<16xi32>
      %add3A_885 = arith.addi %add3A_884, %min3A_877 : vector<16xi32>
      tpu.vector_store_idx %arg10[%add3A_880], %add3A_885 : memref<784xi32, #tpu.memory_space<vmem>>[vector<16xi32>], vector<16xi32>,
      %add3A_886 = arith.constant 1 : i32
      %add3A_887 = vector.broadcast %add3A_886 : i32 to vector<16xi32>
      %add3A_888 = arith.addi %get3A_21, %add3A_887 : vector<16xi32>
      %max3A_889 = arith.constant 0 : i32
      %max3A_890 = vector.broadcast %max3A_889 : i32 to vector<16xi32>
      %max3A_891 = arith.maxsi %add3A_888, %max3A_890 : vector<16xi32>
      %min3A_892 = arith.constant 511 : i32
      %min3A_893 = vector.broadcast %min3A_892 : i32 to vector<16xi32>
      %min3A_894 = arith.minsi %max3A_891, %min3A_893 : vector<16xi32>
      %add3A_895 = arith.constant 2 : i32
      %add3A_896 = vector.broadcast %add3A_895 : i32 to vector<16xi32>
      %add3A_897 = arith.addi %get3A_23, %add3A_896 : vector<16xi32>
      %max3A_898 = arith.constant 0 : i32
      %max3A_899 = vector.broadcast %max3A_898 : i32 to vector<16xi32>
      %max3A_900 = arith.maxsi %add3A_897, %max3A_899 : vector<16xi32>
      %min3A_901 = arith.constant 511 : i32
      %min3A_902 = vector.broadcast %min3A_901 : i32 to vector<16xi32>
      %min3A_903 = arith.minsi %max3A_900, %min3A_902 : vector<16xi32>
      %add3A_904 = arith.constant 33 : i32
      %add3A_905 = vector.broadcast %add3A_904 : i32 to vector<16xi32>
      %add3A_906 = arith.addi %mul3A_29, %add3A_905 : vector<16xi32>
      %mul3A_907 = arith.constant 512 : i32
      %mul3A_908 = vector.broadcast %mul3A_907 : i32 to vector<16xi32>
      %mul3A_909 = arith.muli %min3A_894, %mul3A_908 : vector<16xi32>
      %add3A_910 = arith.addi %mul3A_26, %mul3A_909 : vector<16xi32>
      %add3A_911 = arith.addi %add3A_910, %min3A_903 : vector<16xi32>
      tpu.vector_store_idx %arg10[%add3A_906], %add3A_911 : memref<784xi32, #tpu.memory_space<vmem>>[vector<16xi32>], vector<16xi32>,
      %add3A_912 = arith.constant 1 : i32
      %add3A_913 = vector.broadcast %add3A_912 : i32 to vector<16xi32>
      %add3A_914 = arith.addi %get3A_21, %add3A_913 : vector<16xi32>
      %max3A_915 = arith.constant 0 : i32
      %max3A_916 = vector.broadcast %max3A_915 : i32 to vector<16xi32>
      %max3A_917 = arith.maxsi %add3A_914, %max3A_916 : vector<16xi32>
      %min3A_918 = arith.constant 511 : i32
      %min3A_919 = vector.broadcast %min3A_918 : i32 to vector<16xi32>
      %min3A_920 = arith.minsi %max3A_917, %min3A_919 : vector<16xi32>
      %add3A_921 = arith.constant 3 : i32
      %add3A_922 = vector.broadcast %add3A_921 : i32 to vector<16xi32>
      %add3A_923 = arith.addi %get3A_23, %add3A_922 : vector<16xi32>
      %max3A_924 = arith.constant 0 : i32
      %max3A_925 = vector.broadcast %max3A_924 : i32 to vector<16xi32>
      %max3A_926 = arith.maxsi %add3A_923, %max3A_925 : vector<16xi32>
      %min3A_927 = arith.constant 511 : i32
      %min3A_928 = vector.broadcast %min3A_927 : i32 to vector<16xi32>
      %min3A_929 = arith.minsi %max3A_926, %min3A_928 : vector<16xi32>
      %add3A_930 = arith.constant 34 : i32
      %add3A_931 = vector.broadcast %add3A_930 : i32 to vector<16xi32>
      %add3A_932 = arith.addi %mul3A_29, %add3A_931 : vector<16xi32>
      %mul3A_933 = arith.constant 512 : i32
      %mul3A_934 = vector.broadcast %mul3A_933 : i32 to vector<16xi32>
      %mul3A_935 = arith.muli %min3A_920, %mul3A_934 : vector<16xi32>
      %add3A_936 = arith.addi %mul3A_26, %mul3A_935 : vector<16xi32>
      %add3A_937 = arith.addi %add3A_936, %min3A_929 : vector<16xi32>
      tpu.vector_store_idx %arg10[%add3A_932], %add3A_937 : memref<784xi32, #tpu.memory_space<vmem>>[vector<16xi32>], vector<16xi32>,
      %add3A_938 = arith.constant 2 : i32
      %add3A_939 = vector.broadcast %add3A_938 : i32 to vector<16xi32>
      %add3A_940 = arith.addi %get3A_21, %add3A_939 : vector<16xi32>
      %max3A_941 = arith.constant 0 : i32
      %max3A_942 = vector.broadcast %max3A_941 : i32 to vector<16xi32>
      %max3A_943 = arith.maxsi %add3A_940, %max3A_942 : vector<16xi32>
      %min3A_944 = arith.constant 511 : i32
      %min3A_945 = vector.broadcast %min3A_944 : i32 to vector<16xi32>
      %min3A_946 = arith.minsi %max3A_943, %min3A_945 : vector<16xi32>
      %add3A_947 = arith.constant -3 : i32
      %add3A_948 = vector.broadcast %add3A_947 : i32 to vector<16xi32>
      %add3A_949 = arith.addi %get3A_23, %add3A_948 : vector<16xi32>
      %max3A_950 = arith.constant 0 : i32
      %max3A_951 = vector.broadcast %max3A_950 : i32 to vector<16xi32>
      %max3A_952 = arith.maxsi %add3A_949, %max3A_951 : vector<16xi32>
      %min3A_953 = arith.constant 511 : i32
      %min3A_954 = vector.broadcast %min3A_953 : i32 to vector<16xi32>
      %min3A_955 = arith.minsi %max3A_952, %min3A_954 : vector<16xi32>
      %add3A_956 = arith.constant 35 : i32
      %add3A_957 = vector.broadcast %add3A_956 : i32 to vector<16xi32>
      %add3A_958 = arith.addi %mul3A_29, %add3A_957 : vector<16xi32>
      %mul3A_959 = arith.constant 512 : i32
      %mul3A_960 = vector.broadcast %mul3A_959 : i32 to vector<16xi32>
      %mul3A_961 = arith.muli %min3A_946, %mul3A_960 : vector<16xi32>
      %add3A_962 = arith.addi %mul3A_26, %mul3A_961 : vector<16xi32>
      %add3A_963 = arith.addi %add3A_962, %min3A_955 : vector<16xi32>
      tpu.vector_store_idx %arg10[%add3A_958], %add3A_963 : memref<784xi32, #tpu.memory_space<vmem>>[vector<16xi32>], vector<16xi32>,
      %add3A_964 = arith.constant 2 : i32
      %add3A_965 = vector.broadcast %add3A_964 : i32 to vector<16xi32>
      %add3A_966 = arith.addi %get3A_21, %add3A_965 : vector<16xi32>
      %max3A_967 = arith.constant 0 : i32
      %max3A_968 = vector.broadcast %max3A_967 : i32 to vector<16xi32>
      %max3A_969 = arith.maxsi %add3A_966, %max3A_968 : vector<16xi32>
      %min3A_970 = arith.constant 511 : i32
      %min3A_971 = vector.broadcast %min3A_970 : i32 to vector<16xi32>
      %min3A_972 = arith.minsi %max3A_969, %min3A_971 : vector<16xi32>
      %add3A_973 = arith.constant -2 : i32
      %add3A_974 = vector.broadcast %add3A_973 : i32 to vector<16xi32>
      %add3A_975 = arith.addi %get3A_23, %add3A_974 : vector<16xi32>
      %max3A_976 = arith.constant 0 : i32
      %max3A_977 = vector.broadcast %max3A_976 : i32 to vector<16xi32>
      %max3A_978 = arith.maxsi %add3A_975, %max3A_977 : vector<16xi32>
      %min3A_979 = arith.constant 511 : i32
      %min3A_980 = vector.broadcast %min3A_979 : i32 to vector<16xi32>
      %min3A_981 = arith.minsi %max3A_978, %min3A_980 : vector<16xi32>
      %add3A_982 = arith.constant 36 : i32
      %add3A_983 = vector.broadcast %add3A_982 : i32 to vector<16xi32>
      %add3A_984 = arith.addi %mul3A_29, %add3A_983 : vector<16xi32>
      %mul3A_985 = arith.constant 512 : i32
      %mul3A_986 = vector.broadcast %mul3A_985 : i32 to vector<16xi32>
      %mul3A_987 = arith.muli %min3A_972, %mul3A_986 : vector<16xi32>
      %add3A_988 = arith.addi %mul3A_26, %mul3A_987 : vector<16xi32>
      %add3A_989 = arith.addi %add3A_988, %min3A_981 : vector<16xi32>
      tpu.vector_store_idx %arg10[%add3A_984], %add3A_989 : memref<784xi32, #tpu.memory_space<vmem>>[vector<16xi32>], vector<16xi32>,
      %add3A_990 = arith.constant 2 : i32
      %add3A_991 = vector.broadcast %add3A_990 : i32 to vector<16xi32>
      %add3A_992 = arith.addi %get3A_21, %add3A_991 : vector<16xi32>
      %max3A_993 = arith.constant 0 : i32
      %max3A_994 = vector.broadcast %max3A_993 : i32 to vector<16xi32>
      %max3A_995 = arith.maxsi %add3A_992, %max3A_994 : vector<16xi32>
      %min3A_996 = arith.constant 511 : i32
      %min3A_997 = vector.broadcast %min3A_996 : i32 to vector<16xi32>
      %min3A_998 = arith.minsi %max3A_995, %min3A_997 : vector<16xi32>
      %add3A_999 = arith.constant -1 : i32
      %add3A_1000 = vector.broadcast %add3A_999 : i32 to vector<16xi32>
      %add3A_1001 = arith.addi %get3A_23, %add3A_1000 : vector<16xi32>
      %max3A_1002 = arith.constant 0 : i32
      %max3A_1003 = vector.broadcast %max3A_1002 : i32 to vector<16xi32>
      %max3A_1004 = arith.maxsi %add3A_1001, %max3A_1003 : vector<16xi32>
      %min3A_1005 = arith.constant 511 : i32
      %min3A_1006 = vector.broadcast %min3A_1005 : i32 to vector<16xi32>
      %min3A_1007 = arith.minsi %max3A_1004, %min3A_1006 : vector<16xi32>
      %add3A_1008 = arith.constant 37 : i32
      %add3A_1009 = vector.broadcast %add3A_1008 : i32 to vector<16xi32>
      %add3A_1010 = arith.addi %mul3A_29, %add3A_1009 : vector<16xi32>
      %mul3A_1011 = arith.constant 512 : i32
      %mul3A_1012 = vector.broadcast %mul3A_1011 : i32 to vector<16xi32>
      %mul3A_1013 = arith.muli %min3A_998, %mul3A_1012 : vector<16xi32>
      %add3A_1014 = arith.addi %mul3A_26, %mul3A_1013 : vector<16xi32>
      %add3A_1015 = arith.addi %add3A_1014, %min3A_1007 : vector<16xi32>
      tpu.vector_store_idx %arg10[%add3A_1010], %add3A_1015 : memref<784xi32, #tpu.memory_space<vmem>>[vector<16xi32>], vector<16xi32>,
      %add3A_1016 = arith.constant 2 : i32
      %add3A_1017 = vector.broadcast %add3A_1016 : i32 to vector<16xi32>
      %add3A_1018 = arith.addi %get3A_21, %add3A_1017 : vector<16xi32>
      %max3A_1019 = arith.constant 0 : i32
      %max3A_1020 = vector.broadcast %max3A_1019 : i32 to vector<16xi32>
      %max3A_1021 = arith.maxsi %add3A_1018, %max3A_1020 : vector<16xi32>
      %min3A_1022 = arith.constant 511 : i32
      %min3A_1023 = vector.broadcast %min3A_1022 : i32 to vector<16xi32>
      %min3A_1024 = arith.minsi %max3A_1021, %min3A_1023 : vector<16xi32>
      %add3A_1025 = arith.constant 0 : i32
      %add3A_1026 = vector.broadcast %add3A_1025 : i32 to vector<16xi32>
      %add3A_1027 = arith.addi %get3A_23, %add3A_1026 : vector<16xi32>
      %max3A_1028 = arith.constant 0 : i32
      %max3A_1029 = vector.broadcast %max3A_1028 : i32 to vector<16xi32>
      %max3A_1030 = arith.maxsi %add3A_1027, %max3A_1029 : vector<16xi32>
      %min3A_1031 = arith.constant 511 : i32
      %min3A_1032 = vector.broadcast %min3A_1031 : i32 to vector<16xi32>
      %min3A_1033 = arith.minsi %max3A_1030, %min3A_1032 : vector<16xi32>
      %add3A_1034 = arith.constant 38 : i32
      %add3A_1035 = vector.broadcast %add3A_1034 : i32 to vector<16xi32>
      %add3A_1036 = arith.addi %mul3A_29, %add3A_1035 : vector<16xi32>
      %mul3A_1037 = arith.constant 512 : i32
      %mul3A_1038 = vector.broadcast %mul3A_1037 : i32 to vector<16xi32>
      %mul3A_1039 = arith.muli %min3A_1024, %mul3A_1038 : vector<16xi32>
      %add3A_1040 = arith.addi %mul3A_26, %mul3A_1039 : vector<16xi32>
      %add3A_1041 = arith.addi %add3A_1040, %min3A_1033 : vector<16xi32>
      tpu.vector_store_idx %arg10[%add3A_1036], %add3A_1041 : memref<784xi32, #tpu.memory_space<vmem>>[vector<16xi32>], vector<16xi32>,
      %add3A_1042 = arith.constant 2 : i32
      %add3A_1043 = vector.broadcast %add3A_1042 : i32 to vector<16xi32>
      %add3A_1044 = arith.addi %get3A_21, %add3A_1043 : vector<16xi32>
      %max3A_1045 = arith.constant 0 : i32
      %max3A_1046 = vector.broadcast %max3A_1045 : i32 to vector<16xi32>
      %max3A_1047 = arith.maxsi %add3A_1044, %max3A_1046 : vector<16xi32>
      %min3A_1048 = arith.constant 511 : i32
      %min3A_1049 = vector.broadcast %min3A_1048 : i32 to vector<16xi32>
      %min3A_1050 = arith.minsi %max3A_1047, %min3A_1049 : vector<16xi32>
      %add3A_1051 = arith.constant 1 : i32
      %add3A_1052 = vector.broadcast %add3A_1051 : i32 to vector<16xi32>
      %add3A_1053 = arith.addi %get3A_23, %add3A_1052 : vector<16xi32>
      %max3A_1054 = arith.constant 0 : i32
      %max3A_1055 = vector.broadcast %max3A_1054 : i32 to vector<16xi32>
      %max3A_1056 = arith.maxsi %add3A_1053, %max3A_1055 : vector<16xi32>
      %min3A_1057 = arith.constant 511 : i32
      %min3A_1058 = vector.broadcast %min3A_1057 : i32 to vector<16xi32>
      %min3A_1059 = arith.minsi %max3A_1056, %min3A_1058 : vector<16xi32>
      %add3A_1060 = arith.constant 39 : i32
      %add3A_1061 = vector.broadcast %add3A_1060 : i32 to vector<16xi32>
      %add3A_1062 = arith.addi %mul3A_29, %add3A_1061 : vector<16xi32>
      %mul3A_1063 = arith.constant 512 : i32
      %mul3A_1064 = vector.broadcast %mul3A_1063 : i32 to vector<16xi32>
      %mul3A_1065 = arith.muli %min3A_1050, %mul3A_1064 : vector<16xi32>
      %add3A_1066 = arith.addi %mul3A_26, %mul3A_1065 : vector<16xi32>
      %add3A_1067 = arith.addi %add3A_1066, %min3A_1059 : vector<16xi32>
      tpu.vector_store_idx %arg10[%add3A_1062], %add3A_1067 : memref<784xi32, #tpu.memory_space<vmem>>[vector<16xi32>], vector<16xi32>,
      %add3A_1068 = arith.constant 2 : i32
      %add3A_1069 = vector.broadcast %add3A_1068 : i32 to vector<16xi32>
      %add3A_1070 = arith.addi %get3A_21, %add3A_1069 : vector<16xi32>
      %max3A_1071 = arith.constant 0 : i32
      %max3A_1072 = vector.broadcast %max3A_1071 : i32 to vector<16xi32>
      %max3A_1073 = arith.maxsi %add3A_1070, %max3A_1072 : vector<16xi32>
      %min3A_1074 = arith.constant 511 : i32
      %min3A_1075 = vector.broadcast %min3A_1074 : i32 to vector<16xi32>
      %min3A_1076 = arith.minsi %max3A_1073, %min3A_1075 : vector<16xi32>
      %add3A_1077 = arith.constant 2 : i32
      %add3A_1078 = vector.broadcast %add3A_1077 : i32 to vector<16xi32>
      %add3A_1079 = arith.addi %get3A_23, %add3A_1078 : vector<16xi32>
      %max3A_1080 = arith.constant 0 : i32
      %max3A_1081 = vector.broadcast %max3A_1080 : i32 to vector<16xi32>
      %max3A_1082 = arith.maxsi %add3A_1079, %max3A_1081 : vector<16xi32>
      %min3A_1083 = arith.constant 511 : i32
      %min3A_1084 = vector.broadcast %min3A_1083 : i32 to vector<16xi32>
      %min3A_1085 = arith.minsi %max3A_1082, %min3A_1084 : vector<16xi32>
      %add3A_1086 = arith.constant 40 : i32
      %add3A_1087 = vector.broadcast %add3A_1086 : i32 to vector<16xi32>
      %add3A_1088 = arith.addi %mul3A_29, %add3A_1087 : vector<16xi32>
      %mul3A_1089 = arith.constant 512 : i32
      %mul3A_1090 = vector.broadcast %mul3A_1089 : i32 to vector<16xi32>
      %mul3A_1091 = arith.muli %min3A_1076, %mul3A_1090 : vector<16xi32>
      %add3A_1092 = arith.addi %mul3A_26, %mul3A_1091 : vector<16xi32>
      %add3A_1093 = arith.addi %add3A_1092, %min3A_1085 : vector<16xi32>
      tpu.vector_store_idx %arg10[%add3A_1088], %add3A_1093 : memref<784xi32, #tpu.memory_space<vmem>>[vector<16xi32>], vector<16xi32>,
      %add3A_1094 = arith.constant 2 : i32
      %add3A_1095 = vector.broadcast %add3A_1094 : i32 to vector<16xi32>
      %add3A_1096 = arith.addi %get3A_21, %add3A_1095 : vector<16xi32>
      %max3A_1097 = arith.constant 0 : i32
      %max3A_1098 = vector.broadcast %max3A_1097 : i32 to vector<16xi32>
      %max3A_1099 = arith.maxsi %add3A_1096, %max3A_1098 : vector<16xi32>
      %min3A_1100 = arith.constant 511 : i32
      %min3A_1101 = vector.broadcast %min3A_1100 : i32 to vector<16xi32>
      %min3A_1102 = arith.minsi %max3A_1099, %min3A_1101 : vector<16xi32>
      %add3A_1103 = arith.constant 3 : i32
      %add3A_1104 = vector.broadcast %add3A_1103 : i32 to vector<16xi32>
      %add3A_1105 = arith.addi %get3A_23, %add3A_1104 : vector<16xi32>
      %max3A_1106 = arith.constant 0 : i32
      %max3A_1107 = vector.broadcast %max3A_1106 : i32 to vector<16xi32>
      %max3A_1108 = arith.maxsi %add3A_1105, %max3A_1107 : vector<16xi32>
      %min3A_1109 = arith.constant 511 : i32
      %min3A_1110 = vector.broadcast %min3A_1109 : i32 to vector<16xi32>
      %min3A_1111 = arith.minsi %max3A_1108, %min3A_1110 : vector<16xi32>
      %add3A_1112 = arith.constant 41 : i32
      %add3A_1113 = vector.broadcast %add3A_1112 : i32 to vector<16xi32>
      %add3A_1114 = arith.addi %mul3A_29, %add3A_1113 : vector<16xi32>
      %mul3A_1115 = arith.constant 512 : i32
      %mul3A_1116 = vector.broadcast %mul3A_1115 : i32 to vector<16xi32>
      %mul3A_1117 = arith.muli %min3A_1102, %mul3A_1116 : vector<16xi32>
      %add3A_1118 = arith.addi %mul3A_26, %mul3A_1117 : vector<16xi32>
      %add3A_1119 = arith.addi %add3A_1118, %min3A_1111 : vector<16xi32>
      tpu.vector_store_idx %arg10[%add3A_1114], %add3A_1119 : memref<784xi32, #tpu.memory_space<vmem>>[vector<16xi32>], vector<16xi32>,
      %add3A_1120 = arith.constant 3 : i32
      %add3A_1121 = vector.broadcast %add3A_1120 : i32 to vector<16xi32>
      %add3A_1122 = arith.addi %get3A_21, %add3A_1121 : vector<16xi32>
      %max3A_1123 = arith.constant 0 : i32
      %max3A_1124 = vector.broadcast %max3A_1123 : i32 to vector<16xi32>
      %max3A_1125 = arith.maxsi %add3A_1122, %max3A_1124 : vector<16xi32>
      %min3A_1126 = arith.constant 511 : i32
      %min3A_1127 = vector.broadcast %min3A_1126 : i32 to vector<16xi32>
      %min3A_1128 = arith.minsi %max3A_1125, %min3A_1127 : vector<16xi32>
      %add3A_1129 = arith.constant -3 : i32
      %add3A_1130 = vector.broadcast %add3A_1129 : i32 to vector<16xi32>
      %add3A_1131 = arith.addi %get3A_23, %add3A_1130 : vector<16xi32>
      %max3A_1132 = arith.constant 0 : i32
      %max3A_1133 = vector.broadcast %max3A_1132 : i32 to vector<16xi32>
      %max3A_1134 = arith.maxsi %add3A_1131, %max3A_1133 : vector<16xi32>
      %min3A_1135 = arith.constant 511 : i32
      %min3A_1136 = vector.broadcast %min3A_1135 : i32 to vector<16xi32>
      %min3A_1137 = arith.minsi %max3A_1134, %min3A_1136 : vector<16xi32>
      %add3A_1138 = arith.constant 42 : i32
      %add3A_1139 = vector.broadcast %add3A_1138 : i32 to vector<16xi32>
      %add3A_1140 = arith.addi %mul3A_29, %add3A_1139 : vector<16xi32>
      %mul3A_1141 = arith.constant 512 : i32
      %mul3A_1142 = vector.broadcast %mul3A_1141 : i32 to vector<16xi32>
      %mul3A_1143 = arith.muli %min3A_1128, %mul3A_1142 : vector<16xi32>
      %add3A_1144 = arith.addi %mul3A_26, %mul3A_1143 : vector<16xi32>
      %add3A_1145 = arith.addi %add3A_1144, %min3A_1137 : vector<16xi32>
      tpu.vector_store_idx %arg10[%add3A_1140], %add3A_1145 : memref<784xi32, #tpu.memory_space<vmem>>[vector<16xi32>], vector<16xi32>,
      %add3A_1146 = arith.constant 3 : i32
      %add3A_1147 = vector.broadcast %add3A_1146 : i32 to vector<16xi32>
      %add3A_1148 = arith.addi %get3A_21, %add3A_1147 : vector<16xi32>
      %max3A_1149 = arith.constant 0 : i32
      %max3A_1150 = vector.broadcast %max3A_1149 : i32 to vector<16xi32>
      %max3A_1151 = arith.maxsi %add3A_1148, %max3A_1150 : vector<16xi32>
      %min3A_1152 = arith.constant 511 : i32
      %min3A_1153 = vector.broadcast %min3A_1152 : i32 to vector<16xi32>
      %min3A_1154 = arith.minsi %max3A_1151, %min3A_1153 : vector<16xi32>
      %add3A_1155 = arith.constant -2 : i32
      %add3A_1156 = vector.broadcast %add3A_1155 : i32 to vector<16xi32>
      %add3A_1157 = arith.addi %get3A_23, %add3A_1156 : vector<16xi32>
      %max3A_1158 = arith.constant 0 : i32
      %max3A_1159 = vector.broadcast %max3A_1158 : i32 to vector<16xi32>
      %max3A_1160 = arith.maxsi %add3A_1157, %max3A_1159 : vector<16xi32>
      %min3A_1161 = arith.constant 511 : i32
      %min3A_1162 = vector.broadcast %min3A_1161 : i32 to vector<16xi32>
      %min3A_1163 = arith.minsi %max3A_1160, %min3A_1162 : vector<16xi32>
      %add3A_1164 = arith.constant 43 : i32
      %add3A_1165 = vector.broadcast %add3A_1164 : i32 to vector<16xi32>
      %add3A_1166 = arith.addi %mul3A_29, %add3A_1165 : vector<16xi32>
      %mul3A_1167 = arith.constant 512 : i32
      %mul3A_1168 = vector.broadcast %mul3A_1167 : i32 to vector<16xi32>
      %mul3A_1169 = arith.muli %min3A_1154, %mul3A_1168 : vector<16xi32>
      %add3A_1170 = arith.addi %mul3A_26, %mul3A_1169 : vector<16xi32>
      %add3A_1171 = arith.addi %add3A_1170, %min3A_1163 : vector<16xi32>
      tpu.vector_store_idx %arg10[%add3A_1166], %add3A_1171 : memref<784xi32, #tpu.memory_space<vmem>>[vector<16xi32>], vector<16xi32>,
      %add3A_1172 = arith.constant 3 : i32
      %add3A_1173 = vector.broadcast %add3A_1172 : i32 to vector<16xi32>
      %add3A_1174 = arith.addi %get3A_21, %add3A_1173 : vector<16xi32>
      %max3A_1175 = arith.constant 0 : i32
      %max3A_1176 = vector.broadcast %max3A_1175 : i32 to vector<16xi32>
      %max3A_1177 = arith.maxsi %add3A_1174, %max3A_1176 : vector<16xi32>
      %min3A_1178 = arith.constant 511 : i32
      %min3A_1179 = vector.broadcast %min3A_1178 : i32 to vector<16xi32>
      %min3A_1180 = arith.minsi %max3A_1177, %min3A_1179 : vector<16xi32>
      %add3A_1181 = arith.constant -1 : i32
      %add3A_1182 = vector.broadcast %add3A_1181 : i32 to vector<16xi32>
      %add3A_1183 = arith.addi %get3A_23, %add3A_1182 : vector<16xi32>
      %max3A_1184 = arith.constant 0 : i32
      %max3A_1185 = vector.broadcast %max3A_1184 : i32 to vector<16xi32>
      %max3A_1186 = arith.maxsi %add3A_1183, %max3A_1185 : vector<16xi32>
      %min3A_1187 = arith.constant 511 : i32
      %min3A_1188 = vector.broadcast %min3A_1187 : i32 to vector<16xi32>
      %min3A_1189 = arith.minsi %max3A_1186, %min3A_1188 : vector<16xi32>
      %add3A_1190 = arith.constant 44 : i32
      %add3A_1191 = vector.broadcast %add3A_1190 : i32 to vector<16xi32>
      %add3A_1192 = arith.addi %mul3A_29, %add3A_1191 : vector<16xi32>
      %mul3A_1193 = arith.constant 512 : i32
      %mul3A_1194 = vector.broadcast %mul3A_1193 : i32 to vector<16xi32>
      %mul3A_1195 = arith.muli %min3A_1180, %mul3A_1194 : vector<16xi32>
      %add3A_1196 = arith.addi %mul3A_26, %mul3A_1195 : vector<16xi32>
      %add3A_1197 = arith.addi %add3A_1196, %min3A_1189 : vector<16xi32>
      tpu.vector_store_idx %arg10[%add3A_1192], %add3A_1197 : memref<784xi32, #tpu.memory_space<vmem>>[vector<16xi32>], vector<16xi32>,
      %add3A_1198 = arith.constant 3 : i32
      %add3A_1199 = vector.broadcast %add3A_1198 : i32 to vector<16xi32>
      %add3A_1200 = arith.addi %get3A_21, %add3A_1199 : vector<16xi32>
      %max3A_1201 = arith.constant 0 : i32
      %max3A_1202 = vector.broadcast %max3A_1201 : i32 to vector<16xi32>
      %max3A_1203 = arith.maxsi %add3A_1200, %max3A_1202 : vector<16xi32>
      %min3A_1204 = arith.constant 511 : i32
      %min3A_1205 = vector.broadcast %min3A_1204 : i32 to vector<16xi32>
      %min3A_1206 = arith.minsi %max3A_1203, %min3A_1205 : vector<16xi32>
      %add3A_1207 = arith.constant 0 : i32
      %add3A_1208 = vector.broadcast %add3A_1207 : i32 to vector<16xi32>
      %add3A_1209 = arith.addi %get3A_23, %add3A_1208 : vector<16xi32>
      %max3A_1210 = arith.constant 0 : i32
      %max3A_1211 = vector.broadcast %max3A_1210 : i32 to vector<16xi32>
      %max3A_1212 = arith.maxsi %add3A_1209, %max3A_1211 : vector<16xi32>
      %min3A_1213 = arith.constant 511 : i32
      %min3A_1214 = vector.broadcast %min3A_1213 : i32 to vector<16xi32>
      %min3A_1215 = arith.minsi %max3A_1212, %min3A_1214 : vector<16xi32>
      %add3A_1216 = arith.constant 45 : i32
      %add3A_1217 = vector.broadcast %add3A_1216 : i32 to vector<16xi32>
      %add3A_1218 = arith.addi %mul3A_29, %add3A_1217 : vector<16xi32>
      %mul3A_1219 = arith.constant 512 : i32
      %mul3A_1220 = vector.broadcast %mul3A_1219 : i32 to vector<16xi32>
      %mul3A_1221 = arith.muli %min3A_1206, %mul3A_1220 : vector<16xi32>
      %add3A_1222 = arith.addi %mul3A_26, %mul3A_1221 : vector<16xi32>
      %add3A_1223 = arith.addi %add3A_1222, %min3A_1215 : vector<16xi32>
      tpu.vector_store_idx %arg10[%add3A_1218], %add3A_1223 : memref<784xi32, #tpu.memory_space<vmem>>[vector<16xi32>], vector<16xi32>,
      %add3A_1224 = arith.constant 3 : i32
      %add3A_1225 = vector.broadcast %add3A_1224 : i32 to vector<16xi32>
      %add3A_1226 = arith.addi %get3A_21, %add3A_1225 : vector<16xi32>
      %max3A_1227 = arith.constant 0 : i32
      %max3A_1228 = vector.broadcast %max3A_1227 : i32 to vector<16xi32>
      %max3A_1229 = arith.maxsi %add3A_1226, %max3A_1228 : vector<16xi32>
      %min3A_1230 = arith.constant 511 : i32
      %min3A_1231 = vector.broadcast %min3A_1230 : i32 to vector<16xi32>
      %min3A_1232 = arith.minsi %max3A_1229, %min3A_1231 : vector<16xi32>
      %add3A_1233 = arith.constant 1 : i32
      %add3A_1234 = vector.broadcast %add3A_1233 : i32 to vector<16xi32>
      %add3A_1235 = arith.addi %get3A_23, %add3A_1234 : vector<16xi32>
      %max3A_1236 = arith.constant 0 : i32
      %max3A_1237 = vector.broadcast %max3A_1236 : i32 to vector<16xi32>
      %max3A_1238 = arith.maxsi %add3A_1235, %max3A_1237 : vector<16xi32>
      %min3A_1239 = arith.constant 511 : i32
      %min3A_1240 = vector.broadcast %min3A_1239 : i32 to vector<16xi32>
      %min3A_1241 = arith.minsi %max3A_1238, %min3A_1240 : vector<16xi32>
      %add3A_1242 = arith.constant 46 : i32
      %add3A_1243 = vector.broadcast %add3A_1242 : i32 to vector<16xi32>
      %add3A_1244 = arith.addi %mul3A_29, %add3A_1243 : vector<16xi32>
      %mul3A_1245 = arith.constant 512 : i32
      %mul3A_1246 = vector.broadcast %mul3A_1245 : i32 to vector<16xi32>
      %mul3A_1247 = arith.muli %min3A_1232, %mul3A_1246 : vector<16xi32>
      %add3A_1248 = arith.addi %mul3A_26, %mul3A_1247 : vector<16xi32>
      %add3A_1249 = arith.addi %add3A_1248, %min3A_1241 : vector<16xi32>
      tpu.vector_store_idx %arg10[%add3A_1244], %add3A_1249 : memref<784xi32, #tpu.memory_space<vmem>>[vector<16xi32>], vector<16xi32>,
      %add3A_1250 = arith.constant 3 : i32
      %add3A_1251 = vector.broadcast %add3A_1250 : i32 to vector<16xi32>
      %add3A_1252 = arith.addi %get3A_21, %add3A_1251 : vector<16xi32>
      %max3A_1253 = arith.constant 0 : i32
      %max3A_1254 = vector.broadcast %max3A_1253 : i32 to vector<16xi32>
      %max3A_1255 = arith.maxsi %add3A_1252, %max3A_1254 : vector<16xi32>
      %min3A_1256 = arith.constant 511 : i32
      %min3A_1257 = vector.broadcast %min3A_1256 : i32 to vector<16xi32>
      %min3A_1258 = arith.minsi %max3A_1255, %min3A_1257 : vector<16xi32>
      %add3A_1259 = arith.constant 2 : i32
      %add3A_1260 = vector.broadcast %add3A_1259 : i32 to vector<16xi32>
      %add3A_1261 = arith.addi %get3A_23, %add3A_1260 : vector<16xi32>
      %max3A_1262 = arith.constant 0 : i32
      %max3A_1263 = vector.broadcast %max3A_1262 : i32 to vector<16xi32>
      %max3A_1264 = arith.maxsi %add3A_1261, %max3A_1263 : vector<16xi32>
      %min3A_1265 = arith.constant 511 : i32
      %min3A_1266 = vector.broadcast %min3A_1265 : i32 to vector<16xi32>
      %min3A_1267 = arith.minsi %max3A_1264, %min3A_1266 : vector<16xi32>
      %add3A_1268 = arith.constant 47 : i32
      %add3A_1269 = vector.broadcast %add3A_1268 : i32 to vector<16xi32>
      %add3A_1270 = arith.addi %mul3A_29, %add3A_1269 : vector<16xi32>
      %mul3A_1271 = arith.constant 512 : i32
      %mul3A_1272 = vector.broadcast %mul3A_1271 : i32 to vector<16xi32>
      %mul3A_1273 = arith.muli %min3A_1258, %mul3A_1272 : vector<16xi32>
      %add3A_1274 = arith.addi %mul3A_26, %mul3A_1273 : vector<16xi32>
      %add3A_1275 = arith.addi %add3A_1274, %min3A_1267 : vector<16xi32>
      tpu.vector_store_idx %arg10[%add3A_1270], %add3A_1275 : memref<784xi32, #tpu.memory_space<vmem>>[vector<16xi32>], vector<16xi32>,
      %add3A_1276 = arith.constant 3 : i32
      %add3A_1277 = vector.broadcast %add3A_1276 : i32 to vector<16xi32>
      %add3A_1278 = arith.addi %get3A_21, %add3A_1277 : vector<16xi32>
      %max3A_1279 = arith.constant 0 : i32
      %max3A_1280 = vector.broadcast %max3A_1279 : i32 to vector<16xi32>
      %max3A_1281 = arith.maxsi %add3A_1278, %max3A_1280 : vector<16xi32>
      %min3A_1282 = arith.constant 511 : i32
      %min3A_1283 = vector.broadcast %min3A_1282 : i32 to vector<16xi32>
      %min3A_1284 = arith.minsi %max3A_1281, %min3A_1283 : vector<16xi32>
      %add3A_1285 = arith.constant 3 : i32
      %add3A_1286 = vector.broadcast %add3A_1285 : i32 to vector<16xi32>
      %add3A_1287 = arith.addi %get3A_23, %add3A_1286 : vector<16xi32>
      %max3A_1288 = arith.constant 0 : i32
      %max3A_1289 = vector.broadcast %max3A_1288 : i32 to vector<16xi32>
      %max3A_1290 = arith.maxsi %add3A_1287, %max3A_1289 : vector<16xi32>
      %min3A_1291 = arith.constant 511 : i32
      %min3A_1292 = vector.broadcast %min3A_1291 : i32 to vector<16xi32>
      %min3A_1293 = arith.minsi %max3A_1290, %min3A_1292 : vector<16xi32>
      %add3A_1294 = arith.constant 48 : i32
      %add3A_1295 = vector.broadcast %add3A_1294 : i32 to vector<16xi32>
      %add3A_1296 = arith.addi %mul3A_29, %add3A_1295 : vector<16xi32>
      %mul3A_1297 = arith.constant 512 : i32
      %mul3A_1298 = vector.broadcast %mul3A_1297 : i32 to vector<16xi32>
      %mul3A_1299 = arith.muli %min3A_1284, %mul3A_1298 : vector<16xi32>
      %add3A_1300 = arith.addi %mul3A_26, %mul3A_1299 : vector<16xi32>
      %add3A_1301 = arith.addi %add3A_1300, %min3A_1293 : vector<16xi32>
      tpu.vector_store_idx %arg10[%add3A_1296], %add3A_1301 : memref<784xi32, #tpu.memory_space<vmem>>[vector<16xi32>], vector<16xi32>,
      %dma_start3A = arith.constant 0 : i32
      %dma_start3A_1302 = arith.constant 0 : i32
      %dma_start3A_1303 = arith.constant 0 : i32
      %dma_start3A_1304 = tpu.memref_slice %arg11[%dma_start3A, %dma_start3A_1302, %dma_start3A_1303] : memref<7x112x96xf32, #tpu.memory_space<vmem>> -> memref<1x112x96xf32, #tpu.memory_space<vmem>>
      %dma_start3A_1305 = tpu.memref_squeeze %dma_start3A_1304 : memref<1x112x96xf32, #tpu.memory_space<vmem>> -> memref<112x96xf32, #tpu.memory_space<vmem>>
      %dma_start3A_1306 = arith.constant 0 : i32
      %dma_start3A_1307 = tpu.memref_slice %arg10[%dma_start3A_1306] : memref<784xi32, #tpu.memory_space<vmem>> -> memref<112xi32, #tpu.memory_space<vmem>>
      %dma_start3A_1308 = arith.constant 0 : i32
      %dma_start3A_1309 = arith.constant 0 : i32
      %dma_start3A_1310 = tpu.memref_slice %arg2[%dma_start3A_1308, %dma_start3A_1309] : memref<524288x96xf32, #tpu.memory_space<hbm>> -> memref<524288x96xf32, #tpu.memory_space<hbm>>
      tpu.enqueue_indirect_dma source(%dma_start3A_1310 : memref<524288x96xf32, #tpu.memory_space<hbm>>) target(%dma_start3A_1305 : memref<112x96xf32, #tpu.memory_space<vmem>>) offsets(%dma_start3A_1307 : memref<112xi32, #tpu.memory_space<vmem>>) semaphore(%arg13 : memref<!tpu.dma_semaphore, #tpu.memory_space<semaphore_mem>>)
      %dma_start3A_1311 = arith.constant 1 : i32
      %dma_start3A_1312 = arith.constant 0 : i32
      %dma_start3A_1313 = arith.constant 0 : i32
      %dma_start3A_1314 = tpu.memref_slice %arg11[%dma_start3A_1311, %dma_start3A_1312, %dma_start3A_1313] : memref<7x112x96xf32, #tpu.memory_space<vmem>> -> memref<1x112x96xf32, #tpu.memory_space<vmem>>
      %dma_start3A_1315 = tpu.memref_squeeze %dma_start3A_1314 : memref<1x112x96xf32, #tpu.memory_space<vmem>> -> memref<112x96xf32, #tpu.memory_space<vmem>>
      %dma_start3A_1316 = arith.constant 112 : i32
      %dma_start3A_1317 = tpu.memref_slice %arg10[%dma_start3A_1316] : memref<784xi32, #tpu.memory_space<vmem>> -> memref<112xi32, #tpu.memory_space<vmem>>
      %dma_start3A_1318 = arith.constant 0 : i32
      %dma_start3A_1319 = arith.constant 0 : i32
      %dma_start3A_1320 = tpu.memref_slice %arg2[%dma_start3A_1318, %dma_start3A_1319] : memref<524288x96xf32, #tpu.memory_space<hbm>> -> memref<524288x96xf32, #tpu.memory_space<hbm>>
      tpu.enqueue_indirect_dma source(%dma_start3A_1320 : memref<524288x96xf32, #tpu.memory_space<hbm>>) target(%dma_start3A_1315 : memref<112x96xf32, #tpu.memory_space<vmem>>) offsets(%dma_start3A_1317 : memref<112xi32, #tpu.memory_space<vmem>>) semaphore(%arg13 : memref<!tpu.dma_semaphore, #tpu.memory_space<semaphore_mem>>)
      %dma_start3A_1321 = arith.constant 2 : i32
      %dma_start3A_1322 = arith.constant 0 : i32
      %dma_start3A_1323 = arith.constant 0 : i32
      %dma_start3A_1324 = tpu.memref_slice %arg11[%dma_start3A_1321, %dma_start3A_1322, %dma_start3A_1323] : memref<7x112x96xf32, #tpu.memory_space<vmem>> -> memref<1x112x96xf32, #tpu.memory_space<vmem>>
      %dma_start3A_1325 = tpu.memref_squeeze %dma_start3A_1324 : memref<1x112x96xf32, #tpu.memory_space<vmem>> -> memref<112x96xf32, #tpu.memory_space<vmem>>
      %dma_start3A_1326 = arith.constant 224 : i32
      %dma_start3A_1327 = tpu.memref_slice %arg10[%dma_start3A_1326] : memref<784xi32, #tpu.memory_space<vmem>> -> memref<112xi32, #tpu.memory_space<vmem>>
      %dma_start3A_1328 = arith.constant 0 : i32
      %dma_start3A_1329 = arith.constant 0 : i32
      %dma_start3A_1330 = tpu.memref_slice %arg2[%dma_start3A_1328, %dma_start3A_1329] : memref<524288x96xf32, #tpu.memory_space<hbm>> -> memref<524288x96xf32, #tpu.memory_space<hbm>>
      tpu.enqueue_indirect_dma source(%dma_start3A_1330 : memref<524288x96xf32, #tpu.memory_space<hbm>>) target(%dma_start3A_1325 : memref<112x96xf32, #tpu.memory_space<vmem>>) offsets(%dma_start3A_1327 : memref<112xi32, #tpu.memory_space<vmem>>) semaphore(%arg13 : memref<!tpu.dma_semaphore, #tpu.memory_space<semaphore_mem>>)
      %dma_start3A_1331 = arith.constant 3 : i32
      %dma_start3A_1332 = arith.constant 0 : i32
      %dma_start3A_1333 = arith.constant 0 : i32
      %dma_start3A_1334 = tpu.memref_slice %arg11[%dma_start3A_1331, %dma_start3A_1332, %dma_start3A_1333] : memref<7x112x96xf32, #tpu.memory_space<vmem>> -> memref<1x112x96xf32, #tpu.memory_space<vmem>>
      %dma_start3A_1335 = tpu.memref_squeeze %dma_start3A_1334 : memref<1x112x96xf32, #tpu.memory_space<vmem>> -> memref<112x96xf32, #tpu.memory_space<vmem>>
      %dma_start3A_1336 = arith.constant 336 : i32
      %dma_start3A_1337 = tpu.memref_slice %arg10[%dma_start3A_1336] : memref<784xi32, #tpu.memory_space<vmem>> -> memref<112xi32, #tpu.memory_space<vmem>>
      %dma_start3A_1338 = arith.constant 0 : i32
      %dma_start3A_1339 = arith.constant 0 : i32
      %dma_start3A_1340 = tpu.memref_slice %arg2[%dma_start3A_1338, %dma_start3A_1339] : memref<524288x96xf32, #tpu.memory_space<hbm>> -> memref<524288x96xf32, #tpu.memory_space<hbm>>
      tpu.enqueue_indirect_dma source(%dma_start3A_1340 : memref<524288x96xf32, #tpu.memory_space<hbm>>) target(%dma_start3A_1335 : memref<112x96xf32, #tpu.memory_space<vmem>>) offsets(%dma_start3A_1337 : memref<112xi32, #tpu.memory_space<vmem>>) semaphore(%arg13 : memref<!tpu.dma_semaphore, #tpu.memory_space<semaphore_mem>>)
      %dma_start3A_1341 = arith.constant 4 : i32
      %dma_start3A_1342 = arith.constant 0 : i32
      %dma_start3A_1343 = arith.constant 0 : i32
      %dma_start3A_1344 = tpu.memref_slice %arg11[%dma_start3A_1341, %dma_start3A_1342, %dma_start3A_1343] : memref<7x112x96xf32, #tpu.memory_space<vmem>> -> memref<1x112x96xf32, #tpu.memory_space<vmem>>
      %dma_start3A_1345 = tpu.memref_squeeze %dma_start3A_1344 : memref<1x112x96xf32, #tpu.memory_space<vmem>> -> memref<112x96xf32, #tpu.memory_space<vmem>>
      %dma_start3A_1346 = arith.constant 448 : i32
      %dma_start3A_1347 = tpu.memref_slice %arg10[%dma_start3A_1346] : memref<784xi32, #tpu.memory_space<vmem>> -> memref<112xi32, #tpu.memory_space<vmem>>
      %dma_start3A_1348 = arith.constant 0 : i32
      %dma_start3A_1349 = arith.constant 0 : i32
      %dma_start3A_1350 = tpu.memref_slice %arg2[%dma_start3A_1348, %dma_start3A_1349] : memref<524288x96xf32, #tpu.memory_space<hbm>> -> memref<524288x96xf32, #tpu.memory_space<hbm>>
      tpu.enqueue_indirect_dma source(%dma_start3A_1350 : memref<524288x96xf32, #tpu.memory_space<hbm>>) target(%dma_start3A_1345 : memref<112x96xf32, #tpu.memory_space<vmem>>) offsets(%dma_start3A_1347 : memref<112xi32, #tpu.memory_space<vmem>>) semaphore(%arg13 : memref<!tpu.dma_semaphore, #tpu.memory_space<semaphore_mem>>)
      %dma_start3A_1351 = arith.constant 5 : i32
      %dma_start3A_1352 = arith.constant 0 : i32
      %dma_start3A_1353 = arith.constant 0 : i32
      %dma_start3A_1354 = tpu.memref_slice %arg11[%dma_start3A_1351, %dma_start3A_1352, %dma_start3A_1353] : memref<7x112x96xf32, #tpu.memory_space<vmem>> -> memref<1x112x96xf32, #tpu.memory_space<vmem>>
      %dma_start3A_1355 = tpu.memref_squeeze %dma_start3A_1354 : memref<1x112x96xf32, #tpu.memory_space<vmem>> -> memref<112x96xf32, #tpu.memory_space<vmem>>
      %dma_start3A_1356 = arith.constant 560 : i32
      %dma_start3A_1357 = tpu.memref_slice %arg10[%dma_start3A_1356] : memref<784xi32, #tpu.memory_space<vmem>> -> memref<112xi32, #tpu.memory_space<vmem>>
      %dma_start3A_1358 = arith.constant 0 : i32
      %dma_start3A_1359 = arith.constant 0 : i32
      %dma_start3A_1360 = tpu.memref_slice %arg2[%dma_start3A_1358, %dma_start3A_1359] : memref<524288x96xf32, #tpu.memory_space<hbm>> -> memref<524288x96xf32, #tpu.memory_space<hbm>>
      tpu.enqueue_indirect_dma source(%dma_start3A_1360 : memref<524288x96xf32, #tpu.memory_space<hbm>>) target(%dma_start3A_1355 : memref<112x96xf32, #tpu.memory_space<vmem>>) offsets(%dma_start3A_1357 : memref<112xi32, #tpu.memory_space<vmem>>) semaphore(%arg13 : memref<!tpu.dma_semaphore, #tpu.memory_space<semaphore_mem>>)
      %dma_start3A_1361 = arith.constant 6 : i32
      %dma_start3A_1362 = arith.constant 0 : i32
      %dma_start3A_1363 = arith.constant 0 : i32
      %dma_start3A_1364 = tpu.memref_slice %arg11[%dma_start3A_1361, %dma_start3A_1362, %dma_start3A_1363] : memref<7x112x96xf32, #tpu.memory_space<vmem>> -> memref<1x112x96xf32, #tpu.memory_space<vmem>>
      %dma_start3A_1365 = tpu.memref_squeeze %dma_start3A_1364 : memref<1x112x96xf32, #tpu.memory_space<vmem>> -> memref<112x96xf32, #tpu.memory_space<vmem>>
      %dma_start3A_1366 = arith.constant 672 : i32
      %dma_start3A_1367 = tpu.memref_slice %arg10[%dma_start3A_1366] : memref<784xi32, #tpu.memory_space<vmem>> -> memref<112xi32, #tpu.memory_space<vmem>>
      %dma_start3A_1368 = arith.constant 0 : i32
      %dma_start3A_1369 = arith.constant 0 : i32
      %dma_start3A_1370 = tpu.memref_slice %arg2[%dma_start3A_1368, %dma_start3A_1369] : memref<524288x96xf32, #tpu.memory_space<hbm>> -> memref<524288x96xf32, #tpu.memory_space<hbm>>
      tpu.enqueue_indirect_dma source(%dma_start3A_1370 : memref<524288x96xf32, #tpu.memory_space<hbm>>) target(%dma_start3A_1365 : memref<112x96xf32, #tpu.memory_space<vmem>>) offsets(%dma_start3A_1367 : memref<112xi32, #tpu.memory_space<vmem>>) semaphore(%arg13 : memref<!tpu.dma_semaphore, #tpu.memory_space<semaphore_mem>>)
      %dma_wait3A = arith.constant 0 : i32
      %dma_wait3A_1371 = arith.constant 0 : i32
      %dma_wait3A_1372 = arith.constant 0 : i32
      %dma_wait3A_1373 = tpu.memref_slice %arg11[%dma_wait3A, %dma_wait3A_1371, %dma_wait3A_1372] : memref<7x112x96xf32, #tpu.memory_space<vmem>> -> memref<1x112x96xf32, #tpu.memory_space<vmem>>
      %dma_wait3A_1374 = tpu.memref_squeeze %dma_wait3A_1373 : memref<1x112x96xf32, #tpu.memory_space<vmem>> -> memref<112x96xf32, #tpu.memory_space<vmem>>
      %dma_wait3A_1375 = arith.constant 0 : i32
      %dma_wait3A_1376 = tpu.memref_slice %arg10[%dma_wait3A_1375] : memref<784xi32, #tpu.memory_space<vmem>> -> memref<112xi32, #tpu.memory_space<vmem>>
      %dma_wait3A_1377 = arith.constant 0 : i32
      %dma_wait3A_1378 = arith.constant 0 : i32
      %dma_wait3A_1379 = tpu.memref_slice %arg2[%dma_wait3A_1377, %dma_wait3A_1378] : memref<524288x96xf32, #tpu.memory_space<hbm>> -> memref<524288x96xf32, #tpu.memory_space<hbm>>
      tpu.wait_indirect_dma semaphore(%arg13 : memref<!tpu.dma_semaphore, #tpu.memory_space<semaphore_mem>>) src(%dma_wait3A_1379 : memref<524288x96xf32, #tpu.memory_space<hbm>>) dst(%dma_wait3A_1374 : memref<112x96xf32, #tpu.memory_space<vmem>>)
      %dma_wait3A_1380 = arith.constant 1 : i32
      %dma_wait3A_1381 = arith.constant 0 : i32
      %dma_wait3A_1382 = arith.constant 0 : i32
      %dma_wait3A_1383 = tpu.memref_slice %arg11[%dma_wait3A_1380, %dma_wait3A_1381, %dma_wait3A_1382] : memref<7x112x96xf32, #tpu.memory_space<vmem>> -> memref<1x112x96xf32, #tpu.memory_space<vmem>>
      %dma_wait3A_1384 = tpu.memref_squeeze %dma_wait3A_1383 : memref<1x112x96xf32, #tpu.memory_space<vmem>> -> memref<112x96xf32, #tpu.memory_space<vmem>>
      %dma_wait3A_1385 = arith.constant 112 : i32
      %dma_wait3A_1386 = tpu.memref_slice %arg10[%dma_wait3A_1385] : memref<784xi32, #tpu.memory_space<vmem>> -> memref<112xi32, #tpu.memory_space<vmem>>
      %dma_wait3A_1387 = arith.constant 0 : i32
      %dma_wait3A_1388 = arith.constant 0 : i32
      %dma_wait3A_1389 = tpu.memref_slice %arg2[%dma_wait3A_1387, %dma_wait3A_1388] : memref<524288x96xf32, #tpu.memory_space<hbm>> -> memref<524288x96xf32, #tpu.memory_space<hbm>>
      tpu.wait_indirect_dma semaphore(%arg13 : memref<!tpu.dma_semaphore, #tpu.memory_space<semaphore_mem>>) src(%dma_wait3A_1389 : memref<524288x96xf32, #tpu.memory_space<hbm>>) dst(%dma_wait3A_1384 : memref<112x96xf32, #tpu.memory_space<vmem>>)
      %dma_wait3A_1390 = arith.constant 2 : i32
      %dma_wait3A_1391 = arith.constant 0 : i32
      %dma_wait3A_1392 = arith.constant 0 : i32
      %dma_wait3A_1393 = tpu.memref_slice %arg11[%dma_wait3A_1390, %dma_wait3A_1391, %dma_wait3A_1392] : memref<7x112x96xf32, #tpu.memory_space<vmem>> -> memref<1x112x96xf32, #tpu.memory_space<vmem>>
      %dma_wait3A_1394 = tpu.memref_squeeze %dma_wait3A_1393 : memref<1x112x96xf32, #tpu.memory_space<vmem>> -> memref<112x96xf32, #tpu.memory_space<vmem>>
      %dma_wait3A_1395 = arith.constant 224 : i32
      %dma_wait3A_1396 = tpu.memref_slice %arg10[%dma_wait3A_1395] : memref<784xi32, #tpu.memory_space<vmem>> -> memref<112xi32, #tpu.memory_space<vmem>>
      %dma_wait3A_1397 = arith.constant 0 : i32
      %dma_wait3A_1398 = arith.constant 0 : i32
      %dma_wait3A_1399 = tpu.memref_slice %arg2[%dma_wait3A_1397, %dma_wait3A_1398] : memref<524288x96xf32, #tpu.memory_space<hbm>> -> memref<524288x96xf32, #tpu.memory_space<hbm>>
      tpu.wait_indirect_dma semaphore(%arg13 : memref<!tpu.dma_semaphore, #tpu.memory_space<semaphore_mem>>) src(%dma_wait3A_1399 : memref<524288x96xf32, #tpu.memory_space<hbm>>) dst(%dma_wait3A_1394 : memref<112x96xf32, #tpu.memory_space<vmem>>)
      %dma_wait3A_1400 = arith.constant 3 : i32
      %dma_wait3A_1401 = arith.constant 0 : i32
      %dma_wait3A_1402 = arith.constant 0 : i32
      %dma_wait3A_1403 = tpu.memref_slice %arg11[%dma_wait3A_1400, %dma_wait3A_1401, %dma_wait3A_1402] : memref<7x112x96xf32, #tpu.memory_space<vmem>> -> memref<1x112x96xf32, #tpu.memory_space<vmem>>
      %dma_wait3A_1404 = tpu.memref_squeeze %dma_wait3A_1403 : memref<1x112x96xf32, #tpu.memory_space<vmem>> -> memref<112x96xf32, #tpu.memory_space<vmem>>
      %dma_wait3A_1405 = arith.constant 336 : i32
      %dma_wait3A_1406 = tpu.memref_slice %arg10[%dma_wait3A_1405] : memref<784xi32, #tpu.memory_space<vmem>> -> memref<112xi32, #tpu.memory_space<vmem>>
      %dma_wait3A_1407 = arith.constant 0 : i32
      %dma_wait3A_1408 = arith.constant 0 : i32
      %dma_wait3A_1409 = tpu.memref_slice %arg2[%dma_wait3A_1407, %dma_wait3A_1408] : memref<524288x96xf32, #tpu.memory_space<hbm>> -> memref<524288x96xf32, #tpu.memory_space<hbm>>
      tpu.wait_indirect_dma semaphore(%arg13 : memref<!tpu.dma_semaphore, #tpu.memory_space<semaphore_mem>>) src(%dma_wait3A_1409 : memref<524288x96xf32, #tpu.memory_space<hbm>>) dst(%dma_wait3A_1404 : memref<112x96xf32, #tpu.memory_space<vmem>>)
      %dma_wait3A_1410 = arith.constant 4 : i32
      %dma_wait3A_1411 = arith.constant 0 : i32
      %dma_wait3A_1412 = arith.constant 0 : i32
      %dma_wait3A_1413 = tpu.memref_slice %arg11[%dma_wait3A_1410, %dma_wait3A_1411, %dma_wait3A_1412] : memref<7x112x96xf32, #tpu.memory_space<vmem>> -> memref<1x112x96xf32, #tpu.memory_space<vmem>>
      %dma_wait3A_1414 = tpu.memref_squeeze %dma_wait3A_1413 : memref<1x112x96xf32, #tpu.memory_space<vmem>> -> memref<112x96xf32, #tpu.memory_space<vmem>>
      %dma_wait3A_1415 = arith.constant 448 : i32
      %dma_wait3A_1416 = tpu.memref_slice %arg10[%dma_wait3A_1415] : memref<784xi32, #tpu.memory_space<vmem>> -> memref<112xi32, #tpu.memory_space<vmem>>
      %dma_wait3A_1417 = arith.constant 0 : i32
      %dma_wait3A_1418 = arith.constant 0 : i32
      %dma_wait3A_1419 = tpu.memref_slice %arg2[%dma_wait3A_1417, %dma_wait3A_1418] : memref<524288x96xf32, #tpu.memory_space<hbm>> -> memref<524288x96xf32, #tpu.memory_space<hbm>>
      tpu.wait_indirect_dma semaphore(%arg13 : memref<!tpu.dma_semaphore, #tpu.memory_space<semaphore_mem>>) src(%dma_wait3A_1419 : memref<524288x96xf32, #tpu.memory_space<hbm>>) dst(%dma_wait3A_1414 : memref<112x96xf32, #tpu.memory_space<vmem>>)
      %dma_wait3A_1420 = arith.constant 5 : i32
      %dma_wait3A_1421 = arith.constant 0 : i32
      %dma_wait3A_1422 = arith.constant 0 : i32
      %dma_wait3A_1423 = tpu.memref_slice %arg11[%dma_wait3A_1420, %dma_wait3A_1421, %dma_wait3A_1422] : memref<7x112x96xf32, #tpu.memory_space<vmem>> -> memref<1x112x96xf32, #tpu.memory_space<vmem>>
      %dma_wait3A_1424 = tpu.memref_squeeze %dma_wait3A_1423 : memref<1x112x96xf32, #tpu.memory_space<vmem>> -> memref<112x96xf32, #tpu.memory_space<vmem>>
      %dma_wait3A_1425 = arith.constant 560 : i32
      %dma_wait3A_1426 = tpu.memref_slice %arg10[%dma_wait3A_1425] : memref<784xi32, #tpu.memory_space<vmem>> -> memref<112xi32, #tpu.memory_space<vmem>>
      %dma_wait3A_1427 = arith.constant 0 : i32
      %dma_wait3A_1428 = arith.constant 0 : i32
      %dma_wait3A_1429 = tpu.memref_slice %arg2[%dma_wait3A_1427, %dma_wait3A_1428] : memref<524288x96xf32, #tpu.memory_space<hbm>> -> memref<524288x96xf32, #tpu.memory_space<hbm>>
      tpu.wait_indirect_dma semaphore(%arg13 : memref<!tpu.dma_semaphore, #tpu.memory_space<semaphore_mem>>) src(%dma_wait3A_1429 : memref<524288x96xf32, #tpu.memory_space<hbm>>) dst(%dma_wait3A_1424 : memref<112x96xf32, #tpu.memory_space<vmem>>)
      %dma_wait3A_1430 = arith.constant 6 : i32
      %dma_wait3A_1431 = arith.constant 0 : i32
      %dma_wait3A_1432 = arith.constant 0 : i32
      %dma_wait3A_1433 = tpu.memref_slice %arg11[%dma_wait3A_1430, %dma_wait3A_1431, %dma_wait3A_1432] : memref<7x112x96xf32, #tpu.memory_space<vmem>> -> memref<1x112x96xf32, #tpu.memory_space<vmem>>
      %dma_wait3A_1434 = tpu.memref_squeeze %dma_wait3A_1433 : memref<1x112x96xf32, #tpu.memory_space<vmem>> -> memref<112x96xf32, #tpu.memory_space<vmem>>
      %dma_wait3A_1435 = arith.constant 672 : i32
      %dma_wait3A_1436 = tpu.memref_slice %arg10[%dma_wait3A_1435] : memref<784xi32, #tpu.memory_space<vmem>> -> memref<112xi32, #tpu.memory_space<vmem>>
      %dma_wait3A_1437 = arith.constant 0 : i32
      %dma_wait3A_1438 = arith.constant 0 : i32
      %dma_wait3A_1439 = tpu.memref_slice %arg2[%dma_wait3A_1437, %dma_wait3A_1438] : memref<524288x96xf32, #tpu.memory_space<hbm>> -> memref<524288x96xf32, #tpu.memory_space<hbm>>
      tpu.wait_indirect_dma semaphore(%arg13 : memref<!tpu.dma_semaphore, #tpu.memory_space<semaphore_mem>>) src(%dma_wait3A_1439 : memref<524288x96xf32, #tpu.memory_space<hbm>>) dst(%dma_wait3A_1434 : memref<112x96xf32, #tpu.memory_space<vmem>>)
      %dma_start3A_1440 = arith.constant 0 : i32
      %dma_start3A_1441 = arith.constant 0 : i32
      %dma_start3A_1442 = arith.constant 0 : i32
      %dma_start3A_1443 = tpu.memref_slice %arg11[%dma_start3A_1440, %dma_start3A_1441, %dma_start3A_1442] : memref<7x112x96xf32, #tpu.memory_space<vmem>> -> memref<1x112x96xf32, #tpu.memory_space<vmem>>
      %dma_start3A_1444 = tpu.memref_squeeze %dma_start3A_1443 : memref<1x112x96xf32, #tpu.memory_space<vmem>> -> memref<112x96xf32, #tpu.memory_space<vmem>>
      %dma_start3A_1445 = arith.constant 0 : i32
      %dma_start3A_1446 = arith.constant 0 : i32
      %dma_start3A_1447 = tpu.memref_slice %arg6[%add3A_16, %dma_start3A_1445, %dma_start3A_1446] : memref<256x784x128xf32, #tpu.memory_space<hbm>> -> memref<1x112x96xf32, #tpu.memory_space<hbm>>
      %dma_start3A_1448 = tpu.memref_squeeze %dma_start3A_1447 : memref<1x112x96xf32, #tpu.memory_space<hbm>> -> memref<112x96xf32, #tpu.memory_space<hbm>>
      %dma_start3A_1449 = arith.constant 0 : i32
      %dma_start3A_1450 = arith.constant 0 : i32
      %dma_start3A_1451 = tpu.memref_slice %arg6[%add3A_16, %dma_start3A_1449, %dma_start3A_1450] : memref<256x784x128xf32, #tpu.memory_space<hbm>> -> memref<1x112x96xf32, #tpu.memory_space<hbm>>
      %dma_start3A_1452 = tpu.memref_squeeze %dma_start3A_1451 : memref<1x112x96xf32, #tpu.memory_space<hbm>> -> memref<112x96xf32, #tpu.memory_space<hbm>>
      %dma_start3A_1453 = arith.constant 0 : i32
      %dma_start3A_1454 = arith.constant 0 : i32
      %dma_start3A_1455 = tpu.memref_slice %arg11[%dma_start3A_1440, %dma_start3A_1453, %dma_start3A_1454] : memref<7x112x96xf32, #tpu.memory_space<vmem>> -> memref<1x112x96xf32, #tpu.memory_space<vmem>>
      %dma_start3A_1456 = tpu.memref_squeeze %dma_start3A_1455 : memref<1x112x96xf32, #tpu.memory_space<vmem>> -> memref<112x96xf32, #tpu.memory_space<vmem>>
      tpu.enqueue_dma source(%dma_start3A_1456 : memref<112x96xf32, #tpu.memory_space<vmem>>) target(%dma_start3A_1452 : memref<112x96xf32, #tpu.memory_space<hbm>>) target_semaphore(%arg13 : memref<!tpu.dma_semaphore, #tpu.memory_space<semaphore_mem>>)
      %dma_start3A_1457 = arith.constant 1 : i32
      %dma_start3A_1458 = arith.constant 0 : i32
      %dma_start3A_1459 = arith.constant 0 : i32
      %dma_start3A_1460 = tpu.memref_slice %arg11[%dma_start3A_1457, %dma_start3A_1458, %dma_start3A_1459] : memref<7x112x96xf32, #tpu.memory_space<vmem>> -> memref<1x112x96xf32, #tpu.memory_space<vmem>>
      %dma_start3A_1461 = tpu.memref_squeeze %dma_start3A_1460 : memref<1x112x96xf32, #tpu.memory_space<vmem>> -> memref<112x96xf32, #tpu.memory_space<vmem>>
      %dma_start3A_1462 = arith.constant 112 : i32
      %dma_start3A_1463 = arith.constant 0 : i32
      %dma_start3A_1464 = tpu.memref_slice %arg6[%add3A_16, %dma_start3A_1462, %dma_start3A_1463] : memref<256x784x128xf32, #tpu.memory_space<hbm>> -> memref<1x112x96xf32, #tpu.memory_space<hbm>>
      %dma_start3A_1465 = tpu.memref_squeeze %dma_start3A_1464 : memref<1x112x96xf32, #tpu.memory_space<hbm>> -> memref<112x96xf32, #tpu.memory_space<hbm>>
      %dma_start3A_1466 = arith.constant 112 : i32
      %dma_start3A_1467 = arith.constant 0 : i32
      %dma_start3A_1468 = tpu.memref_slice %arg6[%add3A_16, %dma_start3A_1466, %dma_start3A_1467] : memref<256x784x128xf32, #tpu.memory_space<hbm>> -> memref<1x112x96xf32, #tpu.memory_space<hbm>>
      %dma_start3A_1469 = tpu.memref_squeeze %dma_start3A_1468 : memref<1x112x96xf32, #tpu.memory_space<hbm>> -> memref<112x96xf32, #tpu.memory_space<hbm>>
      %dma_start3A_1470 = arith.constant 0 : i32
      %dma_start3A_1471 = arith.constant 0 : i32
      %dma_start3A_1472 = tpu.memref_slice %arg11[%dma_start3A_1457, %dma_start3A_1470, %dma_start3A_1471] : memref<7x112x96xf32, #tpu.memory_space<vmem>> -> memref<1x112x96xf32, #tpu.memory_space<vmem>>
      %dma_start3A_1473 = tpu.memref_squeeze %dma_start3A_1472 : memref<1x112x96xf32, #tpu.memory_space<vmem>> -> memref<112x96xf32, #tpu.memory_space<vmem>>
      tpu.enqueue_dma source(%dma_start3A_1473 : memref<112x96xf32, #tpu.memory_space<vmem>>) target(%dma_start3A_1469 : memref<112x96xf32, #tpu.memory_space<hbm>>) target_semaphore(%arg13 : memref<!tpu.dma_semaphore, #tpu.memory_space<semaphore_mem>>)
      %dma_start3A_1474 = arith.constant 2 : i32
      %dma_start3A_1475 = arith.constant 0 : i32
      %dma_start3A_1476 = arith.constant 0 : i32
      %dma_start3A_1477 = tpu.memref_slice %arg11[%dma_start3A_1474, %dma_start3A_1475, %dma_start3A_1476] : memref<7x112x96xf32, #tpu.memory_space<vmem>> -> memref<1x112x96xf32, #tpu.memory_space<vmem>>
      %dma_start3A_1478 = tpu.memref_squeeze %dma_start3A_1477 : memref<1x112x96xf32, #tpu.memory_space<vmem>> -> memref<112x96xf32, #tpu.memory_space<vmem>>
      %dma_start3A_1479 = arith.constant 224 : i32
      %dma_start3A_1480 = arith.constant 0 : i32
      %dma_start3A_1481 = tpu.memref_slice %arg6[%add3A_16, %dma_start3A_1479, %dma_start3A_1480] : memref<256x784x128xf32, #tpu.memory_space<hbm>> -> memref<1x112x96xf32, #tpu.memory_space<hbm>>
      %dma_start3A_1482 = tpu.memref_squeeze %dma_start3A_1481 : memref<1x112x96xf32, #tpu.memory_space<hbm>> -> memref<112x96xf32, #tpu.memory_space<hbm>>
      %dma_start3A_1483 = arith.constant 224 : i32
      %dma_start3A_1484 = arith.constant 0 : i32
      %dma_start3A_1485 = tpu.memref_slice %arg6[%add3A_16, %dma_start3A_1483, %dma_start3A_1484] : memref<256x784x128xf32, #tpu.memory_space<hbm>> -> memref<1x112x96xf32, #tpu.memory_space<hbm>>
      %dma_start3A_1486 = tpu.memref_squeeze %dma_start3A_1485 : memref<1x112x96xf32, #tpu.memory_space<hbm>> -> memref<112x96xf32, #tpu.memory_space<hbm>>
      %dma_start3A_1487 = arith.constant 0 : i32
      %dma_start3A_1488 = arith.constant 0 : i32
      %dma_start3A_1489 = tpu.memref_slice %arg11[%dma_start3A_1474, %dma_start3A_1487, %dma_start3A_1488] : memref<7x112x96xf32, #tpu.memory_space<vmem>> -> memref<1x112x96xf32, #tpu.memory_space<vmem>>
      %dma_start3A_1490 = tpu.memref_squeeze %dma_start3A_1489 : memref<1x112x96xf32, #tpu.memory_space<vmem>> -> memref<112x96xf32, #tpu.memory_space<vmem>>
      tpu.enqueue_dma source(%dma_start3A_1490 : memref<112x96xf32, #tpu.memory_space<vmem>>) target(%dma_start3A_1486 : memref<112x96xf32, #tpu.memory_space<hbm>>) target_semaphore(%arg13 : memref<!tpu.dma_semaphore, #tpu.memory_space<semaphore_mem>>)
      %dma_start3A_1491 = arith.constant 3 : i32
      %dma_start3A_1492 = arith.constant 0 : i32
      %dma_start3A_1493 = arith.constant 0 : i32
      %dma_start3A_1494 = tpu.memref_slice %arg11[%dma_start3A_1491, %dma_start3A_1492, %dma_start3A_1493] : memref<7x112x96xf32, #tpu.memory_space<vmem>> -> memref<1x112x96xf32, #tpu.memory_space<vmem>>
      %dma_start3A_1495 = tpu.memref_squeeze %dma_start3A_1494 : memref<1x112x96xf32, #tpu.memory_space<vmem>> -> memref<112x96xf32, #tpu.memory_space<vmem>>
      %dma_start3A_1496 = arith.constant 336 : i32
      %dma_start3A_1497 = arith.constant 0 : i32
      %dma_start3A_1498 = tpu.memref_slice %arg6[%add3A_16, %dma_start3A_1496, %dma_start3A_1497] : memref<256x784x128xf32, #tpu.memory_space<hbm>> -> memref<1x112x96xf32, #tpu.memory_space<hbm>>
      %dma_start3A_1499 = tpu.memref_squeeze %dma_start3A_1498 : memref<1x112x96xf32, #tpu.memory_space<hbm>> -> memref<112x96xf32, #tpu.memory_space<hbm>>
      %dma_start3A_1500 = arith.constant 336 : i32
      %dma_start3A_1501 = arith.constant 0 : i32
      %dma_start3A_1502 = tpu.memref_slice %arg6[%add3A_16, %dma_start3A_1500, %dma_start3A_1501] : memref<256x784x128xf32, #tpu.memory_space<hbm>> -> memref<1x112x96xf32, #tpu.memory_space<hbm>>
      %dma_start3A_1503 = tpu.memref_squeeze %dma_start3A_1502 : memref<1x112x96xf32, #tpu.memory_space<hbm>> -> memref<112x96xf32, #tpu.memory_space<hbm>>
      %dma_start3A_1504 = arith.constant 0 : i32
      %dma_start3A_1505 = arith.constant 0 : i32
      %dma_start3A_1506 = tpu.memref_slice %arg11[%dma_start3A_1491, %dma_start3A_1504, %dma_start3A_1505] : memref<7x112x96xf32, #tpu.memory_space<vmem>> -> memref<1x112x96xf32, #tpu.memory_space<vmem>>
      %dma_start3A_1507 = tpu.memref_squeeze %dma_start3A_1506 : memref<1x112x96xf32, #tpu.memory_space<vmem>> -> memref<112x96xf32, #tpu.memory_space<vmem>>
      tpu.enqueue_dma source(%dma_start3A_1507 : memref<112x96xf32, #tpu.memory_space<vmem>>) target(%dma_start3A_1503 : memref<112x96xf32, #tpu.memory_space<hbm>>) target_semaphore(%arg13 : memref<!tpu.dma_semaphore, #tpu.memory_space<semaphore_mem>>)
      %dma_start3A_1508 = arith.constant 4 : i32
      %dma_start3A_1509 = arith.constant 0 : i32
      %dma_start3A_1510 = arith.constant 0 : i32
      %dma_start3A_1511 = tpu.memref_slice %arg11[%dma_start3A_1508, %dma_start3A_1509, %dma_start3A_1510] : memref<7x112x96xf32, #tpu.memory_space<vmem>> -> memref<1x112x96xf32, #tpu.memory_space<vmem>>
      %dma_start3A_1512 = tpu.memref_squeeze %dma_start3A_1511 : memref<1x112x96xf32, #tpu.memory_space<vmem>> -> memref<112x96xf32, #tpu.memory_space<vmem>>
      %dma_start3A_1513 = arith.constant 448 : i32
      %dma_start3A_1514 = arith.constant 0 : i32
      %dma_start3A_1515 = tpu.memref_slice %arg6[%add3A_16, %dma_start3A_1513, %dma_start3A_1514] : memref<256x784x128xf32, #tpu.memory_space<hbm>> -> memref<1x112x96xf32, #tpu.memory_space<hbm>>
      %dma_start3A_1516 = tpu.memref_squeeze %dma_start3A_1515 : memref<1x112x96xf32, #tpu.memory_space<hbm>> -> memref<112x96xf32, #tpu.memory_space<hbm>>
      %dma_start3A_1517 = arith.constant 448 : i32
      %dma_start3A_1518 = arith.constant 0 : i32
      %dma_start3A_1519 = tpu.memref_slice %arg6[%add3A_16, %dma_start3A_1517, %dma_start3A_1518] : memref<256x784x128xf32, #tpu.memory_space<hbm>> -> memref<1x112x96xf32, #tpu.memory_space<hbm>>
      %dma_start3A_1520 = tpu.memref_squeeze %dma_start3A_1519 : memref<1x112x96xf32, #tpu.memory_space<hbm>> -> memref<112x96xf32, #tpu.memory_space<hbm>>
      %dma_start3A_1521 = arith.constant 0 : i32
      %dma_start3A_1522 = arith.constant 0 : i32
      %dma_start3A_1523 = tpu.memref_slice %arg11[%dma_start3A_1508, %dma_start3A_1521, %dma_start3A_1522] : memref<7x112x96xf32, #tpu.memory_space<vmem>> -> memref<1x112x96xf32, #tpu.memory_space<vmem>>
      %dma_start3A_1524 = tpu.memref_squeeze %dma_start3A_1523 : memref<1x112x96xf32, #tpu.memory_space<vmem>> -> memref<112x96xf32, #tpu.memory_space<vmem>>
      tpu.enqueue_dma source(%dma_start3A_1524 : memref<112x96xf32, #tpu.memory_space<vmem>>) target(%dma_start3A_1520 : memref<112x96xf32, #tpu.memory_space<hbm>>) target_semaphore(%arg13 : memref<!tpu.dma_semaphore, #tpu.memory_space<semaphore_mem>>)
      %dma_start3A_1525 = arith.constant 5 : i32
      %dma_start3A_1526 = arith.constant 0 : i32
      %dma_start3A_1527 = arith.constant 0 : i32
      %dma_start3A_1528 = tpu.memref_slice %arg11[%dma_start3A_1525, %dma_start3A_1526, %dma_start3A_1527] : memref<7x112x96xf32, #tpu.memory_space<vmem>> -> memref<1x112x96xf32, #tpu.memory_space<vmem>>
      %dma_start3A_1529 = tpu.memref_squeeze %dma_start3A_1528 : memref<1x112x96xf32, #tpu.memory_space<vmem>> -> memref<112x96xf32, #tpu.memory_space<vmem>>
      %dma_start3A_1530 = arith.constant 560 : i32
      %dma_start3A_1531 = arith.constant 0 : i32
      %dma_start3A_1532 = tpu.memref_slice %arg6[%add3A_16, %dma_start3A_1530, %dma_start3A_1531] : memref<256x784x128xf32, #tpu.memory_space<hbm>> -> memref<1x112x96xf32, #tpu.memory_space<hbm>>
      %dma_start3A_1533 = tpu.memref_squeeze %dma_start3A_1532 : memref<1x112x96xf32, #tpu.memory_space<hbm>> -> memref<112x96xf32, #tpu.memory_space<hbm>>
      %dma_start3A_1534 = arith.constant 560 : i32
      %dma_start3A_1535 = arith.constant 0 : i32
      %dma_start3A_1536 = tpu.memref_slice %arg6[%add3A_16, %dma_start3A_1534, %dma_start3A_1535] : memref<256x784x128xf32, #tpu.memory_space<hbm>> -> memref<1x112x96xf32, #tpu.memory_space<hbm>>
      %dma_start3A_1537 = tpu.memref_squeeze %dma_start3A_1536 : memref<1x112x96xf32, #tpu.memory_space<hbm>> -> memref<112x96xf32, #tpu.memory_space<hbm>>
      %dma_start3A_1538 = arith.constant 0 : i32
      %dma_start3A_1539 = arith.constant 0 : i32
      %dma_start3A_1540 = tpu.memref_slice %arg11[%dma_start3A_1525, %dma_start3A_1538, %dma_start3A_1539] : memref<7x112x96xf32, #tpu.memory_space<vmem>> -> memref<1x112x96xf32, #tpu.memory_space<vmem>>
      %dma_start3A_1541 = tpu.memref_squeeze %dma_start3A_1540 : memref<1x112x96xf32, #tpu.memory_space<vmem>> -> memref<112x96xf32, #tpu.memory_space<vmem>>
      tpu.enqueue_dma source(%dma_start3A_1541 : memref<112x96xf32, #tpu.memory_space<vmem>>) target(%dma_start3A_1537 : memref<112x96xf32, #tpu.memory_space<hbm>>) target_semaphore(%arg13 : memref<!tpu.dma_semaphore, #tpu.memory_space<semaphore_mem>>)
      %dma_start3A_1542 = arith.constant 6 : i32
      %dma_start3A_1543 = arith.constant 0 : i32
      %dma_start3A_1544 = arith.constant 0 : i32
      %dma_start3A_1545 = tpu.memref_slice %arg11[%dma_start3A_1542, %dma_start3A_1543, %dma_start3A_1544] : memref<7x112x96xf32, #tpu.memory_space<vmem>> -> memref<1x112x96xf32, #tpu.memory_space<vmem>>
      %dma_start3A_1546 = tpu.memref_squeeze %dma_start3A_1545 : memref<1x112x96xf32, #tpu.memory_space<vmem>> -> memref<112x96xf32, #tpu.memory_space<vmem>>
      %dma_start3A_1547 = arith.constant 672 : i32
      %dma_start3A_1548 = arith.constant 0 : i32
      %dma_start3A_1549 = tpu.memref_slice %arg6[%add3A_16, %dma_start3A_1547, %dma_start3A_1548] : memref<256x784x128xf32, #tpu.memory_space<hbm>> -> memref<1x112x96xf32, #tpu.memory_space<hbm>>
      %dma_start3A_1550 = tpu.memref_squeeze %dma_start3A_1549 : memref<1x112x96xf32, #tpu.memory_space<hbm>> -> memref<112x96xf32, #tpu.memory_space<hbm>>
      %dma_start3A_1551 = arith.constant 672 : i32
      %dma_start3A_1552 = arith.constant 0 : i32
      %dma_start3A_1553 = tpu.memref_slice %arg6[%add3A_16, %dma_start3A_1551, %dma_start3A_1552] : memref<256x784x128xf32, #tpu.memory_space<hbm>> -> memref<1x112x96xf32, #tpu.memory_space<hbm>>
      %dma_start3A_1554 = tpu.memref_squeeze %dma_start3A_1553 : memref<1x112x96xf32, #tpu.memory_space<hbm>> -> memref<112x96xf32, #tpu.memory_space<hbm>>
      %dma_start3A_1555 = arith.constant 0 : i32
      %dma_start3A_1556 = arith.constant 0 : i32
      %dma_start3A_1557 = tpu.memref_slice %arg11[%dma_start3A_1542, %dma_start3A_1555, %dma_start3A_1556] : memref<7x112x96xf32, #tpu.memory_space<vmem>> -> memref<1x112x96xf32, #tpu.memory_space<vmem>>
      %dma_start3A_1558 = tpu.memref_squeeze %dma_start3A_1557 : memref<1x112x96xf32, #tpu.memory_space<vmem>> -> memref<112x96xf32, #tpu.memory_space<vmem>>
      tpu.enqueue_dma source(%dma_start3A_1558 : memref<112x96xf32, #tpu.memory_space<vmem>>) target(%dma_start3A_1554 : memref<112x96xf32, #tpu.memory_space<hbm>>) target_semaphore(%arg13 : memref<!tpu.dma_semaphore, #tpu.memory_space<semaphore_mem>>)
      %dma_start3A_1559 = arith.constant 0 : i32
      %dma_start3A_1560 = arith.constant 96 : i32
      %dma_start3A_1561 = tpu.memref_slice %arg6[%add3A_16, %dma_start3A_1559, %dma_start3A_1560] : memref<256x784x128xf32, #tpu.memory_space<hbm>> -> memref<1x112x32xf32, #tpu.memory_space<hbm>>
      %dma_start3A_1562 = tpu.memref_squeeze %dma_start3A_1561 : memref<1x112x32xf32, #tpu.memory_space<hbm>> -> memref<112x32xf32, #tpu.memory_space<hbm>>
      %dma_start3A_1563 = arith.constant 0 : i32
      %dma_start3A_1564 = arith.constant 96 : i32
      %dma_start3A_1565 = tpu.memref_slice %arg6[%add3A_16, %dma_start3A_1563, %dma_start3A_1564] : memref<256x784x128xf32, #tpu.memory_space<hbm>> -> memref<1x112x32xf32, #tpu.memory_space<hbm>>
      %dma_start3A_1566 = tpu.memref_squeeze %dma_start3A_1565 : memref<1x112x32xf32, #tpu.memory_space<hbm>> -> memref<112x32xf32, #tpu.memory_space<hbm>>
      tpu.enqueue_dma source(%arg12 : memref<112x32xf32, #tpu.memory_space<vmem>>) target(%dma_start3A_1566 : memref<112x32xf32, #tpu.memory_space<hbm>>) target_semaphore(%arg13 : memref<!tpu.dma_semaphore, #tpu.memory_space<semaphore_mem>>)
      %dma_start3A_1567 = arith.constant 112 : i32
      %dma_start3A_1568 = arith.constant 96 : i32
      %dma_start3A_1569 = tpu.memref_slice %arg6[%add3A_16, %dma_start3A_1567, %dma_start3A_1568] : memref<256x784x128xf32, #tpu.memory_space<hbm>> -> memref<1x112x32xf32, #tpu.memory_space<hbm>>
      %dma_start3A_1570 = tpu.memref_squeeze %dma_start3A_1569 : memref<1x112x32xf32, #tpu.memory_space<hbm>> -> memref<112x32xf32, #tpu.memory_space<hbm>>
      %dma_start3A_1571 = arith.constant 112 : i32
      %dma_start3A_1572 = arith.constant 96 : i32
      %dma_start3A_1573 = tpu.memref_slice %arg6[%add3A_16, %dma_start3A_1571, %dma_start3A_1572] : memref<256x784x128xf32, #tpu.memory_space<hbm>> -> memref<1x112x32xf32, #tpu.memory_space<hbm>>
      %dma_start3A_1574 = tpu.memref_squeeze %dma_start3A_1573 : memref<1x112x32xf32, #tpu.memory_space<hbm>> -> memref<112x32xf32, #tpu.memory_space<hbm>>
      tpu.enqueue_dma source(%arg12 : memref<112x32xf32, #tpu.memory_space<vmem>>) target(%dma_start3A_1574 : memref<112x32xf32, #tpu.memory_space<hbm>>) target_semaphore(%arg13 : memref<!tpu.dma_semaphore, #tpu.memory_space<semaphore_mem>>)
      %dma_start3A_1575 = arith.constant 224 : i32
      %dma_start3A_1576 = arith.constant 96 : i32
      %dma_start3A_1577 = tpu.memref_slice %arg6[%add3A_16, %dma_start3A_1575, %dma_start3A_1576] : memref<256x784x128xf32, #tpu.memory_space<hbm>> -> memref<1x112x32xf32, #tpu.memory_space<hbm>>
      %dma_start3A_1578 = tpu.memref_squeeze %dma_start3A_1577 : memref<1x112x32xf32, #tpu.memory_space<hbm>> -> memref<112x32xf32, #tpu.memory_space<hbm>>
      %dma_start3A_1579 = arith.constant 224 : i32
      %dma_start3A_1580 = arith.constant 96 : i32
      %dma_start3A_1581 = tpu.memref_slice %arg6[%add3A_16, %dma_start3A_1579, %dma_start3A_1580] : memref<256x784x128xf32, #tpu.memory_space<hbm>> -> memref<1x112x32xf32, #tpu.memory_space<hbm>>
      %dma_start3A_1582 = tpu.memref_squeeze %dma_start3A_1581 : memref<1x112x32xf32, #tpu.memory_space<hbm>> -> memref<112x32xf32, #tpu.memory_space<hbm>>
      tpu.enqueue_dma source(%arg12 : memref<112x32xf32, #tpu.memory_space<vmem>>) target(%dma_start3A_1582 : memref<112x32xf32, #tpu.memory_space<hbm>>) target_semaphore(%arg13 : memref<!tpu.dma_semaphore, #tpu.memory_space<semaphore_mem>>)
      %dma_start3A_1583 = arith.constant 336 : i32
      %dma_start3A_1584 = arith.constant 96 : i32
      %dma_start3A_1585 = tpu.memref_slice %arg6[%add3A_16, %dma_start3A_1583, %dma_start3A_1584] : memref<256x784x128xf32, #tpu.memory_space<hbm>> -> memref<1x112x32xf32, #tpu.memory_space<hbm>>
      %dma_start3A_1586 = tpu.memref_squeeze %dma_start3A_1585 : memref<1x112x32xf32, #tpu.memory_space<hbm>> -> memref<112x32xf32, #tpu.memory_space<hbm>>
      %dma_start3A_1587 = arith.constant 336 : i32
      %dma_start3A_1588 = arith.constant 96 : i32
      %dma_start3A_1589 = tpu.memref_slice %arg6[%add3A_16, %dma_start3A_1587, %dma_start3A_1588] : memref<256x784x128xf32, #tpu.memory_space<hbm>> -> memref<1x112x32xf32, #tpu.memory_space<hbm>>
      %dma_start3A_1590 = tpu.memref_squeeze %dma_start3A_1589 : memref<1x112x32xf32, #tpu.memory_space<hbm>> -> memref<112x32xf32, #tpu.memory_space<hbm>>
      tpu.enqueue_dma source(%arg12 : memref<112x32xf32, #tpu.memory_space<vmem>>) target(%dma_start3A_1590 : memref<112x32xf32, #tpu.memory_space<hbm>>) target_semaphore(%arg13 : memref<!tpu.dma_semaphore, #tpu.memory_space<semaphore_mem>>)
      %dma_start3A_1591 = arith.constant 448 : i32
      %dma_start3A_1592 = arith.constant 96 : i32
      %dma_start3A_1593 = tpu.memref_slice %arg6[%add3A_16, %dma_start3A_1591, %dma_start3A_1592] : memref<256x784x128xf32, #tpu.memory_space<hbm>> -> memref<1x112x32xf32, #tpu.memory_space<hbm>>
      %dma_start3A_1594 = tpu.memref_squeeze %dma_start3A_1593 : memref<1x112x32xf32, #tpu.memory_space<hbm>> -> memref<112x32xf32, #tpu.memory_space<hbm>>
      %dma_start3A_1595 = arith.constant 448 : i32
      %dma_start3A_1596 = arith.constant 96 : i32
      %dma_start3A_1597 = tpu.memref_slice %arg6[%add3A_16, %dma_start3A_1595, %dma_start3A_1596] : memref<256x784x128xf32, #tpu.memory_space<hbm>> -> memref<1x112x32xf32, #tpu.memory_space<hbm>>
      %dma_start3A_1598 = tpu.memref_squeeze %dma_start3A_1597 : memref<1x112x32xf32, #tpu.memory_space<hbm>> -> memref<112x32xf32, #tpu.memory_space<hbm>>
      tpu.enqueue_dma source(%arg12 : memref<112x32xf32, #tpu.memory_space<vmem>>) target(%dma_start3A_1598 : memref<112x32xf32, #tpu.memory_space<hbm>>) target_semaphore(%arg13 : memref<!tpu.dma_semaphore, #tpu.memory_space<semaphore_mem>>)
      %dma_start3A_1599 = arith.constant 560 : i32
      %dma_start3A_1600 = arith.constant 96 : i32
      %dma_start3A_1601 = tpu.memref_slice %arg6[%add3A_16, %dma_start3A_1599, %dma_start3A_1600] : memref<256x784x128xf32, #tpu.memory_space<hbm>> -> memref<1x112x32xf32, #tpu.memory_space<hbm>>
      %dma_start3A_1602 = tpu.memref_squeeze %dma_start3A_1601 : memref<1x112x32xf32, #tpu.memory_space<hbm>> -> memref<112x32xf32, #tpu.memory_space<hbm>>
      %dma_start3A_1603 = arith.constant 560 : i32
      %dma_start3A_1604 = arith.constant 96 : i32
      %dma_start3A_1605 = tpu.memref_slice %arg6[%add3A_16, %dma_start3A_1603, %dma_start3A_1604] : memref<256x784x128xf32, #tpu.memory_space<hbm>> -> memref<1x112x32xf32, #tpu.memory_space<hbm>>
      %dma_start3A_1606 = tpu.memref_squeeze %dma_start3A_1605 : memref<1x112x32xf32, #tpu.memory_space<hbm>> -> memref<112x32xf32, #tpu.memory_space<hbm>>
      tpu.enqueue_dma source(%arg12 : memref<112x32xf32, #tpu.memory_space<vmem>>) target(%dma_start3A_1606 : memref<112x32xf32, #tpu.memory_space<hbm>>) target_semaphore(%arg13 : memref<!tpu.dma_semaphore, #tpu.memory_space<semaphore_mem>>)
      %dma_start3A_1607 = arith.constant 672 : i32
      %dma_start3A_1608 = arith.constant 96 : i32
      %dma_start3A_1609 = tpu.memref_slice %arg6[%add3A_16, %dma_start3A_1607, %dma_start3A_1608] : memref<256x784x128xf32, #tpu.memory_space<hbm>> -> memref<1x112x32xf32, #tpu.memory_space<hbm>>
      %dma_start3A_1610 = tpu.memref_squeeze %dma_start3A_1609 : memref<1x112x32xf32, #tpu.memory_space<hbm>> -> memref<112x32xf32, #tpu.memory_space<hbm>>
      %dma_start3A_1611 = arith.constant 672 : i32
      %dma_start3A_1612 = arith.constant 96 : i32
      %dma_start3A_1613 = tpu.memref_slice %arg6[%add3A_16, %dma_start3A_1611, %dma_start3A_1612] : memref<256x784x128xf32, #tpu.memory_space<hbm>> -> memref<1x112x32xf32, #tpu.memory_space<hbm>>
      %dma_start3A_1614 = tpu.memref_squeeze %dma_start3A_1613 : memref<1x112x32xf32, #tpu.memory_space<hbm>> -> memref<112x32xf32, #tpu.memory_space<hbm>>
      tpu.enqueue_dma source(%arg12 : memref<112x32xf32, #tpu.memory_space<vmem>>) target(%dma_start3A_1614 : memref<112x32xf32, #tpu.memory_space<hbm>>) target_semaphore(%arg13 : memref<!tpu.dma_semaphore, #tpu.memory_space<semaphore_mem>>)
      %dma_wait3A_1615 = arith.constant 0 : i32
      %dma_wait3A_1616 = arith.constant 0 : i32
      %dma_wait3A_1617 = arith.constant 0 : i32
      %dma_wait3A_1618 = tpu.memref_slice %arg11[%dma_wait3A_1615, %dma_wait3A_1616, %dma_wait3A_1617] : memref<7x112x96xf32, #tpu.memory_space<vmem>> -> memref<1x112x96xf32, #tpu.memory_space<vmem>>
      %dma_wait3A_1619 = tpu.memref_squeeze %dma_wait3A_1618 : memref<1x112x96xf32, #tpu.memory_space<vmem>> -> memref<112x96xf32, #tpu.memory_space<vmem>>
      %dma_wait3A_1620 = arith.constant 0 : i32
      %dma_wait3A_1621 = arith.constant 0 : i32
      %dma_wait3A_1622 = tpu.memref_slice %arg6[%add3A_16, %dma_wait3A_1620, %dma_wait3A_1621] : memref<256x784x128xf32, #tpu.memory_space<hbm>> -> memref<1x112x96xf32, #tpu.memory_space<hbm>>
      %dma_wait3A_1623 = tpu.memref_squeeze %dma_wait3A_1622 : memref<1x112x96xf32, #tpu.memory_space<hbm>> -> memref<112x96xf32, #tpu.memory_space<hbm>>
      %dma_wait3A_1624 = arith.constant 0 : i32
      %dma_wait3A_1625 = arith.constant 0 : i32
      %dma_wait3A_1626 = tpu.memref_slice %arg6[%add3A_16, %dma_wait3A_1624, %dma_wait3A_1625] : memref<256x784x128xf32, #tpu.memory_space<hbm>> -> memref<1x112x96xf32, #tpu.memory_space<hbm>>
      %dma_wait3A_1627 = tpu.memref_squeeze %dma_wait3A_1626 : memref<1x112x96xf32, #tpu.memory_space<hbm>> -> memref<112x96xf32, #tpu.memory_space<hbm>>
      %dma_wait3A_1628 = arith.constant 0 : i32
      %dma_wait3A_1629 = arith.constant 0 : i32
      %dma_wait3A_1630 = tpu.memref_slice %arg11[%dma_wait3A_1615, %dma_wait3A_1628, %dma_wait3A_1629] : memref<7x112x96xf32, #tpu.memory_space<vmem>> -> memref<1x112x96xf32, #tpu.memory_space<vmem>>
      %dma_wait3A_1631 = tpu.memref_squeeze %dma_wait3A_1630 : memref<1x112x96xf32, #tpu.memory_space<vmem>> -> memref<112x96xf32, #tpu.memory_space<vmem>>
      tpu.wait_dma2 semaphore(%arg13 : memref<!tpu.dma_semaphore, #tpu.memory_space<semaphore_mem>>) src(%dma_wait3A_1631 : memref<112x96xf32, #tpu.memory_space<vmem>>) dst(%dma_wait3A_1627 : memref<112x96xf32, #tpu.memory_space<hbm>>)
      %dma_wait3A_1632 = arith.constant 1 : i32
      %dma_wait3A_1633 = arith.constant 0 : i32
      %dma_wait3A_1634 = arith.constant 0 : i32
      %dma_wait3A_1635 = tpu.memref_slice %arg11[%dma_wait3A_1632, %dma_wait3A_1633, %dma_wait3A_1634] : memref<7x112x96xf32, #tpu.memory_space<vmem>> -> memref<1x112x96xf32, #tpu.memory_space<vmem>>
      %dma_wait3A_1636 = tpu.memref_squeeze %dma_wait3A_1635 : memref<1x112x96xf32, #tpu.memory_space<vmem>> -> memref<112x96xf32, #tpu.memory_space<vmem>>
      %dma_wait3A_1637 = arith.constant 112 : i32
      %dma_wait3A_1638 = arith.constant 0 : i32
      %dma_wait3A_1639 = tpu.memref_slice %arg6[%add3A_16, %dma_wait3A_1637, %dma_wait3A_1638] : memref<256x784x128xf32, #tpu.memory_space<hbm>> -> memref<1x112x96xf32, #tpu.memory_space<hbm>>
      %dma_wait3A_1640 = tpu.memref_squeeze %dma_wait3A_1639 : memref<1x112x96xf32, #tpu.memory_space<hbm>> -> memref<112x96xf32, #tpu.memory_space<hbm>>
      %dma_wait3A_1641 = arith.constant 112 : i32
      %dma_wait3A_1642 = arith.constant 0 : i32
      %dma_wait3A_1643 = tpu.memref_slice %arg6[%add3A_16, %dma_wait3A_1641, %dma_wait3A_1642] : memref<256x784x128xf32, #tpu.memory_space<hbm>> -> memref<1x112x96xf32, #tpu.memory_space<hbm>>
      %dma_wait3A_1644 = tpu.memref_squeeze %dma_wait3A_1643 : memref<1x112x96xf32, #tpu.memory_space<hbm>> -> memref<112x96xf32, #tpu.memory_space<hbm>>
      %dma_wait3A_1645 = arith.constant 0 : i32
      %dma_wait3A_1646 = arith.constant 0 : i32
      %dma_wait3A_1647 = tpu.memref_slice %arg11[%dma_wait3A_1632, %dma_wait3A_1645, %dma_wait3A_1646] : memref<7x112x96xf32, #tpu.memory_space<vmem>> -> memref<1x112x96xf32, #tpu.memory_space<vmem>>
      %dma_wait3A_1648 = tpu.memref_squeeze %dma_wait3A_1647 : memref<1x112x96xf32, #tpu.memory_space<vmem>> -> memref<112x96xf32, #tpu.memory_space<vmem>>
      tpu.wait_dma2 semaphore(%arg13 : memref<!tpu.dma_semaphore, #tpu.memory_space<semaphore_mem>>) src(%dma_wait3A_1648 : memref<112x96xf32, #tpu.memory_space<vmem>>) dst(%dma_wait3A_1644 : memref<112x96xf32, #tpu.memory_space<hbm>>)
      %dma_wait3A_1649 = arith.constant 2 : i32
      %dma_wait3A_1650 = arith.constant 0 : i32
      %dma_wait3A_1651 = arith.constant 0 : i32
      %dma_wait3A_1652 = tpu.memref_slice %arg11[%dma_wait3A_1649, %dma_wait3A_1650, %dma_wait3A_1651] : memref<7x112x96xf32, #tpu.memory_space<vmem>> -> memref<1x112x96xf32, #tpu.memory_space<vmem>>
      %dma_wait3A_1653 = tpu.memref_squeeze %dma_wait3A_1652 : memref<1x112x96xf32, #tpu.memory_space<vmem>> -> memref<112x96xf32, #tpu.memory_space<vmem>>
      %dma_wait3A_1654 = arith.constant 224 : i32
      %dma_wait3A_1655 = arith.constant 0 : i32
      %dma_wait3A_1656 = tpu.memref_slice %arg6[%add3A_16, %dma_wait3A_1654, %dma_wait3A_1655] : memref<256x784x128xf32, #tpu.memory_space<hbm>> -> memref<1x112x96xf32, #tpu.memory_space<hbm>>
      %dma_wait3A_1657 = tpu.memref_squeeze %dma_wait3A_1656 : memref<1x112x96xf32, #tpu.memory_space<hbm>> -> memref<112x96xf32, #tpu.memory_space<hbm>>
      %dma_wait3A_1658 = arith.constant 224 : i32
      %dma_wait3A_1659 = arith.constant 0 : i32
      %dma_wait3A_1660 = tpu.memref_slice %arg6[%add3A_16, %dma_wait3A_1658, %dma_wait3A_1659] : memref<256x784x128xf32, #tpu.memory_space<hbm>> -> memref<1x112x96xf32, #tpu.memory_space<hbm>>
      %dma_wait3A_1661 = tpu.memref_squeeze %dma_wait3A_1660 : memref<1x112x96xf32, #tpu.memory_space<hbm>> -> memref<112x96xf32, #tpu.memory_space<hbm>>
      %dma_wait3A_1662 = arith.constant 0 : i32
      %dma_wait3A_1663 = arith.constant 0 : i32
      %dma_wait3A_1664 = tpu.memref_slice %arg11[%dma_wait3A_1649, %dma_wait3A_1662, %dma_wait3A_1663] : memref<7x112x96xf32, #tpu.memory_space<vmem>> -> memref<1x112x96xf32, #tpu.memory_space<vmem>>
      %dma_wait3A_1665 = tpu.memref_squeeze %dma_wait3A_1664 : memref<1x112x96xf32, #tpu.memory_space<vmem>> -> memref<112x96xf32, #tpu.memory_space<vmem>>
      tpu.wait_dma2 semaphore(%arg13 : memref<!tpu.dma_semaphore, #tpu.memory_space<semaphore_mem>>) src(%dma_wait3A_1665 : memref<112x96xf32, #tpu.memory_space<vmem>>) dst(%dma_wait3A_1661 : memref<112x96xf32, #tpu.memory_space<hbm>>)
      %dma_wait3A_1666 = arith.constant 3 : i32
      %dma_wait3A_1667 = arith.constant 0 : i32
      %dma_wait3A_1668 = arith.constant 0 : i32
      %dma_wait3A_1669 = tpu.memref_slice %arg11[%dma_wait3A_1666, %dma_wait3A_1667, %dma_wait3A_1668] : memref<7x112x96xf32, #tpu.memory_space<vmem>> -> memref<1x112x96xf32, #tpu.memory_space<vmem>>
      %dma_wait3A_1670 = tpu.memref_squeeze %dma_wait3A_1669 : memref<1x112x96xf32, #tpu.memory_space<vmem>> -> memref<112x96xf32, #tpu.memory_space<vmem>>
      %dma_wait3A_1671 = arith.constant 336 : i32
      %dma_wait3A_1672 = arith.constant 0 : i32
      %dma_wait3A_1673 = tpu.memref_slice %arg6[%add3A_16, %dma_wait3A_1671, %dma_wait3A_1672] : memref<256x784x128xf32, #tpu.memory_space<hbm>> -> memref<1x112x96xf32, #tpu.memory_space<hbm>>
      %dma_wait3A_1674 = tpu.memref_squeeze %dma_wait3A_1673 : memref<1x112x96xf32, #tpu.memory_space<hbm>> -> memref<112x96xf32, #tpu.memory_space<hbm>>
      %dma_wait3A_1675 = arith.constant 336 : i32
      %dma_wait3A_1676 = arith.constant 0 : i32
      %dma_wait3A_1677 = tpu.memref_slice %arg6[%add3A_16, %dma_wait3A_1675, %dma_wait3A_1676] : memref<256x784x128xf32, #tpu.memory_space<hbm>> -> memref<1x112x96xf32, #tpu.memory_space<hbm>>
      %dma_wait3A_1678 = tpu.memref_squeeze %dma_wait3A_1677 : memref<1x112x96xf32, #tpu.memory_space<hbm>> -> memref<112x96xf32, #tpu.memory_space<hbm>>
      %dma_wait3A_1679 = arith.constant 0 : i32
      %dma_wait3A_1680 = arith.constant 0 : i32
      %dma_wait3A_1681 = tpu.memref_slice %arg11[%dma_wait3A_1666, %dma_wait3A_1679, %dma_wait3A_1680] : memref<7x112x96xf32, #tpu.memory_space<vmem>> -> memref<1x112x96xf32, #tpu.memory_space<vmem>>
      %dma_wait3A_1682 = tpu.memref_squeeze %dma_wait3A_1681 : memref<1x112x96xf32, #tpu.memory_space<vmem>> -> memref<112x96xf32, #tpu.memory_space<vmem>>
      tpu.wait_dma2 semaphore(%arg13 : memref<!tpu.dma_semaphore, #tpu.memory_space<semaphore_mem>>) src(%dma_wait3A_1682 : memref<112x96xf32, #tpu.memory_space<vmem>>) dst(%dma_wait3A_1678 : memref<112x96xf32, #tpu.memory_space<hbm>>)
      %dma_wait3A_1683 = arith.constant 4 : i32
      %dma_wait3A_1684 = arith.constant 0 : i32
      %dma_wait3A_1685 = arith.constant 0 : i32
      %dma_wait3A_1686 = tpu.memref_slice %arg11[%dma_wait3A_1683, %dma_wait3A_1684, %dma_wait3A_1685] : memref<7x112x96xf32, #tpu.memory_space<vmem>> -> memref<1x112x96xf32, #tpu.memory_space<vmem>>
      %dma_wait3A_1687 = tpu.memref_squeeze %dma_wait3A_1686 : memref<1x112x96xf32, #tpu.memory_space<vmem>> -> memref<112x96xf32, #tpu.memory_space<vmem>>
      %dma_wait3A_1688 = arith.constant 448 : i32
      %dma_wait3A_1689 = arith.constant 0 : i32
      %dma_wait3A_1690 = tpu.memref_slice %arg6[%add3A_16, %dma_wait3A_1688, %dma_wait3A_1689] : memref<256x784x128xf32, #tpu.memory_space<hbm>> -> memref<1x112x96xf32, #tpu.memory_space<hbm>>
      %dma_wait3A_1691 = tpu.memref_squeeze %dma_wait3A_1690 : memref<1x112x96xf32, #tpu.memory_space<hbm>> -> memref<112x96xf32, #tpu.memory_space<hbm>>
      %dma_wait3A_1692 = arith.constant 448 : i32
      %dma_wait3A_1693 = arith.constant 0 : i32
      %dma_wait3A_1694 = tpu.memref_slice %arg6[%add3A_16, %dma_wait3A_1692, %dma_wait3A_1693] : memref<256x784x128xf32, #tpu.memory_space<hbm>> -> memref<1x112x96xf32, #tpu.memory_space<hbm>>
      %dma_wait3A_1695 = tpu.memref_squeeze %dma_wait3A_1694 : memref<1x112x96xf32, #tpu.memory_space<hbm>> -> memref<112x96xf32, #tpu.memory_space<hbm>>
      %dma_wait3A_1696 = arith.constant 0 : i32
      %dma_wait3A_1697 = arith.constant 0 : i32
      %dma_wait3A_1698 = tpu.memref_slice %arg11[%dma_wait3A_1683, %dma_wait3A_1696, %dma_wait3A_1697] : memref<7x112x96xf32, #tpu.memory_space<vmem>> -> memref<1x112x96xf32, #tpu.memory_space<vmem>>
      %dma_wait3A_1699 = tpu.memref_squeeze %dma_wait3A_1698 : memref<1x112x96xf32, #tpu.memory_space<vmem>> -> memref<112x96xf32, #tpu.memory_space<vmem>>
      tpu.wait_dma2 semaphore(%arg13 : memref<!tpu.dma_semaphore, #tpu.memory_space<semaphore_mem>>) src(%dma_wait3A_1699 : memref<112x96xf32, #tpu.memory_space<vmem>>) dst(%dma_wait3A_1695 : memref<112x96xf32, #tpu.memory_space<hbm>>)
      %dma_wait3A_1700 = arith.constant 5 : i32
      %dma_wait3A_1701 = arith.constant 0 : i32
      %dma_wait3A_1702 = arith.constant 0 : i32
      %dma_wait3A_1703 = tpu.memref_slice %arg11[%dma_wait3A_1700, %dma_wait3A_1701, %dma_wait3A_1702] : memref<7x112x96xf32, #tpu.memory_space<vmem>> -> memref<1x112x96xf32, #tpu.memory_space<vmem>>
      %dma_wait3A_1704 = tpu.memref_squeeze %dma_wait3A_1703 : memref<1x112x96xf32, #tpu.memory_space<vmem>> -> memref<112x96xf32, #tpu.memory_space<vmem>>
      %dma_wait3A_1705 = arith.constant 560 : i32
      %dma_wait3A_1706 = arith.constant 0 : i32
      %dma_wait3A_1707 = tpu.memref_slice %arg6[%add3A_16, %dma_wait3A_1705, %dma_wait3A_1706] : memref<256x784x128xf32, #tpu.memory_space<hbm>> -> memref<1x112x96xf32, #tpu.memory_space<hbm>>
      %dma_wait3A_1708 = tpu.memref_squeeze %dma_wait3A_1707 : memref<1x112x96xf32, #tpu.memory_space<hbm>> -> memref<112x96xf32, #tpu.memory_space<hbm>>
      %dma_wait3A_1709 = arith.constant 560 : i32
      %dma_wait3A_1710 = arith.constant 0 : i32
      %dma_wait3A_1711 = tpu.memref_slice %arg6[%add3A_16, %dma_wait3A_1709, %dma_wait3A_1710] : memref<256x784x128xf32, #tpu.memory_space<hbm>> -> memref<1x112x96xf32, #tpu.memory_space<hbm>>
      %dma_wait3A_1712 = tpu.memref_squeeze %dma_wait3A_1711 : memref<1x112x96xf32, #tpu.memory_space<hbm>> -> memref<112x96xf32, #tpu.memory_space<hbm>>
      %dma_wait3A_1713 = arith.constant 0 : i32
      %dma_wait3A_1714 = arith.constant 0 : i32
      %dma_wait3A_1715 = tpu.memref_slice %arg11[%dma_wait3A_1700, %dma_wait3A_1713, %dma_wait3A_1714] : memref<7x112x96xf32, #tpu.memory_space<vmem>> -> memref<1x112x96xf32, #tpu.memory_space<vmem>>
      %dma_wait3A_1716 = tpu.memref_squeeze %dma_wait3A_1715 : memref<1x112x96xf32, #tpu.memory_space<vmem>> -> memref<112x96xf32, #tpu.memory_space<vmem>>
      tpu.wait_dma2 semaphore(%arg13 : memref<!tpu.dma_semaphore, #tpu.memory_space<semaphore_mem>>) src(%dma_wait3A_1716 : memref<112x96xf32, #tpu.memory_space<vmem>>) dst(%dma_wait3A_1712 : memref<112x96xf32, #tpu.memory_space<hbm>>)
      %dma_wait3A_1717 = arith.constant 6 : i32
      %dma_wait3A_1718 = arith.constant 0 : i32
      %dma_wait3A_1719 = arith.constant 0 : i32
      %dma_wait3A_1720 = tpu.memref_slice %arg11[%dma_wait3A_1717, %dma_wait3A_1718, %dma_wait3A_1719] : memref<7x112x96xf32, #tpu.memory_space<vmem>> -> memref<1x112x96xf32, #tpu.memory_space<vmem>>
      %dma_wait3A_1721 = tpu.memref_squeeze %dma_wait3A_1720 : memref<1x112x96xf32, #tpu.memory_space<vmem>> -> memref<112x96xf32, #tpu.memory_space<vmem>>
      %dma_wait3A_1722 = arith.constant 672 : i32
      %dma_wait3A_1723 = arith.constant 0 : i32
      %dma_wait3A_1724 = tpu.memref_slice %arg6[%add3A_16, %dma_wait3A_1722, %dma_wait3A_1723] : memref<256x784x128xf32, #tpu.memory_space<hbm>> -> memref<1x112x96xf32, #tpu.memory_space<hbm>>
      %dma_wait3A_1725 = tpu.memref_squeeze %dma_wait3A_1724 : memref<1x112x96xf32, #tpu.memory_space<hbm>> -> memref<112x96xf32, #tpu.memory_space<hbm>>
      %dma_wait3A_1726 = arith.constant 672 : i32
      %dma_wait3A_1727 = arith.constant 0 : i32
      %dma_wait3A_1728 = tpu.memref_slice %arg6[%add3A_16, %dma_wait3A_1726, %dma_wait3A_1727] : memref<256x784x128xf32, #tpu.memory_space<hbm>> -> memref<1x112x96xf32, #tpu.memory_space<hbm>>
      %dma_wait3A_1729 = tpu.memref_squeeze %dma_wait3A_1728 : memref<1x112x96xf32, #tpu.memory_space<hbm>> -> memref<112x96xf32, #tpu.memory_space<hbm>>
      %dma_wait3A_1730 = arith.constant 0 : i32
      %dma_wait3A_1731 = arith.constant 0 : i32
      %dma_wait3A_1732 = tpu.memref_slice %arg11[%dma_wait3A_1717, %dma_wait3A_1730, %dma_wait3A_1731] : memref<7x112x96xf32, #tpu.memory_space<vmem>> -> memref<1x112x96xf32, #tpu.memory_space<vmem>>
      %dma_wait3A_1733 = tpu.memref_squeeze %dma_wait3A_1732 : memref<1x112x96xf32, #tpu.memory_space<vmem>> -> memref<112x96xf32, #tpu.memory_space<vmem>>
      tpu.wait_dma2 semaphore(%arg13 : memref<!tpu.dma_semaphore, #tpu.memory_space<semaphore_mem>>) src(%dma_wait3A_1733 : memref<112x96xf32, #tpu.memory_space<vmem>>) dst(%dma_wait3A_1729 : memref<112x96xf32, #tpu.memory_space<hbm>>)
      %dma_wait3A_1734 = arith.constant 0 : i32
      %dma_wait3A_1735 = arith.constant 96 : i32
      %dma_wait3A_1736 = tpu.memref_slice %arg6[%add3A_16, %dma_wait3A_1734, %dma_wait3A_1735] : memref<256x784x128xf32, #tpu.memory_space<hbm>> -> memref<1x112x32xf32, #tpu.memory_space<hbm>>
      %dma_wait3A_1737 = tpu.memref_squeeze %dma_wait3A_1736 : memref<1x112x32xf32, #tpu.memory_space<hbm>> -> memref<112x32xf32, #tpu.memory_space<hbm>>
      %dma_wait3A_1738 = arith.constant 0 : i32
      %dma_wait3A_1739 = arith.constant 96 : i32
      %dma_wait3A_1740 = tpu.memref_slice %arg6[%add3A_16, %dma_wait3A_1738, %dma_wait3A_1739] : memref<256x784x128xf32, #tpu.memory_space<hbm>> -> memref<1x112x32xf32, #tpu.memory_space<hbm>>
      %dma_wait3A_1741 = tpu.memref_squeeze %dma_wait3A_1740 : memref<1x112x32xf32, #tpu.memory_space<hbm>> -> memref<112x32xf32, #tpu.memory_space<hbm>>
      tpu.wait_dma2 semaphore(%arg13 : memref<!tpu.dma_semaphore, #tpu.memory_space<semaphore_mem>>) src(%arg12 : memref<112x32xf32, #tpu.memory_space<vmem>>) dst(%dma_wait3A_1741 : memref<112x32xf32, #tpu.memory_space<hbm>>)
      %dma_wait3A_1742 = arith.constant 112 : i32
      %dma_wait3A_1743 = arith.constant 96 : i32
      %dma_wait3A_1744 = tpu.memref_slice %arg6[%add3A_16, %dma_wait3A_1742, %dma_wait3A_1743] : memref<256x784x128xf32, #tpu.memory_space<hbm>> -> memref<1x112x32xf32, #tpu.memory_space<hbm>>
      %dma_wait3A_1745 = tpu.memref_squeeze %dma_wait3A_1744 : memref<1x112x32xf32, #tpu.memory_space<hbm>> -> memref<112x32xf32, #tpu.memory_space<hbm>>
      %dma_wait3A_1746 = arith.constant 112 : i32
      %dma_wait3A_1747 = arith.constant 96 : i32
      %dma_wait3A_1748 = tpu.memref_slice %arg6[%add3A_16, %dma_wait3A_1746, %dma_wait3A_1747] : memref<256x784x128xf32, #tpu.memory_space<hbm>> -> memref<1x112x32xf32, #tpu.memory_space<hbm>>
      %dma_wait3A_1749 = tpu.memref_squeeze %dma_wait3A_1748 : memref<1x112x32xf32, #tpu.memory_space<hbm>> -> memref<112x32xf32, #tpu.memory_space<hbm>>
      tpu.wait_dma2 semaphore(%arg13 : memref<!tpu.dma_semaphore, #tpu.memory_space<semaphore_mem>>) src(%arg12 : memref<112x32xf32, #tpu.memory_space<vmem>>) dst(%dma_wait3A_1749 : memref<112x32xf32, #tpu.memory_space<hbm>>)
      %dma_wait3A_1750 = arith.constant 224 : i32
      %dma_wait3A_1751 = arith.constant 96 : i32
      %dma_wait3A_1752 = tpu.memref_slice %arg6[%add3A_16, %dma_wait3A_1750, %dma_wait3A_1751] : memref<256x784x128xf32, #tpu.memory_space<hbm>> -> memref<1x112x32xf32, #tpu.memory_space<hbm>>
      %dma_wait3A_1753 = tpu.memref_squeeze %dma_wait3A_1752 : memref<1x112x32xf32, #tpu.memory_space<hbm>> -> memref<112x32xf32, #tpu.memory_space<hbm>>
      %dma_wait3A_1754 = arith.constant 224 : i32
      %dma_wait3A_1755 = arith.constant 96 : i32
      %dma_wait3A_1756 = tpu.memref_slice %arg6[%add3A_16, %dma_wait3A_1754, %dma_wait3A_1755] : memref<256x784x128xf32, #tpu.memory_space<hbm>> -> memref<1x112x32xf32, #tpu.memory_space<hbm>>
      %dma_wait3A_1757 = tpu.memref_squeeze %dma_wait3A_1756 : memref<1x112x32xf32, #tpu.memory_space<hbm>> -> memref<112x32xf32, #tpu.memory_space<hbm>>
      tpu.wait_dma2 semaphore(%arg13 : memref<!tpu.dma_semaphore, #tpu.memory_space<semaphore_mem>>) src(%arg12 : memref<112x32xf32, #tpu.memory_space<vmem>>) dst(%dma_wait3A_1757 : memref<112x32xf32, #tpu.memory_space<hbm>>)
      %dma_wait3A_1758 = arith.constant 336 : i32
      %dma_wait3A_1759 = arith.constant 96 : i32
      %dma_wait3A_1760 = tpu.memref_slice %arg6[%add3A_16, %dma_wait3A_1758, %dma_wait3A_1759] : memref<256x784x128xf32, #tpu.memory_space<hbm>> -> memref<1x112x32xf32, #tpu.memory_space<hbm>>
      %dma_wait3A_1761 = tpu.memref_squeeze %dma_wait3A_1760 : memref<1x112x32xf32, #tpu.memory_space<hbm>> -> memref<112x32xf32, #tpu.memory_space<hbm>>
      %dma_wait3A_1762 = arith.constant 336 : i32
      %dma_wait3A_1763 = arith.constant 96 : i32
      %dma_wait3A_1764 = tpu.memref_slice %arg6[%add3A_16, %dma_wait3A_1762, %dma_wait3A_1763] : memref<256x784x128xf32, #tpu.memory_space<hbm>> -> memref<1x112x32xf32, #tpu.memory_space<hbm>>
      %dma_wait3A_1765 = tpu.memref_squeeze %dma_wait3A_1764 : memref<1x112x32xf32, #tpu.memory_space<hbm>> -> memref<112x32xf32, #tpu.memory_space<hbm>>
      tpu.wait_dma2 semaphore(%arg13 : memref<!tpu.dma_semaphore, #tpu.memory_space<semaphore_mem>>) src(%arg12 : memref<112x32xf32, #tpu.memory_space<vmem>>) dst(%dma_wait3A_1765 : memref<112x32xf32, #tpu.memory_space<hbm>>)
      %dma_wait3A_1766 = arith.constant 448 : i32
      %dma_wait3A_1767 = arith.constant 96 : i32
      %dma_wait3A_1768 = tpu.memref_slice %arg6[%add3A_16, %dma_wait3A_1766, %dma_wait3A_1767] : memref<256x784x128xf32, #tpu.memory_space<hbm>> -> memref<1x112x32xf32, #tpu.memory_space<hbm>>
      %dma_wait3A_1769 = tpu.memref_squeeze %dma_wait3A_1768 : memref<1x112x32xf32, #tpu.memory_space<hbm>> -> memref<112x32xf32, #tpu.memory_space<hbm>>
      %dma_wait3A_1770 = arith.constant 448 : i32
      %dma_wait3A_1771 = arith.constant 96 : i32
      %dma_wait3A_1772 = tpu.memref_slice %arg6[%add3A_16, %dma_wait3A_1770, %dma_wait3A_1771] : memref<256x784x128xf32, #tpu.memory_space<hbm>> -> memref<1x112x32xf32, #tpu.memory_space<hbm>>
      %dma_wait3A_1773 = tpu.memref_squeeze %dma_wait3A_1772 : memref<1x112x32xf32, #tpu.memory_space<hbm>> -> memref<112x32xf32, #tpu.memory_space<hbm>>
      tpu.wait_dma2 semaphore(%arg13 : memref<!tpu.dma_semaphore, #tpu.memory_space<semaphore_mem>>) src(%arg12 : memref<112x32xf32, #tpu.memory_space<vmem>>) dst(%dma_wait3A_1773 : memref<112x32xf32, #tpu.memory_space<hbm>>)
      %dma_wait3A_1774 = arith.constant 560 : i32
      %dma_wait3A_1775 = arith.constant 96 : i32
      %dma_wait3A_1776 = tpu.memref_slice %arg6[%add3A_16, %dma_wait3A_1774, %dma_wait3A_1775] : memref<256x784x128xf32, #tpu.memory_space<hbm>> -> memref<1x112x32xf32, #tpu.memory_space<hbm>>
      %dma_wait3A_1777 = tpu.memref_squeeze %dma_wait3A_1776 : memref<1x112x32xf32, #tpu.memory_space<hbm>> -> memref<112x32xf32, #tpu.memory_space<hbm>>
      %dma_wait3A_1778 = arith.constant 560 : i32
      %dma_wait3A_1779 = arith.constant 96 : i32
      %dma_wait3A_1780 = tpu.memref_slice %arg6[%add3A_16, %dma_wait3A_1778, %dma_wait3A_1779] : memref<256x784x128xf32, #tpu.memory_space<hbm>> -> memref<1x112x32xf32, #tpu.memory_space<hbm>>
      %dma_wait3A_1781 = tpu.memref_squeeze %dma_wait3A_1780 : memref<1x112x32xf32, #tpu.memory_space<hbm>> -> memref<112x32xf32, #tpu.memory_space<hbm>>
      tpu.wait_dma2 semaphore(%arg13 : memref<!tpu.dma_semaphore, #tpu.memory_space<semaphore_mem>>) src(%arg12 : memref<112x32xf32, #tpu.memory_space<vmem>>) dst(%dma_wait3A_1781 : memref<112x32xf32, #tpu.memory_space<hbm>>)
      %dma_wait3A_1782 = arith.constant 672 : i32
      %dma_wait3A_1783 = arith.constant 96 : i32
      %dma_wait3A_1784 = tpu.memref_slice %arg6[%add3A_16, %dma_wait3A_1782, %dma_wait3A_1783] : memref<256x784x128xf32, #tpu.memory_space<hbm>> -> memref<1x112x32xf32, #tpu.memory_space<hbm>>
      %dma_wait3A_1785 = tpu.memref_squeeze %dma_wait3A_1784 : memref<1x112x32xf32, #tpu.memory_space<hbm>> -> memref<112x32xf32, #tpu.memory_space<hbm>>
      %dma_wait3A_1786 = arith.constant 672 : i32
      %dma_wait3A_1787 = arith.constant 96 : i32
      %dma_wait3A_1788 = tpu.memref_slice %arg6[%add3A_16, %dma_wait3A_1786, %dma_wait3A_1787] : memref<256x784x128xf32, #tpu.memory_space<hbm>> -> memref<1x112x32xf32, #tpu.memory_space<hbm>>
      %dma_wait3A_1789 = tpu.memref_squeeze %dma_wait3A_1788 : memref<1x112x32xf32, #tpu.memory_space<hbm>> -> memref<112x32xf32, #tpu.memory_space<hbm>>
      tpu.wait_dma2 semaphore(%arg13 : memref<!tpu.dma_semaphore, #tpu.memory_space<semaphore_mem>>) src(%arg12 : memref<112x32xf32, #tpu.memory_space<vmem>>) dst(%dma_wait3A_1789 : memref<112x32xf32, #tpu.memory_space<hbm>>)
    }
    %scan3A_12 = arith.constant 8 : i32
    return
  }
}

module attributes {stable_mosaic.version = 14 : i64} {
  func.func @_tc_body(%arg0: i32, %arg1: memref<4x784x128xf32, #tpu.memory_space<vmem>>, %arg2: memref<4x16x64xf32, #tpu.memory_space<vmem>>, %arg3: memref<4x16x1xi32, #tpu.memory_space<vmem>>, %arg4: memref<4x16x1xi32, #tpu.memory_space<vmem>>, %arg5: memref<4x16x1xi32, #tpu.memory_space<vmem>>, %arg6: memref<64x128xi32, #tpu.memory_space<vmem>>, %arg7: memref<128x64xf32, #tpu.memory_space<vmem>>, %arg8: memref<1x64xf32, #tpu.memory_space<vmem>>, %arg9: memref<64x64xf32, #tpu.memory_space<vmem>>, %arg10: memref<1x64xf32, #tpu.memory_space<vmem>>, %arg11: memref<64x64xf32, #tpu.memory_space<vmem>>, %arg12: memref<1x64xf32, #tpu.memory_space<vmem>>, %arg13: memref<64x128xf32, #tpu.memory_space<vmem>>, %arg14: memref<1x128xf32, #tpu.memory_space<vmem>>, %arg15: memref<64x64xf32, #tpu.memory_space<vmem>>, %arg16: memref<1x64xf32, #tpu.memory_space<vmem>>, %arg17: memref<3x64xf32, #tpu.memory_space<vmem>>, %arg18: memref<1x3xf32, #tpu.memory_space<vmem>>, %arg19: memref<4x16x49xf32, #tpu.memory_space<vmem>>, %arg20: memref<4x16x49xf32, #tpu.memory_space<vmem>>, %arg21: memref<4x16x49xi32, #tpu.memory_space<vmem>>, %arg22: memref<4x16x49xi32, #tpu.memory_space<vmem>>, %arg23: memref<4x16x1xf32, #tpu.memory_space<vmem>>, %arg24: memref<4x16x1xf32, #tpu.memory_space<vmem>>, %arg25: memref<4x16x1xf32, #tpu.memory_space<vmem>>, %arg26: memref<4x16x1xi32, #tpu.memory_space<vmem>>) attributes {dimension_semantics = [#tpu.dimension_semantics<arbitrary>], iteration_bounds = array<i64: 64>, scalar_prefetch = 0 : i64, scratch_operands = 0 : i64, tpu.core_type = #tpu.core_type<tc>, window_params = [{transform_indices = @transform_0, window_bounds = array<i64: 4, 784, 128>}, {transform_indices = @transform_1, window_bounds = array<i64: 4, 16, 64>}, {transform_indices = @transform_2, window_bounds = array<i64: 4, 16, 1>}, {transform_indices = @transform_3, window_bounds = array<i64: 4, 16, 1>}, {transform_indices = @transform_4, window_bounds = array<i64: 4, 16, 1>}, {pipeline_mode = #tpu.pipeline_mode<synchronous>, transform_indices = @transform_5, window_bounds = array<i64: 64, 128>}, {pipeline_mode = #tpu.pipeline_mode<synchronous>, transform_indices = @transform_6, window_bounds = array<i64: 128, 64>}, {pipeline_mode = #tpu.pipeline_mode<synchronous>, transform_indices = @transform_7, window_bounds = array<i64: 1, 64>}, {pipeline_mode = #tpu.pipeline_mode<synchronous>, transform_indices = @transform_8, window_bounds = array<i64: 64, 64>}, {pipeline_mode = #tpu.pipeline_mode<synchronous>, transform_indices = @transform_9, window_bounds = array<i64: 1, 64>}, {pipeline_mode = #tpu.pipeline_mode<synchronous>, transform_indices = @transform_10, window_bounds = array<i64: 64, 64>}, {pipeline_mode = #tpu.pipeline_mode<synchronous>, transform_indices = @transform_11, window_bounds = array<i64: 1, 64>}, {pipeline_mode = #tpu.pipeline_mode<synchronous>, transform_indices = @transform_12, window_bounds = array<i64: 64, 128>}, {pipeline_mode = #tpu.pipeline_mode<synchronous>, transform_indices = @transform_13, window_bounds = array<i64: 1, 128>}, {pipeline_mode = #tpu.pipeline_mode<synchronous>, transform_indices = @transform_14, window_bounds = array<i64: 64, 64>}, {pipeline_mode = #tpu.pipeline_mode<synchronous>, transform_indices = @transform_15, window_bounds = array<i64: 1, 64>}, {pipeline_mode = #tpu.pipeline_mode<synchronous>, transform_indices = @transform_16, window_bounds = array<i64: 3, 64>}, {pipeline_mode = #tpu.pipeline_mode<synchronous>, transform_indices = @transform_17, window_bounds = array<i64: 1, 3>}, {transform_indices = @transform_18, window_bounds = array<i64: 4, 16, 49>}, {transform_indices = @transform_19, window_bounds = array<i64: 4, 16, 49>}, {transform_indices = @transform_20, window_bounds = array<i64: 4, 16, 49>}, {transform_indices = @transform_21, window_bounds = array<i64: 4, 16, 49>}, {transform_indices = @transform_22, window_bounds = array<i64: 4, 16, 1>}, {transform_indices = @transform_23, window_bounds = array<i64: 4, 16, 1>}, {transform_indices = @transform_24, window_bounds = array<i64: 4, 16, 1>}, {transform_indices = @transform_25, window_bounds = array<i64: 4, 16, 1>}]} {
    %get3A = arith.constant 0 : index
    %get3A_0 = arith.constant 0 : index
    %get3A_1 = arith.constant 0 : index
    %get3A_2 = vector.load %arg1[%get3A, %get3A_0, %get3A_1] : memref<4x784x128xf32, #tpu.memory_space<vmem>>, vector<4x784x128xf32>
    %reshape3A = vector.shape_cast %get3A_2 : vector<4x784x128xf32> to vector<3136x128xf32>
    %get3A_3 = arith.constant 0 : index
    %get3A_4 = arith.constant 0 : index
    %get3A_5 = arith.constant 0 : index
    %get3A_6 = vector.load %arg2[%get3A_3, %get3A_4, %get3A_5] : memref<4x16x64xf32, #tpu.memory_space<vmem>>, vector<4x16x64xf32>
    %reshape3A_7 = vector.shape_cast %get3A_6 : vector<4x16x64xf32> to vector<64x64xf32>
    %get3A_8 = arith.constant 0 : index
    %get3A_9 = arith.constant 0 : index
    %get3A_10 = vector.load %arg7[%get3A_8, %get3A_9] : memref<128x64xf32, #tpu.memory_space<vmem>>, vector<128x64xf32>
    %dot_general3A = arith.constant dense<0.000000e+00> : vector<3136x64xf32>
    %dot_general3A_11 = tpu.matmul %reshape3A, %get3A_10, %dot_general3A {dimension_numbers = #tpu.dot_dimension_numbers<[1], [0], [0], [1], [0, 0, 1, 1], [], []>, transpose_lhs_hint = false} : vector<3136x128xf32>, vector<128x64xf32>, vector<3136x64xf32> -> vector<3136x64xf32>
    %get3A_12 = arith.constant 0 : index
    %get3A_13 = arith.constant 0 : index
    %get3A_14 = vector.load %arg8[%get3A_12, %get3A_13] : memref<1x64xf32, #tpu.memory_space<vmem>>, vector<1x64xf32>
    %get3A_15 = vector.shape_cast %get3A_14 : vector<1x64xf32> to vector<64xf32>
    %broadcast_in_dim3A = vector.shape_cast %get3A_15 : vector<64xf32> to vector<1x64xf32>
    %add3A = vector.broadcast %broadcast_in_dim3A : vector<1x64xf32> to vector<3136x64xf32>
    %add3A_16 = arith.addf %dot_general3A_11, %add3A : vector<3136x64xf32>
    %max3A = arith.constant 0.000000e+00 : f32
    %max3A_17 = vector.broadcast %max3A : f32 to vector<3136x64xf32>
    %max3A_18 = arith.maximumf %add3A_16, %max3A_17 : vector<3136x64xf32>
    %get3A_19 = arith.constant 0 : index
    %get3A_20 = arith.constant 0 : index
    %get3A_21 = vector.load %arg9[%get3A_19, %get3A_20] : memref<64x64xf32, #tpu.memory_space<vmem>>, vector<64x64xf32>
    %dot_general3A_22 = arith.constant dense<0.000000e+00> : vector<64x64xf32>
    %dot_general3A_23 = tpu.matmul %reshape3A_7, %get3A_21, %dot_general3A_22 {dimension_numbers = #tpu.dot_dimension_numbers<[1], [1], [0], [0], [0, 0, 1, 0], [], []>, transpose_lhs_hint = false} : vector<64x64xf32>, vector<64x64xf32>, vector<64x64xf32> -> vector<64x64xf32>
    %reshape3A_24 = vector.shape_cast %max3A_18 : vector<3136x64xf32> to vector<64x49x64xf32>
    %broadcast_in_dim3A_25 = vector.shape_cast %dot_general3A_23 : vector<64x64xf32> to vector<64x1x64xf32>
    %mul3A = vector.broadcast %broadcast_in_dim3A_25 : vector<64x1x64xf32> to vector<64x49x64xf32>
    %mul3A_26 = arith.mulf %reshape3A_24, %mul3A : vector<64x49x64xf32>
    %reduce_sum3A = arith.constant dense<0.000000e+00> : vector<64x49xf32>
    %reduce_sum3A_27 = vector.multi_reduction <add>, %mul3A_26, %reduce_sum3A [2] : vector<64x49x64xf32> to vector<64x49xf32>
    %get3A_28 = arith.constant 0 : index
    %get3A_29 = arith.constant 0 : index
    %get3A_30 = vector.load %arg11[%get3A_28, %get3A_29] : memref<64x64xf32, #tpu.memory_space<vmem>>, vector<64x64xf32>
    %dot_general3A_31 = arith.constant dense<0.000000e+00> : vector<64x64xf32>
    %dot_general3A_32 = tpu.matmul %reshape3A_7, %get3A_30, %dot_general3A_31 {dimension_numbers = #tpu.dot_dimension_numbers<[1], [0], [0], [1], [0, 0, 1, 1], [], []>, transpose_lhs_hint = false} : vector<64x64xf32>, vector<64x64xf32>, vector<64x64xf32> -> vector<64x64xf32>
    %get3A_33 = arith.constant 0 : index
    %get3A_34 = arith.constant 0 : index
    %get3A_35 = vector.load %arg12[%get3A_33, %get3A_34] : memref<1x64xf32, #tpu.memory_space<vmem>>, vector<1x64xf32>
    %get3A_36 = vector.shape_cast %get3A_35 : vector<1x64xf32> to vector<64xf32>
    %broadcast_in_dim3A_37 = vector.shape_cast %get3A_36 : vector<64xf32> to vector<1x64xf32>
    %add3A_38 = vector.broadcast %broadcast_in_dim3A_37 : vector<1x64xf32> to vector<64x64xf32>
    %add3A_39 = arith.addf %dot_general3A_32, %add3A_38 : vector<64x64xf32>
    %max3A_40 = arith.constant 0.000000e+00 : f32
    %max3A_41 = vector.broadcast %max3A_40 : f32 to vector<64x64xf32>
    %max3A_42 = arith.maximumf %add3A_39, %max3A_41 : vector<64x64xf32>
    %get3A_43 = arith.constant 0 : index
    %get3A_44 = arith.constant 0 : index
    %get3A_45 = vector.load %arg13[%get3A_43, %get3A_44] : memref<64x128xf32, #tpu.memory_space<vmem>>, vector<64x128xf32>
    %dot_general3A_46 = arith.constant dense<0.000000e+00> : vector<64x128xf32>
    %dot_general3A_47 = tpu.matmul %max3A_42, %get3A_45, %dot_general3A_46 {dimension_numbers = #tpu.dot_dimension_numbers<[1], [0], [0], [1], [0, 0, 1, 1], [], []>, transpose_lhs_hint = false} : vector<64x64xf32>, vector<64x128xf32>, vector<64x128xf32> -> vector<64x128xf32>
    %get3A_48 = arith.constant 0 : index
    %get3A_49 = arith.constant 0 : index
    %get3A_50 = vector.load %arg14[%get3A_48, %get3A_49] : memref<1x128xf32, #tpu.memory_space<vmem>>, vector<1x128xf32>
    %get3A_51 = vector.shape_cast %get3A_50 : vector<1x128xf32> to vector<128xf32>
    %broadcast_in_dim3A_52 = vector.shape_cast %get3A_51 : vector<128xf32> to vector<1x128xf32>
    %add3A_53 = vector.broadcast %broadcast_in_dim3A_52 : vector<1x128xf32> to vector<64x128xf32>
    %add3A_54 = arith.addf %dot_general3A_47, %add3A_53 : vector<64x128xf32>
    %reshape3A_55 = vector.shape_cast %reshape3A : vector<3136x128xf32> to vector<64x49x128xf32>
    %broadcast_in_dim3A_56 = vector.shape_cast %add3A_54 : vector<64x128xf32> to vector<64x1x128xf32>
    %mul3A_57 = vector.broadcast %broadcast_in_dim3A_56 : vector<64x1x128xf32> to vector<64x49x128xf32>
    %mul3A_58 = arith.mulf %reshape3A_55, %mul3A_57 : vector<64x49x128xf32>
    %reduce_sum3A_59 = arith.constant dense<0.000000e+00> : vector<64x49xf32>
    %reduce_sum3A_60 = vector.multi_reduction <add>, %mul3A_58, %reduce_sum3A_59 [2] : vector<64x49x128xf32> to vector<64x49xf32>
    %abs3A = math.absf %reshape3A_55 : vector<64x49x128xf32>
    %reduce_max3A = arith.constant dense<0xFF800000> : vector<64x49xf32>
    %reduce_max3A_61 = vector.multi_reduction <maximumf>, %abs3A, %reduce_max3A [2] : vector<64x49x128xf32> to vector<64x49xf32>
    %eq3A = arith.constant 0.000000e+00 : f32
    %eq3A_62 = vector.broadcast %eq3A : f32 to vector<64x49xf32>
    %eq3A_63 = arith.cmpf oeq, %reduce_max3A_61, %eq3A_62 : vector<64x49xf32>
    %iota3A = tpu.iota {dimensions = array<i32: 1>} : vector<64x49xi32>
    %jit3A = arith.constant 7 : i32
    %div3A = vector.broadcast %jit3A : i32 to vector<64x49xi32>
    %div3A_64 = arith.divsi %iota3A, %div3A : vector<64x49xi32>
    %sign3A = arith.constant 0 : i32
    %sign3A_65 = vector.broadcast %sign3A : i32 to vector<64x49xi32>
    %sign3A_66 = arith.cmpi sgt, %iota3A, %sign3A_65 : vector<64x49xi32>
    %sign3A_67 = arith.extui %sign3A_66 : vector<64x49xi1> to vector<64x49xi32>
    %sign3A_68 = arith.constant 0 : i32
    %sign3A_69 = vector.broadcast %sign3A_68 : i32 to vector<64x49xi32>
    %sign3A_70 = arith.cmpi slt, %iota3A, %sign3A_69 : vector<64x49xi32>
    %sign3A_71 = arith.extui %sign3A_70 : vector<64x49xi1> to vector<64x49xi32>
    %sign3A_72 = arith.subi %sign3A_67, %sign3A_71 : vector<64x49xi32>
    %sign3A_73 = arith.constant 0 : i32
    %sign3A_74 = arith.cmpi sgt, %jit3A, %sign3A_73 : i32
    %sign3A_75 = arith.extui %sign3A_74 : i1 to i32
    %sign3A_76 = arith.constant 0 : i32
    %sign3A_77 = arith.cmpi slt, %jit3A, %sign3A_76 : i32
    %sign3A_78 = arith.extui %sign3A_77 : i1 to i32
    %sign3A_79 = arith.subi %sign3A_75, %sign3A_78 : i32
    %ne3A = vector.broadcast %sign3A_79 : i32 to vector<64x49xi32>
    %ne3A_80 = arith.cmpi ne, %sign3A_72, %ne3A : vector<64x49xi32>
    %rem3A = vector.broadcast %jit3A : i32 to vector<64x49xi32>
    %rem3A_81 = arith.remsi %iota3A, %rem3A : vector<64x49xi32>
    %ne3A_82 = arith.constant 0 : i32
    %ne3A_83 = vector.broadcast %ne3A_82 : i32 to vector<64x49xi32>
    %ne3A_84 = arith.cmpi ne, %rem3A_81, %ne3A_83 : vector<64x49xi32>
    %and3A = arith.andi %ne3A_80, %ne3A_84 : vector<64x49xi1>
    %sub3A = arith.constant 1 : i32
    %sub3A_85 = vector.broadcast %sub3A : i32 to vector<64x49xi32>
    %sub3A_86 = arith.subi %div3A_64, %sub3A_85 : vector<64x49xi32>
    %select_n3A = arith.select %and3A, %sub3A_86, %div3A_64 : vector<64x49xi1>, vector<64x49xi32>
    %sub3A_87 = arith.constant 3 : i32
    %sub3A_88 = vector.broadcast %sub3A_87 : i32 to vector<64x49xi32>
    %sub3A_89 = arith.subi %select_n3A, %sub3A_88 : vector<64x49xi32>
    %jit3A_90 = arith.constant 7 : i32
    %eq3A_91 = arith.constant 0 : i32
    %eq3A_92 = arith.cmpi eq, %jit3A_90, %eq3A_91 : i32
    %jit3A_93 = arith.constant 1 : i32
    %select_n3A_94 = arith.select %eq3A_92, %jit3A_93, %jit3A_90 : i32
    %rem3A_95 = vector.broadcast %select_n3A_94 : i32 to vector<64x49xi32>
    %rem3A_96 = arith.remsi %iota3A, %rem3A_95 : vector<64x49xi32>
    %ne3A_97 = arith.constant 0 : i32
    %ne3A_98 = vector.broadcast %ne3A_97 : i32 to vector<64x49xi32>
    %ne3A_99 = arith.cmpi ne, %rem3A_96, %ne3A_98 : vector<64x49xi32>
    %lt3A = arith.constant 0 : i32
    %lt3A_100 = vector.broadcast %lt3A : i32 to vector<64x49xi32>
    %lt3A_101 = arith.cmpi slt, %rem3A_96, %lt3A_100 : vector<64x49xi32>
    %lt3A_102 = arith.constant 0 : i32
    %lt3A_103 = arith.cmpi slt, %select_n3A_94, %lt3A_102 : i32
    %ne3A_104 = vector.broadcast %lt3A_103 : i1 to vector<64x49xi1>
    %ne3A_105 = vector.broadcast %ne3A_104 : vector<64x49xi1> to vector<64x49xi1>
    %ne3A_106 = arith.xori %lt3A_101, %ne3A_105 : vector<64x49xi1>
    %and3A_107 = arith.andi %ne3A_106, %ne3A_99 : vector<64x49xi1>
    %add3A_108 = vector.broadcast %select_n3A_94 : i32 to vector<64x49xi32>
    %add3A_109 = arith.addi %rem3A_96, %add3A_108 : vector<64x49xi32>
    %select_n3A_110 = arith.select %and3A_107, %add3A_109, %rem3A_96 : vector<64x49xi1>, vector<64x49xi32>
    %sub3A_111 = arith.constant 3 : i32
    %sub3A_112 = vector.broadcast %sub3A_111 : i32 to vector<64x49xi32>
    %sub3A_113 = arith.subi %select_n3A_110, %sub3A_112 : vector<64x49xi32>
    %get3A_114 = arith.constant 0 : index
    %get3A_115 = arith.constant 0 : index
    %get3A_116 = arith.constant 0 : index
    %get3A_117 = vector.load %arg3[%get3A_114, %get3A_115, %get3A_116] : memref<4x16x1xi32, #tpu.memory_space<vmem>>, vector<4x16x1xi32>
    %reshape3A_118 = vector.shape_cast %get3A_117 : vector<4x16x1xi32> to vector<64x1xi32>
    %add3A_119 = vector.broadcast %reshape3A_118 : vector<64x1xi32> to vector<64x49xi32>
    %add3A_120 = arith.addi %add3A_119, %sub3A_89 : vector<64x49xi32>
    %get3A_121 = arith.constant 0 : index
    %get3A_122 = arith.constant 0 : index
    %get3A_123 = arith.constant 0 : index
    %get3A_124 = vector.load %arg4[%get3A_121, %get3A_122, %get3A_123] : memref<4x16x1xi32, #tpu.memory_space<vmem>>, vector<4x16x1xi32>
    %reshape3A_125 = vector.shape_cast %get3A_124 : vector<4x16x1xi32> to vector<64x1xi32>
    %add3A_126 = vector.broadcast %reshape3A_125 : vector<64x1xi32> to vector<64x49xi32>
    %add3A_127 = arith.addi %add3A_126, %sub3A_113 : vector<64x49xi32>
    %lt3A_128 = arith.constant 0 : i32
    %lt3A_129 = vector.broadcast %lt3A_128 : i32 to vector<64x49xi32>
    %lt3A_130 = arith.cmpi slt, %add3A_120, %lt3A_129 : vector<64x49xi32>
    %ge3A = arith.constant 512 : i32
    %ge3A_131 = vector.broadcast %ge3A : i32 to vector<64x49xi32>
    %ge3A_132 = arith.cmpi sge, %add3A_120, %ge3A_131 : vector<64x49xi32>
    %or3A = arith.ori %lt3A_130, %ge3A_132 : vector<64x49xi1>
    %lt3A_133 = arith.constant 0 : i32
    %lt3A_134 = vector.broadcast %lt3A_133 : i32 to vector<64x49xi32>
    %lt3A_135 = arith.cmpi slt, %add3A_127, %lt3A_134 : vector<64x49xi32>
    %or3A_136 = arith.ori %or3A, %lt3A_135 : vector<64x49xi1>
    %ge3A_137 = arith.constant 512 : i32
    %ge3A_138 = vector.broadcast %ge3A_137 : i32 to vector<64x49xi32>
    %ge3A_139 = arith.cmpi sge, %add3A_127, %ge3A_138 : vector<64x49xi32>
    %or3A_140 = arith.ori %or3A_136, %ge3A_139 : vector<64x49xi1>
    %or3A_141 = arith.ori %or3A_140, %eq3A_63 : vector<64x49xi1>
    %jit3A_142 = arith.constant -1.000000e+06 : f32
    %jit3A_143 = arith.constant 0.000000e+00 : f32
    %broadcast_in_dim3A_144 = vector.broadcast %jit3A_142 : f32 to vector<64x49xf32>
    %broadcast_in_dim3A_145 = vector.broadcast %jit3A_143 : f32 to vector<64x49xf32>
    %select_n3A_146 = arith.select %or3A_141, %broadcast_in_dim3A_144, %broadcast_in_dim3A_145 : vector<64x49xi1>, vector<64x49xf32>
    %get3A_147 = arith.constant 0 : index
    %get3A_148 = arith.constant 0 : index
    %get3A_149 = vector.load %arg10[%get3A_147, %get3A_148] : memref<1x64xf32, #tpu.memory_space<vmem>>, vector<1x64xf32>
    %get3A_150 = vector.shape_cast %get3A_149 : vector<1x64xf32> to vector<64xf32>
    %broadcast_in_dim3A_151 = vector.shape_cast %get3A_150 : vector<64xf32> to vector<1x64xf32>
    %mul3A_152 = vector.broadcast %broadcast_in_dim3A_151 : vector<1x64xf32> to vector<64x64xf32>
    %mul3A_153 = arith.mulf %reshape3A_7, %mul3A_152 : vector<64x64xf32>
    %reduce_sum3A_154 = arith.constant dense<0.000000e+00> : vector<64xf32>
    %reduce_sum3A_155 = vector.multi_reduction <add>, %mul3A_153, %reduce_sum3A_154 [1] : vector<64x64xf32> to vector<64xf32>
    %broadcast_in_dim3A_156 = vector.shape_cast %reduce_sum3A_155 : vector<64xf32> to vector<64x1xf32>
    %add3A_157 = vector.broadcast %broadcast_in_dim3A_156 : vector<64x1xf32> to vector<64x49xf32>
    %add3A_158 = arith.addf %reduce_sum3A_27, %add3A_157 : vector<64x49xf32>
    %add3A_159 = arith.addf %add3A_158, %select_n3A_146 : vector<64x49xf32>
    %reshape3A_160 = vector.shape_cast %add3A_159 : vector<64x49xf32> to vector<4x16x49xf32>
    %swap3A = arith.constant 0 : index
    %swap3A_161 = arith.constant 0 : index
    %swap3A_162 = arith.constant 0 : index
    %swap3A_163 = vector.load %arg19[%swap3A, %swap3A_161, %swap3A_162] : memref<4x16x49xf32, #tpu.memory_space<vmem>>, vector<4x16x49xf32>
    tpu.vector_store %arg19[%swap3A, %swap3A_161, %swap3A_162], %reshape3A_160 {strides = array<i32>} : memref<4x16x49xf32, #tpu.memory_space<vmem>>, vector<4x16x49xf32>,
    %add3A_164 = arith.addf %reduce_sum3A_60, %select_n3A_146 : vector<64x49xf32>
    %reshape3A_165 = vector.shape_cast %add3A_164 : vector<64x49xf32> to vector<4x16x49xf32>
    %swap3A_166 = arith.constant 0 : index
    %swap3A_167 = arith.constant 0 : index
    %swap3A_168 = arith.constant 0 : index
    %swap3A_169 = vector.load %arg20[%swap3A_166, %swap3A_167, %swap3A_168] : memref<4x16x49xf32, #tpu.memory_space<vmem>>, vector<4x16x49xf32>
    tpu.vector_store %arg20[%swap3A_166, %swap3A_167, %swap3A_168], %reshape3A_165 {strides = array<i32>} : memref<4x16x49xf32, #tpu.memory_space<vmem>>, vector<4x16x49xf32>,
    %jit3A_170 = arith.constant 0 : i32
    %jit3A_171 = arith.constant 511 : i32
    %max3A_172 = vector.broadcast %jit3A_170 : i32 to vector<64x49xi32>
    %max3A_173 = arith.maxsi %max3A_172, %add3A_120 : vector<64x49xi32>
    %min3A = vector.broadcast %jit3A_171 : i32 to vector<64x49xi32>
    %min3A_174 = arith.minsi %min3A, %max3A_173 : vector<64x49xi32>
    %reshape3A_175 = vector.shape_cast %min3A_174 : vector<64x49xi32> to vector<4x16x49xi32>
    %swap3A_176 = arith.constant 0 : index
    %swap3A_177 = arith.constant 0 : index
    %swap3A_178 = arith.constant 0 : index
    %swap3A_179 = vector.load %arg21[%swap3A_176, %swap3A_177, %swap3A_178] : memref<4x16x49xi32, #tpu.memory_space<vmem>>, vector<4x16x49xi32>
    tpu.vector_store %arg21[%swap3A_176, %swap3A_177, %swap3A_178], %reshape3A_175 {strides = array<i32>} : memref<4x16x49xi32, #tpu.memory_space<vmem>>, vector<4x16x49xi32>,
    %jit3A_180 = arith.constant 0 : i32
    %jit3A_181 = arith.constant 511 : i32
    %max3A_182 = vector.broadcast %jit3A_180 : i32 to vector<64x49xi32>
    %max3A_183 = arith.maxsi %max3A_182, %add3A_127 : vector<64x49xi32>
    %min3A_184 = vector.broadcast %jit3A_181 : i32 to vector<64x49xi32>
    %min3A_185 = arith.minsi %min3A_184, %max3A_183 : vector<64x49xi32>
    %reshape3A_186 = vector.shape_cast %min3A_185 : vector<64x49xi32> to vector<4x16x49xi32>
    %swap3A_187 = arith.constant 0 : index
    %swap3A_188 = arith.constant 0 : index
    %swap3A_189 = arith.constant 0 : index
    %swap3A_190 = vector.load %arg22[%swap3A_187, %swap3A_188, %swap3A_189] : memref<4x16x49xi32, #tpu.memory_space<vmem>>, vector<4x16x49xi32>
    tpu.vector_store %arg22[%swap3A_187, %swap3A_188, %swap3A_189], %reshape3A_186 {strides = array<i32>} : memref<4x16x49xi32, #tpu.memory_space<vmem>>, vector<4x16x49xi32>,
    %get3A_191 = arith.constant 0 : index
    %get3A_192 = arith.constant 0 : index
    %get3A_193 = vector.load %arg15[%get3A_191, %get3A_192] : memref<64x64xf32, #tpu.memory_space<vmem>>, vector<64x64xf32>
    %dot_general3A_194 = arith.constant dense<0.000000e+00> : vector<64x64xf32>
    %dot_general3A_195 = tpu.matmul %reshape3A_7, %get3A_193, %dot_general3A_194 {dimension_numbers = #tpu.dot_dimension_numbers<[1], [0], [0], [1], [0, 0, 1, 1], [], []>, precision = #tpu.contract_precision<fp32>, transpose_lhs_hint = false} : vector<64x64xf32>, vector<64x64xf32>, vector<64x64xf32> -> vector<64x64xf32>
    %get3A_196 = arith.constant 0 : index
    %get3A_197 = arith.constant 0 : index
    %get3A_198 = vector.load %arg16[%get3A_196, %get3A_197] : memref<1x64xf32, #tpu.memory_space<vmem>>, vector<1x64xf32>
    %get3A_199 = vector.shape_cast %get3A_198 : vector<1x64xf32> to vector<64xf32>
    %broadcast_in_dim3A_200 = vector.shape_cast %get3A_199 : vector<64xf32> to vector<1x64xf32>
    %add3A_201 = vector.broadcast %broadcast_in_dim3A_200 : vector<1x64xf32> to vector<64x64xf32>
    %add3A_202 = arith.addf %dot_general3A_195, %add3A_201 : vector<64x64xf32>
    %max3A_203 = arith.constant 0.000000e+00 : f32
    %max3A_204 = vector.broadcast %max3A_203 : f32 to vector<64x64xf32>
    %max3A_205 = arith.maximumf %add3A_202, %max3A_204 : vector<64x64xf32>
    %get3A_206 = arith.constant 0 : index
    %get3A_207 = arith.constant 0 : index
    %get3A_208 = vector.load %arg17[%get3A_206, %get3A_207] : memref<3x64xf32, #tpu.memory_space<vmem>>, vector<1x64xf32>
    %get3A_209 = vector.shape_cast %get3A_208 : vector<1x64xf32> to vector<64xf32>
    %broadcast_in_dim3A_210 = vector.shape_cast %get3A_209 : vector<64xf32> to vector<1x64xf32>
    %mul3A_211 = vector.broadcast %broadcast_in_dim3A_210 : vector<1x64xf32> to vector<64x64xf32>
    %mul3A_212 = arith.mulf %max3A_205, %mul3A_211 : vector<64x64xf32>
    %reduce_sum3A_213 = arith.constant dense<0.000000e+00> : vector<64xf32>
    %reduce_sum3A_214 = vector.multi_reduction <add>, %mul3A_212, %reduce_sum3A_213 [1] : vector<64x64xf32> to vector<64xf32>
    %broadcast_in_dim3A_215 = vector.shape_cast %reduce_sum3A_214 : vector<64xf32> to vector<64x1xf32>
    %get3A_216 = arith.constant 0 : index
    %get3A_217 = arith.constant 0 : index
    %get3A_218 = vector.load %arg18[%get3A_216, %get3A_217] : memref<1x3xf32, #tpu.memory_space<vmem>>, vector<1x1xf32>
    %get3A_219 = vector.extract %get3A_218[0, 0] : f32 from vector<1x1xf32>
    %add3A_220 = vector.broadcast %get3A_219 : f32 to vector<64x1xf32>
    %add3A_221 = arith.addf %broadcast_in_dim3A_215, %add3A_220 : vector<64x1xf32>
    %get3A_222 = arith.constant 1 : index
    %get3A_223 = arith.constant 0 : index
    %get3A_224 = vector.load %arg17[%get3A_222, %get3A_223] : memref<3x64xf32, #tpu.memory_space<vmem>>, vector<1x64xf32>
    %get3A_225 = vector.shape_cast %get3A_224 : vector<1x64xf32> to vector<64xf32>
    %broadcast_in_dim3A_226 = vector.shape_cast %get3A_225 : vector<64xf32> to vector<1x64xf32>
    %mul3A_227 = vector.broadcast %broadcast_in_dim3A_226 : vector<1x64xf32> to vector<64x64xf32>
    %mul3A_228 = arith.mulf %max3A_205, %mul3A_227 : vector<64x64xf32>
    %reduce_sum3A_229 = arith.constant dense<0.000000e+00> : vector<64xf32>
    %reduce_sum3A_230 = vector.multi_reduction <add>, %mul3A_228, %reduce_sum3A_229 [1] : vector<64x64xf32> to vector<64xf32>
    %broadcast_in_dim3A_231 = vector.shape_cast %reduce_sum3A_230 : vector<64xf32> to vector<64x1xf32>
    %get3A_232 = arith.constant 0 : index
    %get3A_233 = arith.constant 1 : index
    %get3A_234 = vector.load %arg18[%get3A_232, %get3A_233] : memref<1x3xf32, #tpu.memory_space<vmem>>, vector<1x1xf32>
    %get3A_235 = vector.extract %get3A_234[0, 0] : f32 from vector<1x1xf32>
    %add3A_236 = vector.broadcast %get3A_235 : f32 to vector<64x1xf32>
    %add3A_237 = arith.addf %broadcast_in_dim3A_231, %add3A_236 : vector<64x1xf32>
    %get3A_238 = arith.constant 2 : index
    %get3A_239 = arith.constant 0 : index
    %get3A_240 = vector.load %arg17[%get3A_238, %get3A_239] : memref<3x64xf32, #tpu.memory_space<vmem>>, vector<1x64xf32>
    %get3A_241 = vector.shape_cast %get3A_240 : vector<1x64xf32> to vector<64xf32>
    %broadcast_in_dim3A_242 = vector.shape_cast %get3A_241 : vector<64xf32> to vector<1x64xf32>
    %mul3A_243 = vector.broadcast %broadcast_in_dim3A_242 : vector<1x64xf32> to vector<64x64xf32>
    %mul3A_244 = arith.mulf %max3A_205, %mul3A_243 : vector<64x64xf32>
    %reduce_sum3A_245 = arith.constant dense<0.000000e+00> : vector<64xf32>
    %reduce_sum3A_246 = vector.multi_reduction <add>, %mul3A_244, %reduce_sum3A_245 [1] : vector<64x64xf32> to vector<64xf32>
    %broadcast_in_dim3A_247 = vector.shape_cast %reduce_sum3A_246 : vector<64xf32> to vector<64x1xf32>
    %get3A_248 = arith.constant 0 : index
    %get3A_249 = arith.constant 2 : index
    %get3A_250 = vector.load %arg18[%get3A_248, %get3A_249] : memref<1x3xf32, #tpu.memory_space<vmem>>, vector<1x1xf32>
    %get3A_251 = vector.extract %get3A_250[0, 0] : f32 from vector<1x1xf32>
    %add3A_252 = vector.broadcast %get3A_251 : f32 to vector<64x1xf32>
    %add3A_253 = arith.addf %broadcast_in_dim3A_247, %add3A_252 : vector<64x1xf32>
    %min3A_254 = arith.constant 11.5129251 : f32
    %min3A_255 = vector.broadcast %min3A_254 : f32 to vector<64x1xf32>
    %min3A_256 = arith.minimumf %add3A_221, %min3A_255 : vector<64x1xf32>
    %exp3A = math.exp %min3A_256 : vector<64x1xf32>
    %add3A_257 = arith.constant 9.99999997E-7 : f32
    %add3A_258 = vector.broadcast %add3A_257 : f32 to vector<64x1xf32>
    %add3A_259 = arith.addf %exp3A, %add3A_258 : vector<64x1xf32>
    %reshape3A_260 = vector.shape_cast %add3A_259 : vector<64x1xf32> to vector<4x16x1xf32>
    %swap3A_261 = arith.constant 0 : index
    %swap3A_262 = arith.constant 0 : index
    %swap3A_263 = arith.constant 0 : index
    %swap3A_264 = vector.load %arg23[%swap3A_261, %swap3A_262, %swap3A_263] : memref<4x16x1xf32, #tpu.memory_space<vmem>>, vector<4x16x1xf32>
    tpu.vector_store %arg23[%swap3A_261, %swap3A_262, %swap3A_263], %reshape3A_260 {strides = array<i32>} : memref<4x16x1xf32, #tpu.memory_space<vmem>>, vector<4x16x1xf32>,
    %min3A_265 = arith.constant 11.5129251 : f32
    %min3A_266 = vector.broadcast %min3A_265 : f32 to vector<64x1xf32>
    %min3A_267 = arith.minimumf %add3A_237, %min3A_266 : vector<64x1xf32>
    %exp3A_268 = math.exp %min3A_267 : vector<64x1xf32>
    %add3A_269 = arith.constant 9.99999997E-7 : f32
    %add3A_270 = vector.broadcast %add3A_269 : f32 to vector<64x1xf32>
    %add3A_271 = arith.addf %exp3A_268, %add3A_270 : vector<64x1xf32>
    %reshape3A_272 = vector.shape_cast %add3A_271 : vector<64x1xf32> to vector<4x16x1xf32>
    %swap3A_273 = arith.constant 0 : index
    %swap3A_274 = arith.constant 0 : index
    %swap3A_275 = arith.constant 0 : index
    %swap3A_276 = vector.load %arg24[%swap3A_273, %swap3A_274, %swap3A_275] : memref<4x16x1xf32, #tpu.memory_space<vmem>>, vector<4x16x1xf32>
    tpu.vector_store %arg24[%swap3A_273, %swap3A_274, %swap3A_275], %reshape3A_272 {strides = array<i32>} : memref<4x16x1xf32, #tpu.memory_space<vmem>>, vector<4x16x1xf32>,
    %reshape3A_277 = vector.shape_cast %add3A_253 : vector<64x1xf32> to vector<4x16x1xf32>
    %swap3A_278 = arith.constant 0 : index
    %swap3A_279 = arith.constant 0 : index
    %swap3A_280 = arith.constant 0 : index
    %swap3A_281 = vector.load %arg25[%swap3A_278, %swap3A_279, %swap3A_280] : memref<4x16x1xf32, #tpu.memory_space<vmem>>, vector<4x16x1xf32>
    tpu.vector_store %arg25[%swap3A_278, %swap3A_279, %swap3A_280], %reshape3A_277 {strides = array<i32>} : memref<4x16x1xf32, #tpu.memory_space<vmem>>, vector<4x16x1xf32>,
    %get3A_282 = arith.constant 0 : index
    %get3A_283 = arith.constant 0 : index
    %get3A_284 = vector.load %arg6[%get3A_282, %get3A_283] : memref<64x128xi32, #tpu.memory_space<vmem>>, vector<64x128xi32>
    %eq3A_285 = arith.constant 0 : i32
    %eq3A_286 = vector.broadcast %eq3A_285 : i32 to vector<64x128xi32>
    %eq3A_287 = arith.cmpi eq, %get3A_284, %eq3A_286 : vector<64x128xi32>
    %jit3A_288 = arith.constant 1 : i32
    %jit3A_289 = arith.constant 0 : i32
    %broadcast_in_dim3A_290 = vector.broadcast %jit3A_288 : i32 to vector<64x128xi32>
    %broadcast_in_dim3A_291 = vector.broadcast %jit3A_289 : i32 to vector<64x128xi32>
    %select_n3A_292 = arith.select %eq3A_287, %broadcast_in_dim3A_290, %broadcast_in_dim3A_291 : vector<64x128xi1>, vector<64x128xi32>
    %reduce_sum3A_293 = vector.shape_cast %select_n3A_292 : vector<64x128xi32> to vector<1x64x128xi32>
    %reduce_sum3A_294 = arith.constant dense<0> : vector<1xi32>
    %reduce_sum3A_295 = vector.multi_reduction <add>, %reduce_sum3A_293, %reduce_sum3A_294 [1, 2] : vector<1x64x128xi32> to vector<1xi32>
    %reduce_sum3A_296 = vector.shape_cast %reduce_sum3A_295 : vector<1xi32> to vector<1x1x1xi32>
    %reduce_sum3A_297 = vector.extract %reduce_sum3A_296[0, 0, 0] : i32 from vector<1x1x1xi32>
    %add3A_298 = arith.constant 64 : i32
    %add3A_299 = arith.addi %add3A_298, %arg0 : i32
    %mul3A_300 = arith.constant 64 : i32
    %mul3A_301 = arith.muli %add3A_299, %mul3A_300 : i32
    %iota3A_302 = tpu.iota {dimensions = array<i32: 0>} : vector<64x1xi32>
    %add3A_303 = vector.broadcast %mul3A_301 : i32 to vector<64x1xi32>
    %add3A_304 = arith.addi %add3A_303, %iota3A_302 : vector<64x1xi32>
    %get3A_305 = arith.constant 0 : index
    %get3A_306 = arith.constant 0 : index
    %get3A_307 = arith.constant 0 : index
    %get3A_308 = vector.load %arg5[%get3A_305, %get3A_306, %get3A_307] : memref<4x16x1xi32, #tpu.memory_space<vmem>>, vector<4x16x1xi32>
    %reshape3A_309 = vector.shape_cast %get3A_308 : vector<4x16x1xi32> to vector<64x1xi32>
    %eq3A_310 = arith.constant 0 : i32
    %eq3A_311 = vector.broadcast %eq3A_310 : i32 to vector<64x1xi32>
    %eq3A_312 = arith.cmpi eq, %reshape3A_309, %eq3A_311 : vector<64x1xi32>
    %jit3A_313 = arith.constant 0 : i32
    %broadcast_in_dim3A_314 = vector.broadcast %jit3A_313 : i32 to vector<64x1xi32>
    %broadcast_in_dim3A_315 = vector.broadcast %reduce_sum3A_297 : i32 to vector<64x1xi32>
    %select_n3A_316 = arith.select %eq3A_312, %broadcast_in_dim3A_314, %broadcast_in_dim3A_315 : vector<64x1xi1>, vector<64x1xi32>
    %sub3A_317 = arith.subi %add3A_304, %select_n3A_316 : vector<64x1xi32>
    %reshape3A_318 = vector.shape_cast %sub3A_317 : vector<64x1xi32> to vector<4x16x1xi32>
    %swap3A_319 = arith.constant 0 : index
    %swap3A_320 = arith.constant 0 : index
    %swap3A_321 = arith.constant 0 : index
    %swap3A_322 = vector.load %arg26[%swap3A_319, %swap3A_320, %swap3A_321] : memref<4x16x1xi32, #tpu.memory_space<vmem>>, vector<4x16x1xi32>
    tpu.vector_store %arg26[%swap3A_319, %swap3A_320, %swap3A_321], %reshape3A_318 {strides = array<i32>} : memref<4x16x1xi32, #tpu.memory_space<vmem>>, vector<4x16x1xi32>,
    return
  }
  func.func @transform_0(%arg0: i32) -> (i32, i32, i32) {
    %c0_i32 = arith.constant 0 : i32
    %c0_i32_0 = arith.constant 0 : i32
    %c0_i32_1 = arith.constant 0 : i32
    return %arg0, %c0_i32, %c0_i32_0 : i32, i32, i32
  }
  func.func @transform_1(%arg0: i32) -> (i32, i32, i32) {
    %c0_i32 = arith.constant 0 : i32
    %c0_i32_0 = arith.constant 0 : i32
    %c0_i32_1 = arith.constant 0 : i32
    return %arg0, %c0_i32, %c0_i32_0 : i32, i32, i32
  }
  func.func @transform_2(%arg0: i32) -> (i32, i32, i32) {
    %c0_i32 = arith.constant 0 : i32
    %c0_i32_0 = arith.constant 0 : i32
    %c0_i32_1 = arith.constant 0 : i32
    return %arg0, %c0_i32, %c0_i32_0 : i32, i32, i32
  }
  func.func @transform_3(%arg0: i32) -> (i32, i32, i32) {
    %c0_i32 = arith.constant 0 : i32
    %c0_i32_0 = arith.constant 0 : i32
    %c0_i32_1 = arith.constant 0 : i32
    return %arg0, %c0_i32, %c0_i32_0 : i32, i32, i32
  }
  func.func @transform_4(%arg0: i32) -> (i32, i32, i32) {
    %c0_i32 = arith.constant 0 : i32
    %c0_i32_0 = arith.constant 0 : i32
    %c0_i32_1 = arith.constant 0 : i32
    return %arg0, %c0_i32, %c0_i32_0 : i32, i32, i32
  }
  func.func @transform_5(%arg0: i32) -> (i32, i32) {
    %c0_i32 = arith.constant 0 : i32
    %c0_i32_0 = arith.constant 0 : i32
    %c0_i32_1 = arith.constant 0 : i32
    return %c0_i32, %c0_i32_0 : i32, i32
  }
  func.func @transform_6(%arg0: i32) -> (i32, i32) {
    %c0_i32 = arith.constant 0 : i32
    %c0_i32_0 = arith.constant 0 : i32
    %c0_i32_1 = arith.constant 0 : i32
    return %c0_i32, %c0_i32_0 : i32, i32
  }
  func.func @transform_7(%arg0: i32) -> (i32, i32) {
    %c0_i32 = arith.constant 0 : i32
    %c0_i32_0 = arith.constant 0 : i32
    %c0_i32_1 = arith.constant 0 : i32
    return %c0_i32, %c0_i32_0 : i32, i32
  }
  func.func @transform_8(%arg0: i32) -> (i32, i32) {
    %c0_i32 = arith.constant 0 : i32
    %c0_i32_0 = arith.constant 0 : i32
    %c0_i32_1 = arith.constant 0 : i32
    return %c0_i32, %c0_i32_0 : i32, i32
  }
  func.func @transform_9(%arg0: i32) -> (i32, i32) {
    %c0_i32 = arith.constant 0 : i32
    %c0_i32_0 = arith.constant 0 : i32
    %c0_i32_1 = arith.constant 0 : i32
    return %c0_i32, %c0_i32_0 : i32, i32
  }
  func.func @transform_10(%arg0: i32) -> (i32, i32) {
    %c0_i32 = arith.constant 0 : i32
    %c0_i32_0 = arith.constant 0 : i32
    %c0_i32_1 = arith.constant 0 : i32
    return %c0_i32, %c0_i32_0 : i32, i32
  }
  func.func @transform_11(%arg0: i32) -> (i32, i32) {
    %c0_i32 = arith.constant 0 : i32
    %c0_i32_0 = arith.constant 0 : i32
    %c0_i32_1 = arith.constant 0 : i32
    return %c0_i32, %c0_i32_0 : i32, i32
  }
  func.func @transform_12(%arg0: i32) -> (i32, i32) {
    %c0_i32 = arith.constant 0 : i32
    %c0_i32_0 = arith.constant 0 : i32
    %c0_i32_1 = arith.constant 0 : i32
    return %c0_i32, %c0_i32_0 : i32, i32
  }
  func.func @transform_13(%arg0: i32) -> (i32, i32) {
    %c0_i32 = arith.constant 0 : i32
    %c0_i32_0 = arith.constant 0 : i32
    %c0_i32_1 = arith.constant 0 : i32
    return %c0_i32, %c0_i32_0 : i32, i32
  }
  func.func @transform_14(%arg0: i32) -> (i32, i32) {
    %c0_i32 = arith.constant 0 : i32
    %c0_i32_0 = arith.constant 0 : i32
    %c0_i32_1 = arith.constant 0 : i32
    return %c0_i32, %c0_i32_0 : i32, i32
  }
  func.func @transform_15(%arg0: i32) -> (i32, i32) {
    %c0_i32 = arith.constant 0 : i32
    %c0_i32_0 = arith.constant 0 : i32
    %c0_i32_1 = arith.constant 0 : i32
    return %c0_i32, %c0_i32_0 : i32, i32
  }
  func.func @transform_16(%arg0: i32) -> (i32, i32) {
    %c0_i32 = arith.constant 0 : i32
    %c0_i32_0 = arith.constant 0 : i32
    %c0_i32_1 = arith.constant 0 : i32
    return %c0_i32, %c0_i32_0 : i32, i32
  }
  func.func @transform_17(%arg0: i32) -> (i32, i32) {
    %c0_i32 = arith.constant 0 : i32
    %c0_i32_0 = arith.constant 0 : i32
    %c0_i32_1 = arith.constant 0 : i32
    return %c0_i32, %c0_i32_0 : i32, i32
  }
  func.func @transform_18(%arg0: i32) -> (i32, i32, i32) {
    %c0_i32 = arith.constant 0 : i32
    %c0_i32_0 = arith.constant 0 : i32
    %c0_i32_1 = arith.constant 0 : i32
    return %arg0, %c0_i32, %c0_i32_0 : i32, i32, i32
  }
  func.func @transform_19(%arg0: i32) -> (i32, i32, i32) {
    %c0_i32 = arith.constant 0 : i32
    %c0_i32_0 = arith.constant 0 : i32
    %c0_i32_1 = arith.constant 0 : i32
    return %arg0, %c0_i32, %c0_i32_0 : i32, i32, i32
  }
  func.func @transform_20(%arg0: i32) -> (i32, i32, i32) {
    %c0_i32 = arith.constant 0 : i32
    %c0_i32_0 = arith.constant 0 : i32
    %c0_i32_1 = arith.constant 0 : i32
    return %arg0, %c0_i32, %c0_i32_0 : i32, i32, i32
  }
  func.func @transform_21(%arg0: i32) -> (i32, i32, i32) {
    %c0_i32 = arith.constant 0 : i32
    %c0_i32_0 = arith.constant 0 : i32
    %c0_i32_1 = arith.constant 0 : i32
    return %arg0, %c0_i32, %c0_i32_0 : i32, i32, i32
  }
  func.func @transform_22(%arg0: i32) -> (i32, i32, i32) {
    %c0_i32 = arith.constant 0 : i32
    %c0_i32_0 = arith.constant 0 : i32
    %c0_i32_1 = arith.constant 0 : i32
    return %arg0, %c0_i32, %c0_i32_0 : i32, i32, i32
  }
  func.func @transform_23(%arg0: i32) -> (i32, i32, i32) {
    %c0_i32 = arith.constant 0 : i32
    %c0_i32_0 = arith.constant 0 : i32
    %c0_i32_1 = arith.constant 0 : i32
    return %arg0, %c0_i32, %c0_i32_0 : i32, i32, i32
  }
  func.func @transform_24(%arg0: i32) -> (i32, i32, i32) {
    %c0_i32 = arith.constant 0 : i32
    %c0_i32_0 = arith.constant 0 : i32
    %c0_i32_1 = arith.constant 0 : i32
    return %arg0, %c0_i32, %c0_i32_0 : i32, i32, i32
  }
  func.func @transform_25(%arg0: i32) -> (i32, i32, i32) {
    %c0_i32 = arith.constant 0 : i32
    %c0_i32_0 = arith.constant 0 : i32
    %c0_i32_1 = arith.constant 0 : i32
    return %arg0, %c0_i32, %c0_i32_0 : i32, i32, i32
  }
}

module attributes {stable_mosaic.version = 14 : i64} {
  func.func @_tc_body(%arg0: i32, %arg1: memref<4x784x128xf32, #tpu.memory_space<vmem>>, %arg2: memref<4x16x64xf32, #tpu.memory_space<vmem>>, %arg3: memref<4x16x1xi32, #tpu.memory_space<vmem>>, %arg4: memref<4x16x1xi32, #tpu.memory_space<vmem>>, %arg5: memref<4x16x1xi32, #tpu.memory_space<vmem>>, %arg6: memref<64x128xi32, #tpu.memory_space<vmem>>, %arg7: memref<128x64xf32, #tpu.memory_space<vmem>>, %arg8: memref<1x64xf32, #tpu.memory_space<vmem>>, %arg9: memref<64x64xf32, #tpu.memory_space<vmem>>, %arg10: memref<1x64xf32, #tpu.memory_space<vmem>>, %arg11: memref<64x64xf32, #tpu.memory_space<vmem>>, %arg12: memref<1x64xf32, #tpu.memory_space<vmem>>, %arg13: memref<64x128xf32, #tpu.memory_space<vmem>>, %arg14: memref<1x128xf32, #tpu.memory_space<vmem>>, %arg15: memref<64x64xf32, #tpu.memory_space<vmem>>, %arg16: memref<1x64xf32, #tpu.memory_space<vmem>>, %arg17: memref<3x64xf32, #tpu.memory_space<vmem>>, %arg18: memref<1x3xf32, #tpu.memory_space<vmem>>, %arg19: memref<4x16x49xf32, #tpu.memory_space<vmem>>, %arg20: memref<4x16x49xf32, #tpu.memory_space<vmem>>, %arg21: memref<4x16x49xi32, #tpu.memory_space<vmem>>, %arg22: memref<4x16x49xi32, #tpu.memory_space<vmem>>, %arg23: memref<4x16x1xf32, #tpu.memory_space<vmem>>, %arg24: memref<4x16x1xf32, #tpu.memory_space<vmem>>, %arg25: memref<4x16x1xf32, #tpu.memory_space<vmem>>, %arg26: memref<4x16x1xi32, #tpu.memory_space<vmem>>) attributes {dimension_semantics = [#tpu.dimension_semantics<arbitrary>], iteration_bounds = array<i64: 64>, scalar_prefetch = 0 : i64, scratch_operands = 0 : i64, tpu.core_type = #tpu.core_type<tc>, window_params = [{transform_indices = @transform_0, window_bounds = array<i64: 4, 784, 128>}, {transform_indices = @transform_1, window_bounds = array<i64: 4, 16, 64>}, {transform_indices = @transform_2, window_bounds = array<i64: 4, 16, 1>}, {transform_indices = @transform_3, window_bounds = array<i64: 4, 16, 1>}, {transform_indices = @transform_4, window_bounds = array<i64: 4, 16, 1>}, {pipeline_mode = #tpu.pipeline_mode<synchronous>, transform_indices = @transform_5, window_bounds = array<i64: 64, 128>}, {pipeline_mode = #tpu.pipeline_mode<synchronous>, transform_indices = @transform_6, window_bounds = array<i64: 128, 64>}, {pipeline_mode = #tpu.pipeline_mode<synchronous>, transform_indices = @transform_7, window_bounds = array<i64: 1, 64>}, {pipeline_mode = #tpu.pipeline_mode<synchronous>, transform_indices = @transform_8, window_bounds = array<i64: 64, 64>}, {pipeline_mode = #tpu.pipeline_mode<synchronous>, transform_indices = @transform_9, window_bounds = array<i64: 1, 64>}, {pipeline_mode = #tpu.pipeline_mode<synchronous>, transform_indices = @transform_10, window_bounds = array<i64: 64, 64>}, {pipeline_mode = #tpu.pipeline_mode<synchronous>, transform_indices = @transform_11, window_bounds = array<i64: 1, 64>}, {pipeline_mode = #tpu.pipeline_mode<synchronous>, transform_indices = @transform_12, window_bounds = array<i64: 64, 128>}, {pipeline_mode = #tpu.pipeline_mode<synchronous>, transform_indices = @transform_13, window_bounds = array<i64: 1, 128>}, {pipeline_mode = #tpu.pipeline_mode<synchronous>, transform_indices = @transform_14, window_bounds = array<i64: 64, 64>}, {pipeline_mode = #tpu.pipeline_mode<synchronous>, transform_indices = @transform_15, window_bounds = array<i64: 1, 64>}, {pipeline_mode = #tpu.pipeline_mode<synchronous>, transform_indices = @transform_16, window_bounds = array<i64: 3, 64>}, {pipeline_mode = #tpu.pipeline_mode<synchronous>, transform_indices = @transform_17, window_bounds = array<i64: 1, 3>}, {transform_indices = @transform_18, window_bounds = array<i64: 4, 16, 49>}, {transform_indices = @transform_19, window_bounds = array<i64: 4, 16, 49>}, {transform_indices = @transform_20, window_bounds = array<i64: 4, 16, 49>}, {transform_indices = @transform_21, window_bounds = array<i64: 4, 16, 49>}, {transform_indices = @transform_22, window_bounds = array<i64: 4, 16, 1>}, {transform_indices = @transform_23, window_bounds = array<i64: 4, 16, 1>}, {transform_indices = @transform_24, window_bounds = array<i64: 4, 16, 1>}, {transform_indices = @transform_25, window_bounds = array<i64: 4, 16, 1>}]} {
    %get3A = arith.constant 0 : index
    %get3A_0 = arith.constant 0 : index
    %get3A_1 = arith.constant 0 : index
    %get3A_2 = vector.load %arg1[%get3A, %get3A_0, %get3A_1] : memref<4x784x128xf32, #tpu.memory_space<vmem>>, vector<4x784x128xf32>
    %reshape3A = vector.shape_cast %get3A_2 : vector<4x784x128xf32> to vector<3136x128xf32>
    %get3A_3 = arith.constant 0 : index
    %get3A_4 = arith.constant 0 : index
    %get3A_5 = arith.constant 0 : index
    %get3A_6 = vector.load %arg2[%get3A_3, %get3A_4, %get3A_5] : memref<4x16x64xf32, #tpu.memory_space<vmem>>, vector<4x16x64xf32>
    %reshape3A_7 = vector.shape_cast %get3A_6 : vector<4x16x64xf32> to vector<64x64xf32>
    %get3A_8 = arith.constant 0 : index
    %get3A_9 = arith.constant 0 : index
    %get3A_10 = vector.load %arg7[%get3A_8, %get3A_9] : memref<128x64xf32, #tpu.memory_space<vmem>>, vector<128x64xf32>
    %dot_general3A = arith.constant dense<0.000000e+00> : vector<3136x64xf32>
    %dot_general3A_11 = tpu.matmul %reshape3A, %get3A_10, %dot_general3A {dimension_numbers = #tpu.dot_dimension_numbers<[1], [0], [0], [1], [0, 0, 1, 1], [], []>, transpose_lhs_hint = false} : vector<3136x128xf32>, vector<128x64xf32>, vector<3136x64xf32> -> vector<3136x64xf32>
    %get3A_12 = arith.constant 0 : index
    %get3A_13 = arith.constant 0 : index
    %get3A_14 = vector.load %arg8[%get3A_12, %get3A_13] : memref<1x64xf32, #tpu.memory_space<vmem>>, vector<1x64xf32>
    %get3A_15 = vector.shape_cast %get3A_14 : vector<1x64xf32> to vector<64xf32>
    %broadcast_in_dim3A = vector.shape_cast %get3A_15 : vector<64xf32> to vector<1x64xf32>
    %add3A = vector.broadcast %broadcast_in_dim3A : vector<1x64xf32> to vector<3136x64xf32>
    %add3A_16 = arith.addf %dot_general3A_11, %add3A : vector<3136x64xf32>
    %max3A = arith.constant 0.000000e+00 : f32
    %max3A_17 = vector.broadcast %max3A : f32 to vector<3136x64xf32>
    %max3A_18 = arith.maximumf %add3A_16, %max3A_17 : vector<3136x64xf32>
    %get3A_19 = arith.constant 0 : index
    %get3A_20 = arith.constant 0 : index
    %get3A_21 = vector.load %arg9[%get3A_19, %get3A_20] : memref<64x64xf32, #tpu.memory_space<vmem>>, vector<64x64xf32>
    %dot_general3A_22 = arith.constant dense<0.000000e+00> : vector<64x64xf32>
    %dot_general3A_23 = tpu.matmul %reshape3A_7, %get3A_21, %dot_general3A_22 {dimension_numbers = #tpu.dot_dimension_numbers<[1], [1], [0], [0], [0, 0, 1, 0], [], []>, transpose_lhs_hint = false} : vector<64x64xf32>, vector<64x64xf32>, vector<64x64xf32> -> vector<64x64xf32>
    %reshape3A_24 = vector.shape_cast %max3A_18 : vector<3136x64xf32> to vector<64x49x64xf32>
    %broadcast_in_dim3A_25 = vector.shape_cast %dot_general3A_23 : vector<64x64xf32> to vector<64x1x64xf32>
    %mul3A = vector.broadcast %broadcast_in_dim3A_25 : vector<64x1x64xf32> to vector<64x49x64xf32>
    %mul3A_26 = arith.mulf %reshape3A_24, %mul3A : vector<64x49x64xf32>
    %reduce_sum3A = arith.constant dense<0.000000e+00> : vector<64x49xf32>
    %reduce_sum3A_27 = vector.multi_reduction <add>, %mul3A_26, %reduce_sum3A [2] : vector<64x49x64xf32> to vector<64x49xf32>
    %get3A_28 = arith.constant 0 : index
    %get3A_29 = arith.constant 0 : index
    %get3A_30 = vector.load %arg11[%get3A_28, %get3A_29] : memref<64x64xf32, #tpu.memory_space<vmem>>, vector<64x64xf32>
    %dot_general3A_31 = arith.constant dense<0.000000e+00> : vector<64x64xf32>
    %dot_general3A_32 = tpu.matmul %reshape3A_7, %get3A_30, %dot_general3A_31 {dimension_numbers = #tpu.dot_dimension_numbers<[1], [0], [0], [1], [0, 0, 1, 1], [], []>, transpose_lhs_hint = false} : vector<64x64xf32>, vector<64x64xf32>, vector<64x64xf32> -> vector<64x64xf32>
    %get3A_33 = arith.constant 0 : index
    %get3A_34 = arith.constant 0 : index
    %get3A_35 = vector.load %arg12[%get3A_33, %get3A_34] : memref<1x64xf32, #tpu.memory_space<vmem>>, vector<1x64xf32>
    %get3A_36 = vector.shape_cast %get3A_35 : vector<1x64xf32> to vector<64xf32>
    %broadcast_in_dim3A_37 = vector.shape_cast %get3A_36 : vector<64xf32> to vector<1x64xf32>
    %add3A_38 = vector.broadcast %broadcast_in_dim3A_37 : vector<1x64xf32> to vector<64x64xf32>
    %add3A_39 = arith.addf %dot_general3A_32, %add3A_38 : vector<64x64xf32>
    %max3A_40 = arith.constant 0.000000e+00 : f32
    %max3A_41 = vector.broadcast %max3A_40 : f32 to vector<64x64xf32>
    %max3A_42 = arith.maximumf %add3A_39, %max3A_41 : vector<64x64xf32>
    %get3A_43 = arith.constant 0 : index
    %get3A_44 = arith.constant 0 : index
    %get3A_45 = vector.load %arg13[%get3A_43, %get3A_44] : memref<64x128xf32, #tpu.memory_space<vmem>>, vector<64x128xf32>
    %dot_general3A_46 = arith.constant dense<0.000000e+00> : vector<64x128xf32>
    %dot_general3A_47 = tpu.matmul %max3A_42, %get3A_45, %dot_general3A_46 {dimension_numbers = #tpu.dot_dimension_numbers<[1], [0], [0], [1], [0, 0, 1, 1], [], []>, transpose_lhs_hint = false} : vector<64x64xf32>, vector<64x128xf32>, vector<64x128xf32> -> vector<64x128xf32>
    %get3A_48 = arith.constant 0 : index
    %get3A_49 = arith.constant 0 : index
    %get3A_50 = vector.load %arg14[%get3A_48, %get3A_49] : memref<1x128xf32, #tpu.memory_space<vmem>>, vector<1x128xf32>
    %get3A_51 = vector.shape_cast %get3A_50 : vector<1x128xf32> to vector<128xf32>
    %broadcast_in_dim3A_52 = vector.shape_cast %get3A_51 : vector<128xf32> to vector<1x128xf32>
    %add3A_53 = vector.broadcast %broadcast_in_dim3A_52 : vector<1x128xf32> to vector<64x128xf32>
    %add3A_54 = arith.addf %dot_general3A_47, %add3A_53 : vector<64x128xf32>
    %reshape3A_55 = vector.shape_cast %reshape3A : vector<3136x128xf32> to vector<64x49x128xf32>
    %broadcast_in_dim3A_56 = vector.shape_cast %add3A_54 : vector<64x128xf32> to vector<64x1x128xf32>
    %mul3A_57 = vector.broadcast %broadcast_in_dim3A_56 : vector<64x1x128xf32> to vector<64x49x128xf32>
    %mul3A_58 = arith.mulf %reshape3A_55, %mul3A_57 : vector<64x49x128xf32>
    %reduce_sum3A_59 = arith.constant dense<0.000000e+00> : vector<64x49xf32>
    %reduce_sum3A_60 = vector.multi_reduction <add>, %mul3A_58, %reduce_sum3A_59 [2] : vector<64x49x128xf32> to vector<64x49xf32>
    %abs3A = math.absf %reshape3A_55 : vector<64x49x128xf32>
    %reduce_max3A = arith.constant dense<0xFF800000> : vector<64x49xf32>
    %reduce_max3A_61 = vector.multi_reduction <maximumf>, %abs3A, %reduce_max3A [2] : vector<64x49x128xf32> to vector<64x49xf32>
    %eq3A = arith.constant 0.000000e+00 : f32
    %eq3A_62 = vector.broadcast %eq3A : f32 to vector<64x49xf32>
    %eq3A_63 = arith.cmpf oeq, %reduce_max3A_61, %eq3A_62 : vector<64x49xf32>
    %iota3A = tpu.iota {dimensions = array<i32: 1>} : vector<64x49xi32>
    %jit3A = arith.constant 7 : i32
    %div3A = vector.broadcast %jit3A : i32 to vector<64x49xi32>
    %div3A_64 = arith.divsi %iota3A, %div3A : vector<64x49xi32>
    %sign3A = arith.constant 0 : i32
    %sign3A_65 = vector.broadcast %sign3A : i32 to vector<64x49xi32>
    %sign3A_66 = arith.cmpi sgt, %iota3A, %sign3A_65 : vector<64x49xi32>
    %sign3A_67 = arith.extui %sign3A_66 : vector<64x49xi1> to vector<64x49xi32>
    %sign3A_68 = arith.constant 0 : i32
    %sign3A_69 = vector.broadcast %sign3A_68 : i32 to vector<64x49xi32>
    %sign3A_70 = arith.cmpi slt, %iota3A, %sign3A_69 : vector<64x49xi32>
    %sign3A_71 = arith.extui %sign3A_70 : vector<64x49xi1> to vector<64x49xi32>
    %sign3A_72 = arith.subi %sign3A_67, %sign3A_71 : vector<64x49xi32>
    %sign3A_73 = arith.constant 0 : i32
    %sign3A_74 = arith.cmpi sgt, %jit3A, %sign3A_73 : i32
    %sign3A_75 = arith.extui %sign3A_74 : i1 to i32
    %sign3A_76 = arith.constant 0 : i32
    %sign3A_77 = arith.cmpi slt, %jit3A, %sign3A_76 : i32
    %sign3A_78 = arith.extui %sign3A_77 : i1 to i32
    %sign3A_79 = arith.subi %sign3A_75, %sign3A_78 : i32
    %ne3A = vector.broadcast %sign3A_79 : i32 to vector<64x49xi32>
    %ne3A_80 = arith.cmpi ne, %sign3A_72, %ne3A : vector<64x49xi32>
    %rem3A = vector.broadcast %jit3A : i32 to vector<64x49xi32>
    %rem3A_81 = arith.remsi %iota3A, %rem3A : vector<64x49xi32>
    %ne3A_82 = arith.constant 0 : i32
    %ne3A_83 = vector.broadcast %ne3A_82 : i32 to vector<64x49xi32>
    %ne3A_84 = arith.cmpi ne, %rem3A_81, %ne3A_83 : vector<64x49xi32>
    %and3A = arith.andi %ne3A_80, %ne3A_84 : vector<64x49xi1>
    %sub3A = arith.constant 1 : i32
    %sub3A_85 = vector.broadcast %sub3A : i32 to vector<64x49xi32>
    %sub3A_86 = arith.subi %div3A_64, %sub3A_85 : vector<64x49xi32>
    %select_n3A = arith.select %and3A, %sub3A_86, %div3A_64 : vector<64x49xi1>, vector<64x49xi32>
    %sub3A_87 = arith.constant 3 : i32
    %sub3A_88 = vector.broadcast %sub3A_87 : i32 to vector<64x49xi32>
    %sub3A_89 = arith.subi %select_n3A, %sub3A_88 : vector<64x49xi32>
    %jit3A_90 = arith.constant 7 : i32
    %eq3A_91 = arith.constant 0 : i32
    %eq3A_92 = arith.cmpi eq, %jit3A_90, %eq3A_91 : i32
    %jit3A_93 = arith.constant 1 : i32
    %select_n3A_94 = arith.select %eq3A_92, %jit3A_93, %jit3A_90 : i32
    %rem3A_95 = vector.broadcast %select_n3A_94 : i32 to vector<64x49xi32>
    %rem3A_96 = arith.remsi %iota3A, %rem3A_95 : vector<64x49xi32>
    %ne3A_97 = arith.constant 0 : i32
    %ne3A_98 = vector.broadcast %ne3A_97 : i32 to vector<64x49xi32>
    %ne3A_99 = arith.cmpi ne, %rem3A_96, %ne3A_98 : vector<64x49xi32>
    %lt3A = arith.constant 0 : i32
    %lt3A_100 = vector.broadcast %lt3A : i32 to vector<64x49xi32>
    %lt3A_101 = arith.cmpi slt, %rem3A_96, %lt3A_100 : vector<64x49xi32>
    %lt3A_102 = arith.constant 0 : i32
    %lt3A_103 = arith.cmpi slt, %select_n3A_94, %lt3A_102 : i32
    %ne3A_104 = vector.broadcast %lt3A_103 : i1 to vector<64x49xi1>
    %ne3A_105 = vector.broadcast %ne3A_104 : vector<64x49xi1> to vector<64x49xi1>
    %ne3A_106 = arith.xori %lt3A_101, %ne3A_105 : vector<64x49xi1>
    %and3A_107 = arith.andi %ne3A_106, %ne3A_99 : vector<64x49xi1>
    %add3A_108 = vector.broadcast %select_n3A_94 : i32 to vector<64x49xi32>
    %add3A_109 = arith.addi %rem3A_96, %add3A_108 : vector<64x49xi32>
    %select_n3A_110 = arith.select %and3A_107, %add3A_109, %rem3A_96 : vector<64x49xi1>, vector<64x49xi32>
    %sub3A_111 = arith.constant 3 : i32
    %sub3A_112 = vector.broadcast %sub3A_111 : i32 to vector<64x49xi32>
    %sub3A_113 = arith.subi %select_n3A_110, %sub3A_112 : vector<64x49xi32>
    %get3A_114 = arith.constant 0 : index
    %get3A_115 = arith.constant 0 : index
    %get3A_116 = arith.constant 0 : index
    %get3A_117 = vector.load %arg3[%get3A_114, %get3A_115, %get3A_116] : memref<4x16x1xi32, #tpu.memory_space<vmem>>, vector<4x16x1xi32>
    %reshape3A_118 = vector.shape_cast %get3A_117 : vector<4x16x1xi32> to vector<64x1xi32>
    %add3A_119 = vector.broadcast %reshape3A_118 : vector<64x1xi32> to vector<64x49xi32>
    %add3A_120 = arith.addi %add3A_119, %sub3A_89 : vector<64x49xi32>
    %get3A_121 = arith.constant 0 : index
    %get3A_122 = arith.constant 0 : index
    %get3A_123 = arith.constant 0 : index
    %get3A_124 = vector.load %arg4[%get3A_121, %get3A_122, %get3A_123] : memref<4x16x1xi32, #tpu.memory_space<vmem>>, vector<4x16x1xi32>
    %reshape3A_125 = vector.shape_cast %get3A_124 : vector<4x16x1xi32> to vector<64x1xi32>
    %add3A_126 = vector.broadcast %reshape3A_125 : vector<64x1xi32> to vector<64x49xi32>
    %add3A_127 = arith.addi %add3A_126, %sub3A_113 : vector<64x49xi32>
    %lt3A_128 = arith.constant 0 : i32
    %lt3A_129 = vector.broadcast %lt3A_128 : i32 to vector<64x49xi32>
    %lt3A_130 = arith.cmpi slt, %add3A_120, %lt3A_129 : vector<64x49xi32>
    %ge3A = arith.constant 512 : i32
    %ge3A_131 = vector.broadcast %ge3A : i32 to vector<64x49xi32>
    %ge3A_132 = arith.cmpi sge, %add3A_120, %ge3A_131 : vector<64x49xi32>
    %or3A = arith.ori %lt3A_130, %ge3A_132 : vector<64x49xi1>
    %lt3A_133 = arith.constant 0 : i32
    %lt3A_134 = vector.broadcast %lt3A_133 : i32 to vector<64x49xi32>
    %lt3A_135 = arith.cmpi slt, %add3A_127, %lt3A_134 : vector<64x49xi32>
    %or3A_136 = arith.ori %or3A, %lt3A_135 : vector<64x49xi1>
    %ge3A_137 = arith.constant 512 : i32
    %ge3A_138 = vector.broadcast %ge3A_137 : i32 to vector<64x49xi32>
    %ge3A_139 = arith.cmpi sge, %add3A_127, %ge3A_138 : vector<64x49xi32>
    %or3A_140 = arith.ori %or3A_136, %ge3A_139 : vector<64x49xi1>
    %or3A_141 = arith.ori %or3A_140, %eq3A_63 : vector<64x49xi1>
    %jit3A_142 = arith.constant -1.000000e+06 : f32
    %jit3A_143 = arith.constant 0.000000e+00 : f32
    %broadcast_in_dim3A_144 = vector.broadcast %jit3A_142 : f32 to vector<64x49xf32>
    %broadcast_in_dim3A_145 = vector.broadcast %jit3A_143 : f32 to vector<64x49xf32>
    %select_n3A_146 = arith.select %or3A_141, %broadcast_in_dim3A_144, %broadcast_in_dim3A_145 : vector<64x49xi1>, vector<64x49xf32>
    %get3A_147 = arith.constant 0 : index
    %get3A_148 = arith.constant 0 : index
    %get3A_149 = vector.load %arg10[%get3A_147, %get3A_148] : memref<1x64xf32, #tpu.memory_space<vmem>>, vector<1x64xf32>
    %get3A_150 = vector.shape_cast %get3A_149 : vector<1x64xf32> to vector<64xf32>
    %broadcast_in_dim3A_151 = vector.shape_cast %get3A_150 : vector<64xf32> to vector<1x64xf32>
    %mul3A_152 = vector.broadcast %broadcast_in_dim3A_151 : vector<1x64xf32> to vector<64x64xf32>
    %mul3A_153 = arith.mulf %reshape3A_7, %mul3A_152 : vector<64x64xf32>
    %reduce_sum3A_154 = arith.constant dense<0.000000e+00> : vector<64xf32>
    %reduce_sum3A_155 = vector.multi_reduction <add>, %mul3A_153, %reduce_sum3A_154 [1] : vector<64x64xf32> to vector<64xf32>
    %broadcast_in_dim3A_156 = vector.shape_cast %reduce_sum3A_155 : vector<64xf32> to vector<64x1xf32>
    %add3A_157 = vector.broadcast %broadcast_in_dim3A_156 : vector<64x1xf32> to vector<64x49xf32>
    %add3A_158 = arith.addf %reduce_sum3A_27, %add3A_157 : vector<64x49xf32>
    %add3A_159 = arith.addf %add3A_158, %select_n3A_146 : vector<64x49xf32>
    %reshape3A_160 = vector.shape_cast %add3A_159 : vector<64x49xf32> to vector<4x16x49xf32>
    %swap3A = arith.constant 0 : index
    %swap3A_161 = arith.constant 0 : index
    %swap3A_162 = arith.constant 0 : index
    %swap3A_163 = vector.load %arg19[%swap3A, %swap3A_161, %swap3A_162] : memref<4x16x49xf32, #tpu.memory_space<vmem>>, vector<4x16x49xf32>
    tpu.vector_store %arg19[%swap3A, %swap3A_161, %swap3A_162], %reshape3A_160 {strides = array<i32>} : memref<4x16x49xf32, #tpu.memory_space<vmem>>, vector<4x16x49xf32>,
    %add3A_164 = arith.addf %reduce_sum3A_60, %select_n3A_146 : vector<64x49xf32>
    %reshape3A_165 = vector.shape_cast %add3A_164 : vector<64x49xf32> to vector<4x16x49xf32>
    %swap3A_166 = arith.constant 0 : index
    %swap3A_167 = arith.constant 0 : index
    %swap3A_168 = arith.constant 0 : index
    %swap3A_169 = vector.load %arg20[%swap3A_166, %swap3A_167, %swap3A_168] : memref<4x16x49xf32, #tpu.memory_space<vmem>>, vector<4x16x49xf32>
    tpu.vector_store %arg20[%swap3A_166, %swap3A_167, %swap3A_168], %reshape3A_165 {strides = array<i32>} : memref<4x16x49xf32, #tpu.memory_space<vmem>>, vector<4x16x49xf32>,
    %jit3A_170 = arith.constant 0 : i32
    %jit3A_171 = arith.constant 511 : i32
    %max3A_172 = vector.broadcast %jit3A_170 : i32 to vector<64x49xi32>
    %max3A_173 = arith.maxsi %max3A_172, %add3A_120 : vector<64x49xi32>
    %min3A = vector.broadcast %jit3A_171 : i32 to vector<64x49xi32>
    %min3A_174 = arith.minsi %min3A, %max3A_173 : vector<64x49xi32>
    %reshape3A_175 = vector.shape_cast %min3A_174 : vector<64x49xi32> to vector<4x16x49xi32>
    %swap3A_176 = arith.constant 0 : index
    %swap3A_177 = arith.constant 0 : index
    %swap3A_178 = arith.constant 0 : index
    %swap3A_179 = vector.load %arg21[%swap3A_176, %swap3A_177, %swap3A_178] : memref<4x16x49xi32, #tpu.memory_space<vmem>>, vector<4x16x49xi32>
    tpu.vector_store %arg21[%swap3A_176, %swap3A_177, %swap3A_178], %reshape3A_175 {strides = array<i32>} : memref<4x16x49xi32, #tpu.memory_space<vmem>>, vector<4x16x49xi32>,
    %jit3A_180 = arith.constant 0 : i32
    %jit3A_181 = arith.constant 511 : i32
    %max3A_182 = vector.broadcast %jit3A_180 : i32 to vector<64x49xi32>
    %max3A_183 = arith.maxsi %max3A_182, %add3A_127 : vector<64x49xi32>
    %min3A_184 = vector.broadcast %jit3A_181 : i32 to vector<64x49xi32>
    %min3A_185 = arith.minsi %min3A_184, %max3A_183 : vector<64x49xi32>
    %reshape3A_186 = vector.shape_cast %min3A_185 : vector<64x49xi32> to vector<4x16x49xi32>
    %swap3A_187 = arith.constant 0 : index
    %swap3A_188 = arith.constant 0 : index
    %swap3A_189 = arith.constant 0 : index
    %swap3A_190 = vector.load %arg22[%swap3A_187, %swap3A_188, %swap3A_189] : memref<4x16x49xi32, #tpu.memory_space<vmem>>, vector<4x16x49xi32>
    tpu.vector_store %arg22[%swap3A_187, %swap3A_188, %swap3A_189], %reshape3A_186 {strides = array<i32>} : memref<4x16x49xi32, #tpu.memory_space<vmem>>, vector<4x16x49xi32>,
    %get3A_191 = arith.constant 0 : index
    %get3A_192 = arith.constant 0 : index
    %get3A_193 = vector.load %arg15[%get3A_191, %get3A_192] : memref<64x64xf32, #tpu.memory_space<vmem>>, vector<64x64xf32>
    %dot_general3A_194 = arith.constant dense<0.000000e+00> : vector<64x64xf32>
    %dot_general3A_195 = tpu.matmul %reshape3A_7, %get3A_193, %dot_general3A_194 {dimension_numbers = #tpu.dot_dimension_numbers<[1], [0], [0], [1], [0, 0, 1, 1], [], []>, precision = #tpu.contract_precision<fp32>, transpose_lhs_hint = false} : vector<64x64xf32>, vector<64x64xf32>, vector<64x64xf32> -> vector<64x64xf32>
    %get3A_196 = arith.constant 0 : index
    %get3A_197 = arith.constant 0 : index
    %get3A_198 = vector.load %arg16[%get3A_196, %get3A_197] : memref<1x64xf32, #tpu.memory_space<vmem>>, vector<1x64xf32>
    %get3A_199 = vector.shape_cast %get3A_198 : vector<1x64xf32> to vector<64xf32>
    %broadcast_in_dim3A_200 = vector.shape_cast %get3A_199 : vector<64xf32> to vector<1x64xf32>
    %add3A_201 = vector.broadcast %broadcast_in_dim3A_200 : vector<1x64xf32> to vector<64x64xf32>
    %add3A_202 = arith.addf %dot_general3A_195, %add3A_201 : vector<64x64xf32>
    %max3A_203 = arith.constant 0.000000e+00 : f32
    %max3A_204 = vector.broadcast %max3A_203 : f32 to vector<64x64xf32>
    %max3A_205 = arith.maximumf %add3A_202, %max3A_204 : vector<64x64xf32>
    %get3A_206 = arith.constant 0 : index
    %get3A_207 = arith.constant 0 : index
    %get3A_208 = vector.load %arg17[%get3A_206, %get3A_207] : memref<3x64xf32, #tpu.memory_space<vmem>>, vector<1x64xf32>
    %get3A_209 = vector.shape_cast %get3A_208 : vector<1x64xf32> to vector<64xf32>
    %broadcast_in_dim3A_210 = vector.shape_cast %get3A_209 : vector<64xf32> to vector<1x64xf32>
    %mul3A_211 = vector.broadcast %broadcast_in_dim3A_210 : vector<1x64xf32> to vector<64x64xf32>
    %mul3A_212 = arith.mulf %max3A_205, %mul3A_211 : vector<64x64xf32>
    %reduce_sum3A_213 = arith.constant dense<0.000000e+00> : vector<64xf32>
    %reduce_sum3A_214 = vector.multi_reduction <add>, %mul3A_212, %reduce_sum3A_213 [1] : vector<64x64xf32> to vector<64xf32>
    %broadcast_in_dim3A_215 = vector.shape_cast %reduce_sum3A_214 : vector<64xf32> to vector<64x1xf32>
    %get3A_216 = arith.constant 0 : index
    %get3A_217 = arith.constant 0 : index
    %get3A_218 = vector.load %arg18[%get3A_216, %get3A_217] : memref<1x3xf32, #tpu.memory_space<vmem>>, vector<1x1xf32>
    %get3A_219 = vector.extract %get3A_218[0, 0] : f32 from vector<1x1xf32>
    %add3A_220 = vector.broadcast %get3A_219 : f32 to vector<64x1xf32>
    %add3A_221 = arith.addf %broadcast_in_dim3A_215, %add3A_220 : vector<64x1xf32>
    %get3A_222 = arith.constant 1 : index
    %get3A_223 = arith.constant 0 : index
    %get3A_224 = vector.load %arg17[%get3A_222, %get3A_223] : memref<3x64xf32, #tpu.memory_space<vmem>>, vector<1x64xf32>
    %get3A_225 = vector.shape_cast %get3A_224 : vector<1x64xf32> to vector<64xf32>
    %broadcast_in_dim3A_226 = vector.shape_cast %get3A_225 : vector<64xf32> to vector<1x64xf32>
    %mul3A_227 = vector.broadcast %broadcast_in_dim3A_226 : vector<1x64xf32> to vector<64x64xf32>
    %mul3A_228 = arith.mulf %max3A_205, %mul3A_227 : vector<64x64xf32>
    %reduce_sum3A_229 = arith.constant dense<0.000000e+00> : vector<64xf32>
    %reduce_sum3A_230 = vector.multi_reduction <add>, %mul3A_228, %reduce_sum3A_229 [1] : vector<64x64xf32> to vector<64xf32>
    %broadcast_in_dim3A_231 = vector.shape_cast %reduce_sum3A_230 : vector<64xf32> to vector<64x1xf32>
    %get3A_232 = arith.constant 0 : index
    %get3A_233 = arith.constant 1 : index
    %get3A_234 = vector.load %arg18[%get3A_232, %get3A_233] : memref<1x3xf32, #tpu.memory_space<vmem>>, vector<1x1xf32>
    %get3A_235 = vector.extract %get3A_234[0, 0] : f32 from vector<1x1xf32>
    %add3A_236 = vector.broadcast %get3A_235 : f32 to vector<64x1xf32>
    %add3A_237 = arith.addf %broadcast_in_dim3A_231, %add3A_236 : vector<64x1xf32>
    %get3A_238 = arith.constant 2 : index
    %get3A_239 = arith.constant 0 : index
    %get3A_240 = vector.load %arg17[%get3A_238, %get3A_239] : memref<3x64xf32, #tpu.memory_space<vmem>>, vector<1x64xf32>
    %get3A_241 = vector.shape_cast %get3A_240 : vector<1x64xf32> to vector<64xf32>
    %broadcast_in_dim3A_242 = vector.shape_cast %get3A_241 : vector<64xf32> to vector<1x64xf32>
    %mul3A_243 = vector.broadcast %broadcast_in_dim3A_242 : vector<1x64xf32> to vector<64x64xf32>
    %mul3A_244 = arith.mulf %max3A_205, %mul3A_243 : vector<64x64xf32>
    %reduce_sum3A_245 = arith.constant dense<0.000000e+00> : vector<64xf32>
    %reduce_sum3A_246 = vector.multi_reduction <add>, %mul3A_244, %reduce_sum3A_245 [1] : vector<64x64xf32> to vector<64xf32>
    %broadcast_in_dim3A_247 = vector.shape_cast %reduce_sum3A_246 : vector<64xf32> to vector<64x1xf32>
    %get3A_248 = arith.constant 0 : index
    %get3A_249 = arith.constant 2 : index
    %get3A_250 = vector.load %arg18[%get3A_248, %get3A_249] : memref<1x3xf32, #tpu.memory_space<vmem>>, vector<1x1xf32>
    %get3A_251 = vector.extract %get3A_250[0, 0] : f32 from vector<1x1xf32>
    %add3A_252 = vector.broadcast %get3A_251 : f32 to vector<64x1xf32>
    %add3A_253 = arith.addf %broadcast_in_dim3A_247, %add3A_252 : vector<64x1xf32>
    %min3A_254 = arith.constant 11.5129251 : f32
    %min3A_255 = vector.broadcast %min3A_254 : f32 to vector<64x1xf32>
    %min3A_256 = arith.minimumf %add3A_221, %min3A_255 : vector<64x1xf32>
    %exp3A = math.exp %min3A_256 : vector<64x1xf32>
    %add3A_257 = arith.constant 9.99999997E-7 : f32
    %add3A_258 = vector.broadcast %add3A_257 : f32 to vector<64x1xf32>
    %add3A_259 = arith.addf %exp3A, %add3A_258 : vector<64x1xf32>
    %reshape3A_260 = vector.shape_cast %add3A_259 : vector<64x1xf32> to vector<4x16x1xf32>
    %swap3A_261 = arith.constant 0 : index
    %swap3A_262 = arith.constant 0 : index
    %swap3A_263 = arith.constant 0 : index
    %swap3A_264 = vector.load %arg23[%swap3A_261, %swap3A_262, %swap3A_263] : memref<4x16x1xf32, #tpu.memory_space<vmem>>, vector<4x16x1xf32>
    tpu.vector_store %arg23[%swap3A_261, %swap3A_262, %swap3A_263], %reshape3A_260 {strides = array<i32>} : memref<4x16x1xf32, #tpu.memory_space<vmem>>, vector<4x16x1xf32>,
    %min3A_265 = arith.constant 11.5129251 : f32
    %min3A_266 = vector.broadcast %min3A_265 : f32 to vector<64x1xf32>
    %min3A_267 = arith.minimumf %add3A_237, %min3A_266 : vector<64x1xf32>
    %exp3A_268 = math.exp %min3A_267 : vector<64x1xf32>
    %add3A_269 = arith.constant 9.99999997E-7 : f32
    %add3A_270 = vector.broadcast %add3A_269 : f32 to vector<64x1xf32>
    %add3A_271 = arith.addf %exp3A_268, %add3A_270 : vector<64x1xf32>
    %reshape3A_272 = vector.shape_cast %add3A_271 : vector<64x1xf32> to vector<4x16x1xf32>
    %swap3A_273 = arith.constant 0 : index
    %swap3A_274 = arith.constant 0 : index
    %swap3A_275 = arith.constant 0 : index
    %swap3A_276 = vector.load %arg24[%swap3A_273, %swap3A_274, %swap3A_275] : memref<4x16x1xf32, #tpu.memory_space<vmem>>, vector<4x16x1xf32>
    tpu.vector_store %arg24[%swap3A_273, %swap3A_274, %swap3A_275], %reshape3A_272 {strides = array<i32>} : memref<4x16x1xf32, #tpu.memory_space<vmem>>, vector<4x16x1xf32>,
    %reshape3A_277 = vector.shape_cast %add3A_253 : vector<64x1xf32> to vector<4x16x1xf32>
    %swap3A_278 = arith.constant 0 : index
    %swap3A_279 = arith.constant 0 : index
    %swap3A_280 = arith.constant 0 : index
    %swap3A_281 = vector.load %arg25[%swap3A_278, %swap3A_279, %swap3A_280] : memref<4x16x1xf32, #tpu.memory_space<vmem>>, vector<4x16x1xf32>
    tpu.vector_store %arg25[%swap3A_278, %swap3A_279, %swap3A_280], %reshape3A_277 {strides = array<i32>} : memref<4x16x1xf32, #tpu.memory_space<vmem>>, vector<4x16x1xf32>,
    %get3A_282 = arith.constant 0 : index
    %get3A_283 = arith.constant 0 : index
    %get3A_284 = vector.load %arg6[%get3A_282, %get3A_283] : memref<64x128xi32, #tpu.memory_space<vmem>>, vector<64x128xi32>
    %eq3A_285 = arith.constant 0 : i32
    %eq3A_286 = vector.broadcast %eq3A_285 : i32 to vector<64x128xi32>
    %eq3A_287 = arith.cmpi eq, %get3A_284, %eq3A_286 : vector<64x128xi32>
    %jit3A_288 = arith.constant 1 : i32
    %jit3A_289 = arith.constant 0 : i32
    %broadcast_in_dim3A_290 = vector.broadcast %jit3A_288 : i32 to vector<64x128xi32>
    %broadcast_in_dim3A_291 = vector.broadcast %jit3A_289 : i32 to vector<64x128xi32>
    %select_n3A_292 = arith.select %eq3A_287, %broadcast_in_dim3A_290, %broadcast_in_dim3A_291 : vector<64x128xi1>, vector<64x128xi32>
    %reduce_sum3A_293 = vector.shape_cast %select_n3A_292 : vector<64x128xi32> to vector<1x64x128xi32>
    %reduce_sum3A_294 = arith.constant dense<0> : vector<1xi32>
    %reduce_sum3A_295 = vector.multi_reduction <add>, %reduce_sum3A_293, %reduce_sum3A_294 [1, 2] : vector<1x64x128xi32> to vector<1xi32>
    %reduce_sum3A_296 = vector.shape_cast %reduce_sum3A_295 : vector<1xi32> to vector<1x1x1xi32>
    %reduce_sum3A_297 = vector.extract %reduce_sum3A_296[0, 0, 0] : i32 from vector<1x1x1xi32>
    %add3A_298 = arith.constant 0 : i32
    %add3A_299 = arith.addi %add3A_298, %arg0 : i32
    %mul3A_300 = arith.constant 64 : i32
    %mul3A_301 = arith.muli %add3A_299, %mul3A_300 : i32
    %iota3A_302 = tpu.iota {dimensions = array<i32: 0>} : vector<64x1xi32>
    %add3A_303 = vector.broadcast %mul3A_301 : i32 to vector<64x1xi32>
    %add3A_304 = arith.addi %add3A_303, %iota3A_302 : vector<64x1xi32>
    %get3A_305 = arith.constant 0 : index
    %get3A_306 = arith.constant 0 : index
    %get3A_307 = arith.constant 0 : index
    %get3A_308 = vector.load %arg5[%get3A_305, %get3A_306, %get3A_307] : memref<4x16x1xi32, #tpu.memory_space<vmem>>, vector<4x16x1xi32>
    %reshape3A_309 = vector.shape_cast %get3A_308 : vector<4x16x1xi32> to vector<64x1xi32>
    %eq3A_310 = arith.constant 0 : i32
    %eq3A_311 = vector.broadcast %eq3A_310 : i32 to vector<64x1xi32>
    %eq3A_312 = arith.cmpi eq, %reshape3A_309, %eq3A_311 : vector<64x1xi32>
    %jit3A_313 = arith.constant 0 : i32
    %broadcast_in_dim3A_314 = vector.broadcast %jit3A_313 : i32 to vector<64x1xi32>
    %broadcast_in_dim3A_315 = vector.broadcast %reduce_sum3A_297 : i32 to vector<64x1xi32>
    %select_n3A_316 = arith.select %eq3A_312, %broadcast_in_dim3A_314, %broadcast_in_dim3A_315 : vector<64x1xi1>, vector<64x1xi32>
    %sub3A_317 = arith.subi %add3A_304, %select_n3A_316 : vector<64x1xi32>
    %reshape3A_318 = vector.shape_cast %sub3A_317 : vector<64x1xi32> to vector<4x16x1xi32>
    %swap3A_319 = arith.constant 0 : index
    %swap3A_320 = arith.constant 0 : index
    %swap3A_321 = arith.constant 0 : index
    %swap3A_322 = vector.load %arg26[%swap3A_319, %swap3A_320, %swap3A_321] : memref<4x16x1xi32, #tpu.memory_space<vmem>>, vector<4x16x1xi32>
    tpu.vector_store %arg26[%swap3A_319, %swap3A_320, %swap3A_321], %reshape3A_318 {strides = array<i32>} : memref<4x16x1xi32, #tpu.memory_space<vmem>>, vector<4x16x1xi32>,
    return
  }
  func.func @transform_0(%arg0: i32) -> (i32, i32, i32) {
    %c0_i32 = arith.constant 0 : i32
    %c0_i32_0 = arith.constant 0 : i32
    %c0_i32_1 = arith.constant 0 : i32
    return %arg0, %c0_i32, %c0_i32_0 : i32, i32, i32
  }
  func.func @transform_1(%arg0: i32) -> (i32, i32, i32) {
    %c0_i32 = arith.constant 0 : i32
    %c0_i32_0 = arith.constant 0 : i32
    %c0_i32_1 = arith.constant 0 : i32
    return %arg0, %c0_i32, %c0_i32_0 : i32, i32, i32
  }
  func.func @transform_2(%arg0: i32) -> (i32, i32, i32) {
    %c0_i32 = arith.constant 0 : i32
    %c0_i32_0 = arith.constant 0 : i32
    %c0_i32_1 = arith.constant 0 : i32
    return %arg0, %c0_i32, %c0_i32_0 : i32, i32, i32
  }
  func.func @transform_3(%arg0: i32) -> (i32, i32, i32) {
    %c0_i32 = arith.constant 0 : i32
    %c0_i32_0 = arith.constant 0 : i32
    %c0_i32_1 = arith.constant 0 : i32
    return %arg0, %c0_i32, %c0_i32_0 : i32, i32, i32
  }
  func.func @transform_4(%arg0: i32) -> (i32, i32, i32) {
    %c0_i32 = arith.constant 0 : i32
    %c0_i32_0 = arith.constant 0 : i32
    %c0_i32_1 = arith.constant 0 : i32
    return %arg0, %c0_i32, %c0_i32_0 : i32, i32, i32
  }
  func.func @transform_5(%arg0: i32) -> (i32, i32) {
    %c0_i32 = arith.constant 0 : i32
    %c0_i32_0 = arith.constant 0 : i32
    %c0_i32_1 = arith.constant 0 : i32
    return %c0_i32, %c0_i32_0 : i32, i32
  }
  func.func @transform_6(%arg0: i32) -> (i32, i32) {
    %c0_i32 = arith.constant 0 : i32
    %c0_i32_0 = arith.constant 0 : i32
    %c0_i32_1 = arith.constant 0 : i32
    return %c0_i32, %c0_i32_0 : i32, i32
  }
  func.func @transform_7(%arg0: i32) -> (i32, i32) {
    %c0_i32 = arith.constant 0 : i32
    %c0_i32_0 = arith.constant 0 : i32
    %c0_i32_1 = arith.constant 0 : i32
    return %c0_i32, %c0_i32_0 : i32, i32
  }
  func.func @transform_8(%arg0: i32) -> (i32, i32) {
    %c0_i32 = arith.constant 0 : i32
    %c0_i32_0 = arith.constant 0 : i32
    %c0_i32_1 = arith.constant 0 : i32
    return %c0_i32, %c0_i32_0 : i32, i32
  }
  func.func @transform_9(%arg0: i32) -> (i32, i32) {
    %c0_i32 = arith.constant 0 : i32
    %c0_i32_0 = arith.constant 0 : i32
    %c0_i32_1 = arith.constant 0 : i32
    return %c0_i32, %c0_i32_0 : i32, i32
  }
  func.func @transform_10(%arg0: i32) -> (i32, i32) {
    %c0_i32 = arith.constant 0 : i32
    %c0_i32_0 = arith.constant 0 : i32
    %c0_i32_1 = arith.constant 0 : i32
    return %c0_i32, %c0_i32_0 : i32, i32
  }
  func.func @transform_11(%arg0: i32) -> (i32, i32) {
    %c0_i32 = arith.constant 0 : i32
    %c0_i32_0 = arith.constant 0 : i32
    %c0_i32_1 = arith.constant 0 : i32
    return %c0_i32, %c0_i32_0 : i32, i32
  }
  func.func @transform_12(%arg0: i32) -> (i32, i32) {
    %c0_i32 = arith.constant 0 : i32
    %c0_i32_0 = arith.constant 0 : i32
    %c0_i32_1 = arith.constant 0 : i32
    return %c0_i32, %c0_i32_0 : i32, i32
  }
  func.func @transform_13(%arg0: i32) -> (i32, i32) {
    %c0_i32 = arith.constant 0 : i32
    %c0_i32_0 = arith.constant 0 : i32
    %c0_i32_1 = arith.constant 0 : i32
    return %c0_i32, %c0_i32_0 : i32, i32
  }
  func.func @transform_14(%arg0: i32) -> (i32, i32) {
    %c0_i32 = arith.constant 0 : i32
    %c0_i32_0 = arith.constant 0 : i32
    %c0_i32_1 = arith.constant 0 : i32
    return %c0_i32, %c0_i32_0 : i32, i32
  }
  func.func @transform_15(%arg0: i32) -> (i32, i32) {
    %c0_i32 = arith.constant 0 : i32
    %c0_i32_0 = arith.constant 0 : i32
    %c0_i32_1 = arith.constant 0 : i32
    return %c0_i32, %c0_i32_0 : i32, i32
  }
  func.func @transform_16(%arg0: i32) -> (i32, i32) {
    %c0_i32 = arith.constant 0 : i32
    %c0_i32_0 = arith.constant 0 : i32
    %c0_i32_1 = arith.constant 0 : i32
    return %c0_i32, %c0_i32_0 : i32, i32
  }
  func.func @transform_17(%arg0: i32) -> (i32, i32) {
    %c0_i32 = arith.constant 0 : i32
    %c0_i32_0 = arith.constant 0 : i32
    %c0_i32_1 = arith.constant 0 : i32
    return %c0_i32, %c0_i32_0 : i32, i32
  }
  func.func @transform_18(%arg0: i32) -> (i32, i32, i32) {
    %c0_i32 = arith.constant 0 : i32
    %c0_i32_0 = arith.constant 0 : i32
    %c0_i32_1 = arith.constant 0 : i32
    return %arg0, %c0_i32, %c0_i32_0 : i32, i32, i32
  }
  func.func @transform_19(%arg0: i32) -> (i32, i32, i32) {
    %c0_i32 = arith.constant 0 : i32
    %c0_i32_0 = arith.constant 0 : i32
    %c0_i32_1 = arith.constant 0 : i32
    return %arg0, %c0_i32, %c0_i32_0 : i32, i32, i32
  }
  func.func @transform_20(%arg0: i32) -> (i32, i32, i32) {
    %c0_i32 = arith.constant 0 : i32
    %c0_i32_0 = arith.constant 0 : i32
    %c0_i32_1 = arith.constant 0 : i32
    return %arg0, %c0_i32, %c0_i32_0 : i32, i32, i32
  }
  func.func @transform_21(%arg0: i32) -> (i32, i32, i32) {
    %c0_i32 = arith.constant 0 : i32
    %c0_i32_0 = arith.constant 0 : i32
    %c0_i32_1 = arith.constant 0 : i32
    return %arg0, %c0_i32, %c0_i32_0 : i32, i32, i32
  }
  func.func @transform_22(%arg0: i32) -> (i32, i32, i32) {
    %c0_i32 = arith.constant 0 : i32
    %c0_i32_0 = arith.constant 0 : i32
    %c0_i32_1 = arith.constant 0 : i32
    return %arg0, %c0_i32, %c0_i32_0 : i32, i32, i32
  }
  func.func @transform_23(%arg0: i32) -> (i32, i32, i32) {
    %c0_i32 = arith.constant 0 : i32
    %c0_i32_0 = arith.constant 0 : i32
    %c0_i32_1 = arith.constant 0 : i32
    return %arg0, %c0_i32, %c0_i32_0 : i32, i32, i32
  }
  func.func @transform_24(%arg0: i32) -> (i32, i32, i32) {
    %c0_i32 = arith.constant 0 : i32
    %c0_i32_0 = arith.constant 0 : i32
    %c0_i32_1 = arith.constant 0 : i32
    return %arg0, %c0_i32, %c0_i32_0 : i32, i32, i32
  }
  func.func @transform_25(%arg0: i32) -> (i32, i32, i32) {
    %c0_i32 = arith.constant 0 : i32
    %c0_i32_0 = arith.constant 0 : i32
    %c0_i32_1 = arith.constant 0 : i32
    return %arg0, %c0_i32, %c0_i32_0 : i32, i32, i32
  }
}

</mosaic_0001>

<sc_bundles>
// kernel: kernel.6.cloned.1.call-start
scs
__scs_entry_jumppad:
0x0: {  	(pc) =	sbr.rel $0x88, $3  }
0x1: {  	(tag) =	ssettag $0x0;
	lr =	simm.s32 $0x1  }
0x2: {  	[smem:$0x3F8E] =	sst lr;
	_ =	strace $0xD0000000  }
0x3: {  	_ = 	snop  }
0x4: {  	_ = 	snop  }
0x5: {  	_ = 	snop  }
0x6: {  	_ = 	snop  }
0x7: {  	_ = 	snop  }
__scs_overlays_trampoline_lowered:
0x8: {  	[smem:$0x3F9D] =	sst s0  }
0x9: {  	[smem:$0x3F9E] =	sst s1  }
0xa: {  	[smem:$0x3F9F] =	sst s2  }
0xb: {  	[smem:$0x3FA0] =	sst s3  }
0xc: {  	[smem:$0x3FA1] =	sst s4  }
0xd: {  	[smem:$0x3FA2] =	sst s5  }
0xe: {  	[smem:$0x3FA3] =	sst s6  }
0xf: {  	[smem:$0x3FA4] =	sst s7  }
0x10: {  	[smem:$0x3FA5] =	sst s8  }
0x11: {  	[smem:$0x3FA6] =	sst s9;
	s0 =	simm.s32 @!p0 $0x0  }
0x12: {  	s1 =	sld [smem:$0x3F8C];
	s0 =	simm.s32 @p0 $0x1  }
0x13: {  	[smem:$0x3FA7] =	sst s0;
	s0 =	simm.s32 @!p1 $0x0  }
0x14: {  	s2 =	sld [smem:$0x3F8B];
	s0 =	simm.s32 @p1 $0x1  }
0x15: {  	[smem:$0x3FA8] =	sst s0;
	s0 =	simm.s32 @!p2 $0x0  }
0x16: {  	s3 =	sld [smem:$0x3FDB];
	s0 =	simm.s32 @p2 $0x1  }
0x17: {  	s4 =	simm.s32 $0x1BF5;
	[smem:$0x3FAA] =	sst s0  }
0x18: {  	s0 =	sld [smem:$0x3F8D];
	_ =	swait.ge [sflag:s4], $0x0  }
0x19: {  	s7 =	sld [smem:$0x3F8E]  }
0x1a: {  	s8 =	sadd.s32 $0xFFFFE003, lr  }
0x1b: {  	s9 =	sadd.s32 $0xFFFFFEF7, lr;
	s5 =	simm.s32 $0xFFFFFFFF;
	p2 =	slt.u32 s8, $0xFFFFF086  }
0x1c: {  	p1 =	slt.u32 s9, $0xF7A;
	s5 =	simm.s32 @!p2 $0x0  }
0x1d: {  	s5 =	simm.s32 @p1 $0x1;
	p0 =	seq.s32 s7, s2  }
0x1e: {  	s7 =	smul.u32 @!p0 $0xF7A, s2;
	p2 =	seq.s32 @!p0 s5, $0x0  }
0x1f: {  	s9 =	smul.u32 $0xF7A, s1;
	s8 =	simm.s32 @!p0 $0x1BF5;
	p2 =	por !p2, p0  }
0x20: {  	[sflag:s8] =	ssyncset.s32 @!p0 $0xFFFFF086;
	s6 =	sadd.s32 @!p0 s3, s7;
	s7 =	simm.s32 @!p0 $0x108  }
0x21: {  	s3 =	sadd.s32 s3, s9;
	s6 =	sadd.s32 @!p0 $0x88, s6;
	s7 =	simm.s32 @p2 $0x1082  }
0x22: {  	[simem:s7], [sflag:s8] =	dma.local @!p0 [hbm:s6], $0xF7A  }
0x23: {  	s9 =	sor.u32 $0xD0000000, s2;
	s6 =	simm.s32 $0x108;
	_ =	swait.ge @!p0 [sflag:s8], $0x0  }
0x24: {  	s3 =	sadd.s32 $0x88, s3;
	s6 =	simm.s32 @!p1 $0x1082;
	[sflag:s4] =	ssyncset.s32 $0xFFFFF086  }
0x25: {  	[simem:s6], [sflag:s4] =	dma.local [hbm:s3], $0xF7A  }
0x26: {  	[smem:$0x3F8E] =	sst s1;
	(tag) =	ssettag s2;
	_ =	strace s9  }
0x27: {  	s1 =	sld [smem:$0x3F9E]  }
0x28: {  	s2 =	sld [smem:$0x3F9F]  }
0x29: {  	s4 =	sld [smem:$0x3FA1]  }
0x2a: {  	p0 =	seq.s32 s5, $0x0;
	s5 =	sld [smem:$0x3FA2]  }
0x2b: {  	s6 =	sld [smem:$0x3FA3]  }
0x2c: {  	s7 =	sld [smem:$0x3FA4]  }
0x2d: {  	s3 =	simm.s32 $0x108;
	s8 =	sld [smem:$0x3FA5]  }
0x2e: {  	s3 =	simm.s32 @!p0 $0x1082;
	s9 =	sld [smem:$0x3FA6]  }
0x2f: {  	lr =	sadd.s32 s0, s3;
	s0 =	sld [smem:$0x3F9D]  }
0x30: {  	s3 =	sld [smem:$0x3FA0]  }
0x31: {  	[smem:$0x3FA9] =	sst s10  }
0x32: {  	s10 =	sld [smem:$0x3FA7];
	_ =	sdelay $0x3  }
0x33: {  	p0 =	seq.s32 s10, $0x1;
	s10 =	sld [smem:$0x3FA9];
	_ =	sdelay $0x3  }
0x34: {  	[smem:$0x3FA9] =	sst s10  }
0x35: {  	s10 =	sld [smem:$0x3FA8];
	_ =	sdelay $0x3  }
0x36: {  	p1 =	seq.s32 s10, $0x1;
	s10 =	sld [smem:$0x3FA9];
	_ =	sdelay $0x3  }
0x37: {  	[smem:$0x3FA9] =	sst s10  }
0x38: {  	s10 =	sld [smem:$0x3FAA]  }
0x39: {  	_ = 	snop;
	(pc) =	sbr.ind lr, $3  }
0x3a: {  	_ = 	snop  }
0x3b: {  	_ = 	snop  }
0x3c: {  	p2 =	seq.s32 s10, $0x1;
	s10 =	sld [smem:$0x3FA9]  }
0x3d: {  	_ =	shalt  }
0x3e: {  	_ =	shalt  }
0x3f: {  	_ =	shalt  }
0x40: {  	_ =	shalt  }
0x41: {  	_ =	shalt  }
0x42: {  	_ =	shalt  }
0x43: {  	_ =	shalt  }
0x44: {  	_ =	shalt  }
0x45: {  	_ =	shalt  }
0x46: {  	_ =	shalt  }
0x47: {  	_ =	shalt  }
0x48: {  	_ =	shalt  }
0x49: {  	_ =	shalt  }
0x4a: {  	_ =	shalt  }
0x4b: {  	_ =	shalt  }
0x4c: {  	_ =	shalt  }
0x4d: {  	_ =	shalt  }
0x4e: {  	_ =	shalt  }
0x4f: {  	_ =	shalt  }
0x50: {  	_ =	shalt  }
0x51: {  	_ =	shalt  }
0x52: {  	_ =	shalt  }
0x53: {  	_ =	shalt  }
0x54: {  	_ =	shalt  }
0x55: {  	_ =	shalt  }
0x56: {  	_ =	shalt  }
0x57: {  	_ =	shalt  }
0x58: {  	_ =	shalt  }
0x59: {  	_ =	shalt  }
0x5a: {  	_ =	shalt  }
0x5b: {  	_ =	shalt  }
0x5c: {  	_ =	shalt  }
0x5d: {  	_ =	shalt  }
0x5e: {  	_ =	shalt  }
0x5f: {  	_ =	shalt  }
0x60: {  	_ =	shalt  }
0x61: {  	_ =	shalt  }
0x62: {  	_ =	shalt  }
0x63: {  	_ =	shalt  }
0x64: {  	_ =	shalt  }
0x65: {  	_ =	shalt  }
0x66: {  	_ =	shalt  }
0x67: {  	_ =	shalt  }
0x68: {  	_ =	shalt  }
0x69: {  	_ =	shalt  }
0x6a: {  	_ =	shalt  }
0x6b: {  	_ =	shalt  }
0x6c: {  	_ =	shalt  }
0x6d: {  	_ =	shalt  }
0x6e: {  	_ =	shalt  }
0x6f: {  	_ =	shalt  }
0x70: {  	_ =	shalt  }
0x71: {  	_ =	shalt  }
0x72: {  	_ =	shalt  }
0x73: {  	_ =	shalt  }
0x74: {  	_ =	shalt  }
0x75: {  	_ =	shalt  }
0x76: {  	_ =	shalt  }
0x77: {  	_ =	shalt  }
0x78: {  	_ =	shalt  }
0x79: {  	_ =	shalt  }
0x7a: {  	_ =	shalt  }
0x7b: {  	_ =	shalt  }
0x7c: {  	_ =	shalt  }
0x7d: {  	_ =	shalt  }
0x7e: {  	_ =	shalt  }
0x7f: {  	_ =	shalt  }
0x80: {  	_ =	shalt  }
0x81: {  	_ =	shalt  }
0x82: {  	_ =	shalt  }
0x83: {  	_ =	shalt  }
0x84: {  	_ =	shalt  }
0x85: {  	_ =	shalt  }
0x86: {  	_ =	shalt  }
0x87: {  	_ =	shalt  }
.Lfunc_end0:
.L_simem_size_0:
called_computation_lowered:
.L_overlay_start_0:
0x88: {  	s2 =	sld [smem:$0x3FD9]  }
0x89: {  	s3 =	sld [smem:$0x3FFE];
	_ =	sdelay $0x1  }
0x8a: {  	s1 =	srdreg.scid  }
0x8b: {  	s0 =	sand.u32 $0x1, s1  }
0x8c: {  	s17 =	sshll.u32 s0, $0xA;
	s2 =	sadd.s32 s3, s2  }
0x8d: {  	s2 =	sadd.s32 s2, s17  }
0x8e: {  	[smem:$0x3FB5] =	sst s2  }
0x8f: {  	_ = 	snop  }
0x90: {  	(tm) =	ssettm $0x1  }
0x91: {  	s18 =	sld [smem:$0x3FFB];
	_ =	sdelay $0x3  }
0x92: {  	_ =	strace s18  }
0x93: {  	s2 =	sld [smem:$0x3FFC];
	_ =	sdelay $0x3  }
0x94: {  	_ =	strace s2  }
0x95: {  	s2 =	sld [smem:$0x3FFD];
	_ =	sdelay $0x3  }
0x96: {  	_ =	strace s2  }
0x97: {  	_ =	strace $0x8FFFFFFF  }
0x98: {  	s19 =	sld [smem:$0x3FDB];
	_ =	sdelay $0x1  }
0x99: {  	s20 =	simm.s32 $_scs_section_size  }
0x9a: {  	s4 =	simm.s32 $_size__tile_overlayer_lowered;
	s5 =	simm.s32 $_tile_overlayer_lowered  }
0x9b: {  	s6 =	simm.s32 $0x1BFF;
	s21 =	sshll.u32 s5, $0x1;
	s3 =	sadd.s32 s20, s19  }
0x9c: {  	s22 =	simm.s32 $0x0;
	s4 =	sshll.u32 s4, $0x1;
	s5 =	sadd.s32 s21, s3  }
0x9d: {  	[timem:s22], [sflag:s6] =	dma.local [hbm:s5], s4  }
0x9e: {  	_ =	swait.ge [sflag:s6], s4  }
0x9f: {  	s4 =	ssub.s32 $0x0, s4;
	[sflag:s6] =	ssyncset.done $0x0  }
0xa0: {  	[sflag:s6] =	ssyncadd.s32 s4;
	_ =	sdelay $0x1  }
0xa1: {  	s23 =	simm.s32 $0x1B8B  }
0xa2: {  	_ =	swait.ge [sflag:s23], $0x1  }
0xa3: {  	[sflag:s23] =	ssyncset.done $0x0  }
0xa4: {  	[sflag:s23] =	ssyncadd.s32 $0xFFFFFFFF  }
0xa5: {  	s4 =	sld [smem:$0x0]  }
0xa6: {  	s5 =	sand.u32 $0xFFFFFFFE, s1  }
0xa7: {  	p0 =	sne.s32 s1, s5  }
0xa8: {  	s5 =	sshll.u32 @p0 s5, $0xE  }
0xa9: {  	s5 =	sadd.s32 @p0 $0x11B8D, s5;
	s6 =	sshll.u32 @p0 s4, $0x11  }
0xaa: {  	s5 =	sor.u32 @p0 s6, s5  }
0xab: {  	[sflag:s5] =	ssyncadd.remote.s32 @p0 $0x1;
	_ =	sdelay $0x1  }
0xac: {  	s5 =	simm.s32 @p0 $0x1B8D  }
0xad: {  	_ =	swait.eq @p0 [sflag:s5], $0x1  }
0xae: {  	[sflag:s5] =	ssyncadd.s32 @p0 $0xFFFFFFFF  }
0xaf: {  	s6 =	sshll.u32 @!p0 s1, $0xE  }
0xb0: {  	s6 =	sor.u32 @!p0 $0x4000, s6;
	s5 =	simm.s32 @!p0 $0x1B8D  }
0xb1: {  	s4 =	sshll.u32 @!p0 s4, $0x11;
	s6 =	sadd.s32 @!p0 $0x11B8D, s6;
	_ =	swait.eq @!p0 [sflag:s5], $0x1  }
0xb2: {  	s4 =	sor.u32 @!p0 s4, s6;
	[sflag:s5] =	ssyncadd.s32 @!p0 $0xFFFFFFFF  }
0xb3: {  	s25 =	simm.s32 $0x1B8E;
	s24 =	sld [smem:$0x3FFE];
	[sflag:s4] =	ssyncadd.remote.s32 @!p0 $0x1  }
0xb4: {  	s26 =	simm.s32 $execute0_lowered;
	[smem:$0x3FD2] =	sst s25  }
0xb5: {  	s5 =	sshll.u32 s26, $0x1;
	_ =	strace $0x80000049;
	[dreg:$0x1] =	wrdreg $0xFFFFFFFF  }
0xb6: {  	s28 =	simm.s32 $_size_execute0_lowered;
	s3 =	sadd.s32 s3, s5;
	[dreg:$0x0] =	wrdreg $0x0  }
0xb7: {  	s5 =	sshll.u32 s28, $0x1;
	[dreg:$0x2] =	wrdreg s3  }
0xb8: {  	[dreg:$0x3] =	wrdreg s5  }
0xb9: {  	[dreg:$0x4] =	wrdreg $0xC0  }
0xba: {  	_ =	task [dreg:s22], $0x5FFFF  }
0xbb: {  	[dreg:$0x1] =	wrdreg $0xFFFFFFFF  }
0xbc: {  	[dreg:$0x0] =	wrdreg $0x60  }
0xbd: {  	[dreg:$0x2] =	wrdreg s24  }
0xbe: {  	[dreg:$0x3] =	wrdreg $0x9  }
0xbf: {  	_ =	task.clear_ibuf [dreg:s22], $0x4FFFF;
	_ =	strace $0x90000049  }
0xc0: {  	s29 =	simm.s32 $0x9;
	_ =	strace $0x8000004B  }
0xc1: {  	_ =	swait.ge [sflag:s29], $0x1  }
0xc2: {  	[sflag:s29] =	ssyncadd.s32 $0xFFFFFFFF  }
0xc3: {  	_ =	strace $0x9000004B  }
0xc4: {  	_ =	sfence  }
0xc5: {  	s30 =	sld [smem:$0x0];
	_ =	sdelay $0x2  }
0xc6: {  	s31 =	sshll.u32 s1, $0xD;
	s1 =	sshrl.u32 s1, $0x2  }
0xc7: {  	s4 =	sand.u32 $0x4000, s31;
	s1 =	sadd.s32 s1, s30  }
0xc8: {  	s0 =	sor.u32 s4, s0;
	s1 =	sshll.u32 s1, $0x11  }
0xc9: {  	s0 =	sor.u32 s1, s0  }
0xca: {  	s0 =	sadd.s32 $0x8F2B, s0  }
0xcb: {  	[sflag:s0] =	ssyncadd.remote.s32 $0x1  }
0xcc: {  	_ =	sfence.sel $0xFFFF  }
0xcd: {  	[dreg:$0x0] =	wrdreg $0xFFFFFFFF;
	(pc) =	sbr.abs _section_cstart, $3  }
0xce: {  	[dreg:$0x1] =	wrdreg $0xFFFFFFFF  }
0xcf: {  	_ =	task.clear_ibuf [dreg:s22], $0x2FFFF;
	_ =	strace $0x9FFFFFFF  }
0xd0: {  	(tm) =	ssettm $0x7FFFFFFF  }
0xd1: {  	_ =	shalt  }
tec
execute0_lowered:
.L_overlay_start_1:
0x0: {  	(tag) =	ssettag $0x1  }
0x1: {  	s4 =	rddreg [dreg:$0x0];
	s2 =	simm.s32 $0x0;
	s0 =	stileid.u32  }
0x2: {  	s3 =	srdreg.scid;
	[smem:$0x7FF] =	sst s2  }
0x3: {  	s7 =	sand.u32 $0x1, s3;
	s5 =	smul.u32 $0x188000, s0;
	s6 =	sshll.u32 s0, $0x5  }
0x4: {  	s3 =	sadd.s32 $0x803A00, s4;
	_ =	strace $0x8000004A;
	s8 =	ssub.s32 $0x2, s7  }
0x5: {  	s9 =	smul.u32 $0xC4000, s7;
	s10 =	sadd.s32 s6, s4;
	s7 =	sshll.u32 s7, $0x4  }
0x6: {  	s6 =	sadd.s32 $0x314800, s4;
	s11 =	sshrl.u32 s8, $0x1;
	s7 =	sadd.s32 s7, s10  }
0x7: {  	s10 =	simm.s32 $0x30;
	s23 =	ssub.s32 s8, s11;
	s5 =	sadd.s32 s9, s5  }
0x8: {  	s4 =	smax.u32 s23, $0x1;
	s24 =	sadd.s32 $0x15060, s5;
	s9 =	sadd.s32 $0x11860, s5  }
0x9: {  	s25 =	sadd.s32 $0xE060, s5;
	s30 =	sadd.s32 $0xA860, s5;
	s0 =	sadd.s32 $0x7060, s5  }
0xa: {  	s1 =	sor.u32 $0x3860, s5;
	s14 =	sadd.s32 $0x15000, s5;
	s16 =	sadd.s32 $0x11800, s5  }
0xb: {  	s17 =	sadd.s32 $0xE000, s5;
	s21 =	sadd.s32 $0xA800, s5;
	s23 =	sadd.s32 $0x7000, s5  }
0xc: {  	s8 =	sshrl.u32 s24, $0x3;
	s9 =	sshrl.u32 s9, $0x3;
	s28 =	sshrl.u32 s25, $0x3  }
0xd: {  	s31 =	sshrl.u32 s30, $0x3;
	s12 =	sshrl.u32 s1, $0x3;
	s15 =	sshrl.u32 s14, $0x3  }
0xe: {  	s19 =	sshrl.u32 s17, $0x3;
	s22 =	sshrl.u32 s21, $0x3;
	s24 =	sor.u32 $0x3800, s5  }
0xf: {  	s14 =	simm.s32 $0x180;
	s17 =	simm.s32 $0xD540;
	s21 =	simm.s32 $0x80  }
0x10: {  	s8 =	sadd.s32 s8, s6;
	s26 =	sadd.s32 s9, s6;
	[dreg:$0x12] =	wrdreg s14  }
0x11: {  	v0 =	vlaneseq.u32;
	s29 =	sadd.s32 s28, s6;
	s9 =	sshrl.u32 s0, $0x3;
	[dreg:$0x2] =	wrdreg s8  }
0x12: {  	v4 =	vmul.u32 $0x31, v0;
	s13 =	sadd.s32 s12, s6;
	s20 =	sadd.s32 s19, s6;
	[dreg:$0x3] =	wrdreg s26  }
0x13: {  	v3 =	vimm.f32 $0.0e+00;
	s12 =	simm.s32 $0xA0;
	s14 =	simm.s32 $0x5740;
	[dreg:$0x4] =	wrdreg s29  }
0x14: {  	v1 =	vadd.s32 $0x1, v4;
	v63 =	vadd.s32 $0x2, v4;
	v0 =	vadd.s32 $0x3, v4;
	s19 =	simm.s32 $0x1;
	s8 =	sadd.s32 s31, s6;
	[dreg:$0x7] =	wrdreg s13  }
0x15: {  	v5 =	vadd.s32 $0x4, v4;
	v6 =	vadd.s32 $0x5, v4;
	v7 =	vadd.s32 $0x6, v4;
	s11 =	sadd.s32 s9, s6;
	s9 =	sshrl.u32 s16, $0x3;
	[dreg:$0xa] =	wrdreg s20  }
0x16: {  	v8 =	vadd.s32 $0x7, v4;
	v12 =	vadd.s32 $0x9, v4;
	v11 =	vadd.s32 $0xA, v4;
	s26 =	sshrl.u32 s24, $0x3;
	s29 =	sshrl.u32 s5, $0x3;
	[dreg:$0x10] =	wrdreg s12  }
0x17: {  	v2 =	vadd.s32 $0xB, v4;
	v13 =	vadd.s32 $0xC, v4;
	v14 =	vadd.s32 $0xD, v4;
	s5 =	sadd.s32 $0x314200, s7;
	s31 =	simm.s32 $0x10;
	[dreg:$0x5] =	wrdreg s8  }
0x18: {  	v15 =	vadd.s32 $0xE, v4;
	v16 =	vadd.s32 $0xF, v4;
	v17 =	vadd.s32 $0x10, v4;
	s13 =	simm.s32 $0x110;
	s12 =	simm.s32 $0x340;
	[dreg:$0x6] =	wrdreg s11  }
0x19: {  	v18 =	vadd.s32 $0x11, v4;
	v19 =	vadd.s32 $0x12, v4;
	v20 =	vadd.s32 $0x13, v4;
	s16 =	simm.s32 $0x260;
	s20 =	simm.s32 $0x60;
	[dreg:$0xf] =	wrdreg s31  }
0x1a: {  	v21 =	vadd.s32 $0x14, v4;
	v22 =	vadd.s32 $0x15, v4;
	v23 =	vadd.s32 $0x16, v4;
	s8 =	sadd.s32 s15, s6;
	s18 =	sadd.s32 s9, s6;
	[dreg:$0x11] =	wrdreg s13  }
0x1b: {  	v24 =	vadd.s32 $0x17, v4;
	v25 =	vadd.s32 $0x18, v4;
	v26 =	vadd.s32 $0x19, v4;
	s9 =	sshrl.u32 s23, $0x3;
	s28 =	sadd.s32 s26, s6;
	[dreg:$0x14] =	wrdreg s16  }
0x1c: {  	v27 =	vadd.s32 $0x1A, v4;
	v28 =	vadd.s32 $0x1B, v4;
	v29 =	vadd.s32 $0x1C, v4;
	s30 =	sadd.s32 s29, s6;
	s11 =	simm.s32 $0x70;
	[dreg:$0x8] =	wrdreg s8  }
0x1d: {  	v30 =	vadd.s32 $0x1D, v4;
	v31 =	vadd.s32 $0x1E, v4;
	v32 =	vadd.s32 $0x1F, v4;
	s13 =	simm.s32 $0x2D40;
	s15 =	simm.s32 $0x1F0;
	[dreg:$0x9] =	wrdreg s18  }
0x1e: {  	v33 =	vadd.s32 $0x20, v4;
	v34 =	vadd.s32 $0x21, v4;
	v35 =	vadd.s32 $0x22, v4;
	s16 =	simm.s32 $0xAB40;
	s23 =	simm.s32 $0x0;
	[dreg:$0xd] =	wrdreg s28  }
0x1f: {  	v36 =	vadd.s32 $0x23, v4;
	v37 =	vadd.s32 $0x24, v4;
	v38 =	vadd.s32 $0x25, v4;
	s8 =	sadd.s32 s22, s6;
	s25 =	sadd.s32 s9, s6;
	[dreg:$0xe] =	wrdreg s30  }
0x20: {  	v9 =	vadd.s32 $0x8, v4;
	v39 =	vadd.s32 $0x26, v4;
	v40 =	vadd.s32 $0x27, v4;
	s6 =	sadd.s32 $0x314400, s7;
	s7 =	sadd.s32 $0x314600, s7;
	[dreg:$0x13] =	wrdreg s15  }
0x21: {  	v41 =	vadd.s32 $0x28, v4;
	v42 =	vadd.s32 $0x29, v4;
	v43 =	vadd.s32 $0x2A, v4;
	s9 =	simm.s32 $0x20;
	s15 =	simm.s32 $0x8140;
	[dreg:$0xb] =	wrdreg s8  }
0x22: {  	v44 =	vadd.s32 $0x2B, v4;
	v45 =	vadd.s32 $0x2C, v4;
	v46 =	vadd.s32 $0x2D, v4;
	[tilespmem:$0x1FFE0] =	vst v2;
	s18 =	simm.s32 $0x2D0;
	s22 =	simm.s32 $0x12940;
	[dreg:$0xc] =	wrdreg s25  }
0x23: {  	v47 =	vadd.s32 $0x2E, v4;
	v48 =	vadd.s32 $0x2F, v4;
	v49 =	vadd.s32 $0x30, v4;
	[tilespmem:$0x1FFF0] =	vst v11;
	v2 =	vmovc v4;
	s8 =	simm.s32 $0x2;
	[dreg:$0x15] =	wrdreg s18;
	s18 =	simm.s32 $0xFF40  }
.LBB2_1:
0x24: {  	s24 =	simm.s32 $0x0  }
.LBB2_2:
0x25: {  	p0 =	sne.s32 s24, $0x3780  }
.Ltmp0:
0x26: {  	_ = 	snop;
	(pc) =	sbr.rel @p0 .LBB2_2-.Ltmp0, $4  }
0x27: {  	_ = 	snop  }
0x28: {  	s25 =	sshra.s32 s24, $0x2  }
0x29: {  	[tilespmem:s25+$0x12940] =	vst v3  }
0x2a: {  	s24 =	sadd.s32 $0x80, s24;
	[tilespmem:s25+$0x12950] =	vst v3  }
0x2b: {  	[tilespmem:s2], [sflag:$0x2] =	stream.linear.gather [hbm4b:s7+s2], $0x10, $0x38;
	[tilespmem:$0x13740] =	vst v63  }
0x2c: {  	_ =	swait.ge [sflag:s8], $0x10  }
0x2d: {  	[sflag:s8] =	ssyncset.done $0x0  }
0x2e: {  	s24 =	rddreg [dreg:$0xf];
	[sflag:s8] =	ssyncadd.s32 $0xFFFFFFF0  }
0x2f: {  	[tilespmem:s24], [sflag:$0x2] =	stream.linear.gather [hbm4b:s6+s2], $0x10, $0x38;
	[tilespmem:$0x13740] =	vst v63  }
0x30: {  	_ =	swait.ge [sflag:s8], $0x10  }
0x31: {  	[sflag:s8] =	ssyncset.done $0x0  }
0x32: {  	[sflag:s8] =	ssyncadd.s32 $0xFFFFFFF0  }
0x33: {  	[tilespmem:s9], [sflag:$0x2] =	stream.linear.gather [hbm4b:s5+s2], $0x10, $0x38;
	[tilespmem:$0x13740] =	vst v63  }
0x34: {  	_ =	swait.ge [sflag:s8], $0x10  }
0x35: {  	[sflag:s8] =	ssyncset.done $0x0  }
0x36: {  	[sflag:s8] =	ssyncadd.s32 $0xFFFFFFF0  }
0x37: {  	v50 =	vld [tilespmem:$0x0]  }
0x38: {  	v53 =	vld [tilespmem:$0x10]  }
0x39: {  	v54 =	vld [tilespmem:$0x20];
	_ =	sdelay $0x3  }
0x3a: {  	v50 =	vshll.u32 v50, $0x12;
	v51 =	vadd.s32 $0xFFFFFFFD, v53;
	v55 =	vadd.s32 $0xFFFFFFFE, v53  }
0x3b: {  	v52 =	vadd.s32 $0xFFFFFFFD, v54;
	v56 =	vadd.s32 $0xFFFFFFFF, v54;
	v57 =	vadd.s32 $0xFFFFFFFE, v54  }
0x3c: {  	vm5 =	vgt.s32 v54, $0x0;
	v60 =	vadd.s32 $0x1, v54;
	v62 =	vadd.s32 $0x2, v54  }
0x3d: {  	vm0 =	vgt.s32 v51, $0x0;
	vm4 =	vgt.s32 v56, $0x0;
	vm1 =	vgt.s32 v52, $0x0  }
0x3e: {  	vm6 =	vgt.s32 v57, $0x0;
	v61 =	vnsel vm5, $0x0, v54;
	vm7 =	vgt.s32 v60, $0x0  }
0x3f: {  	vm8 =	vgt.s32 v62, $0x0;
	v54 =	vadd.s32 $0x3, v54;
	v51 =	vnsel vm0, $0x0, v51  }
0x40: {  	vm9 =	vgt.s32 v55, $0x0;
	v56 =	vnsel vm4, $0x0, v56;
	v51 =	vmin.u32 v51, $0x1FF  }
0x41: {  	v52 =	vnsel vm1, $0x0, v52;
	v57 =	vnsel vm6, $0x0, v57;
	v58 =	vshll.u32 v51, $0x9  }
0x42: {  	v52 =	vmin.u32 v52, $0x1FF;
	v51 =	vmin.u32 v56, $0x1FF;
	v56 =	vor.u32 v50, v58  }
0x43: {  	v60 =	vnsel vm7, $0x0, v60;
	v57 =	vmin.u32 v57, $0x1FF;
	v58 =	vor.u32 v52, v56  }
0x44: {  	v62 =	vnsel vm8, $0x0, v62;
	vm10 =	vgt.s32 v54, $0x0;
	[tilespmem:v2+s10+$0x0] =	vst.idx.msk $0xffff, v58;
	v58 =	vor.u32 v57, v56  }
0x45: {  	v55 =	vnsel vm9, $0x0, v55;
	v59 =	vor.u32 v51, v56;
	[tilespmem:v1+s10+$0x0] =	vst.idx.msk $0xffff, v58;
	v58 =	vmin.u32 v61, $0x1FF  }
0x46: {  	v60 =	vmin.u32 v60, $0x1FF;
	v55 =	vmin.u32 v55, $0x1FF;
	[tilespmem:v63+s10+$0x0] =	vst.idx.msk $0xffff, v59;
	v59 =	vor.u32 v58, v56  }
0x47: {  	v3 =	vld [tilespmem:$0x1FFE0];
	v54 =	vnsel vm10, $0x0, v54;
	v61 =	vmin.u32 v62, $0x1FF;
	[tilespmem:v0+s10+$0x0] =	vst.idx.msk $0xffff, v59;
	v59 =	vor.u32 v60, v56  }
0x48: {  	v54 =	vmin.u32 v54, $0x1FF;
	v55 =	vshll.u32 v55, $0x9;
	v62 =	vor.u32 v61, v56;
	[tilespmem:v5+s10+$0x0] =	vst.idx.msk $0xffff, v59  }
0x49: {  	v55 =	vor.u32 v50, v55;
	v56 =	vor.u32 v54, v56;
	[tilespmem:v6+s10+$0x0] =	vst.idx.msk $0xffff, v62  }
0x4a: {  	v62 =	vor.u32 v52, v55;
	[tilespmem:v7+s10+$0x0] =	vst.idx.msk $0xffff, v56  }
0x4b: {  	v59 =	vadd.s32 $0xFFFFFFFF, v53;
	[tilespmem:v8+s10+$0x0] =	vst.idx.msk $0xffff, v62;
	v62 =	vor.u32 v57, v55  }
0x4c: {  	vm11 =	vgt.s32 v59, $0x0;
	[tilespmem:v9+s10+$0x0] =	vst.idx.msk $0xffff, v62;
	v62 =	vor.u32 v51, v55  }
0x4d: {  	v59 =	vnsel vm11, $0x0, v59;
	[tilespmem:v12+s10+$0x0] =	vst.idx.msk $0xffff, v62;
	v62 =	vor.u32 v58, v55  }
0x4e: {  	v59 =	vmin.u32 v59, $0x1FF;
	[tilespmem:v11+s10+$0x0] =	vst.idx.msk $0xffff, v62;
	v62 =	vor.u32 v60, v55  }
0x4f: {  	v59 =	vshll.u32 v59, $0x9;
	[tilespmem:v3+s10+$0x0] =	vst.idx.msk $0xffff, v62;
	v62 =	vor.u32 v61, v55  }
0x50: {  	v56 =	vor.u32 v50, v59;
	v55 =	vor.u32 v54, v55;
	[tilespmem:v13+s10+$0x0] =	vst.idx.msk $0xffff, v62  }
0x51: {  	v59 =	vor.u32 v52, v56;
	[tilespmem:v14+s10+$0x0] =	vst.idx.msk $0xffff, v55  }
0x52: {  	v62 =	vor.u32 v57, v56;
	[tilespmem:v15+s10+$0x0] =	vst.idx.msk $0xffff, v59  }
0x53: {  	vm12 =	vgt.s32 v53, $0x0;
	v59 =	vor.u32 v51, v56;
	[tilespmem:v16+s10+$0x0] =	vst.idx.msk $0xffff, v62  }
0x54: {  	v55 =	vnsel vm12, $0x0, v53;
	v62 =	vor.u32 v58, v56;
	[tilespmem:v17+s10+$0x0] =	vst.idx.msk $0xffff, v59  }
0x55: {  	v55 =	vmin.u32 v55, $0x1FF;
	[tilespmem:v18+s10+$0x0] =	vst.idx.msk $0xffff, v62;
	v62 =	vor.u32 v60, v56  }
0x56: {  	v55 =	vshll.u32 v55, $0x9;
	[tilespmem:v19+s10+$0x0] =	vst.idx.msk $0xffff, v62;
	v62 =	vor.u32 v61, v56  }
0x57: {  	v55 =	vor.u32 v50, v55;
	v56 =	vor.u32 v54, v56;
	[tilespmem:v20+s10+$0x0] =	vst.idx.msk $0xffff, v62  }
0x58: {  	v62 =	vor.u32 v52, v55;
	[tilespmem:v21+s10+$0x0] =	vst.idx.msk $0xffff, v56  }
0x59: {  	v59 =	vadd.s32 $0x1, v53;
	[tilespmem:v22+s10+$0x0] =	vst.idx.msk $0xffff, v62;
	v62 =	vor.u32 v57, v55  }
0x5a: {  	vm13 =	vgt.s32 v59, $0x0;
	[tilespmem:v23+s10+$0x0] =	vst.idx.msk $0xffff, v62;
	v62 =	vor.u32 v51, v55  }
0x5b: {  	v59 =	vnsel vm13, $0x0, v59;
	[tilespmem:v24+s10+$0x0] =	vst.idx.msk $0xffff, v62;
	v62 =	vor.u32 v58, v55  }
0x5c: {  	v59 =	vmin.u32 v59, $0x1FF;
	[tilespmem:v25+s10+$0x0] =	vst.idx.msk $0xffff, v62;
	v62 =	vor.u32 v60, v55  }
0x5d: {  	v59 =	vshll.u32 v59, $0x9;
	[tilespmem:v26+s10+$0x0] =	vst.idx.msk $0xffff, v62;
	v62 =	vor.u32 v61, v55  }
0x5e: {  	v56 =	vor.u32 v50, v59;
	v55 =	vor.u32 v54, v55;
	[tilespmem:v27+s10+$0x0] =	vst.idx.msk $0xffff, v62  }
0x5f: {  	v62 =	vor.u32 v52, v56;
	[tilespmem:v28+s10+$0x0] =	vst.idx.msk $0xffff, v55  }
0x60: {  	v59 =	vadd.s32 $0x2, v53;
	[tilespmem:v29+s10+$0x0] =	vst.idx.msk $0xffff, v62;
	v62 =	vor.u32 v57, v56  }
0x61: {  	vm14 =	vgt.s32 v59, $0x0;
	[tilespmem:v30+s10+$0x0] =	vst.idx.msk $0xffff, v62;
	v62 =	vor.u32 v51, v56  }
0x62: {  	v59 =	vnsel vm14, $0x0, v59;
	[tilespmem:v31+s10+$0x0] =	vst.idx.msk $0xffff, v62;
	v62 =	vor.u32 v58, v56  }
0x63: {  	v59 =	vmin.u32 v59, $0x1FF;
	[tilespmem:v32+s10+$0x0] =	vst.idx.msk $0xffff, v62;
	v62 =	vor.u32 v60, v56  }
0x64: {  	v59 =	vshll.u32 v59, $0x9;
	[tilespmem:v33+s10+$0x0] =	vst.idx.msk $0xffff, v62;
	v62 =	vor.u32 v61, v56  }
0x65: {  	[tilespmem:v34+s10+$0x0] =	vst.idx.msk $0xffff, v62;
	v62 =	vor.u32 v54, v56;
	v56 =	vor.u32 v50, v59  }
0x66: {  	[tilespmem:v35+s10+$0x0] =	vst.idx.msk $0xffff, v62;
	v59 =	vor.u32 v52, v56  }
0x67: {  	v53 =	vadd.s32 $0x3, v53;
	v62 =	vor.u32 v57, v56;
	[tilespmem:v36+s10+$0x0] =	vst.idx.msk $0xffff, v59  }
0x68: {  	vm15 =	vgt.s32 v53, $0x0;
	v59 =	vor.u32 v51, v56;
	[tilespmem:v37+s10+$0x0] =	vst.idx.msk $0xffff, v62  }
0x69: {  	v53 =	vnsel vm15, $0x0, v53;
	v62 =	vor.u32 v58, v56;
	[tilespmem:v38+s10+$0x0] =	vst.idx.msk $0xffff, v59  }
0x6a: {  	v53 =	vmin.u32 v53, $0x1FF;
	v59 =	vor.u32 v60, v56;
	[tilespmem:v39+s10+$0x0] =	vst.idx.msk $0xffff, v62  }
0x6b: {  	v53 =	vshll.u32 v53, $0x9;
	v62 =	vor.u32 v61, v56;
	[tilespmem:v40+s10+$0x0] =	vst.idx.msk $0xffff, v59  }
0x6c: {  	v50 =	vor.u32 v50, v53;
	v56 =	vor.u32 v54, v56;
	[tilespmem:v41+s10+$0x0] =	vst.idx.msk $0xffff, v62  }
0x6d: {  	v52 =	vor.u32 v52, v50;
	[tilespmem:v42+s10+$0x0] =	vst.idx.msk $0xffff, v56  }
0x6e: {  	v57 =	vor.u32 v57, v50;
	[tilespmem:v43+s10+$0x0] =	vst.idx.msk $0xffff, v52  }
0x6f: {  	v51 =	vor.u32 v51, v50;
	[tilespmem:v44+s10+$0x0] =	vst.idx.msk $0xffff, v57  }
0x70: {  	v59 =	vor.u32 v58, v50;
	[tilespmem:v45+s10+$0x0] =	vst.idx.msk $0xffff, v51  }
0x71: {  	v60 =	vor.u32 v60, v50;
	[tilespmem:v46+s10+$0x0] =	vst.idx.msk $0xffff, v59  }
0x72: {  	v62 =	vor.u32 v61, v50;
	[tilespmem:v47+s10+$0x0] =	vst.idx.msk $0xffff, v60  }
0x73: {  	v50 =	vor.u32 v54, v50;
	[tilespmem:v48+s10+$0x0] =	vst.idx.msk $0xffff, v62  }
0x74: {  	[tilespmem:v49+s10+$0x0] =	vst.idx.msk $0xffff, v50  }
0x75: {  	[tilespmem:s12], [sflag:$0x1] =	stream.indirect.gather [hbm4b:s3+s11], $0x60, s10, s11, $0xb8;
	[tilespmem:$0x13740] =	vst v63  }
0x76: {  	s30 =	rddreg [dreg:$0x10]  }
0x77: {  	[tilespmem:s13], [sflag:$0x1] =	stream.indirect.gather [hbm4b:s3+s11], $0x60, s30, s11, $0xb8;
	[tilespmem:$0x13740] =	vst v63  }
0x78: {  	s25 =	rddreg [dreg:$0x11]  }
0x79: {  	[tilespmem:s14], [sflag:$0x1] =	stream.indirect.gather [hbm4b:s3+s11], $0x60, s25, s11, $0xb8;
	[tilespmem:$0x13740] =	vst v63  }
0x7a: {  	s31 =	rddreg [dreg:$0x12]  }
0x7b: {  	[tilespmem:s15], [sflag:$0x1] =	stream.indirect.gather [hbm4b:s3+s11], $0x60, s31, s11, $0xb8;
	[tilespmem:$0x13740] =	vst v63  }
0x7c: {  	s0 =	rddreg [dreg:$0x13]  }
0x7d: {  	[tilespmem:s16], [sflag:$0x1] =	stream.indirect.gather [hbm4b:s3+s11], $0x60, s0, s11, $0xb8;
	[tilespmem:$0x13740] =	vst v63  }
0x7e: {  	s1 =	rddreg [dreg:$0x14]  }
0x7f: {  	[tilespmem:s17], [sflag:$0x1] =	stream.indirect.gather [hbm4b:s3+s11], $0x60, s1, s11, $0xb8;
	[tilespmem:$0x13740] =	vst v63  }
0x80: {  	s26 =	rddreg [dreg:$0x15]  }
0x81: {  	[tilespmem:s18], [sflag:$0x1] =	stream.indirect.gather [hbm4b:s3+s11], $0x60, s26, s11, $0xb8;
	[tilespmem:$0x13740] =	vst v63  }
0x82: {  	_ =	swait.ge [sflag:s19], $0x2A00  }
0x83: {  	[sflag:s19] =	ssyncset.done $0x0  }
0x84: {  	[sflag:s19] =	ssyncadd.s32 $0xFFFFD600  }
0x85: {  	_ =	swait.ge [sflag:s19], $0x2A00  }
0x86: {  	[sflag:s19] =	ssyncset.done $0x0  }
0x87: {  	[sflag:s19] =	ssyncadd.s32 $0xFFFFD600  }
0x88: {  	_ =	swait.ge [sflag:s19], $0x2A00  }
0x89: {  	[sflag:s19] =	ssyncset.done $0x0  }
0x8a: {  	[sflag:s19] =	ssyncadd.s32 $0xFFFFD600  }
0x8b: {  	_ =	swait.ge [sflag:s19], $0x2A00  }
0x8c: {  	[sflag:s19] =	ssyncset.done $0x0  }
0x8d: {  	[sflag:s19] =	ssyncadd.s32 $0xFFFFD600  }
0x8e: {  	_ =	swait.ge [sflag:s19], $0x2A00  }
0x8f: {  	[sflag:s19] =	ssyncset.done $0x0  }
0x90: {  	[sflag:s19] =	ssyncadd.s32 $0xFFFFD600  }
0x91: {  	_ =	swait.ge [sflag:s19], $0x2A00  }
0x92: {  	[sflag:s19] =	ssyncset.done $0x0  }
0x93: {  	[sflag:s19] =	ssyncadd.s32 $0xFFFFD600  }
0x94: {  	_ =	swait.ge [sflag:s19], $0x2A00  }
0x95: {  	s29 =	rddreg [dreg:$0xe];
	[sflag:s19] =	ssyncset.done $0x0  }
0x96: {  	s30 =	rddreg [dreg:$0xd];
	[sflag:s19] =	ssyncadd.s32 $0xFFFFD600;
	s24 =	sadd.s32 $0x0, s29  }
0x97: {  	[hbm4b:s24+s20] =	stream.strided.scatter [tilespmem:s12], [sflag:$0x1], $0x2A00, s21, s20, $0x38;
	[tilespmem:$0x13740] =	vst v63  }
0x98: {  	s26 =	rddreg [dreg:$0xc];
	s25 =	sadd.s32 $0x0, s30  }
0x99: {  	[hbm4b:s25+s20] =	stream.strided.scatter [tilespmem:s13], [sflag:$0x1], $0x2A00, s21, s20, $0x38;
	[tilespmem:$0x13740] =	vst v63  }
0x9a: {  	s28 =	rddreg [dreg:$0xb];
	s31 =	sadd.s32 $0x0, s26  }
0x9b: {  	[hbm4b:s31+s20] =	stream.strided.scatter [tilespmem:s14], [sflag:$0x1], $0x2A00, s21, s20, $0x38;
	[tilespmem:$0x13740] =	vst v63  }
0x9c: {  	s0 =	rddreg [dreg:$0xa];
	s1 =	sadd.s32 $0x0, s28  }
0x9d: {  	[hbm4b:s1+s20] =	stream.strided.scatter [tilespmem:s15], [sflag:$0x1], $0x2A00, s21, s20, $0x38;
	[tilespmem:$0x13740] =	vst v63  }
0x9e: {  	s28 =	rddreg [dreg:$0x9];
	s26 =	sadd.s32 $0x0, s0  }
0x9f: {  	[hbm4b:s26+s20] =	stream.strided.scatter [tilespmem:s16], [sflag:$0x1], $0x2A00, s21, s20, $0x38;
	[tilespmem:$0x13740] =	vst v63  }
0xa0: {  	s29 =	rddreg [dreg:$0x8];
	s30 =	sadd.s32 $0x0, s28  }
0xa1: {  	[hbm4b:s30+s20] =	stream.strided.scatter [tilespmem:s17], [sflag:$0x1], $0x2A00, s21, s20, $0x38;
	[tilespmem:$0x13740] =	vst v63  }
0xa2: {  	s31 =	sadd.s32 $0x0, s29  }
0xa3: {  	[hbm4b:s31+s20] =	stream.strided.scatter [tilespmem:s18], [sflag:$0x1], $0x2A00, s21, s20, $0x38;
	[tilespmem:$0x13740] =	vst v63  }
0xa4: {  	s0 =	rddreg [dreg:$0x7];
	s24 =	sadd.s32 $0xC, s24  }
0xa5: {  	[hbm4b:s24+s9] =	stream.strided.scatter [tilespmem:s22], [sflag:$0x1], $0xE00, s21, s9, $0x38;
	[tilespmem:$0x13740] =	vst v63  }
0xa6: {  	s1 =	rddreg [dreg:$0x6];
	s26 =	sadd.s32 $0x0, s0  }
0xa7: {  	[hbm4b:s26+s9] =	stream.strided.scatter [tilespmem:s22], [sflag:$0x1], $0xE00, s21, s9, $0x38;
	[tilespmem:$0x13740] =	vst v63  }
0xa8: {  	s29 =	rddreg [dreg:$0x5];
	s30 =	sadd.s32 $0x0, s1  }
0xa9: {  	[hbm4b:s30+s9] =	stream.strided.scatter [tilespmem:s22], [sflag:$0x1], $0xE00, s21, s9, $0x38;
	[tilespmem:$0x13740] =	vst v63  }
0xaa: {  	s0 =	sadd.s32 $0x0, s29;
	s31 =	rddreg [dreg:$0x4]  }
0xab: {  	[hbm4b:s0+s9] =	stream.strided.scatter [tilespmem:s22], [sflag:$0x1], $0xE00, s21, s9, $0x38;
	[tilespmem:$0x13740] =	vst v63  }
0xac: {  	s1 =	rddreg [dreg:$0x3];
	s25 =	sadd.s32 $0x0, s31  }
0xad: {  	[hbm4b:s25+s9] =	stream.strided.scatter [tilespmem:s22], [sflag:$0x1], $0xE00, s21, s9, $0x38;
	[tilespmem:$0x13740] =	vst v63  }
0xae: {  	s29 =	rddreg [dreg:$0x2];
	s30 =	sadd.s32 $0x0, s1  }
0xaf: {  	[hbm4b:s30+s9] =	stream.strided.scatter [tilespmem:s22], [sflag:$0x1], $0xE00, s21, s9, $0x38;
	[tilespmem:$0x13740] =	vst v63  }
0xb0: {  	s31 =	sadd.s32 $0x0, s29  }
0xb1: {  	[hbm4b:s31+s9] =	stream.strided.scatter [tilespmem:s22], [sflag:$0x1], $0xE00, s21, s9, $0x38;
	[tilespmem:$0x13740] =	vst v63  }
0xb2: {  	_ =	swait.ge [sflag:s19], $0x2A00  }
0xb3: {  	[sflag:s19] =	ssyncset.done $0x0  }
0xb4: {  	[sflag:s19] =	ssyncadd.s32 $0xFFFFD600  }
0xb5: {  	_ =	swait.ge [sflag:s19], $0x2A00  }
0xb6: {  	[sflag:s19] =	ssyncset.done $0x0  }
0xb7: {  	[sflag:s19] =	ssyncadd.s32 $0xFFFFD600  }
0xb8: {  	_ =	swait.ge [sflag:s19], $0x2A00  }
0xb9: {  	[sflag:s19] =	ssyncset.done $0x0  }
0xba: {  	[sflag:s19] =	ssyncadd.s32 $0xFFFFD600  }
0xbb: {  	_ =	swait.ge [sflag:s19], $0x2A00  }
0xbc: {  	[sflag:s19] =	ssyncset.done $0x0  }
0xbd: {  	[sflag:s19] =	ssyncadd.s32 $0xFFFFD600  }
0xbe: {  	_ =	swait.ge [sflag:s19], $0x2A00  }
0xbf: {  	[sflag:s19] =	ssyncset.done $0x0  }
0xc0: {  	[sflag:s19] =	ssyncadd.s32 $0xFFFFD600  }
0xc1: {  	_ =	swait.ge [sflag:s19], $0x2A00  }
0xc2: {  	[sflag:s19] =	ssyncset.done $0x0  }
0xc3: {  	[sflag:s19] =	ssyncadd.s32 $0xFFFFD600  }
0xc4: {  	_ =	swait.ge [sflag:s19], $0x2A00  }
0xc5: {  	[sflag:s19] =	ssyncset.done $0x0  }
0xc6: {  	[sflag:s19] =	ssyncadd.s32 $0xFFFFD600  }
0xc7: {  	s28 =	smov.u32 s6;
	s24 =	simm.s32 $0x3100;
	_ =	swait.ge [sflag:s19], $0xE00  }
0xc8: {  	s26 =	smov.u32 s5;
	s25 =	sadd.s32 $0x2, s7;
	[sflag:s19] =	ssyncset.done $0x0  }
.LBB2_4:
0xc9: {  	[sflag:s19] =	ssyncadd.s32 $0xFFFFF200  }
0xca: {  	_ =	swait.ge [sflag:s19], $0xE00  }
0xcb: {  	[sflag:s19] =	ssyncset.done $0x0  }
0xcc: {  	[sflag:s19] =	ssyncadd.s32 $0xFFFFF200  }
0xcd: {  	_ =	swait.ge [sflag:s19], $0xE00  }
0xce: {  	[sflag:s19] =	ssyncset.done $0x0  }
0xcf: {  	[sflag:s19] =	ssyncadd.s32 $0xFFFFF200  }
0xd0: {  	_ =	swait.ge [sflag:s19], $0xE00  }
0xd1: {  	[sflag:s19] =	ssyncset.done $0x0  }
0xd2: {  	[sflag:s19] =	ssyncadd.s32 $0xFFFFF200  }
0xd3: {  	_ =	swait.ge [sflag:s19], $0xE00  }
0xd4: {  	[sflag:s19] =	ssyncset.done $0x0  }
0xd5: {  	[sflag:s19] =	ssyncadd.s32 $0xFFFFF200  }
0xd6: {  	_ =	swait.ge [sflag:s19], $0xE00  }
0xd7: {  	[sflag:s19] =	ssyncset.done $0x0  }
0xd8: {  	[sflag:s19] =	ssyncadd.s32 $0xFFFFF200  }
0xd9: {  	_ =	swait.ge [sflag:s19], $0xE00  }
0xda: {  	[sflag:s19] =	ssyncset.done $0x0  }
0xdb: {  	[sflag:s19] =	ssyncadd.s32 $0xFFFFF200  }
0xdc: {  	[tilespmem:s2], [sflag:$0x2] =	stream.linear.gather [hbm4b:s25+s2], $0x10, $0x38;
	[tilespmem:$0x13740] =	vst v63  }
0xdd: {  	_ =	swait.ge [sflag:s8], $0x10  }
0xde: {  	[sflag:s8] =	ssyncset.done $0x0  }
0xdf: {  	s28 =	sadd.s32 $0x2, s28;
	s30 =	rddreg [dreg:$0xf];
	[sflag:s8] =	ssyncadd.s32 $0xFFFFFFF0  }
0xe0: {  	[tilespmem:s30], [sflag:$0x2] =	stream.linear.gather [hbm4b:s28+s2], $0x10, $0x38;
	[tilespmem:$0x13740] =	vst v63  }
0xe1: {  	_ =	swait.ge [sflag:s8], $0x10  }
0xe2: {  	[sflag:s8] =	ssyncset.done $0x0  }
0xe3: {  	s26 =	sadd.s32 $0x2, s26;
	[sflag:s8] =	ssyncadd.s32 $0xFFFFFFF0  }
0xe4: {  	[tilespmem:s9], [sflag:$0x2] =	stream.linear.gather [hbm4b:s26+s2], $0x10, $0x38;
	[tilespmem:$0x13740] =	vst v63  }
0xe5: {  	_ =	swait.ge [sflag:s8], $0x10  }
0xe6: {  	[sflag:s8] =	ssyncset.done $0x0  }
0xe7: {  	[sflag:s8] =	ssyncadd.s32 $0xFFFFFFF0  }
0xe8: {  	v50 =	vld [tilespmem:$0x0]  }
0xe9: {  	v58 =	vld [tilespmem:$0x10]  }
0xea: {  	v54 =	vld [tilespmem:$0x20];
	_ =	sdelay $0x3  }
0xeb: {  	v50 =	vshll.u32 v50, $0x12;
	v51 =	vadd.s32 $0xFFFFFFFD, v58;
	v55 =	vadd.s32 $0xFFFFFFFE, v58  }
0xec: {  	v52 =	vadd.s32 $0xFFFFFFFD, v54;
	v53 =	vadd.s32 $0xFFFFFFFF, v54;
	v56 =	vadd.s32 $0xFFFFFFFE, v54  }
0xed: {  	vm5 =	vgt.s32 v54, $0x0;
	v60 =	vadd.s32 $0x1, v54;
	vm0 =	vgt.s32 v51, $0x0  }
0xee: {  	v62 =	vadd.s32 $0x3, v54;
	vm4 =	vgt.s32 v53, $0x0;
	v51 =	vnsel vm0, $0x0, v51  }
0xef: {  	vm1 =	vgt.s32 v52, $0x0;
	vm6 =	vgt.s32 v56, $0x0;
	v51 =	vmin.u32 v51, $0x1FF  }
0xf0: {  	v61 =	vnsel vm5, $0x0, v54;
	v52 =	vnsel vm1, $0x0, v52;
	v57 =	vshll.u32 v51, $0x9  }
0xf1: {  	v53 =	vnsel vm4, $0x0, v53;
	v52 =	vmin.u32 v52, $0x1FF;
	v59 =	vor.u32 v50, v57  }
0xf2: {  	vm7 =	vgt.s32 v60, $0x0;
	v51 =	vmin.u32 v53, $0x1FF;
	v53 =	vor.u32 v52, v59  }
0xf3: {  	vm9 =	vgt.s32 v55, $0x0;
	vm10 =	vgt.s32 v62, $0x0;
	[tilespmem:v2+s10+$0x0] =	vst.idx.msk $0xffff, v53;
	v53 =	vnsel vm6, $0x0, v56  }
0xf4: {  	v56 =	vnsel vm7, $0x0, v60;
	v60 =	vadd.s32 $0x2, v54;
	v53 =	vmin.u32 v53, $0x1FF  }
0xf5: {  	v57 =	vor.u32 v51, v59;
	vm8 =	vgt.s32 v60, $0x0;
	v54 =	vor.u32 v53, v59  }
0xf6: {  	v60 =	vnsel vm8, $0x0, v60;
	[tilespmem:v1+s10+$0x0] =	vst.idx.msk $0xffff, v54;
	v54 =	vmin.u32 v61, $0x1FF;
	v61 =	vnsel vm9, $0x0, v55  }
0xf7: {  	v55 =	vmin.u32 v56, $0x1FF;
	v56 =	vmin.u32 v60, $0x1FF;
	[tilespmem:v63+s10+$0x0] =	vst.idx.msk $0xffff, v57;
	v57 =	vor.u32 v54, v59  }
0xf8: {  	v60 =	vnsel vm10, $0x0, v62;
	v61 =	vmin.u32 v61, $0x1FF;
	[tilespmem:v0+s10+$0x0] =	vst.idx.msk $0xffff, v57;
	v57 =	vor.u32 v55, v59  }
0xf9: {  	v62 =	vor.u32 v56, v59;
	[tilespmem:v5+s10+$0x0] =	vst.idx.msk $0xffff, v57;
	v57 =	vmin.u32 v60, $0x1FF;
	v60 =	vshll.u32 v61, $0x9  }
0xfa: {  	v3 =	vmov v2;
	[tilespmem:v6+s10+$0x0] =	vst.idx.msk $0xffff, v62;
	v59 =	vor.u32 v57, v59;
	v60 =	vor.u32 v50, v60  }
0xfb: {  	v2 =	vmovc v49;
	v49 =	vmov v48;
	v48 =	vmov v47;
	[tilespmem:v7+s10+$0x0] =	vst.idx.msk $0xffff, v59;
	v59 =	vor.u32 v52, v60  }
0xfc: {  	v47 =	vmovc v46;
	v46 =	vmov v45;
	v45 =	vmov v44;
	[tilespmem:v8+s10+$0x0] =	vst.idx.msk $0xffff, v59;
	v59 =	vor.u32 v53, v60  }
0xfd: {  	v44 =	vmovc v43;
	v43 =	vmov v42;
	v42 =	vmov v41;
	v62 =	vor.u32 v51, v60;
	[tilespmem:v9+s10+$0x0] =	vst.idx.msk $0xffff, v59  }
0xfe: {  	v41 =	vmovc v40;
	v40 =	vmov v39;
	v39 =	vmov v38;
	[tilespmem:v12+s10+$0x0] =	vst.idx.msk $0xffff, v62;
	v62 =	vor.u32 v54, v60  }
0xff: {  	v38 =	vmovc v37;
	[tilespmem:v11+s10+$0x0] =	vst.idx.msk $0xffff, v62;
	v11 =	vmovc v9;
	v9 =	vmov v7;
	v7 =	vmov v5;
	v5 =	vmov v63;
	v63 =	vld [tilespmem:$0x1FFE0]  }
0x100: {  	v37 =	vmovc v36;
	v36 =	vmovc v35;
	v35 =	vmov v34;
	v34 =	vmov v33;
	v33 =	vmov v32  }
0x101: {  	v32 =	vmovc v31;
	v31 =	vmovc v30;
	v30 =	vmov v29;
	v29 =	vmov v28;
	v28 =	vmov v27  }
0x102: {  	v27 =	vmovc v26;
	v26 =	vmovc v25;
	v25 =	vmov v24;
	v24 =	vmov v23;
	v23 =	vmov v22  }
0x103: {  	v22 =	vmovc v21;
	v21 =	vmovc v20;
	v20 =	vmov v19;
	v19 =	vmov v18;
	v18 =	vmov v17  }
0x104: {  	v17 =	vmovc v16;
	v16 =	vmovc v15;
	v15 =	vmov v14;
	v14 =	vmov v13;
	v13 =	vor.u32 v55, v60;
	_ =	sdelay $0x2  }
0x105: {  	v61 =	vadd.s32 $0xFFFFFFFF, v58;
	[tilespmem:v63+s10+$0x0] =	vst.idx.msk $0xffff, v13;
	v13 =	vmov v14  }
0x106: {  	vm11 =	vgt.s32 v61, $0x0;
	v14 =	vmov v15  }
0x107: {  	v61 =	vnsel vm11, $0x0, v61;
	v15 =	vmov v16  }
0x108: {  	v61 =	vmin.u32 v61, $0x1FF;
	v16 =	vmov v17  }
0x109: {  	v59 =	vor.u32 v57, v60;
	v61 =	vshll.u32 v61, $0x9;
	v60 =	vor.u32 v56, v60;
	v17 =	vmovc v18  }
0x10a: {  	v18 =	vmov v19;
	[tilespmem:v13+s10+$0x0] =	vst.idx.msk $0xffff, v60;
	v60 =	vor.u32 v50, v61  }
0x10b: {  	v62 =	vadd.s32 $0x1, v58;
	v19 =	vmov v20;
	[tilespmem:v14+s10+$0x0] =	vst.idx.msk $0xffff, v59;
	v59 =	vor.u32 v52, v60  }
0x10c: {  	vm13 =	vgt.s32 v62, $0x0;
	v20 =	vmov v21;
	[tilespmem:v15+s10+$0x0] =	vst.idx.msk $0xffff, v59;
	v59 =	vor.u32 v53, v60  }
0x10d: {  	vm12 =	vgt.s32 v58, $0x0;
	v21 =	vmovc v22;
	v61 =	vnsel vm13, $0x0, v62;
	v62 =	vor.u32 v51, v60;
	[tilespmem:v16+s10+$0x0] =	vst.idx.msk $0xffff, v59  }
0x10e: {  	v4 =	vmovc v1;
	v1 =	vnsel vm12, $0x0, v58;
	v22 =	vmov v23;
	v63 =	vor.u32 v54, v60;
	[tilespmem:v17+s10+$0x0] =	vst.idx.msk $0xffff, v62  }
0x10f: {  	v1 =	vmin.u32 v1, $0x1FF;
	v23 =	vmov v24;
	v62 =	vor.u32 v55, v60;
	[tilespmem:v18+s10+$0x0] =	vst.idx.msk $0xffff, v63  }
0x110: {  	v1 =	vshll.u32 v1, $0x9;
	v24 =	vmov v25;
	v63 =	vor.u32 v56, v60;
	[tilespmem:v19+s10+$0x0] =	vst.idx.msk $0xffff, v62  }
0x111: {  	v1 =	vor.u32 v50, v1;
	v25 =	vmov v26;
	v62 =	vor.u32 v57, v60;
	[tilespmem:v20+s10+$0x0] =	vst.idx.msk $0xffff, v63  }
0x112: {  	v26 =	vmov v27;
	v59 =	vor.u32 v52, v1;
	[tilespmem:v21+s10+$0x0] =	vst.idx.msk $0xffff, v62  }
0x113: {  	v27 =	vmov v28;
	v63 =	vor.u32 v53, v1;
	[tilespmem:v22+s10+$0x0] =	vst.idx.msk $0xffff, v59  }
0x114: {  	v28 =	vmov v29;
	v60 =	vor.u32 v51, v1;
	[tilespmem:v23+s10+$0x0] =	vst.idx.msk $0xffff, v63  }
0x115: {  	v29 =	vmov v30;
	v62 =	vor.u32 v54, v1;
	[tilespmem:v24+s10+$0x0] =	vst.idx.msk $0xffff, v60  }
0x116: {  	v30 =	vmov v31;
	v61 =	vmin.u32 v61, $0x1FF;
	v63 =	vor.u32 v55, v1;
	[tilespmem:v25+s10+$0x0] =	vst.idx.msk $0xffff, v62  }
0x117: {  	v31 =	vmov v32;
	v61 =	vshll.u32 v61, $0x9;
	v60 =	vor.u32 v56, v1;
	[tilespmem:v26+s10+$0x0] =	vst.idx.msk $0xffff, v63  }
0x118: {  	v32 =	vmov v33;
	v59 =	vor.u32 v50, v61;
	v1 =	vor.u32 v57, v1;
	[tilespmem:v27+s10+$0x0] =	vst.idx.msk $0xffff, v60  }
0x119: {  	v10 =	vmovc v8;
	v8 =	vmov v6;
	v33 =	vmov v34;
	[tilespmem:v28+s10+$0x0] =	vst.idx.msk $0xffff, v1;
	v1 =	vor.u32 v52, v59  }
0x11a: {  	v6 =	vmovc v0;
	v0 =	vadd.s32 $0x2, v58;
	v34 =	vmov v35;
	[tilespmem:v29+s10+$0x0] =	vst.idx.msk $0xffff, v1;
	v1 =	vor.u32 v53, v59  }
0x11b: {  	vm14 =	vgt.s32 v0, $0x0;
	v35 =	vmov v36;
	v60 =	vor.u32 v51, v59;
	[tilespmem:v30+s10+$0x0] =	vst.idx.msk $0xffff, v1  }
0x11c: {  	v0 =	vnsel vm14, $0x0, v0;
	v36 =	vmov v37;
	v1 =	vor.u32 v54, v59;
	[tilespmem:v31+s10+$0x0] =	vst.idx.msk $0xffff, v60  }
0x11d: {  	v0 =	vmin.u32 v0, $0x1FF;
	v37 =	vmov v38;
	[tilespmem:v32+s10+$0x0] =	vst.idx.msk $0xffff, v1;
	v1 =	vor.u32 v55, v59  }
0x11e: {  	v0 =	vshll.u32 v0, $0x9;
	v38 =	vmov v39;
	[tilespmem:v33+s10+$0x0] =	vst.idx.msk $0xffff, v1;
	v1 =	vor.u32 v56, v59  }
0x11f: {  	v0 =	vor.u32 v50, v0;
	v39 =	vmov v40;
	[tilespmem:v34+s10+$0x0] =	vst.idx.msk $0xffff, v1;
	v1 =	vor.u32 v57, v59  }
0x120: {  	v40 =	vmov v41;
	[tilespmem:v35+s10+$0x0] =	vst.idx.msk $0xffff, v1;
	v1 =	vor.u32 v52, v0  }
0x121: {  	v58 =	vadd.s32 $0x3, v58;
	v41 =	vmov v42;
	[tilespmem:v36+s10+$0x0] =	vst.idx.msk $0xffff, v1;
	v1 =	vor.u32 v53, v0  }
0x122: {  	vm15 =	vgt.s32 v58, $0x0;
	v42 =	vmov v43;
	v61 =	vor.u32 v51, v0;
	[tilespmem:v37+s10+$0x0] =	vst.idx.msk $0xffff, v1  }
0x123: {  	v58 =	vnsel vm15, $0x0, v58;
	v43 =	vmov v44;
	v1 =	vor.u32 v54, v0;
	[tilespmem:v38+s10+$0x0] =	vst.idx.msk $0xffff, v61  }
0x124: {  	v58 =	vmin.u32 v58, $0x1FF;
	v44 =	vmov v45;
	[tilespmem:v39+s10+$0x0] =	vst.idx.msk $0xffff, v1;
	v1 =	vor.u32 v55, v0  }
0x125: {  	v58 =	vshll.u32 v58, $0x9;
	v45 =	vmov v46;
	[tilespmem:v40+s10+$0x0] =	vst.idx.msk $0xffff, v1;
	v1 =	vor.u32 v56, v0  }
0x126: {  	v46 =	vmov v47;
	v0 =	vor.u32 v57, v0;
	[tilespmem:v41+s10+$0x0] =	vst.idx.msk $0xffff, v1;
	v1 =	vor.u32 v50, v58  }
0x127: {  	v47 =	vmov v48;
	[tilespmem:v42+s10+$0x0] =	vst.idx.msk $0xffff, v0;
	v0 =	vor.u32 v52, v1  }
0x128: {  	v48 =	vmov v49;
	[tilespmem:v43+s10+$0x0] =	vst.idx.msk $0xffff, v0;
	v0 =	vor.u32 v53, v1  }
0x129: {  	v50 =	vor.u32 v51, v1;
	[tilespmem:v44+s10+$0x0] =	vst.idx.msk $0xffff, v0  }
0x12a: {  	v0 =	vor.u32 v54, v1;
	[tilespmem:v45+s10+$0x0] =	vst.idx.msk $0xffff, v50  }
0x12b: {  	[tilespmem:v46+s10+$0x0] =	vst.idx.msk $0xffff, v0;
	v0 =	vor.u32 v55, v1  }
0x12c: {  	v62 =	vor.u32 v56, v1;
	[tilespmem:v47+s10+$0x0] =	vst.idx.msk $0xffff, v0  }
0x12d: {  	v63 =	vor.u32 v57, v1;
	[tilespmem:v48+s10+$0x0] =	vst.idx.msk $0xffff, v62  }
0x12e: {  	[tilespmem:v2+s10+$0x0] =	vst.idx.msk $0xffff, v63  }
0x12f: {  	[tilespmem:s12], [sflag:$0x1] =	stream.indirect.gather [hbm4b:s3+s11], $0x60, s10, s11, $0xb8;
	[tilespmem:$0x13740] =	vst v63  }
0x130: {  	s1 =	rddreg [dreg:$0x10]  }
0x131: {  	[tilespmem:s13], [sflag:$0x1] =	stream.indirect.gather [hbm4b:s3+s11], $0x60, s1, s11, $0xb8;
	[tilespmem:$0x13740] =	vst v63  }
0x132: {  	s31 =	rddreg [dreg:$0x11]  }
0x133: {  	[tilespmem:s14], [sflag:$0x1] =	stream.indirect.gather [hbm4b:s3+s11], $0x60, s31, s11, $0xb8;
	[tilespmem:$0x13740] =	vst v63  }
0x134: {  	s0 =	rddreg [dreg:$0x12]  }
0x135: {  	[tilespmem:s15], [sflag:$0x1] =	stream.indirect.gather [hbm4b:s3+s11], $0x60, s0, s11, $0xb8;
	[tilespmem:$0x13740] =	vst v63  }
0x136: {  	s1 =	rddreg [dreg:$0x13]  }
0x137: {  	[tilespmem:s16], [sflag:$0x1] =	stream.indirect.gather [hbm4b:s3+s11], $0x60, s1, s11, $0xb8;
	[tilespmem:$0x13740] =	vst v63  }
0x138: {  	s0 =	rddreg [dreg:$0x14]  }
0x139: {  	[tilespmem:s17], [sflag:$0x1] =	stream.indirect.gather [hbm4b:s3+s11], $0x60, s0, s11, $0xb8;
	[tilespmem:$0x13740] =	vst v63  }
0x13a: {  	s1 =	rddreg [dreg:$0x15]  }
0x13b: {  	[tilespmem:s18], [sflag:$0x1] =	stream.indirect.gather [hbm4b:s3+s11], $0x60, s1, s11, $0xb8;
	[tilespmem:$0x13740] =	vst v63  }
0x13c: {  	v63 =	vmovc v5;
	v5 =	vmov v7;
	v7 =	vmov v9;
	v9 =	vmov v11;
	v11 =	vld [tilespmem:$0x1FFF0];
	_ =	swait.ge [sflag:s19], $0x2A00  }
0x13d: {  	[sflag:s19] =	ssyncset.done $0x0  }
0x13e: {  	[sflag:s19] =	ssyncadd.s32 $0xFFFFD600  }
0x13f: {  	_ =	swait.ge [sflag:s19], $0x2A00  }
0x140: {  	[sflag:s19] =	ssyncset.done $0x0  }
0x141: {  	[sflag:s19] =	ssyncadd.s32 $0xFFFFD600  }
0x142: {  	_ =	swait.ge [sflag:s19], $0x2A00  }
0x143: {  	[sflag:s19] =	ssyncset.done $0x0  }
0x144: {  	[sflag:s19] =	ssyncadd.s32 $0xFFFFD600  }
0x145: {  	_ =	swait.ge [sflag:s19], $0x2A00  }
0x146: {  	[sflag:s19] =	ssyncset.done $0x0  }
0x147: {  	[sflag:s19] =	ssyncadd.s32 $0xFFFFD600  }
0x148: {  	_ =	swait.ge [sflag:s19], $0x2A00  }
0x149: {  	[sflag:s19] =	ssyncset.done $0x0  }
0x14a: {  	[sflag:s19] =	ssyncadd.s32 $0xFFFFD600  }
0x14b: {  	_ =	swait.ge [sflag:s19], $0x2A00  }
0x14c: {  	[sflag:s19] =	ssyncset.done $0x0  }
0x14d: {  	[sflag:s19] =	ssyncadd.s32 $0xFFFFD600  }
0x14e: {  	_ =	swait.ge [sflag:s19], $0x2A00  }
0x14f: {  	s29 =	smov.u32 s24;
	s0 =	rddreg [dreg:$0xe];
	[sflag:s19] =	ssyncset.done $0x0  }
0x150: {  	s1 =	rddreg [dreg:$0xd];
	[sflag:s19] =	ssyncadd.s32 $0xFFFFD600;
	s30 =	sadd.s32 s29, s0  }
0x151: {  	[hbm4b:s30+s20] =	stream.strided.scatter [tilespmem:s12], [sflag:$0x1], $0x2A00, s21, s20, $0x38;
	[tilespmem:$0x13740] =	vst v63  }
0x152: {  	s0 =	rddreg [dreg:$0xc];
	s31 =	sadd.s32 s29, s1  }
0x153: {  	[hbm4b:s31+s20] =	stream.strided.scatter [tilespmem:s13], [sflag:$0x1], $0x2A00, s21, s20, $0x38;
	[tilespmem:$0x13740] =	vst v63  }
0x154: {  	s1 =	rddreg [dreg:$0xb];
	s0 =	sadd.s32 s29, s0  }
0x155: {  	[hbm4b:s0+s20] =	stream.strided.scatter [tilespmem:s14], [sflag:$0x1], $0x2A00, s21, s20, $0x38;
	[tilespmem:$0x13740] =	vst v63  }
0x156: {  	s31 =	rddreg [dreg:$0xa];
	s0 =	sadd.s32 s29, s1  }
0x157: {  	[hbm4b:s0+s20] =	stream.strided.scatter [tilespmem:s15], [sflag:$0x1], $0x2A00, s21, s20, $0x38;
	[tilespmem:$0x13740] =	vst v63  }
0x158: {  	s1 =	rddreg [dreg:$0x9];
	s0 =	sadd.s32 s29, s31  }
0x159: {  	[hbm4b:s0+s20] =	stream.strided.scatter [tilespmem:s16], [sflag:$0x1], $0x2A00, s21, s20, $0x38;
	[tilespmem:$0x13740] =	vst v63  }
0x15a: {  	s1 =	sadd.s32 s29, s1;
	s31 =	rddreg [dreg:$0x8]  }
0x15b: {  	[hbm4b:s1+s20] =	stream.strided.scatter [tilespmem:s17], [sflag:$0x1], $0x2A00, s21, s20, $0x38;
	[tilespmem:$0x13740] =	vst v63  }
0x15c: {  	s0 =	sadd.s32 s29, s31  }
0x15d: {  	[hbm4b:s0+s20] =	stream.strided.scatter [tilespmem:s18], [sflag:$0x1], $0x2A00, s21, s20, $0x38;
	[tilespmem:$0x13740] =	vst v63  }
0x15e: {  	s31 =	rddreg [dreg:$0x7];
	s1 =	sadd.s32 $0xC, s30  }
0x15f: {  	[hbm4b:s1+s9] =	stream.strided.scatter [tilespmem:s22], [sflag:$0x1], $0xE00, s21, s9, $0x38;
	[tilespmem:$0x13740] =	vst v63  }
0x160: {  	s0 =	rddreg [dreg:$0x6];
	s1 =	sadd.s32 s29, s31  }
0x161: {  	[hbm4b:s1+s9] =	stream.strided.scatter [tilespmem:s22], [sflag:$0x1], $0xE00, s21, s9, $0x38;
	[tilespmem:$0x13740] =	vst v63  }
0x162: {  	s0 =	sadd.s32 s29, s0;
	s31 =	rddreg [dreg:$0x5]  }
0x163: {  	[hbm4b:s0+s9] =	stream.strided.scatter [tilespmem:s22], [sflag:$0x1], $0xE00, s21, s9, $0x38;
	[tilespmem:$0x13740] =	vst v63  }
0x164: {  	s31 =	sadd.s32 s29, s31;
	s1 =	rddreg [dreg:$0x4]  }
0x165: {  	[hbm4b:s31+s9] =	stream.strided.scatter [tilespmem:s22], [sflag:$0x1], $0xE00, s21, s9, $0x38;
	[tilespmem:$0x13740] =	vst v63  }
0x166: {  	s30 =	rddreg [dreg:$0x3];
	s1 =	sadd.s32 s29, s1  }
0x167: {  	[hbm4b:s1+s9] =	stream.strided.scatter [tilespmem:s22], [sflag:$0x1], $0xE00, s21, s9, $0x38;
	[tilespmem:$0x13740] =	vst v63  }
0x168: {  	s30 =	sadd.s32 s29, s30;
	s31 =	rddreg [dreg:$0x2]  }
0x169: {  	[hbm4b:s30+s9] =	stream.strided.scatter [tilespmem:s22], [sflag:$0x1], $0xE00, s21, s9, $0x38;
	[tilespmem:$0x13740] =	vst v63  }
0x16a: {  	s31 =	sadd.s32 s29, s31  }
0x16b: {  	[hbm4b:s31+s9] =	stream.strided.scatter [tilespmem:s22], [sflag:$0x1], $0xE00, s21, s9, $0x38;
	[tilespmem:$0x13740] =	vst v63  }
0x16c: {  	_ =	swait.ge [sflag:s19], $0x2A00  }
0x16d: {  	[sflag:s19] =	ssyncset.done $0x0  }
0x16e: {  	[sflag:s19] =	ssyncadd.s32 $0xFFFFD600  }
0x16f: {  	_ =	swait.ge [sflag:s19], $0x2A00  }
0x170: {  	[sflag:s19] =	ssyncset.done $0x0  }
0x171: {  	[sflag:s19] =	ssyncadd.s32 $0xFFFFD600  }
0x172: {  	_ =	swait.ge [sflag:s19], $0x2A00  }
0x173: {  	[sflag:s19] =	ssyncset.done $0x0  }
0x174: {  	[sflag:s19] =	ssyncadd.s32 $0xFFFFD600  }
0x175: {  	_ =	swait.ge [sflag:s19], $0x2A00  }
0x176: {  	[sflag:s19] =	ssyncset.done $0x0  }
0x177: {  	[sflag:s19] =	ssyncadd.s32 $0xFFFFD600  }
0x178: {  	_ =	swait.ge [sflag:s19], $0x2A00  }
0x179: {  	[sflag:s19] =	ssyncset.done $0x0  }
0x17a: {  	[sflag:s19] =	ssyncadd.s32 $0xFFFFD600  }
0x17b: {  	_ =	swait.ge [sflag:s19], $0x2A00  }
0x17c: {  	[sflag:s19] =	ssyncset.done $0x0  }
0x17d: {  	p0 =	sne.s32 s24, $0x15700;
	[sflag:s19] =	ssyncadd.s32 $0xFFFFD600  }
.Ltmp1:
0x17e: {  	_ =	swait.ge [sflag:s19], $0x2A00;
	(pc) =	sbr.rel @p0 .LBB2_4-.Ltmp1, $4  }
0x17f: {  	[sflag:s19] =	ssyncset.done $0x0  }
0x180: {  	[sflag:s19] =	ssyncadd.s32 $0xFFFFD600  }
0x181: {  	v49 =	vmov v2;
	_ =	swait.ge [sflag:s19], $0xE00  }
0x182: {  	s24 =	sadd.s32 $0x3100, s24;
	s25 =	sadd.s32 $0x2, s25;
	v1 =	vmovc v4;
	v2 =	vmovc v3;
	v0 =	vmov v6;
	v6 =	vmov v8;
	v8 =	vmov v10;
	[sflag:s19] =	ssyncset.done $0x0  }
0x183: {  	[sflag:s19] =	ssyncadd.s32 $0xFFFFF200  }
0x184: {  	_ =	swait.ge [sflag:s19], $0xE00  }
0x185: {  	[sflag:s19] =	ssyncset.done $0x0  }
0x186: {  	[sflag:s19] =	ssyncadd.s32 $0xFFFFF200  }
0x187: {  	_ =	swait.ge [sflag:s19], $0xE00  }
0x188: {  	[sflag:s19] =	ssyncset.done $0x0  }
0x189: {  	[sflag:s19] =	ssyncadd.s32 $0xFFFFF200  }
0x18a: {  	_ =	swait.ge [sflag:s19], $0xE00  }
0x18b: {  	[sflag:s19] =	ssyncset.done $0x0  }
0x18c: {  	[sflag:s19] =	ssyncadd.s32 $0xFFFFF200  }
0x18d: {  	_ =	swait.ge [sflag:s19], $0xE00  }
0x18e: {  	[sflag:s19] =	ssyncset.done $0x0  }
0x18f: {  	s23 =	sadd.s32 $0x1, s23;
	[sflag:s19] =	ssyncadd.s32 $0xFFFFF200  }
0x190: {  	p0 =	sne.s32 s23, s4;
	_ =	swait.ge [sflag:s19], $0xE00  }
.Ltmp2:
0x191: {  	[sflag:s19] =	ssyncset.done $0x0;
	(pc) =	sbr.rel @p0 .LBB2_1-.Ltmp2, $4  }
0x192: {  	[sflag:s19] =	ssyncadd.s32 $0xFFFFF200  }
0x193: {  	_ =	swait.ge [sflag:s19], $0xE00  }
0x194: {  	[sflag:s19] =	ssyncset.done $0x0  }
0x195: {  	v3 =	vimm.f32 $0.0e+00;
	[sflag:s19] =	ssyncadd.s32 $0xFFFFF200  }
0x196: {  	_ =	sfence.sel $0x180000  }
0x197: {  	[bflag:$0x0] =	sbarrier.arrive $0xFFFF  }
0x198: {  	_ =	strace $0x9000004A  }
0x199: {  	s0 =	stileid.u32;
	[bflag:$0x2] =	sbarrier.arrive $0xFFFF  }
0x19a: {  	p0 =	sne.s32 s0, $0x0;
	s0 =	rddreg [dreg:$0x1]  }
0x19b: {  	s0 =	sadd.s32 @!p0 $0x100000, s0  }
0x19c: {  	[sflag:s0] =	ssyncadd.tile.s32 @!p0 $0x1;
	_ =	shalt  }
.Lfunc_end2:
_tile_overlayer_lowered:
.L_overlay_start_2:
0x19d: {  	(tag) =	ssettag $0x2  }
0x19e: {  	s0 =	rddreg [dreg:$0x0];
	s2 =	stileid.u32  }
0x19f: {  	s1 =	rddreg [dreg:$0x1];
	p0 =	sne.s32 s2, $0x0  }
0x1a0: {  	s3 =	rddreg [dreg:$0x2];
	[bflag:$0x3] =	sbarrier.arrive $0xFFFF;
	s2 =	simm.s32 @!p0 $0x1C02  }
0x1a1: {  	[timem:s3], [sflag:s2] =	dma.local @!p0 [hbm:s0], s1  }
0x1a2: {  	s0 =	simm.s32 @!p0 $0x2  }
0x1a3: {  	_ =	swait.ge @!p0 [sflag:s0], s1  }
0x1a4: {  	s1 =	ssub.s32 @!p0 $0x0, s1;
	[sflag:s0] =	ssyncset.done @!p0 $0x0  }
0x1a5: {  	[sflag:s0] =	ssyncadd.s32 @!p0 s1  }
0x1a6: {  	[bflag:$0x3] =	sbarrier.arrive $0xFFFF  }
0x1a7: {  	_ =	shalt  }

// kernel: kernel.9.cloned.1.call-start
scs
__scs_entry_jumppad:
0x0: {  	(pc) =	sbr.rel $0x88, $3  }
0x1: {  	(tag) =	ssettag $0x0;
	lr =	simm.s32 $0x1  }
0x2: {  	[smem:$0x3F8E] =	sst lr;
	_ =	strace $0xD0000000  }
0x3: {  	_ = 	snop  }
0x4: {  	_ = 	snop  }
0x5: {  	_ = 	snop  }
0x6: {  	_ = 	snop  }
0x7: {  	_ = 	snop  }
__scs_overlays_trampoline_lowered:
0x8: {  	[smem:$0x3F9D] =	sst s0  }
0x9: {  	[smem:$0x3F9E] =	sst s1  }
0xa: {  	[smem:$0x3F9F] =	sst s2  }
0xb: {  	[smem:$0x3FA0] =	sst s3  }
0xc: {  	[smem:$0x3FA1] =	sst s4  }
0xd: {  	[smem:$0x3FA2] =	sst s5  }
0xe: {  	[smem:$0x3FA3] =	sst s6  }
0xf: {  	[smem:$0x3FA4] =	sst s7  }
0x10: {  	[smem:$0x3FA5] =	sst s8  }
0x11: {  	[smem:$0x3FA6] =	sst s9;
	s0 =	simm.s32 @!p0 $0x0  }
0x12: {  	s1 =	sld [smem:$0x3F8C];
	s0 =	simm.s32 @p0 $0x1  }
0x13: {  	[smem:$0x3FA7] =	sst s0;
	s0 =	simm.s32 @!p1 $0x0  }
0x14: {  	s2 =	sld [smem:$0x3F8B];
	s0 =	simm.s32 @p1 $0x1  }
0x15: {  	[smem:$0x3FA8] =	sst s0;
	s0 =	simm.s32 @!p2 $0x0  }
0x16: {  	s3 =	sld [smem:$0x3FDB];
	s0 =	simm.s32 @p2 $0x1  }
0x17: {  	s4 =	simm.s32 $0x1BF5;
	[smem:$0x3FAA] =	sst s0  }
0x18: {  	s0 =	sld [smem:$0x3F8D];
	_ =	swait.ge [sflag:s4], $0x0  }
0x19: {  	s7 =	sld [smem:$0x3F8E]  }
0x1a: {  	s8 =	sadd.s32 $0xFFFFE003, lr  }
0x1b: {  	s9 =	sadd.s32 $0xFFFFFEF7, lr;
	s5 =	simm.s32 $0xFFFFFFFF;
	p2 =	slt.u32 s8, $0xFFFFF086  }
0x1c: {  	p1 =	slt.u32 s9, $0xF7A;
	s5 =	simm.s32 @!p2 $0x0  }
0x1d: {  	s5 =	simm.s32 @p1 $0x1;
	p0 =	seq.s32 s7, s2  }
0x1e: {  	s7 =	smul.u32 @!p0 $0xF7A, s2;
	p2 =	seq.s32 @!p0 s5, $0x0  }
0x1f: {  	s9 =	smul.u32 $0xF7A, s1;
	s8 =	simm.s32 @!p0 $0x1BF5;
	p2 =	por !p2, p0  }
0x20: {  	[sflag:s8] =	ssyncset.s32 @!p0 $0xFFFFF086;
	s6 =	sadd.s32 @!p0 s3, s7;
	s7 =	simm.s32 @!p0 $0x108  }
0x21: {  	s3 =	sadd.s32 s3, s9;
	s6 =	sadd.s32 @!p0 $0x88, s6;
	s7 =	simm.s32 @p2 $0x1082  }
0x22: {  	[simem:s7], [sflag:s8] =	dma.local @!p0 [hbm:s6], $0xF7A  }
0x23: {  	s9 =	sor.u32 $0xD0000000, s2;
	s6 =	simm.s32 $0x108;
	_ =	swait.ge @!p0 [sflag:s8], $0x0  }
0x24: {  	s3 =	sadd.s32 $0x88, s3;
	s6 =	simm.s32 @!p1 $0x1082;
	[sflag:s4] =	ssyncset.s32 $0xFFFFF086  }
0x25: {  	[simem:s6], [sflag:s4] =	dma.local [hbm:s3], $0xF7A  }
0x26: {  	[smem:$0x3F8E] =	sst s1;
	(tag) =	ssettag s2;
	_ =	strace s9  }
0x27: {  	s1 =	sld [smem:$0x3F9E]  }
0x28: {  	s2 =	sld [smem:$0x3F9F]  }
0x29: {  	s4 =	sld [smem:$0x3FA1]  }
0x2a: {  	p0 =	seq.s32 s5, $0x0;
	s5 =	sld [smem:$0x3FA2]  }
0x2b: {  	s6 =	sld [smem:$0x3FA3]  }
0x2c: {  	s7 =	sld [smem:$0x3FA4]  }
0x2d: {  	s3 =	simm.s32 $0x108;
	s8 =	sld [smem:$0x3FA5]  }
0x2e: {  	s3 =	simm.s32 @!p0 $0x1082;
	s9 =	sld [smem:$0x3FA6]  }
0x2f: {  	lr =	sadd.s32 s0, s3;
	s0 =	sld [smem:$0x3F9D]  }
0x30: {  	s3 =	sld [smem:$0x3FA0]  }
0x31: {  	[smem:$0x3FA9] =	sst s10  }
0x32: {  	s10 =	sld [smem:$0x3FA7];
	_ =	sdelay $0x3  }
0x33: {  	p0 =	seq.s32 s10, $0x1;
	s10 =	sld [smem:$0x3FA9];
	_ =	sdelay $0x3  }
0x34: {  	[smem:$0x3FA9] =	sst s10  }
0x35: {  	s10 =	sld [smem:$0x3FA8];
	_ =	sdelay $0x3  }
0x36: {  	p1 =	seq.s32 s10, $0x1;
	s10 =	sld [smem:$0x3FA9];
	_ =	sdelay $0x3  }
0x37: {  	[smem:$0x3FA9] =	sst s10  }
0x38: {  	s10 =	sld [smem:$0x3FAA]  }
0x39: {  	_ = 	snop;
	(pc) =	sbr.ind lr, $3  }
0x3a: {  	_ = 	snop  }
0x3b: {  	_ = 	snop  }
0x3c: {  	p2 =	seq.s32 s10, $0x1;
	s10 =	sld [smem:$0x3FA9]  }
0x3d: {  	_ =	shalt  }
0x3e: {  	_ =	shalt  }
0x3f: {  	_ =	shalt  }
0x40: {  	_ =	shalt  }
0x41: {  	_ =	shalt  }
0x42: {  	_ =	shalt  }
0x43: {  	_ =	shalt  }
0x44: {  	_ =	shalt  }
0x45: {  	_ =	shalt  }
0x46: {  	_ =	shalt  }
0x47: {  	_ =	shalt  }
0x48: {  	_ =	shalt  }
0x49: {  	_ =	shalt  }
0x4a: {  	_ =	shalt  }
0x4b: {  	_ =	shalt  }
0x4c: {  	_ =	shalt  }
0x4d: {  	_ =	shalt  }
0x4e: {  	_ =	shalt  }
0x4f: {  	_ =	shalt  }
0x50: {  	_ =	shalt  }
0x51: {  	_ =	shalt  }
0x52: {  	_ =	shalt  }
0x53: {  	_ =	shalt  }
0x54: {  	_ =	shalt  }
0x55: {  	_ =	shalt  }
0x56: {  	_ =	shalt  }
0x57: {  	_ =	shalt  }
0x58: {  	_ =	shalt  }
0x59: {  	_ =	shalt  }
0x5a: {  	_ =	shalt  }
0x5b: {  	_ =	shalt  }
0x5c: {  	_ =	shalt  }
0x5d: {  	_ =	shalt  }
0x5e: {  	_ =	shalt  }
0x5f: {  	_ =	shalt  }
0x60: {  	_ =	shalt  }
0x61: {  	_ =	shalt  }
0x62: {  	_ =	shalt  }
0x63: {  	_ =	shalt  }
0x64: {  	_ =	shalt  }
0x65: {  	_ =	shalt  }
0x66: {  	_ =	shalt  }
0x67: {  	_ =	shalt  }
0x68: {  	_ =	shalt  }
0x69: {  	_ =	shalt  }
0x6a: {  	_ =	shalt  }
0x6b: {  	_ =	shalt  }
0x6c: {  	_ =	shalt  }
0x6d: {  	_ =	shalt  }
0x6e: {  	_ =	shalt  }
0x6f: {  	_ =	shalt  }
0x70: {  	_ =	shalt  }
0x71: {  	_ =	shalt  }
0x72: {  	_ =	shalt  }
0x73: {  	_ =	shalt  }
0x74: {  	_ =	shalt  }
0x75: {  	_ =	shalt  }
0x76: {  	_ =	shalt  }
0x77: {  	_ =	shalt  }
0x78: {  	_ =	shalt  }
0x79: {  	_ =	shalt  }
0x7a: {  	_ =	shalt  }
0x7b: {  	_ =	shalt  }
0x7c: {  	_ =	shalt  }
0x7d: {  	_ =	shalt  }
0x7e: {  	_ =	shalt  }
0x7f: {  	_ =	shalt  }
0x80: {  	_ =	shalt  }
0x81: {  	_ =	shalt  }
0x82: {  	_ =	shalt  }
0x83: {  	_ =	shalt  }
0x84: {  	_ =	shalt  }
0x85: {  	_ =	shalt  }
0x86: {  	_ =	shalt  }
0x87: {  	_ =	shalt  }
.Lfunc_end0:
.L_simem_size_0:
called_computation.1_lowered:
.L_overlay_start_0:
0x88: {  	s2 =	sld [smem:$0x3FD9]  }
0x89: {  	s3 =	sld [smem:$0x3FFE];
	_ =	sdelay $0x1  }
0x8a: {  	s1 =	srdreg.scid  }
0x8b: {  	s0 =	sand.u32 $0x1, s1  }
0x8c: {  	s14 =	sshll.u32 s0, $0xA;
	s2 =	sadd.s32 s3, s2  }
0x8d: {  	s2 =	sadd.s32 s2, s14  }
0x8e: {  	[smem:$0x3FB5] =	sst s2  }
0x8f: {  	_ = 	snop  }
0x90: {  	s2 =	sld [smem:$0x3FD0];
	_ =	sdelay $0x2  }
0x91: {  	s15 =	simm.s32 $0xB;
	s4 =	simm.s32 $0x10  }
0x92: {  	[smem:s4], [sflag:s15] =	dma.local [hbm:s2], $0x1  }
0x93: {  	_ =	swait.eq [sflag:s15], $0x1  }
0x94: {  	[sflag:s15] =	ssyncset.done $0x0  }
0x95: {  	s16 =	sld [smem:$0x12];
	[sflag:s15] =	ssyncadd.s32 $0xFFFFFFFF  }
0x96: {  	s17 =	sld [smem:$0x13];
	(tm) =	ssettm $0x1  }
0x97: {  	s18 =	sld [smem:$0x3FFB];
	_ =	sdelay $0x3  }
0x98: {  	_ =	strace s18  }
0x99: {  	s4 =	sld [smem:$0x3FFC];
	_ =	sdelay $0x3  }
0x9a: {  	_ =	strace s4  }
0x9b: {  	s4 =	sld [smem:$0x3FFD];
	_ =	sdelay $0x3  }
0x9c: {  	_ =	strace s4  }
0x9d: {  	_ =	strace $0x8FFFFFFF  }
0x9e: {  	s19 =	sld [smem:$0x3FDB];
	_ =	sdelay $0x1  }
0x9f: {  	s5 =	simm.s32 $_scs_section_size  }
0xa0: {  	s6 =	simm.s32 $_size__tile_overlayer_lowered;
	s7 =	simm.s32 $_tile_overlayer_lowered  }
0xa1: {  	s22 =	simm.s32 $0x1BFF;
	s21 =	sshll.u32 s7, $0x1;
	s4 =	sadd.s32 s5, s19  }
0xa2: {  	s8 =	simm.s32 $0x0;
	s20 =	sshll.u32 s6, $0x1;
	s6 =	sadd.s32 s21, s4  }
0xa3: {  	[timem:s8], [sflag:s22] =	dma.local [hbm:s6], s20  }
0xa4: {  	_ =	swait.ge [sflag:s22], s20  }
0xa5: {  	s5 =	ssub.s32 $0x0, s20;
	[sflag:s22] =	ssyncset.done $0x0  }
0xa6: {  	[sflag:s22] =	ssyncadd.s32 s5;
	_ =	sdelay $0x1  }
0xa7: {  	s23 =	simm.s32 $0x1B8B  }
0xa8: {  	_ =	swait.ge [sflag:s23], $0x1  }
0xa9: {  	[sflag:s23] =	ssyncset.done $0x0  }
0xaa: {  	s25 =	simm.s32 $0x1B8E;
	s24 =	sld [smem:$0x3FFE];
	[sflag:s23] =	ssyncadd.s32 $0xFFFFFFFF  }
0xab: {  	s26 =	simm.s32 $execute0_lowered;
	[smem:$0x3FD2] =	sst s25  }
0xac: {  	s6 =	sshll.u32 s26, $0x1;
	_ =	strace $0x80000046;
	[dreg:$0x1] =	wrdreg $0xFFFFFFFF  }
0xad: {  	s28 =	simm.s32 $_size_execute0_lowered;
	s4 =	sadd.s32 s4, s6;
	[dreg:$0x0] =	wrdreg $0x0  }
0xae: {  	s6 =	sshll.u32 s28, $0x1;
	[dreg:$0x2] =	wrdreg s4  }
0xaf: {  	[dreg:$0x3] =	wrdreg s6  }
0xb0: {  	[dreg:$0x4] =	wrdreg $0xC0  }
0xb1: {  	_ =	task [dreg:s8], $0x5FFFF  }
0xb2: {  	[dreg:$0x1] =	wrdreg $0xFFFFFFFF  }
0xb3: {  	[dreg:$0x0] =	wrdreg $0x60  }
0xb4: {  	[dreg:$0x2] =	wrdreg s24  }
0xb5: {  	[dreg:$0x3] =	wrdreg s17  }
0xb6: {  	[dreg:$0x4] =	wrdreg s16  }
0xb7: {  	[dreg:$0x5] =	wrdreg $0xA  }
0xb8: {  	_ =	task.clear_ibuf [dreg:s8], $0x6FFFF;
	_ =	strace $0x90000046  }
0xb9: {  	s29 =	simm.s32 $0xA;
	_ =	strace $0x80000048  }
0xba: {  	_ =	swait.ge [sflag:s29], $0x1  }
0xbb: {  	[sflag:s29] =	ssyncadd.s32 $0xFFFFFFFF  }
0xbc: {  	_ =	strace $0x90000048  }
0xbd: {  	_ =	sfence  }
0xbe: {  	s30 =	sld [smem:$0x0];
	_ =	sdelay $0x2  }
0xbf: {  	s31 =	sshll.u32 s1, $0xD;
	s1 =	sshrl.u32 s1, $0x2  }
0xc0: {  	s3 =	sand.u32 $0x4000, s31;
	s1 =	sadd.s32 s1, s30  }
0xc1: {  	s0 =	sor.u32 s3, s0;
	s1 =	sshll.u32 s1, $0x11  }
0xc2: {  	s0 =	sor.u32 s1, s0  }
0xc3: {  	s0 =	sadd.s32 $0x8F2B, s0  }
0xc4: {  	[sflag:s0] =	ssyncadd.remote.s32 $0x1  }
0xc5: {  	_ =	sfence.sel $0xFFFF  }
0xc6: {  	[dreg:$0x0] =	wrdreg $0xFFFFFFFF;
	(pc) =	sbr.abs _section_cstart, $3  }
0xc7: {  	[dreg:$0x1] =	wrdreg $0xFFFFFFFF  }
0xc8: {  	_ =	task.clear_ibuf [dreg:s8], $0x2FFFF;
	_ =	strace $0x9FFFFFFF  }
0xc9: {  	(tm) =	ssettm $0x7FFFFFFF  }
tec
execute0_lowered:
.L_overlay_start_1:
0x0: {  	(tag) =	ssettag $0x1  }
0x1: {  	s4 =	rddreg [dreg:$0x0]  }
0x2: {  	s7 =	rddreg [dreg:$0x1]  }
0x3: {  	s6 =	rddreg [dreg:$0x2]  }
0x4: {  	s2 =	simm.s32 $0x0;
	s0 =	stileid.u32;
	s5 =	srdreg.scid  }
0x5: {  	[smem:$0x7FF] =	sst s2;
	s3 =	sadd.s32 $0x803A00, s4;
	s8 =	sshll.u32 s0, $0x5  }
0x6: {  	s5 =	sand.u32 $0x1, s5;
	s11 =	smul.u32 $0x188000, s0;
	s10 =	sadd.s32 $0x3C00, s4  }
0x7: {  	_ =	strace $0x80000047;
	s12 =	sadd.s32 s8, s4;
	s13 =	ssub.s32 $0x2, s5  }
0x8: {  	s14 =	smul.u32 $0xC4000, s5;
	s9 =	sshll.u32 s5, $0x4;
	s6 =	sadd.s32 s8, s6  }
0x9: {  	s7 =	sadd.s32 s8, s7;
	s8 =	simm.s32 $0x2;
	s19 =	sshrl.u32 s13, $0x1  }
0xa: {  	s5 =	sadd.s32 s9, s12;
	s6 =	sadd.s32 s9, s6;
	s7 =	sadd.s32 s9, s7  }
0xb: {  	s9 =	simm.s32 $0x20;
	s4 =	ssub.s32 s13, s19;
	s11 =	sadd.s32 s14, s11  }
0xc: {  	s5 =	sadd.s32 $0x3A00, s5;
	s4 =	smax.u32 s4, $0x1;
	s20 =	sadd.s32 $0x15060, s11  }
0xd: {  	s21 =	sadd.s32 $0x11860, s11;
	s14 =	sadd.s32 $0xE060, s11;
	s25 =	sadd.s32 $0xA860, s11  }
0xe: {  	s28 =	sadd.s32 $0x7060, s11;
	s29 =	sor.u32 $0x3860, s11;
	s1 =	sadd.s32 $0x15000, s11  }
0xf: {  	s15 =	sadd.s32 $0x11800, s11;
	s16 =	sadd.s32 $0xE000, s11;
	s12 =	sshrl.u32 s20, $0x3  }
0x10: {  	s13 =	sshrl.u32 s21, $0x3;
	s23 =	sshrl.u32 s14, $0x3;
	s26 =	sshrl.u32 s25, $0x3  }
0x11: {  	s31 =	sshrl.u32 s29, $0x3;
	s14 =	sshrl.u32 s1, $0x3;
	s18 =	sshrl.u32 s16, $0x3  }
0x12: {  	s20 =	sadd.s32 $0xA800, s11;
	s29 =	simm.s32 $0xA0;
	s16 =	simm.s32 $0x260  }
0x13: {  	s12 =	sadd.s32 s12, s10;
	s22 =	sadd.s32 s13, s10;
	[dreg:$0x12] =	wrdreg s29  }
0x14: {  	v0 =	vlaneseq.u32;
	s24 =	sadd.s32 s23, s10;
	s13 =	sshrl.u32 s28, $0x3;
	[dreg:$0x16] =	wrdreg s16  }
0x15: {  	v4 =	vmul.u32 $0x31, v0;
	s0 =	sadd.s32 s31, s10;
	s19 =	sadd.s32 s18, s10;
	[dreg:$0x4] =	wrdreg s12  }
0x16: {  	v3 =	vimm.f32 $0.0e+00;
	s21 =	sshrl.u32 s20, $0x3;
	s23 =	sor.u32 $0x3800, s11;
	[dreg:$0x5] =	wrdreg s22  }
0x17: {  	v1 =	vadd.s32 $0x1, v4;
	v63 =	vadd.s32 $0x2, v4;
	v0 =	vadd.s32 $0x3, v4;
	s28 =	simm.s32 $0x10;
	s31 =	simm.s32 $0x180;
	[dreg:$0x6] =	wrdreg s24  }
0x18: {  	v5 =	vadd.s32 $0x4, v4;
	v6 =	vadd.s32 $0x5, v4;
	v7 =	vadd.s32 $0x6, v4;
	s18 =	simm.s32 $0x2D0;
	s16 =	simm.s32 $0xAB40;
	[dreg:$0x9] =	wrdreg s0  }
0x19: {  	v8 =	vadd.s32 $0x7, v4;
	v9 =	vadd.s32 $0x8, v4;
	v12 =	vadd.s32 $0x9, v4;
	s20 =	simm.s32 $0x60;
	s12 =	sadd.s32 s26, s10;
	[dreg:$0xc] =	wrdreg s19  }
0x1a: {  	v11 =	vadd.s32 $0xA, v4;
	v2 =	vadd.s32 $0xB, v4;
	v13 =	vadd.s32 $0xC, v4;
	s30 =	sadd.s32 s13, s10;
	s13 =	sshrl.u32 s15, $0x3;
	[dreg:$0x11] =	wrdreg s28  }
0x1b: {  	v14 =	vadd.s32 $0xD, v4;
	v15 =	vadd.s32 $0xE, v4;
	v16 =	vadd.s32 $0xF, v4;
	s22 =	sadd.s32 $0x7000, s11;
	s25 =	sshrl.u32 s23, $0x3;
	[dreg:$0x14] =	wrdreg s31  }
0x1c: {  	v17 =	vadd.s32 $0x10, v4;
	v18 =	vadd.s32 $0x11, v4;
	v19 =	vadd.s32 $0x12, v4;
	s11 =	sshrl.u32 s11, $0x3;
	s15 =	simm.s32 $0x1F0;
	[dreg:$0x17] =	wrdreg s18  }
0x1d: {  	v20 =	vadd.s32 $0x13, v4;
	v21 =	vadd.s32 $0x14, v4;
	v22 =	vadd.s32 $0x15, v4;
	s18 =	simm.s32 $0xFF40;
	s19 =	simm.s32 $0x1;
	[dreg:$0x7] =	wrdreg s12  }
0x1e: {  	v23 =	vadd.s32 $0x16, v4;
	v24 =	vadd.s32 $0x17, v4;
	v25 =	vadd.s32 $0x18, v4;
	s23 =	simm.s32 $0x0;
	[dreg:$0x8] =	wrdreg s30;
	s12 =	sadd.s32 s14, s10  }
0x1f: {  	v26 =	vadd.s32 $0x19, v4;
	v27 =	vadd.s32 $0x1A, v4;
	v28 =	vadd.s32 $0x1B, v4;
	s17 =	sadd.s32 s13, s10;
	s13 =	sshrl.u32 s22, $0x3;
	[dreg:$0x15] =	wrdreg s15  }
0x20: {  	v29 =	vadd.s32 $0x1C, v4;
	v30 =	vadd.s32 $0x1D, v4;
	v31 =	vadd.s32 $0x1E, v4;
	s26 =	sadd.s32 s25, s10;
	s30 =	simm.s32 $0x110;
	[dreg:$0xa] =	wrdreg s12  }
0x21: {  	v32 =	vadd.s32 $0x1F, v4;
	v33 =	vadd.s32 $0x20, v4;
	v34 =	vadd.s32 $0x21, v4;
	s14 =	simm.s32 $0x5740;
	s15 =	simm.s32 $0x8140;
	[dreg:$0xb] =	wrdreg s17  }
0x22: {  	v35 =	vadd.s32 $0x22, v4;
	v36 =	vadd.s32 $0x23, v4;
	v37 =	vadd.s32 $0x24, v4;
	s22 =	simm.s32 $0x12940;
	s12 =	sadd.s32 s21, s10;
	[dreg:$0xf] =	wrdreg s26  }
0x23: {  	v38 =	vadd.s32 $0x25, v4;
	v39 =	vadd.s32 $0x26, v4;
	v40 =	vadd.s32 $0x27, v4;
	s24 =	sadd.s32 s13, s10;
	s10 =	sadd.s32 s11, s10;
	[dreg:$0x13] =	wrdreg s30  }
0x24: {  	v41 =	vadd.s32 $0x28, v4;
	v42 =	vadd.s32 $0x29, v4;
	v43 =	vadd.s32 $0x2A, v4;
	s11 =	simm.s32 $0x70;
	s13 =	simm.s32 $0x2D40;
	[dreg:$0xd] =	wrdreg s12  }
0x25: {  	v44 =	vadd.s32 $0x2B, v4;
	v45 =	vadd.s32 $0x2C, v4;
	v46 =	vadd.s32 $0x2D, v4;
	[tilespmem:$0x1FFE0] =	vst v2;
	s17 =	simm.s32 $0xD540;
	s21 =	simm.s32 $0x80;
	[dreg:$0xe] =	wrdreg s24  }
0x26: {  	v47 =	vadd.s32 $0x2E, v4;
	v48 =	vadd.s32 $0x2F, v4;
	v49 =	vadd.s32 $0x30, v4;
	[tilespmem:$0x1FFF0] =	vst v11;
	v2 =	vmovc v4;
	[dreg:$0x10] =	wrdreg s10;
	s10 =	simm.s32 $0x30;
	s12 =	simm.s32 $0x340  }
.LBB2_1:
0x27: {  	s24 =	simm.s32 $0x0  }
.LBB2_2:
0x28: {  	p0 =	sne.s32 s24, $0x3780  }
.Ltmp0:
0x29: {  	_ = 	snop;
	(pc) =	sbr.rel @p0 .LBB2_2-.Ltmp0, $4  }
0x2a: {  	_ = 	snop  }
0x2b: {  	s25 =	sshra.s32 s24, $0x2  }
0x2c: {  	[tilespmem:s25+$0x12940] =	vst v3  }
0x2d: {  	s24 =	sadd.s32 $0x80, s24;
	[tilespmem:s25+$0x12950] =	vst v3  }
0x2e: {  	[tilespmem:s2], [sflag:$0x2] =	stream.linear.gather [hbm4b:s7+s2], $0x10, $0x38;
	[tilespmem:$0x13740] =	vst v63  }
0x2f: {  	_ =	swait.ge [sflag:s8], $0x10  }
0x30: {  	[sflag:s8] =	ssyncset.done $0x0  }
0x31: {  	s24 =	rddreg [dreg:$0x11];
	[sflag:s8] =	ssyncadd.s32 $0xFFFFFFF0  }
0x32: {  	[tilespmem:s24], [sflag:$0x2] =	stream.linear.gather [hbm4b:s6+s2], $0x10, $0x38;
	[tilespmem:$0x13740] =	vst v63  }
0x33: {  	_ =	swait.ge [sflag:s8], $0x10  }
0x34: {  	[sflag:s8] =	ssyncset.done $0x0  }
0x35: {  	[sflag:s8] =	ssyncadd.s32 $0xFFFFFFF0  }
0x36: {  	[tilespmem:s9], [sflag:$0x2] =	stream.linear.gather [hbm4b:s5+s2], $0x10, $0x38;
	[tilespmem:$0x13740] =	vst v63  }
0x37: {  	_ =	swait.ge [sflag:s8], $0x10  }
0x38: {  	[sflag:s8] =	ssyncset.done $0x0  }
0x39: {  	[sflag:s8] =	ssyncadd.s32 $0xFFFFFFF0  }
0x3a: {  	v50 =	vld [tilespmem:$0x0]  }
0x3b: {  	v53 =	vld [tilespmem:$0x10]  }
0x3c: {  	v54 =	vld [tilespmem:$0x20];
	_ =	sdelay $0x3  }
0x3d: {  	v50 =	vshll.u32 v50, $0x12;
	v51 =	vadd.s32 $0xFFFFFFFD, v53;
	v55 =	vadd.s32 $0xFFFFFFFE, v53  }
0x3e: {  	v52 =	vadd.s32 $0xFFFFFFFD, v54;
	v56 =	vadd.s32 $0xFFFFFFFF, v54;
	v57 =	vadd.s32 $0xFFFFFFFE, v54  }
0x3f: {  	vm5 =	vgt.s32 v54, $0x0;
	v60 =	vadd.s32 $0x1, v54;
	v62 =	vadd.s32 $0x2, v54  }
0x40: {  	vm0 =	vgt.s32 v51, $0x0;
	vm4 =	vgt.s32 v56, $0x0;
	vm1 =	vgt.s32 v52, $0x0  }
0x41: {  	vm6 =	vgt.s32 v57, $0x0;
	v61 =	vnsel vm5, $0x0, v54;
	vm7 =	vgt.s32 v60, $0x0  }
0x42: {  	vm8 =	vgt.s32 v62, $0x0;
	v54 =	vadd.s32 $0x3, v54;
	v51 =	vnsel vm0, $0x0, v51  }
0x43: {  	vm9 =	vgt.s32 v55, $0x0;
	v56 =	vnsel vm4, $0x0, v56;
	v51 =	vmin.u32 v51, $0x1FF  }
0x44: {  	v52 =	vnsel vm1, $0x0, v52;
	v57 =	vnsel vm6, $0x0, v57;
	v58 =	vshll.u32 v51, $0x9  }
0x45: {  	v52 =	vmin.u32 v52, $0x1FF;
	v51 =	vmin.u32 v56, $0x1FF;
	v56 =	vor.u32 v50, v58  }
0x46: {  	v60 =	vnsel vm7, $0x0, v60;
	v57 =	vmin.u32 v57, $0x1FF;
	v58 =	vor.u32 v52, v56  }
0x47: {  	v62 =	vnsel vm8, $0x0, v62;
	vm10 =	vgt.s32 v54, $0x0;
	[tilespmem:v2+s10+$0x0] =	vst.idx.msk $0xffff, v58;
	v58 =	vor.u32 v57, v56  }
0x48: {  	v55 =	vnsel vm9, $0x0, v55;
	v59 =	vor.u32 v51, v56;
	[tilespmem:v1+s10+$0x0] =	vst.idx.msk $0xffff, v58;
	v58 =	vmin.u32 v61, $0x1FF  }
0x49: {  	v60 =	vmin.u32 v60, $0x1FF;
	v55 =	vmin.u32 v55, $0x1FF;
	[tilespmem:v63+s10+$0x0] =	vst.idx.msk $0xffff, v59;
	v59 =	vor.u32 v58, v56  }
0x4a: {  	v3 =	vld [tilespmem:$0x1FFE0];
	v54 =	vnsel vm10, $0x0, v54;
	v61 =	vmin.u32 v62, $0x1FF;
	[tilespmem:v0+s10+$0x0] =	vst.idx.msk $0xffff, v59;
	v59 =	vor.u32 v60, v56  }
0x4b: {  	v54 =	vmin.u32 v54, $0x1FF;
	v55 =	vshll.u32 v55, $0x9;
	v62 =	vor.u32 v61, v56;
	[tilespmem:v5+s10+$0x0] =	vst.idx.msk $0xffff, v59  }
0x4c: {  	v55 =	vor.u32 v50, v55;
	v56 =	vor.u32 v54, v56;
	[tilespmem:v6+s10+$0x0] =	vst.idx.msk $0xffff, v62  }
0x4d: {  	v62 =	vor.u32 v52, v55;
	[tilespmem:v7+s10+$0x0] =	vst.idx.msk $0xffff, v56  }
0x4e: {  	v59 =	vadd.s32 $0xFFFFFFFF, v53;
	[tilespmem:v8+s10+$0x0] =	vst.idx.msk $0xffff, v62;
	v62 =	vor.u32 v57, v55  }
0x4f: {  	vm11 =	vgt.s32 v59, $0x0;
	[tilespmem:v9+s10+$0x0] =	vst.idx.msk $0xffff, v62;
	v62 =	vor.u32 v51, v55  }
0x50: {  	v59 =	vnsel vm11, $0x0, v59;
	[tilespmem:v12+s10+$0x0] =	vst.idx.msk $0xffff, v62;
	v62 =	vor.u32 v58, v55  }
0x51: {  	v59 =	vmin.u32 v59, $0x1FF;
	[tilespmem:v11+s10+$0x0] =	vst.idx.msk $0xffff, v62;
	v62 =	vor.u32 v60, v55  }
0x52: {  	v59 =	vshll.u32 v59, $0x9;
	[tilespmem:v3+s10+$0x0] =	vst.idx.msk $0xffff, v62;
	v62 =	vor.u32 v61, v55  }
0x53: {  	v56 =	vor.u32 v50, v59;
	v55 =	vor.u32 v54, v55;
	[tilespmem:v13+s10+$0x0] =	vst.idx.msk $0xffff, v62  }
0x54: {  	v59 =	vor.u32 v52, v56;
	[tilespmem:v14+s10+$0x0] =	vst.idx.msk $0xffff, v55  }
0x55: {  	v62 =	vor.u32 v57, v56;
	[tilespmem:v15+s10+$0x0] =	vst.idx.msk $0xffff, v59  }
0x56: {  	vm12 =	vgt.s32 v53, $0x0;
	v59 =	vor.u32 v51, v56;
	[tilespmem:v16+s10+$0x0] =	vst.idx.msk $0xffff, v62  }
0x57: {  	v55 =	vnsel vm12, $0x0, v53;
	v62 =	vor.u32 v58, v56;
	[tilespmem:v17+s10+$0x0] =	vst.idx.msk $0xffff, v59  }
0x58: {  	v55 =	vmin.u32 v55, $0x1FF;
	[tilespmem:v18+s10+$0x0] =	vst.idx.msk $0xffff, v62;
	v62 =	vor.u32 v60, v56  }
0x59: {  	v55 =	vshll.u32 v55, $0x9;
	[tilespmem:v19+s10+$0x0] =	vst.idx.msk $0xffff, v62;
	v62 =	vor.u32 v61, v56  }
0x5a: {  	v55 =	vor.u32 v50, v55;
	v56 =	vor.u32 v54, v56;
	[tilespmem:v20+s10+$0x0] =	vst.idx.msk $0xffff, v62  }
0x5b: {  	v62 =	vor.u32 v52, v55;
	[tilespmem:v21+s10+$0x0] =	vst.idx.msk $0xffff, v56  }
0x5c: {  	v59 =	vadd.s32 $0x1, v53;
	[tilespmem:v22+s10+$0x0] =	vst.idx.msk $0xffff, v62;
	v62 =	vor.u32 v57, v55  }
0x5d: {  	vm13 =	vgt.s32 v59, $0x0;
	[tilespmem:v23+s10+$0x0] =	vst.idx.msk $0xffff, v62;
	v62 =	vor.u32 v51, v55  }
0x5e: {  	v59 =	vnsel vm13, $0x0, v59;
	[tilespmem:v24+s10+$0x0] =	vst.idx.msk $0xffff, v62;
	v62 =	vor.u32 v58, v55  }
0x5f: {  	v59 =	vmin.u32 v59, $0x1FF;
	[tilespmem:v25+s10+$0x0] =	vst.idx.msk $0xffff, v62;
	v62 =	vor.u32 v60, v55  }
0x60: {  	v59 =	vshll.u32 v59, $0x9;
	[tilespmem:v26+s10+$0x0] =	vst.idx.msk $0xffff, v62;
	v62 =	vor.u32 v61, v55  }
0x61: {  	v56 =	vor.u32 v50, v59;
	v55 =	vor.u32 v54, v55;
	[tilespmem:v27+s10+$0x0] =	vst.idx.msk $0xffff, v62  }
0x62: {  	v62 =	vor.u32 v52, v56;
	[tilespmem:v28+s10+$0x0] =	vst.idx.msk $0xffff, v55  }
0x63: {  	v59 =	vadd.s32 $0x2, v53;
	[tilespmem:v29+s10+$0x0] =	vst.idx.msk $0xffff, v62;
	v62 =	vor.u32 v57, v56  }
0x64: {  	vm14 =	vgt.s32 v59, $0x0;
	[tilespmem:v30+s10+$0x0] =	vst.idx.msk $0xffff, v62;
	v62 =	vor.u32 v51, v56  }
0x65: {  	v59 =	vnsel vm14, $0x0, v59;
	[tilespmem:v31+s10+$0x0] =	vst.idx.msk $0xffff, v62;
	v62 =	vor.u32 v58, v56  }
0x66: {  	v59 =	vmin.u32 v59, $0x1FF;
	[tilespmem:v32+s10+$0x0] =	vst.idx.msk $0xffff, v62;
	v62 =	vor.u32 v60, v56  }
0x67: {  	v59 =	vshll.u32 v59, $0x9;
	[tilespmem:v33+s10+$0x0] =	vst.idx.msk $0xffff, v62;
	v62 =	vor.u32 v61, v56  }
0x68: {  	[tilespmem:v34+s10+$0x0] =	vst.idx.msk $0xffff, v62;
	v62 =	vor.u32 v54, v56;
	v56 =	vor.u32 v50, v59  }
0x69: {  	[tilespmem:v35+s10+$0x0] =	vst.idx.msk $0xffff, v62;
	v59 =	vor.u32 v52, v56  }
0x6a: {  	v53 =	vadd.s32 $0x3, v53;
	v62 =	vor.u32 v57, v56;
	[tilespmem:v36+s10+$0x0] =	vst.idx.msk $0xffff, v59  }
0x6b: {  	vm15 =	vgt.s32 v53, $0x0;
	v59 =	vor.u32 v51, v56;
	[tilespmem:v37+s10+$0x0] =	vst.idx.msk $0xffff, v62  }
0x6c: {  	v53 =	vnsel vm15, $0x0, v53;
	v62 =	vor.u32 v58, v56;
	[tilespmem:v38+s10+$0x0] =	vst.idx.msk $0xffff, v59  }
0x6d: {  	v53 =	vmin.u32 v53, $0x1FF;
	v59 =	vor.u32 v60, v56;
	[tilespmem:v39+s10+$0x0] =	vst.idx.msk $0xffff, v62  }
0x6e: {  	v53 =	vshll.u32 v53, $0x9;
	v62 =	vor.u32 v61, v56;
	[tilespmem:v40+s10+$0x0] =	vst.idx.msk $0xffff, v59  }
0x6f: {  	v50 =	vor.u32 v50, v53;
	v56 =	vor.u32 v54, v56;
	[tilespmem:v41+s10+$0x0] =	vst.idx.msk $0xffff, v62  }
0x70: {  	v52 =	vor.u32 v52, v50;
	[tilespmem:v42+s10+$0x0] =	vst.idx.msk $0xffff, v56  }
0x71: {  	v57 =	vor.u32 v57, v50;
	[tilespmem:v43+s10+$0x0] =	vst.idx.msk $0xffff, v52  }
0x72: {  	v51 =	vor.u32 v51, v50;
	[tilespmem:v44+s10+$0x0] =	vst.idx.msk $0xffff, v57  }
0x73: {  	v59 =	vor.u32 v58, v50;
	[tilespmem:v45+s10+$0x0] =	vst.idx.msk $0xffff, v51  }
0x74: {  	v60 =	vor.u32 v60, v50;
	[tilespmem:v46+s10+$0x0] =	vst.idx.msk $0xffff, v59  }
0x75: {  	v62 =	vor.u32 v61, v50;
	[tilespmem:v47+s10+$0x0] =	vst.idx.msk $0xffff, v60  }
0x76: {  	v50 =	vor.u32 v54, v50;
	[tilespmem:v48+s10+$0x0] =	vst.idx.msk $0xffff, v62  }
0x77: {  	[tilespmem:v49+s10+$0x0] =	vst.idx.msk $0xffff, v50  }
0x78: {  	[tilespmem:s12], [sflag:$0x1] =	stream.indirect.gather [hbm4b:s3+s11], $0x60, s10, s11, $0xb8;
	[tilespmem:$0x13740] =	vst v63  }
0x79: {  	s30 =	rddreg [dreg:$0x12]  }
0x7a: {  	[tilespmem:s13], [sflag:$0x1] =	stream.indirect.gather [hbm4b:s3+s11], $0x60, s30, s11, $0xb8;
	[tilespmem:$0x13740] =	vst v63  }
0x7b: {  	s25 =	rddreg [dreg:$0x13]  }
0x7c: {  	[tilespmem:s14], [sflag:$0x1] =	stream.indirect.gather [hbm4b:s3+s11], $0x60, s25, s11, $0xb8;
	[tilespmem:$0x13740] =	vst v63  }
0x7d: {  	s31 =	rddreg [dreg:$0x14]  }
0x7e: {  	[tilespmem:s15], [sflag:$0x1] =	stream.indirect.gather [hbm4b:s3+s11], $0x60, s31, s11, $0xb8;
	[tilespmem:$0x13740] =	vst v63  }
0x7f: {  	s0 =	rddreg [dreg:$0x15]  }
0x80: {  	[tilespmem:s16], [sflag:$0x1] =	stream.indirect.gather [hbm4b:s3+s11], $0x60, s0, s11, $0xb8;
	[tilespmem:$0x13740] =	vst v63  }
0x81: {  	s1 =	rddreg [dreg:$0x16]  }
0x82: {  	[tilespmem:s17], [sflag:$0x1] =	stream.indirect.gather [hbm4b:s3+s11], $0x60, s1, s11, $0xb8;
	[tilespmem:$0x13740] =	vst v63  }
0x83: {  	s26 =	rddreg [dreg:$0x17]  }
0x84: {  	[tilespmem:s18], [sflag:$0x1] =	stream.indirect.gather [hbm4b:s3+s11], $0x60, s26, s11, $0xb8;
	[tilespmem:$0x13740] =	vst v63  }
0x85: {  	_ =	swait.ge [sflag:s19], $0x2A00  }
0x86: {  	[sflag:s19] =	ssyncset.done $0x0  }
0x87: {  	[sflag:s19] =	ssyncadd.s32 $0xFFFFD600  }
0x88: {  	_ =	swait.ge [sflag:s19], $0x2A00  }
0x89: {  	[sflag:s19] =	ssyncset.done $0x0  }
0x8a: {  	[sflag:s19] =	ssyncadd.s32 $0xFFFFD600  }
0x8b: {  	_ =	swait.ge [sflag:s19], $0x2A00  }
0x8c: {  	[sflag:s19] =	ssyncset.done $0x0  }
0x8d: {  	[sflag:s19] =	ssyncadd.s32 $0xFFFFD600  }
0x8e: {  	_ =	swait.ge [sflag:s19], $0x2A00  }
0x8f: {  	[sflag:s19] =	ssyncset.done $0x0  }
0x90: {  	[sflag:s19] =	ssyncadd.s32 $0xFFFFD600  }
0x91: {  	_ =	swait.ge [sflag:s19], $0x2A00  }
0x92: {  	[sflag:s19] =	ssyncset.done $0x0  }
0x93: {  	[sflag:s19] =	ssyncadd.s32 $0xFFFFD600  }
0x94: {  	_ =	swait.ge [sflag:s19], $0x2A00  }
0x95: {  	[sflag:s19] =	ssyncset.done $0x0  }
0x96: {  	[sflag:s19] =	ssyncadd.s32 $0xFFFFD600  }
0x97: {  	_ =	swait.ge [sflag:s19], $0x2A00  }
0x98: {  	s29 =	rddreg [dreg:$0x10];
	[sflag:s19] =	ssyncset.done $0x0  }
0x99: {  	s30 =	rddreg [dreg:$0xf];
	[sflag:s19] =	ssyncadd.s32 $0xFFFFD600;
	s24 =	sadd.s32 $0x0, s29  }
0x9a: {  	[hbm4b:s24+s20] =	stream.strided.scatter [tilespmem:s12], [sflag:$0x1], $0x2A00, s21, s20, $0x38;
	[tilespmem:$0x13740] =	vst v63  }
0x9b: {  	s26 =	rddreg [dreg:$0xe];
	s25 =	sadd.s32 $0x0, s30  }
0x9c: {  	[hbm4b:s25+s20] =	stream.strided.scatter [tilespmem:s13], [sflag:$0x1], $0x2A00, s21, s20, $0x38;
	[tilespmem:$0x13740] =	vst v63  }
0x9d: {  	s28 =	rddreg [dreg:$0xd];
	s31 =	sadd.s32 $0x0, s26  }
0x9e: {  	[hbm4b:s31+s20] =	stream.strided.scatter [tilespmem:s14], [sflag:$0x1], $0x2A00, s21, s20, $0x38;
	[tilespmem:$0x13740] =	vst v63  }
0x9f: {  	s0 =	rddreg [dreg:$0xc];
	s1 =	sadd.s32 $0x0, s28  }
0xa0: {  	[hbm4b:s1+s20] =	stream.strided.scatter [tilespmem:s15], [sflag:$0x1], $0x2A00, s21, s20, $0x38;
	[tilespmem:$0x13740] =	vst v63  }
0xa1: {  	s28 =	rddreg [dreg:$0xb];
	s26 =	sadd.s32 $0x0, s0  }
0xa2: {  	[hbm4b:s26+s20] =	stream.strided.scatter [tilespmem:s16], [sflag:$0x1], $0x2A00, s21, s20, $0x38;
	[tilespmem:$0x13740] =	vst v63  }
0xa3: {  	s29 =	rddreg [dreg:$0xa];
	s30 =	sadd.s32 $0x0, s28  }
0xa4: {  	[hbm4b:s30+s20] =	stream.strided.scatter [tilespmem:s17], [sflag:$0x1], $0x2A00, s21, s20, $0x38;
	[tilespmem:$0x13740] =	vst v63  }
0xa5: {  	s31 =	sadd.s32 $0x0, s29  }
0xa6: {  	[hbm4b:s31+s20] =	stream.strided.scatter [tilespmem:s18], [sflag:$0x1], $0x2A00, s21, s20, $0x38;
	[tilespmem:$0x13740] =	vst v63  }
0xa7: {  	s0 =	rddreg [dreg:$0x9];
	s24 =	sadd.s32 $0xC, s24  }
0xa8: {  	[hbm4b:s24+s9] =	stream.strided.scatter [tilespmem:s22], [sflag:$0x1], $0xE00, s21, s9, $0x38;
	[tilespmem:$0x13740] =	vst v63  }
0xa9: {  	s1 =	rddreg [dreg:$0x8];
	s26 =	sadd.s32 $0x0, s0  }
0xaa: {  	[hbm4b:s26+s9] =	stream.strided.scatter [tilespmem:s22], [sflag:$0x1], $0xE00, s21, s9, $0x38;
	[tilespmem:$0x13740] =	vst v63  }
0xab: {  	s29 =	rddreg [dreg:$0x7];
	s30 =	sadd.s32 $0x0, s1  }
0xac: {  	[hbm4b:s30+s9] =	stream.strided.scatter [tilespmem:s22], [sflag:$0x1], $0xE00, s21, s9, $0x38;
	[tilespmem:$0x13740] =	vst v63  }
0xad: {  	s0 =	sadd.s32 $0x0, s29;
	s31 =	rddreg [dreg:$0x6]  }
0xae: {  	[hbm4b:s0+s9] =	stream.strided.scatter [tilespmem:s22], [sflag:$0x1], $0xE00, s21, s9, $0x38;
	[tilespmem:$0x13740] =	vst v63  }
0xaf: {  	s1 =	rddreg [dreg:$0x5];
	s25 =	sadd.s32 $0x0, s31  }
0xb0: {  	[hbm4b:s25+s9] =	stream.strided.scatter [tilespmem:s22], [sflag:$0x1], $0xE00, s21, s9, $0x38;
	[tilespmem:$0x13740] =	vst v63  }
0xb1: {  	s29 =	rddreg [dreg:$0x4];
	s30 =	sadd.s32 $0x0, s1  }
0xb2: {  	[hbm4b:s30+s9] =	stream.strided.scatter [tilespmem:s22], [sflag:$0x1], $0xE00, s21, s9, $0x38;
	[tilespmem:$0x13740] =	vst v63  }
0xb3: {  	s31 =	sadd.s32 $0x0, s29  }
0xb4: {  	[hbm4b:s31+s9] =	stream.strided.scatter [tilespmem:s22], [sflag:$0x1], $0xE00, s21, s9, $0x38;
	[tilespmem:$0x13740] =	vst v63  }
0xb5: {  	_ =	swait.ge [sflag:s19], $0x2A00  }
0xb6: {  	[sflag:s19] =	ssyncset.done $0x0  }
0xb7: {  	[sflag:s19] =	ssyncadd.s32 $0xFFFFD600  }
0xb8: {  	_ =	swait.ge [sflag:s19], $0x2A00  }
0xb9: {  	[sflag:s19] =	ssyncset.done $0x0  }
0xba: {  	[sflag:s19] =	ssyncadd.s32 $0xFFFFD600  }
0xbb: {  	_ =	swait.ge [sflag:s19], $0x2A00  }
0xbc: {  	[sflag:s19] =	ssyncset.done $0x0  }
0xbd: {  	[sflag:s19] =	ssyncadd.s32 $0xFFFFD600  }
0xbe: {  	_ =	swait.ge [sflag:s19], $0x2A00  }
0xbf: {  	[sflag:s19] =	ssyncset.done $0x0  }
0xc0: {  	[sflag:s19] =	ssyncadd.s32 $0xFFFFD600  }
0xc1: {  	_ =	swait.ge [sflag:s19], $0x2A00  }
0xc2: {  	[sflag:s19] =	ssyncset.done $0x0  }
0xc3: {  	[sflag:s19] =	ssyncadd.s32 $0xFFFFD600  }
0xc4: {  	_ =	swait.ge [sflag:s19], $0x2A00  }
0xc5: {  	[sflag:s19] =	ssyncset.done $0x0  }
0xc6: {  	[sflag:s19] =	ssyncadd.s32 $0xFFFFD600  }
0xc7: {  	_ =	swait.ge [sflag:s19], $0x2A00  }
0xc8: {  	[sflag:s19] =	ssyncset.done $0x0  }
0xc9: {  	[sflag:s19] =	ssyncadd.s32 $0xFFFFD600  }
0xca: {  	s28 =	smov.u32 s6;
	s24 =	simm.s32 $0x3100;
	_ =	swait.ge [sflag:s19], $0xE00  }
0xcb: {  	s26 =	smov.u32 s5;
	s25 =	sadd.s32 $0x2, s7;
	[sflag:s19] =	ssyncset.done $0x0  }
.LBB2_4:
0xcc: {  	[sflag:s19] =	ssyncadd.s32 $0xFFFFF200  }
0xcd: {  	_ =	swait.ge [sflag:s19], $0xE00  }
0xce: {  	[sflag:s19] =	ssyncset.done $0x0  }
0xcf: {  	[sflag:s19] =	ssyncadd.s32 $0xFFFFF200  }
0xd0: {  	_ =	swait.ge [sflag:s19], $0xE00  }
0xd1: {  	[sflag:s19] =	ssyncset.done $0x0  }
0xd2: {  	[sflag:s19] =	ssyncadd.s32 $0xFFFFF200  }
0xd3: {  	_ =	swait.ge [sflag:s19], $0xE00  }
0xd4: {  	[sflag:s19] =	ssyncset.done $0x0  }
0xd5: {  	[sflag:s19] =	ssyncadd.s32 $0xFFFFF200  }
0xd6: {  	_ =	swait.ge [sflag:s19], $0xE00  }
0xd7: {  	[sflag:s19] =	ssyncset.done $0x0  }
0xd8: {  	[sflag:s19] =	ssyncadd.s32 $0xFFFFF200  }
0xd9: {  	_ =	swait.ge [sflag:s19], $0xE00  }
0xda: {  	[sflag:s19] =	ssyncset.done $0x0  }
0xdb: {  	[sflag:s19] =	ssyncadd.s32 $0xFFFFF200  }
0xdc: {  	_ =	swait.ge [sflag:s19], $0xE00  }
0xdd: {  	[sflag:s19] =	ssyncset.done $0x0  }
0xde: {  	[sflag:s19] =	ssyncadd.s32 $0xFFFFF200  }
0xdf: {  	[tilespmem:s2], [sflag:$0x2] =	stream.linear.gather [hbm4b:s25+s2], $0x10, $0x38;
	[tilespmem:$0x13740] =	vst v63  }
0xe0: {  	_ =	swait.ge [sflag:s8], $0x10  }
0xe1: {  	[sflag:s8] =	ssyncset.done $0x0  }
0xe2: {  	s28 =	sadd.s32 $0x2, s28;
	s30 =	rddreg [dreg:$0x11];
	[sflag:s8] =	ssyncadd.s32 $0xFFFFFFF0  }
0xe3: {  	[tilespmem:s30], [sflag:$0x2] =	stream.linear.gather [hbm4b:s28+s2], $0x10, $0x38;
	[tilespmem:$0x13740] =	vst v63  }
0xe4: {  	_ =	swait.ge [sflag:s8], $0x10  }
0xe5: {  	[sflag:s8] =	ssyncset.done $0x0  }
0xe6: {  	s26 =	sadd.s32 $0x2, s26;
	[sflag:s8] =	ssyncadd.s32 $0xFFFFFFF0  }
0xe7: {  	[tilespmem:s9], [sflag:$0x2] =	stream.linear.gather [hbm4b:s26+s2], $0x10, $0x38;
	[tilespmem:$0x13740] =	vst v63  }
0xe8: {  	_ =	swait.ge [sflag:s8], $0x10  }
0xe9: {  	[sflag:s8] =	ssyncset.done $0x0  }
0xea: {  	[sflag:s8] =	ssyncadd.s32 $0xFFFFFFF0  }
0xeb: {  	v50 =	vld [tilespmem:$0x0]  }
0xec: {  	v58 =	vld [tilespmem:$0x10]  }
0xed: {  	v54 =	vld [tilespmem:$0x20];
	_ =	sdelay $0x3  }
0xee: {  	v50 =	vshll.u32 v50, $0x12;
	v51 =	vadd.s32 $0xFFFFFFFD, v58;
	v55 =	vadd.s32 $0xFFFFFFFE, v58  }
0xef: {  	v52 =	vadd.s32 $0xFFFFFFFD, v54;
	v53 =	vadd.s32 $0xFFFFFFFF, v54;
	v56 =	vadd.s32 $0xFFFFFFFE, v54  }
0xf0: {  	vm5 =	vgt.s32 v54, $0x0;
	v60 =	vadd.s32 $0x1, v54;
	vm0 =	vgt.s32 v51, $0x0  }
0xf1: {  	v62 =	vadd.s32 $0x3, v54;
	vm4 =	vgt.s32 v53, $0x0;
	v51 =	vnsel vm0, $0x0, v51  }
0xf2: {  	vm1 =	vgt.s32 v52, $0x0;
	vm6 =	vgt.s32 v56, $0x0;
	v51 =	vmin.u32 v51, $0x1FF  }
0xf3: {  	v61 =	vnsel vm5, $0x0, v54;
	v52 =	vnsel vm1, $0x0, v52;
	v57 =	vshll.u32 v51, $0x9  }
0xf4: {  	v53 =	vnsel vm4, $0x0, v53;
	v52 =	vmin.u32 v52, $0x1FF;
	v59 =	vor.u32 v50, v57  }
0xf5: {  	vm7 =	vgt.s32 v60, $0x0;
	v51 =	vmin.u32 v53, $0x1FF;
	v53 =	vor.u32 v52, v59  }
0xf6: {  	vm9 =	vgt.s32 v55, $0x0;
	vm10 =	vgt.s32 v62, $0x0;
	[tilespmem:v2+s10+$0x0] =	vst.idx.msk $0xffff, v53;
	v53 =	vnsel vm6, $0x0, v56  }
0xf7: {  	v56 =	vnsel vm7, $0x0, v60;
	v60 =	vadd.s32 $0x2, v54;
	v53 =	vmin.u32 v53, $0x1FF  }
0xf8: {  	v57 =	vor.u32 v51, v59;
	vm8 =	vgt.s32 v60, $0x0;
	v54 =	vor.u32 v53, v59  }
0xf9: {  	v60 =	vnsel vm8, $0x0, v60;
	[tilespmem:v1+s10+$0x0] =	vst.idx.msk $0xffff, v54;
	v54 =	vmin.u32 v61, $0x1FF;
	v61 =	vnsel vm9, $0x0, v55  }
0xfa: {  	v55 =	vmin.u32 v56, $0x1FF;
	v56 =	vmin.u32 v60, $0x1FF;
	[tilespmem:v63+s10+$0x0] =	vst.idx.msk $0xffff, v57;
	v57 =	vor.u32 v54, v59  }
0xfb: {  	v60 =	vnsel vm10, $0x0, v62;
	v61 =	vmin.u32 v61, $0x1FF;
	[tilespmem:v0+s10+$0x0] =	vst.idx.msk $0xffff, v57;
	v57 =	vor.u32 v55, v59  }
0xfc: {  	v62 =	vor.u32 v56, v59;
	[tilespmem:v5+s10+$0x0] =	vst.idx.msk $0xffff, v57;
	v57 =	vmin.u32 v60, $0x1FF;
	v60 =	vshll.u32 v61, $0x9  }
0xfd: {  	v3 =	vmov v2;
	[tilespmem:v6+s10+$0x0] =	vst.idx.msk $0xffff, v62;
	v59 =	vor.u32 v57, v59;
	v60 =	vor.u32 v50, v60  }
0xfe: {  	v2 =	vmovc v49;
	v49 =	vmov v48;
	v48 =	vmov v47;
	[tilespmem:v7+s10+$0x0] =	vst.idx.msk $0xffff, v59;
	v59 =	vor.u32 v52, v60  }
0xff: {  	v47 =	vmovc v46;
	v46 =	vmov v45;
	v45 =	vmov v44;
	[tilespmem:v8+s10+$0x0] =	vst.idx.msk $0xffff, v59;
	v59 =	vor.u32 v53, v60  }
0x100: {  	v44 =	vmovc v43;
	v43 =	vmov v42;
	v42 =	vmov v41;
	v62 =	vor.u32 v51, v60;
	[tilespmem:v9+s10+$0x0] =	vst.idx.msk $0xffff, v59  }
0x101: {  	v41 =	vmovc v40;
	v40 =	vmov v39;
	v39 =	vmov v38;
	[tilespmem:v12+s10+$0x0] =	vst.idx.msk $0xffff, v62;
	v62 =	vor.u32 v54, v60  }
0x102: {  	v38 =	vmovc v37;
	[tilespmem:v11+s10+$0x0] =	vst.idx.msk $0xffff, v62;
	v11 =	vmovc v9;
	v9 =	vmov v7;
	v7 =	vmov v5;
	v5 =	vmov v63;
	v63 =	vld [tilespmem:$0x1FFE0]  }
0x103: {  	v37 =	vmovc v36;
	v36 =	vmovc v35;
	v35 =	vmov v34;
	v34 =	vmov v33;
	v33 =	vmov v32  }
0x104: {  	v32 =	vmovc v31;
	v31 =	vmovc v30;
	v30 =	vmov v29;
	v29 =	vmov v28;
	v28 =	vmov v27  }
0x105: {  	v27 =	vmovc v26;
	v26 =	vmovc v25;
	v25 =	vmov v24;
	v24 =	vmov v23;
	v23 =	vmov v22  }
0x106: {  	v22 =	vmovc v21;
	v21 =	vmovc v20;
	v20 =	vmov v19;
	v19 =	vmov v18;
	v18 =	vmov v17  }
0x107: {  	v17 =	vmovc v16;
	v16 =	vmovc v15;
	v15 =	vmov v14;
	v14 =	vmov v13;
	v13 =	vor.u32 v55, v60;
	_ =	sdelay $0x2  }
0x108: {  	v61 =	vadd.s32 $0xFFFFFFFF, v58;
	[tilespmem:v63+s10+$0x0] =	vst.idx.msk $0xffff, v13;
	v13 =	vmov v14  }
0x109: {  	vm11 =	vgt.s32 v61, $0x0;
	v14 =	vmov v15  }
0x10a: {  	v61 =	vnsel vm11, $0x0, v61;
	v15 =	vmov v16  }
0x10b: {  	v61 =	vmin.u32 v61, $0x1FF;
	v16 =	vmov v17  }
0x10c: {  	v59 =	vor.u32 v57, v60;
	v61 =	vshll.u32 v61, $0x9;
	v60 =	vor.u32 v56, v60;
	v17 =	vmovc v18  }
0x10d: {  	v18 =	vmov v19;
	[tilespmem:v13+s10+$0x0] =	vst.idx.msk $0xffff, v60;
	v60 =	vor.u32 v50, v61  }
0x10e: {  	v62 =	vadd.s32 $0x1, v58;
	v19 =	vmov v20;
	[tilespmem:v14+s10+$0x0] =	vst.idx.msk $0xffff, v59;
	v59 =	vor.u32 v52, v60  }
0x10f: {  	vm13 =	vgt.s32 v62, $0x0;
	v20 =	vmov v21;
	[tilespmem:v15+s10+$0x0] =	vst.idx.msk $0xffff, v59;
	v59 =	vor.u32 v53, v60  }
0x110: {  	vm12 =	vgt.s32 v58, $0x0;
	v21 =	vmovc v22;
	v61 =	vnsel vm13, $0x0, v62;
	v62 =	vor.u32 v51, v60;
	[tilespmem:v16+s10+$0x0] =	vst.idx.msk $0xffff, v59  }
0x111: {  	v4 =	vmovc v1;
	v1 =	vnsel vm12, $0x0, v58;
	v22 =	vmov v23;
	v63 =	vor.u32 v54, v60;
	[tilespmem:v17+s10+$0x0] =	vst.idx.msk $0xffff, v62  }
0x112: {  	v1 =	vmin.u32 v1, $0x1FF;
	v23 =	vmov v24;
	v62 =	vor.u32 v55, v60;
	[tilespmem:v18+s10+$0x0] =	vst.idx.msk $0xffff, v63  }
0x113: {  	v1 =	vshll.u32 v1, $0x9;
	v24 =	vmov v25;
	v63 =	vor.u32 v56, v60;
	[tilespmem:v19+s10+$0x0] =	vst.idx.msk $0xffff, v62  }
0x114: {  	v1 =	vor.u32 v50, v1;
	v25 =	vmov v26;
	v62 =	vor.u32 v57, v60;
	[tilespmem:v20+s10+$0x0] =	vst.idx.msk $0xffff, v63  }
0x115: {  	v26 =	vmov v27;
	v59 =	vor.u32 v52, v1;
	[tilespmem:v21+s10+$0x0] =	vst.idx.msk $0xffff, v62  }
0x116: {  	v27 =	vmov v28;
	v63 =	vor.u32 v53, v1;
	[tilespmem:v22+s10+$0x0] =	vst.idx.msk $0xffff, v59  }
0x117: {  	v28 =	vmov v29;
	v60 =	vor.u32 v51, v1;
	[tilespmem:v23+s10+$0x0] =	vst.idx.msk $0xffff, v63  }
0x118: {  	v29 =	vmov v30;
	v62 =	vor.u32 v54, v1;
	[tilespmem:v24+s10+$0x0] =	vst.idx.msk $0xffff, v60  }
0x119: {  	v30 =	vmov v31;
	v61 =	vmin.u32 v61, $0x1FF;
	v63 =	vor.u32 v55, v1;
	[tilespmem:v25+s10+$0x0] =	vst.idx.msk $0xffff, v62  }
0x11a: {  	v31 =	vmov v32;
	v61 =	vshll.u32 v61, $0x9;
	v60 =	vor.u32 v56, v1;
	[tilespmem:v26+s10+$0x0] =	vst.idx.msk $0xffff, v63  }
0x11b: {  	v32 =	vmov v33;
	v59 =	vor.u32 v50, v61;
	v1 =	vor.u32 v57, v1;
	[tilespmem:v27+s10+$0x0] =	vst.idx.msk $0xffff, v60  }
0x11c: {  	v10 =	vmovc v8;
	v8 =	vmov v6;
	v33 =	vmov v34;
	[tilespmem:v28+s10+$0x0] =	vst.idx.msk $0xffff, v1;
	v1 =	vor.u32 v52, v59  }
0x11d: {  	v6 =	vmovc v0;
	v0 =	vadd.s32 $0x2, v58;
	v34 =	vmov v35;
	[tilespmem:v29+s10+$0x0] =	vst.idx.msk $0xffff, v1;
	v1 =	vor.u32 v53, v59  }
0x11e: {  	vm14 =	vgt.s32 v0, $0x0;
	v35 =	vmov v36;
	v60 =	vor.u32 v51, v59;
	[tilespmem:v30+s10+$0x0] =	vst.idx.msk $0xffff, v1  }
0x11f: {  	v0 =	vnsel vm14, $0x0, v0;
	v36 =	vmov v37;
	v1 =	vor.u32 v54, v59;
	[tilespmem:v31+s10+$0x0] =	vst.idx.msk $0xffff, v60  }
0x120: {  	v0 =	vmin.u32 v0, $0x1FF;
	v37 =	vmov v38;
	[tilespmem:v32+s10+$0x0] =	vst.idx.msk $0xffff, v1;
	v1 =	vor.u32 v55, v59  }
0x121: {  	v0 =	vshll.u32 v0, $0x9;
	v38 =	vmov v39;
	[tilespmem:v33+s10+$0x0] =	vst.idx.msk $0xffff, v1;
	v1 =	vor.u32 v56, v59  }
0x122: {  	v0 =	vor.u32 v50, v0;
	v39 =	vmov v40;
	[tilespmem:v34+s10+$0x0] =	vst.idx.msk $0xffff, v1;
	v1 =	vor.u32 v57, v59  }
0x123: {  	v40 =	vmov v41;
	[tilespmem:v35+s10+$0x0] =	vst.idx.msk $0xffff, v1;
	v1 =	vor.u32 v52, v0  }
0x124: {  	v58 =	vadd.s32 $0x3, v58;
	v41 =	vmov v42;
	[tilespmem:v36+s10+$0x0] =	vst.idx.msk $0xffff, v1;
	v1 =	vor.u32 v53, v0  }
0x125: {  	vm15 =	vgt.s32 v58, $0x0;
	v42 =	vmov v43;
	v61 =	vor.u32 v51, v0;
	[tilespmem:v37+s10+$0x0] =	vst.idx.msk $0xffff, v1  }
0x126: {  	v58 =	vnsel vm15, $0x0, v58;
	v43 =	vmov v44;
	v1 =	vor.u32 v54, v0;
	[tilespmem:v38+s10+$0x0] =	vst.idx.msk $0xffff, v61  }
0x127: {  	v58 =	vmin.u32 v58, $0x1FF;
	v44 =	vmov v45;
	[tilespmem:v39+s10+$0x0] =	vst.idx.msk $0xffff, v1;
	v1 =	vor.u32 v55, v0  }
0x128: {  	v58 =	vshll.u32 v58, $0x9;
	v45 =	vmov v46;
	[tilespmem:v40+s10+$0x0] =	vst.idx.msk $0xffff, v1;
	v1 =	vor.u32 v56, v0  }
0x129: {  	v46 =	vmov v47;
	v0 =	vor.u32 v57, v0;
	[tilespmem:v41+s10+$0x0] =	vst.idx.msk $0xffff, v1;
	v1 =	vor.u32 v50, v58  }
0x12a: {  	v47 =	vmov v48;
	[tilespmem:v42+s10+$0x0] =	vst.idx.msk $0xffff, v0;
	v0 =	vor.u32 v52, v1  }
0x12b: {  	v48 =	vmov v49;
	[tilespmem:v43+s10+$0x0] =	vst.idx.msk $0xffff, v0;
	v0 =	vor.u32 v53, v1  }
0x12c: {  	v50 =	vor.u32 v51, v1;
	[tilespmem:v44+s10+$0x0] =	vst.idx.msk $0xffff, v0  }
0x12d: {  	v0 =	vor.u32 v54, v1;
	[tilespmem:v45+s10+$0x0] =	vst.idx.msk $0xffff, v50  }
0x12e: {  	[tilespmem:v46+s10+$0x0] =	vst.idx.msk $0xffff, v0;
	v0 =	vor.u32 v55, v1  }
0x12f: {  	v62 =	vor.u32 v56, v1;
	[tilespmem:v47+s10+$0x0] =	vst.idx.msk $0xffff, v0  }
0x130: {  	v63 =	vor.u32 v57, v1;
	[tilespmem:v48+s10+$0x0] =	vst.idx.msk $0xffff, v62  }
0x131: {  	[tilespmem:v2+s10+$0x0] =	vst.idx.msk $0xffff, v63  }
0x132: {  	[tilespmem:s12], [sflag:$0x1] =	stream.indirect.gather [hbm4b:s3+s11], $0x60, s10, s11, $0xb8;
	[tilespmem:$0x13740] =	vst v63  }
0x133: {  	s1 =	rddreg [dreg:$0x12]  }
0x134: {  	[tilespmem:s13], [sflag:$0x1] =	stream.indirect.gather [hbm4b:s3+s11], $0x60, s1, s11, $0xb8;
	[tilespmem:$0x13740] =	vst v63  }
0x135: {  	s31 =	rddreg [dreg:$0x13]  }
0x136: {  	[tilespmem:s14], [sflag:$0x1] =	stream.indirect.gather [hbm4b:s3+s11], $0x60, s31, s11, $0xb8;
	[tilespmem:$0x13740] =	vst v63  }
0x137: {  	s0 =	rddreg [dreg:$0x14]  }
0x138: {  	[tilespmem:s15], [sflag:$0x1] =	stream.indirect.gather [hbm4b:s3+s11], $0x60, s0, s11, $0xb8;
	[tilespmem:$0x13740] =	vst v63  }
0x139: {  	s1 =	rddreg [dreg:$0x15]  }
0x13a: {  	[tilespmem:s16], [sflag:$0x1] =	stream.indirect.gather [hbm4b:s3+s11], $0x60, s1, s11, $0xb8;
	[tilespmem:$0x13740] =	vst v63  }
0x13b: {  	s0 =	rddreg [dreg:$0x16]  }
0x13c: {  	[tilespmem:s17], [sflag:$0x1] =	stream.indirect.gather [hbm4b:s3+s11], $0x60, s0, s11, $0xb8;
	[tilespmem:$0x13740] =	vst v63  }
0x13d: {  	s1 =	rddreg [dreg:$0x17]  }
0x13e: {  	[tilespmem:s18], [sflag:$0x1] =	stream.indirect.gather [hbm4b:s3+s11], $0x60, s1, s11, $0xb8;
	[tilespmem:$0x13740] =	vst v63  }
0x13f: {  	v63 =	vmovc v5;
	v5 =	vmov v7;
	v7 =	vmov v9;
	v9 =	vmov v11;
	v11 =	vld [tilespmem:$0x1FFF0];
	_ =	swait.ge [sflag:s19], $0x2A00  }
0x140: {  	[sflag:s19] =	ssyncset.done $0x0  }
0x141: {  	[sflag:s19] =	ssyncadd.s32 $0xFFFFD600  }
0x142: {  	_ =	swait.ge [sflag:s19], $0x2A00  }
0x143: {  	[sflag:s19] =	ssyncset.done $0x0  }
0x144: {  	[sflag:s19] =	ssyncadd.s32 $0xFFFFD600  }
0x145: {  	_ =	swait.ge [sflag:s19], $0x2A00  }
0x146: {  	[sflag:s19] =	ssyncset.done $0x0  }
0x147: {  	[sflag:s19] =	ssyncadd.s32 $0xFFFFD600  }
0x148: {  	_ =	swait.ge [sflag:s19], $0x2A00  }
0x149: {  	[sflag:s19] =	ssyncset.done $0x0  }
0x14a: {  	[sflag:s19] =	ssyncadd.s32 $0xFFFFD600  }
0x14b: {  	_ =	swait.ge [sflag:s19], $0x2A00  }
0x14c: {  	[sflag:s19] =	ssyncset.done $0x0  }
0x14d: {  	[sflag:s19] =	ssyncadd.s32 $0xFFFFD600  }
0x14e: {  	_ =	swait.ge [sflag:s19], $0x2A00  }
0x14f: {  	[sflag:s19] =	ssyncset.done $0x0  }
0x150: {  	[sflag:s19] =	ssyncadd.s32 $0xFFFFD600  }
0x151: {  	_ =	swait.ge [sflag:s19], $0x2A00  }
0x152: {  	s29 =	smov.u32 s24;
	s0 =	rddreg [dreg:$0x10];
	[sflag:s19] =	ssyncset.done $0x0  }
0x153: {  	s1 =	rddreg [dreg:$0xf];
	[sflag:s19] =	ssyncadd.s32 $0xFFFFD600;
	s30 =	sadd.s32 s29, s0  }
0x154: {  	[hbm4b:s30+s20] =	stream.strided.scatter [tilespmem:s12], [sflag:$0x1], $0x2A00, s21, s20, $0x38;
	[tilespmem:$0x13740] =	vst v63  }
0x155: {  	s0 =	rddreg [dreg:$0xe];
	s31 =	sadd.s32 s29, s1  }
0x156: {  	[hbm4b:s31+s20] =	stream.strided.scatter [tilespmem:s13], [sflag:$0x1], $0x2A00, s21, s20, $0x38;
	[tilespmem:$0x13740] =	vst v63  }
0x157: {  	s1 =	rddreg [dreg:$0xd];
	s0 =	sadd.s32 s29, s0  }
0x158: {  	[hbm4b:s0+s20] =	stream.strided.scatter [tilespmem:s14], [sflag:$0x1], $0x2A00, s21, s20, $0x38;
	[tilespmem:$0x13740] =	vst v63  }
0x159: {  	s31 =	rddreg [dreg:$0xc];
	s0 =	sadd.s32 s29, s1  }
0x15a: {  	[hbm4b:s0+s20] =	stream.strided.scatter [tilespmem:s15], [sflag:$0x1], $0x2A00, s21, s20, $0x38;
	[tilespmem:$0x13740] =	vst v63  }
0x15b: {  	s1 =	rddreg [dreg:$0xb];
	s0 =	sadd.s32 s29, s31  }
0x15c: {  	[hbm4b:s0+s20] =	stream.strided.scatter [tilespmem:s16], [sflag:$0x1], $0x2A00, s21, s20, $0x38;
	[tilespmem:$0x13740] =	vst v63  }
0x15d: {  	s1 =	sadd.s32 s29, s1;
	s31 =	rddreg [dreg:$0xa]  }
0x15e: {  	[hbm4b:s1+s20] =	stream.strided.scatter [tilespmem:s17], [sflag:$0x1], $0x2A00, s21, s20, $0x38;
	[tilespmem:$0x13740] =	vst v63  }
0x15f: {  	s0 =	sadd.s32 s29, s31  }
0x160: {  	[hbm4b:s0+s20] =	stream.strided.scatter [tilespmem:s18], [sflag:$0x1], $0x2A00, s21, s20, $0x38;
	[tilespmem:$0x13740] =	vst v63  }
0x161: {  	s31 =	rddreg [dreg:$0x9];
	s1 =	sadd.s32 $0xC, s30  }
0x162: {  	[hbm4b:s1+s9] =	stream.strided.scatter [tilespmem:s22], [sflag:$0x1], $0xE00, s21, s9, $0x38;
	[tilespmem:$0x13740] =	vst v63  }
0x163: {  	s0 =	rddreg [dreg:$0x8];
	s1 =	sadd.s32 s29, s31  }
0x164: {  	[hbm4b:s1+s9] =	stream.strided.scatter [tilespmem:s22], [sflag:$0x1], $0xE00, s21, s9, $0x38;
	[tilespmem:$0x13740] =	vst v63  }
0x165: {  	s0 =	sadd.s32 s29, s0;
	s31 =	rddreg [dreg:$0x7]  }
0x166: {  	[hbm4b:s0+s9] =	stream.strided.scatter [tilespmem:s22], [sflag:$0x1], $0xE00, s21, s9, $0x38;
	[tilespmem:$0x13740] =	vst v63  }
0x167: {  	s31 =	sadd.s32 s29, s31;
	s1 =	rddreg [dreg:$0x6]  }
0x168: {  	[hbm4b:s31+s9] =	stream.strided.scatter [tilespmem:s22], [sflag:$0x1], $0xE00, s21, s9, $0x38;
	[tilespmem:$0x13740] =	vst v63  }
0x169: {  	s30 =	rddreg [dreg:$0x5];
	s1 =	sadd.s32 s29, s1  }
0x16a: {  	[hbm4b:s1+s9] =	stream.strided.scatter [tilespmem:s22], [sflag:$0x1], $0xE00, s21, s9, $0x38;
	[tilespmem:$0x13740] =	vst v63  }
0x16b: {  	s30 =	sadd.s32 s29, s30;
	s31 =	rddreg [dreg:$0x4]  }
0x16c: {  	[hbm4b:s30+s9] =	stream.strided.scatter [tilespmem:s22], [sflag:$0x1], $0xE00, s21, s9, $0x38;
	[tilespmem:$0x13740] =	vst v63  }
0x16d: {  	s31 =	sadd.s32 s29, s31  }
0x16e: {  	[hbm4b:s31+s9] =	stream.strided.scatter [tilespmem:s22], [sflag:$0x1], $0xE00, s21, s9, $0x38;
	[tilespmem:$0x13740] =	vst v63  }
0x16f: {  	_ =	swait.ge [sflag:s19], $0x2A00  }
0x170: {  	[sflag:s19] =	ssyncset.done $0x0  }
0x171: {  	[sflag:s19] =	ssyncadd.s32 $0xFFFFD600  }
0x172: {  	_ =	swait.ge [sflag:s19], $0x2A00  }
0x173: {  	[sflag:s19] =	ssyncset.done $0x0  }
0x174: {  	[sflag:s19] =	ssyncadd.s32 $0xFFFFD600  }
0x175: {  	_ =	swait.ge [sflag:s19], $0x2A00  }
0x176: {  	[sflag:s19] =	ssyncset.done $0x0  }
0x177: {  	[sflag:s19] =	ssyncadd.s32 $0xFFFFD600  }
0x178: {  	_ =	swait.ge [sflag:s19], $0x2A00  }
0x179: {  	[sflag:s19] =	ssyncset.done $0x0  }
0x17a: {  	[sflag:s19] =	ssyncadd.s32 $0xFFFFD600  }
0x17b: {  	_ =	swait.ge [sflag:s19], $0x2A00  }
0x17c: {  	[sflag:s19] =	ssyncset.done $0x0  }
0x17d: {  	[sflag:s19] =	ssyncadd.s32 $0xFFFFD600  }
0x17e: {  	_ =	swait.ge [sflag:s19], $0x2A00  }
0x17f: {  	[sflag:s19] =	ssyncset.done $0x0  }
0x180: {  	p0 =	sne.s32 s24, $0x15700;
	[sflag:s19] =	ssyncadd.s32 $0xFFFFD600  }
.Ltmp1:
0x181: {  	_ =	swait.ge [sflag:s19], $0x2A00;
	(pc) =	sbr.rel @p0 .LBB2_4-.Ltmp1, $4  }
0x182: {  	[sflag:s19] =	ssyncset.done $0x0  }
0x183: {  	[sflag:s19] =	ssyncadd.s32 $0xFFFFD600  }
0x184: {  	v49 =	vmov v2;
	_ =	swait.ge [sflag:s19], $0xE00  }
0x185: {  	s24 =	sadd.s32 $0x3100, s24;
	s25 =	sadd.s32 $0x2, s25;
	v1 =	vmovc v4;
	v2 =	vmovc v3;
	v0 =	vmov v6;
	v6 =	vmov v8;
	v8 =	vmov v10;
	[sflag:s19] =	ssyncset.done $0x0  }
0x186: {  	[sflag:s19] =	ssyncadd.s32 $0xFFFFF200  }
0x187: {  	_ =	swait.ge [sflag:s19], $0xE00  }
0x188: {  	[sflag:s19] =	ssyncset.done $0x0  }
0x189: {  	[sflag:s19] =	ssyncadd.s32 $0xFFFFF200  }
0x18a: {  	_ =	swait.ge [sflag:s19], $0xE00  }
0x18b: {  	[sflag:s19] =	ssyncset.done $0x0  }
0x18c: {  	[sflag:s19] =	ssyncadd.s32 $0xFFFFF200  }
0x18d: {  	_ =	swait.ge [sflag:s19], $0xE00  }
0x18e: {  	[sflag:s19] =	ssyncset.done $0x0  }
0x18f: {  	[sflag:s19] =	ssyncadd.s32 $0xFFFFF200  }
0x190: {  	_ =	swait.ge [sflag:s19], $0xE00  }
0x191: {  	[sflag:s19] =	ssyncset.done $0x0  }
0x192: {  	s23 =	sadd.s32 $0x1, s23;
	[sflag:s19] =	ssyncadd.s32 $0xFFFFF200  }
0x193: {  	p0 =	sne.s32 s23, s4;
	_ =	swait.ge [sflag:s19], $0xE00  }
.Ltmp2:
0x194: {  	[sflag:s19] =	ssyncset.done $0x0;
	(pc) =	sbr.rel @p0 .LBB2_1-.Ltmp2, $4  }
0x195: {  	[sflag:s19] =	ssyncadd.s32 $0xFFFFF200  }
0x196: {  	_ =	swait.ge [sflag:s19], $0xE00  }
0x197: {  	[sflag:s19] =	ssyncset.done $0x0  }
0x198: {  	v3 =	vimm.f32 $0.0e+00;
	[sflag:s19] =	ssyncadd.s32 $0xFFFFF200  }
0x199: {  	_ =	sfence.sel $0x180000  }
0x19a: {  	[bflag:$0x0] =	sbarrier.arrive $0xFFFF  }
0x19b: {  	_ =	strace $0x90000047  }
0x19c: {  	s0 =	stileid.u32;
	[bflag:$0x2] =	sbarrier.arrive $0xFFFF  }
0x19d: {  	p0 =	sne.s32 s0, $0x0;
	s0 =	rddreg [dreg:$0x3]  }
0x19e: {  	s0 =	sadd.s32 @!p0 $0x100000, s0  }
0x19f: {  	[sflag:s0] =	ssyncadd.tile.s32 @!p0 $0x1;
	_ =	shalt  }
.Lfunc_end2:
_tile_overlayer_lowered:
.L_overlay_start_2:
0x1a0: {  	(tag) =	ssettag $0x2  }
0x1a1: {  	s0 =	rddreg [dreg:$0x0];
	s2 =	stileid.u32  }
0x1a2: {  	s1 =	rddreg [dreg:$0x1];
	p0 =	sne.s32 s2, $0x0  }
0x1a3: {  	s3 =	rddreg [dreg:$0x2];
	[bflag:$0x3] =	sbarrier.arrive $0xFFFF;
	s2 =	simm.s32 @!p0 $0x1C02  }
0x1a4: {  	[timem:s3], [sflag:s2] =	dma.local @!p0 [hbm:s0], s1  }
0x1a5: {  	s0 =	simm.s32 @!p0 $0x2  }
0x1a6: {  	_ =	swait.ge @!p0 [sflag:s0], s1  }
0x1a7: {  	s1 =	ssub.s32 @!p0 $0x0, s1;
	[sflag:s0] =	ssyncset.done @!p0 $0x0  }
0x1a8: {  	[sflag:s0] =	ssyncadd.s32 @!p0 s1  }
0x1a9: {  	[bflag:$0x3] =	sbarrier.arrive $0xFFFF  }
0x1aa: {  	_ =	shalt  }

</sc_bundles>
